<compile_context>
chip_gen: v7x
topology: tpu7x:2x2x1
jax: 0.10.2.dev20260603
libtpu: 0.0.44.dev20260713+nightly
codegen_flags: <defaults>
</compile_context>

<pallas_src>
import jax
import jax.numpy as jnp
from jax import lax
from jax.experimental import pallas as pl
from jax.experimental.pallas import tpu as pltpu
from jax.experimental.pallas import tpu_sc as plsc

VOCAB_SIZE = 100000
N_EMBD = 768
TYPE_VOCAB_SIZE = 2
MAX_POS_EMBD = 512
BATCH = 1024
SEQ_LEN = 512

LANES = 16
N_CHUNK = N_EMBD // LANES
S_PER_TILE = 16
NBUF = 4
SUBL = 8
NCB = N_EMBD // 128


def _body(ids_hbm, tt_hbm, tok_hbm, seg_hbm, pos_hbm, out_hbm,
          idx_v, tt_v, a_v, seg_v,
          g0, g1, g2, g3, gs0, gs1, gs2, gs3, os0, os1, os2, os3):
  g = (g0, g1, g2, g3)
  gsem = (gs0, gs1, gs2, gs3)
  osem = (os0, os1, os2, os3)

  nc = 2
  wid = lax.axis_index("s") * nc + lax.axis_index("c")
  s0 = wid * S_PER_TILE

  pltpu.sync_copy(ids_hbm.at[:, pl.ds(s0, S_PER_TILE)], idx_v)
  pltpu.sync_copy(tt_hbm.at[:, pl.ds(s0, S_PER_TILE)], tt_v)
  pltpu.sync_copy(pos_hbm.at[pl.ds(s0, S_PER_TILE), :], a_v.at[pl.ds(0, S_PER_TILE)])
  pltpu.sync_copy(pos_hbm.at[pl.ds(s0, S_PER_TILE), :], a_v.at[pl.ds(S_PER_TILE, S_PER_TILE)])
  pltpu.sync_copy(seg_hbm, seg_v)

  def build_a(k, carry):
    t = k // S_PER_TILE
    for c in range(N_CHUNK):
      sl = pl.ds(c * LANES, LANES)
      plsc.addupdate(a_v.at[k, sl], seg_v[t, sl])
    return carry
  lax.fori_loop(0, 2 * S_PER_TILE, build_a, 0)

  def start_gather(b, q):
    iv = idx_v[b]
    pltpu.make_async_copy(tok_hbm.at[iv], g[q], gsem[q]).start()

  def wait_gather(b, q):
    iv = idx_v[b]
    pltpu.make_async_copy(tok_hbm.at[iv], g[q], gsem[q]).wait()

  def add_rows(b, q):
    kv = tt_v[b] * S_PER_TILE + lax.iota(jnp.int32, LANES)
    rows = [a_v.at[kv[j]] for j in range(S_PER_TILE)]

    def col(c, carry):
      sl = pl.ds(c * LANES, LANES)
      for j in range(S_PER_TILE):
        plsc.addupdate(g[q].at[j, sl], rows[j][sl])
      return carry
    lax.fori_loop(0, N_CHUNK, col, 0)

  def start_out(b, q):
    for gg in range(S_PER_TILE // SUBL):
      sg = 2 * wid + gg
      for cb in range(NCB):
        pltpu.make_async_copy(
            g[q].at[pl.ds(gg * SUBL, SUBL), pl.ds(cb * 128, 128)],
            out_hbm.at[b, sg, cb], osem[q]).start()

  def drain_out(b, q):
    pltpu.make_async_copy(g[q], out_hbm.at[jnp.maximum(b, 0), pl.ds(2 * wid, 2)],
                          osem[q]).wait()

  start_gather(0, 0)
  start_gather(1, 1)
  pltpu.make_async_copy(tok_hbm.at[pl.ds(0, S_PER_TILE), :], g[2], os2).start()
  pltpu.make_async_copy(tok_hbm.at[pl.ds(0, S_PER_TILE), :], g[3], os3).start()

  def steady(i, carry):
    for q in range(NBUF):
      b = NBUF * i + q
      qq = (q + 2) % NBUF
      bn = b + 2
      @pl.when(bn < BATCH)
      def _():
        drain_out(bn - NBUF, qq)
        start_gather(bn, qq)
      wait_gather(b, q)
      add_rows(b, q)
      start_out(b, q)
    return carry
  lax.fori_loop(0, BATCH // NBUF, steady, 0)

  for q in range(NBUF):
    drain_out(BATCH - NBUF + q, q)


@jax.jit
def kernel(input_ids, token_type_ids, token_embedding, segment_embedding,
           position_embedding):
  mesh = plsc.VectorSubcoreMesh(core_axis_name="c", subcore_axis_name="s")
  scratch = [
      pltpu.VMEM((BATCH, S_PER_TILE), jnp.int32),
      pltpu.VMEM((BATCH, S_PER_TILE), jnp.int32),
      pltpu.VMEM((2 * S_PER_TILE, N_EMBD), jnp.float32),
      pltpu.VMEM((TYPE_VOCAB_SIZE, N_EMBD), jnp.float32),
  ]
  scratch += [pltpu.VMEM((S_PER_TILE, N_EMBD), jnp.float32)] * NBUF
  scratch += [pltpu.SemaphoreType.DMA] * (2 * NBUF)
  run = pl.kernel(
      _body,
      out_type=jax.ShapeDtypeStruct(
          (BATCH, SEQ_LEN // SUBL, NCB, SUBL, 128), jnp.float32),
      mesh=mesh,
      compiler_params=pltpu.CompilerParams(use_tc_tiling_on_sc=False),
      scratch_types=scratch,
  )
  out5 = run(input_ids.astype(jnp.int32), token_type_ids.astype(jnp.int32),
             token_embedding, segment_embedding, position_embedding)
  return out5.transpose(0, 1, 3, 2, 4).reshape(BATCH, SEQ_LEN, N_EMBD)

# --- scband reference (transcript-rebuilt; emitter-appended) ---
"""Pipeline reference for scband-bert-embedding-24781961297929 (READ-ONLY COPY).

The authoritative reference and input builder live on the scoring server;
editing this copy changes nothing except your own understanding.
"""

import jax, jax.numpy as jnp
import numpy as np

VOCAB_SIZE = 100000
N_EMBD = 768
TYPE_VOCAB_SIZE = 2
MAX_POS_EMBD = 512
BATCH = 1024
SEQ_LEN = 512


def setup_inputs(seed: int = 0) -> dict:
    key = jax.random.key(seed)
    k1, k2, k3, k4, k5 = jax.random.split(key, 5)
    input_ids = jax.random.randint(k1, (BATCH, SEQ_LEN), 0, VOCAB_SIZE, dtype=jnp.int64 if jax.config.jax_enable_x64 else jnp.int32)
    token_type_ids = jax.random.randint(k2, (BATCH, SEQ_LEN), 0, TYPE_VOCAB_SIZE, dtype=jnp.int64 if jax.config.jax_enable_x64 else jnp.int32)
    token_embedding = jax.random.normal(k3, (VOCAB_SIZE, N_EMBD), dtype=jnp.float32)
    segment_embedding = jax.random.normal(k4, (TYPE_VOCAB_SIZE, N_EMBD), dtype=jnp.float32)
    position_embedding = jax.random.normal(k5, (MAX_POS_EMBD, N_EMBD), dtype=jnp.float32)
    return {
        "input_ids": input_ids,
        "token_type_ids": token_type_ids,
        "token_embedding": token_embedding,
        "segment_embedding": segment_embedding,
        "position_embedding": position_embedding,
    }


def reference(input_ids, token_type_ids, token_embedding, segment_embedding, position_embedding):
    seq_len = input_ids.shape[1]
    position_ids = jnp.arange(seq_len)[None, :]  # [1, S]
    tok_emb = jnp.take(token_embedding, input_ids, axis=0)          # [B, S, D]
    seg_emb = jnp.take(segment_embedding, token_type_ids, axis=0)   # [B, S, D]
    pos_emb = jnp.take(position_embedding, position_ids, axis=0)    # [1, S, D]
    embeddings = tok_emb + seg_emb + pos_emb
    return embeddings

if __name__ == "__main__":
    import jax
    _d = setup_inputs()
    print(jax.jit(kernel)(*tuple(_d.values())))

</pallas_src>

<mosaic_0001>
#map = affine_map<(d0, d1) -> (0, 0)>
#map1 = affine_map<(d0, d1) -> (0, 0, 0, 0, 0)>
module attributes {stable_mosaic.version = 14 : i64} {
  func.func @_body(%arg0: i32, %arg1: i32, %arg2: memref<1024x512xi32, #tpu.memory_space<hbm>>, %arg3: memref<1024x512xi32, #tpu.memory_space<hbm>>, %arg4: memref<100000x768xf32, #tpu.memory_space<hbm>>, %arg5: memref<2x768xf32, #tpu.memory_space<hbm>>, %arg6: memref<512x768xf32, #tpu.memory_space<hbm>>, %arg7: memref<1024x64x6x8x128xf32, #tpu.memory_space<hbm>>, %arg8: memref<1024x16xi32, #tpu.memory_space<vmem>>, %arg9: memref<1024x16xi32, #tpu.memory_space<vmem>>, %arg10: memref<32x768xf32, #tpu.memory_space<vmem>>, %arg11: memref<2x768xf32, #tpu.memory_space<vmem>>, %arg12: memref<16x768xf32, #tpu.memory_space<vmem>>, %arg13: memref<16x768xf32, #tpu.memory_space<vmem>>, %arg14: memref<16x768xf32, #tpu.memory_space<vmem>>, %arg15: memref<16x768xf32, #tpu.memory_space<vmem>>, %arg16: memref<!tpu.dma_semaphore, #tpu.memory_space<semaphore_mem>>, %arg17: memref<!tpu.dma_semaphore, #tpu.memory_space<semaphore_mem>>, %arg18: memref<!tpu.dma_semaphore, #tpu.memory_space<semaphore_mem>>, %arg19: memref<!tpu.dma_semaphore, #tpu.memory_space<semaphore_mem>>, %arg20: memref<!tpu.dma_semaphore, #tpu.memory_space<semaphore_mem>>, %arg21: memref<!tpu.dma_semaphore, #tpu.memory_space<semaphore_mem>>, %arg22: memref<!tpu.dma_semaphore, #tpu.memory_space<semaphore_mem>>, %arg23: memref<!tpu.dma_semaphore, #tpu.memory_space<semaphore_mem>>) attributes {dimension_semantics = [#tpu.dimension_semantics<core_parallel>, #tpu.dimension_semantics<subcore_parallel>], iteration_bounds = array<i64: 2, 16>, scalar_prefetch = 0 : i64, scratch_operands = 16 : i64, tpu.core_type = #tpu.core_type<sc_vector_subcore>, window_params = [{transform_indices = #map}, {transform_indices = #map}, {transform_indices = #map}, {transform_indices = #map}, {transform_indices = #map}, {transform_indices = #map1}]} {
    %mul3A = arith.constant 2 : i32
    %mul3A_0 = arith.muli %arg1, %mul3A : i32
    %add3A = arith.addi %mul3A_0, %arg0 : i32
    %mul3A_1 = arith.constant 16 : i32
    %mul3A_2 = arith.muli %add3A, %mul3A_1 : i32
    "tpu.region"() ({
      %run_scoped3A = tpu.sem_alloc : memref<!tpu.dma_semaphore, #tpu.memory_space<semaphore_mem>>
      %dma_start3A_98 = arith.constant 0 : i32
      %dma_start3A_99 = tpu.memref_slice %arg2[%dma_start3A_98, %mul3A_2] : memref<1024x512xi32, #tpu.memory_space<hbm>> -> memref<1024x16xi32, #tpu.memory_space<hbm>>
      %dma_start3A_100 = arith.constant 0 : i32
      %dma_start3A_101 = tpu.memref_slice %arg2[%dma_start3A_100, %mul3A_2] : memref<1024x512xi32, #tpu.memory_space<hbm>> -> memref<1024x16xi32, #tpu.memory_space<hbm>>
      tpu.enqueue_dma source(%dma_start3A_101 : memref<1024x16xi32, #tpu.memory_space<hbm>>) target(%arg8 : memref<1024x16xi32, #tpu.memory_space<vmem>>) target_semaphore(%run_scoped3A : memref<!tpu.dma_semaphore, #tpu.memory_space<semaphore_mem>>)
      %dma_wait3A_102 = arith.constant 0 : i32
      %dma_wait3A_103 = tpu.memref_slice %arg2[%dma_wait3A_102, %mul3A_2] : memref<1024x512xi32, #tpu.memory_space<hbm>> -> memref<1024x16xi32, #tpu.memory_space<hbm>>
      %dma_wait3A_104 = arith.constant 0 : i32
      %dma_wait3A_105 = tpu.memref_slice %arg2[%dma_wait3A_104, %mul3A_2] : memref<1024x512xi32, #tpu.memory_space<hbm>> -> memref<1024x16xi32, #tpu.memory_space<hbm>>
      tpu.wait_dma2 semaphore(%run_scoped3A : memref<!tpu.dma_semaphore, #tpu.memory_space<semaphore_mem>>) src(%dma_wait3A_105 : memref<1024x16xi32, #tpu.memory_space<hbm>>) dst(%arg8 : memref<1024x16xi32, #tpu.memory_space<vmem>>)
      tpu.yield
    }) : () -> ()
    "tpu.region"() ({
      %run_scoped3A = tpu.sem_alloc : memref<!tpu.dma_semaphore, #tpu.memory_space<semaphore_mem>>
      %dma_start3A_98 = arith.constant 0 : i32
      %dma_start3A_99 = tpu.memref_slice %arg3[%dma_start3A_98, %mul3A_2] : memref<1024x512xi32, #tpu.memory_space<hbm>> -> memref<1024x16xi32, #tpu.memory_space<hbm>>
      %dma_start3A_100 = arith.constant 0 : i32
      %dma_start3A_101 = tpu.memref_slice %arg3[%dma_start3A_100, %mul3A_2] : memref<1024x512xi32, #tpu.memory_space<hbm>> -> memref<1024x16xi32, #tpu.memory_space<hbm>>
      tpu.enqueue_dma source(%dma_start3A_101 : memref<1024x16xi32, #tpu.memory_space<hbm>>) target(%arg9 : memref<1024x16xi32, #tpu.memory_space<vmem>>) target_semaphore(%run_scoped3A : memref<!tpu.dma_semaphore, #tpu.memory_space<semaphore_mem>>)
      %dma_wait3A_102 = arith.constant 0 : i32
      %dma_wait3A_103 = tpu.memref_slice %arg3[%dma_wait3A_102, %mul3A_2] : memref<1024x512xi32, #tpu.memory_space<hbm>> -> memref<1024x16xi32, #tpu.memory_space<hbm>>
      %dma_wait3A_104 = arith.constant 0 : i32
      %dma_wait3A_105 = tpu.memref_slice %arg3[%dma_wait3A_104, %mul3A_2] : memref<1024x512xi32, #tpu.memory_space<hbm>> -> memref<1024x16xi32, #tpu.memory_space<hbm>>
      tpu.wait_dma2 semaphore(%run_scoped3A : memref<!tpu.dma_semaphore, #tpu.memory_space<semaphore_mem>>) src(%dma_wait3A_105 : memref<1024x16xi32, #tpu.memory_space<hbm>>) dst(%arg9 : memref<1024x16xi32, #tpu.memory_space<vmem>>)
      tpu.yield
    }) : () -> ()
    "tpu.region"() ({
      %run_scoped3A = tpu.sem_alloc : memref<!tpu.dma_semaphore, #tpu.memory_space<semaphore_mem>>
      %dma_start3A_98 = arith.constant 0 : i32
      %dma_start3A_99 = arith.constant 0 : i32
      %dma_start3A_100 = tpu.memref_slice %arg10[%dma_start3A_98, %dma_start3A_99] : memref<32x768xf32, #tpu.memory_space<vmem>> -> memref<16x768xf32, #tpu.memory_space<vmem>>
      %dma_start3A_101 = arith.constant 0 : i32
      %dma_start3A_102 = tpu.memref_slice %arg6[%mul3A_2, %dma_start3A_101] : memref<512x768xf32, #tpu.memory_space<hbm>> -> memref<16x768xf32, #tpu.memory_space<hbm>>
      %dma_start3A_103 = arith.constant 0 : i32
      %dma_start3A_104 = arith.constant 0 : i32
      %dma_start3A_105 = tpu.memref_slice %arg10[%dma_start3A_103, %dma_start3A_104] : memref<32x768xf32, #tpu.memory_space<vmem>> -> memref<16x768xf32, #tpu.memory_space<vmem>>
      %dma_start3A_106 = arith.constant 0 : i32
      %dma_start3A_107 = tpu.memref_slice %arg6[%mul3A_2, %dma_start3A_106] : memref<512x768xf32, #tpu.memory_space<hbm>> -> memref<16x768xf32, #tpu.memory_space<hbm>>
      tpu.enqueue_dma source(%dma_start3A_107 : memref<16x768xf32, #tpu.memory_space<hbm>>) target(%dma_start3A_105 : memref<16x768xf32, #tpu.memory_space<vmem>>) target_semaphore(%run_scoped3A : memref<!tpu.dma_semaphore, #tpu.memory_space<semaphore_mem>>)
      %dma_wait3A_108 = arith.constant 0 : i32
      %dma_wait3A_109 = arith.constant 0 : i32
      %dma_wait3A_110 = tpu.memref_slice %arg10[%dma_wait3A_108, %dma_wait3A_109] : memref<32x768xf32, #tpu.memory_space<vmem>> -> memref<16x768xf32, #tpu.memory_space<vmem>>
      %dma_wait3A_111 = arith.constant 0 : i32
      %dma_wait3A_112 = tpu.memref_slice %arg6[%mul3A_2, %dma_wait3A_111] : memref<512x768xf32, #tpu.memory_space<hbm>> -> memref<16x768xf32, #tpu.memory_space<hbm>>
      %dma_wait3A_113 = arith.constant 0 : i32
      %dma_wait3A_114 = arith.constant 0 : i32
      %dma_wait3A_115 = tpu.memref_slice %arg10[%dma_wait3A_113, %dma_wait3A_114] : memref<32x768xf32, #tpu.memory_space<vmem>> -> memref<16x768xf32, #tpu.memory_space<vmem>>
      %dma_wait3A_116 = arith.constant 0 : i32
      %dma_wait3A_117 = tpu.memref_slice %arg6[%mul3A_2, %dma_wait3A_116] : memref<512x768xf32, #tpu.memory_space<hbm>> -> memref<16x768xf32, #tpu.memory_space<hbm>>
      tpu.wait_dma2 semaphore(%run_scoped3A : memref<!tpu.dma_semaphore, #tpu.memory_space<semaphore_mem>>) src(%dma_wait3A_117 : memref<16x768xf32, #tpu.memory_space<hbm>>) dst(%dma_wait3A_115 : memref<16x768xf32, #tpu.memory_space<vmem>>)
      tpu.yield
    }) : () -> ()
    "tpu.region"() ({
      %run_scoped3A = tpu.sem_alloc : memref<!tpu.dma_semaphore, #tpu.memory_space<semaphore_mem>>
      %dma_start3A_98 = arith.constant 16 : i32
      %dma_start3A_99 = arith.constant 0 : i32
      %dma_start3A_100 = tpu.memref_slice %arg10[%dma_start3A_98, %dma_start3A_99] : memref<32x768xf32, #tpu.memory_space<vmem>> -> memref<16x768xf32, #tpu.memory_space<vmem>>
      %dma_start3A_101 = arith.constant 0 : i32
      %dma_start3A_102 = tpu.memref_slice %arg6[%mul3A_2, %dma_start3A_101] : memref<512x768xf32, #tpu.memory_space<hbm>> -> memref<16x768xf32, #tpu.memory_space<hbm>>
      %dma_start3A_103 = arith.constant 16 : i32
      %dma_start3A_104 = arith.constant 0 : i32
      %dma_start3A_105 = tpu.memref_slice %arg10[%dma_start3A_103, %dma_start3A_104] : memref<32x768xf32, #tpu.memory_space<vmem>> -> memref<16x768xf32, #tpu.memory_space<vmem>>
      %dma_start3A_106 = arith.constant 0 : i32
      %dma_start3A_107 = tpu.memref_slice %arg6[%mul3A_2, %dma_start3A_106] : memref<512x768xf32, #tpu.memory_space<hbm>> -> memref<16x768xf32, #tpu.memory_space<hbm>>
      tpu.enqueue_dma source(%dma_start3A_107 : memref<16x768xf32, #tpu.memory_space<hbm>>) target(%dma_start3A_105 : memref<16x768xf32, #tpu.memory_space<vmem>>) target_semaphore(%run_scoped3A : memref<!tpu.dma_semaphore, #tpu.memory_space<semaphore_mem>>)
      %dma_wait3A_108 = arith.constant 16 : i32
      %dma_wait3A_109 = arith.constant 0 : i32
      %dma_wait3A_110 = tpu.memref_slice %arg10[%dma_wait3A_108, %dma_wait3A_109] : memref<32x768xf32, #tpu.memory_space<vmem>> -> memref<16x768xf32, #tpu.memory_space<vmem>>
      %dma_wait3A_111 = arith.constant 0 : i32
      %dma_wait3A_112 = tpu.memref_slice %arg6[%mul3A_2, %dma_wait3A_111] : memref<512x768xf32, #tpu.memory_space<hbm>> -> memref<16x768xf32, #tpu.memory_space<hbm>>
      %dma_wait3A_113 = arith.constant 16 : i32
      %dma_wait3A_114 = arith.constant 0 : i32
      %dma_wait3A_115 = tpu.memref_slice %arg10[%dma_wait3A_113, %dma_wait3A_114] : memref<32x768xf32, #tpu.memory_space<vmem>> -> memref<16x768xf32, #tpu.memory_space<vmem>>
      %dma_wait3A_116 = arith.constant 0 : i32
      %dma_wait3A_117 = tpu.memref_slice %arg6[%mul3A_2, %dma_wait3A_116] : memref<512x768xf32, #tpu.memory_space<hbm>> -> memref<16x768xf32, #tpu.memory_space<hbm>>
      tpu.wait_dma2 semaphore(%run_scoped3A : memref<!tpu.dma_semaphore, #tpu.memory_space<semaphore_mem>>) src(%dma_wait3A_117 : memref<16x768xf32, #tpu.memory_space<hbm>>) dst(%dma_wait3A_115 : memref<16x768xf32, #tpu.memory_space<vmem>>)
      tpu.yield
    }) : () -> ()
    "tpu.region"() ({
      %run_scoped3A = tpu.sem_alloc : memref<!tpu.dma_semaphore, #tpu.memory_space<semaphore_mem>>
      tpu.enqueue_dma source(%arg5 : memref<2x768xf32, #tpu.memory_space<hbm>>) target(%arg11 : memref<2x768xf32, #tpu.memory_space<vmem>>) target_semaphore(%run_scoped3A : memref<!tpu.dma_semaphore, #tpu.memory_space<semaphore_mem>>)
      tpu.wait_dma2 semaphore(%run_scoped3A : memref<!tpu.dma_semaphore, #tpu.memory_space<semaphore_mem>>) src(%arg5 : memref<2x768xf32, #tpu.memory_space<hbm>>) dst(%arg11 : memref<2x768xf32, #tpu.memory_space<vmem>>)
      tpu.yield
    }) : () -> ()
    %scan3A = arith.constant 0 : i32
    %scan3A_3 = arith.constant 0 : i32
    %scan3A_4 = arith.constant 32 : i32
    %scan3A_5 = arith.addi %scan3A_3, %scan3A_4 : i32
    %scan3A_6 = arith.constant 1 : i32
    scf.for %scan3A_98 = %scan3A_3 to %scan3A_5 step %scan3A_6  : i32 {
      %jit3A = arith.constant 16 : i32
      %div3A = arith.divsi %scan3A_98, %jit3A : i32
      %sign3A = arith.constant 0 : i32
      %sign3A_99 = arith.cmpi sgt, %scan3A_98, %sign3A : i32
      %sign3A_100 = arith.extui %sign3A_99 : i1 to i32
      %sign3A_101 = arith.constant 0 : i32
      %sign3A_102 = arith.cmpi slt, %scan3A_98, %sign3A_101 : i32
      %sign3A_103 = arith.extui %sign3A_102 : i1 to i32
      %sign3A_104 = arith.subi %sign3A_100, %sign3A_103 : i32
      %sign3A_105 = arith.constant 0 : i32
      %sign3A_106 = arith.cmpi sgt, %jit3A, %sign3A_105 : i32
      %sign3A_107 = arith.extui %sign3A_106 : i1 to i32
      %sign3A_108 = arith.constant 0 : i32
      %sign3A_109 = arith.cmpi slt, %jit3A, %sign3A_108 : i32
      %sign3A_110 = arith.extui %sign3A_109 : i1 to i32
      %sign3A_111 = arith.subi %sign3A_107, %sign3A_110 : i32
      %ne3A = arith.cmpi ne, %sign3A_104, %sign3A_111 : i32
      %rem3A = arith.remsi %scan3A_98, %jit3A : i32
      %ne3A_112 = arith.constant 0 : i32
      %ne3A_113 = arith.cmpi ne, %rem3A, %ne3A_112 : i32
      %and3A = arith.andi %ne3A, %ne3A_113 : i1
      %sub3A = arith.constant 1 : i32
      %sub3A_114 = arith.subi %div3A, %sub3A : i32
      %select_n3A = arith.select %and3A, %sub3A_114, %div3A : i32
      %get3A_115 = arith.index_cast %select_n3A : i32 to index
      %get3A_116 = arith.constant 0 : index
      %get3A_117 = tpu.vector_load %arg11[%get3A_115, %get3A_116] {strides = array<i32>} : memref<2x768xf32, #tpu.memory_space<vmem>>, vector<1x16xf32>,
      %get3A_118 = vector.shape_cast %get3A_117 : vector<1x16xf32> to vector<16xf32>
      %swap3A = arith.index_cast %scan3A_98 : i32 to index
      %swap3A_119 = arith.constant 0 : index
      %swap3A_120 = tpu.vector_load %arg10[%swap3A, %swap3A_119] {strides = array<i32>} : memref<32x768xf32, #tpu.memory_space<vmem>>, vector<1x16xf32>,
      %swap3A_121 = vector.shape_cast %swap3A_120 : vector<1x16xf32> to vector<16xf32>
      %swap3A_122 = vector.shape_cast %get3A_118 : vector<16xf32> to vector<1x16xf32>
      tpu.vector_store %arg10[%swap3A, %swap3A_119], %swap3A_122 {add = true, strides = array<i32>} : memref<32x768xf32, #tpu.memory_space<vmem>>, vector<1x16xf32>,
      %get3A_123 = arith.index_cast %select_n3A : i32 to index
      %get3A_124 = arith.constant 16 : index
      %get3A_125 = tpu.vector_load %arg11[%get3A_123, %get3A_124] {strides = array<i32>} : memref<2x768xf32, #tpu.memory_space<vmem>>, vector<1x16xf32>,
      %get3A_126 = vector.shape_cast %get3A_125 : vector<1x16xf32> to vector<16xf32>
      %swap3A_127 = arith.index_cast %scan3A_98 : i32 to index
      %swap3A_128 = arith.constant 16 : index
      %swap3A_129 = tpu.vector_load %arg10[%swap3A_127, %swap3A_128] {strides = array<i32>} : memref<32x768xf32, #tpu.memory_space<vmem>>, vector<1x16xf32>,
      %swap3A_130 = vector.shape_cast %swap3A_129 : vector<1x16xf32> to vector<16xf32>
      %swap3A_131 = vector.shape_cast %get3A_126 : vector<16xf32> to vector<1x16xf32>
      tpu.vector_store %arg10[%swap3A_127, %swap3A_128], %swap3A_131 {add = true, strides = array<i32>} : memref<32x768xf32, #tpu.memory_space<vmem>>, vector<1x16xf32>,
      %get3A_132 = arith.index_cast %select_n3A : i32 to index
      %get3A_133 = arith.constant 32 : index
      %get3A_134 = tpu.vector_load %arg11[%get3A_132, %get3A_133] {strides = array<i32>} : memref<2x768xf32, #tpu.memory_space<vmem>>, vector<1x16xf32>,
      %get3A_135 = vector.shape_cast %get3A_134 : vector<1x16xf32> to vector<16xf32>
      %swap3A_136 = arith.index_cast %scan3A_98 : i32 to index
      %swap3A_137 = arith.constant 32 : index
      %swap3A_138 = tpu.vector_load %arg10[%swap3A_136, %swap3A_137] {strides = array<i32>} : memref<32x768xf32, #tpu.memory_space<vmem>>, vector<1x16xf32>,
      %swap3A_139 = vector.shape_cast %swap3A_138 : vector<1x16xf32> to vector<16xf32>
      %swap3A_140 = vector.shape_cast %get3A_135 : vector<16xf32> to vector<1x16xf32>
      tpu.vector_store %arg10[%swap3A_136, %swap3A_137], %swap3A_140 {add = true, strides = array<i32>} : memref<32x768xf32, #tpu.memory_space<vmem>>, vector<1x16xf32>,
      %get3A_141 = arith.index_cast %select_n3A : i32 to index
      %get3A_142 = arith.constant 48 : index
      %get3A_143 = tpu.vector_load %arg11[%get3A_141, %get3A_142] {strides = array<i32>} : memref<2x768xf32, #tpu.memory_space<vmem>>, vector<1x16xf32>,
      %get3A_144 = vector.shape_cast %get3A_143 : vector<1x16xf32> to vector<16xf32>
      %swap3A_145 = arith.index_cast %scan3A_98 : i32 to index
      %swap3A_146 = arith.constant 48 : index
      %swap3A_147 = tpu.vector_load %arg10[%swap3A_145, %swap3A_146] {strides = array<i32>} : memref<32x768xf32, #tpu.memory_space<vmem>>, vector<1x16xf32>,
      %swap3A_148 = vector.shape_cast %swap3A_147 : vector<1x16xf32> to vector<16xf32>
      %swap3A_149 = vector.shape_cast %get3A_144 : vector<16xf32> to vector<1x16xf32>
      tpu.vector_store %arg10[%swap3A_145, %swap3A_146], %swap3A_149 {add = true, strides = array<i32>} : memref<32x768xf32, #tpu.memory_space<vmem>>, vector<1x16xf32>,
      %get3A_150 = arith.index_cast %select_n3A : i32 to index
      %get3A_151 = arith.constant 64 : index
      %get3A_152 = tpu.vector_load %arg11[%get3A_150, %get3A_151] {strides = array<i32>} : memref<2x768xf32, #tpu.memory_space<vmem>>, vector<1x16xf32>,
      %get3A_153 = vector.shape_cast %get3A_152 : vector<1x16xf32> to vector<16xf32>
      %swap3A_154 = arith.index_cast %scan3A_98 : i32 to index
      %swap3A_155 = arith.constant 64 : index
      %swap3A_156 = tpu.vector_load %arg10[%swap3A_154, %swap3A_155] {strides = array<i32>} : memref<32x768xf32, #tpu.memory_space<vmem>>, vector<1x16xf32>,
      %swap3A_157 = vector.shape_cast %swap3A_156 : vector<1x16xf32> to vector<16xf32>
      %swap3A_158 = vector.shape_cast %get3A_153 : vector<16xf32> to vector<1x16xf32>
      tpu.vector_store %arg10[%swap3A_154, %swap3A_155], %swap3A_158 {add = true, strides = array<i32>} : memref<32x768xf32, #tpu.memory_space<vmem>>, vector<1x16xf32>,
      %get3A_159 = arith.index_cast %select_n3A : i32 to index
      %get3A_160 = arith.constant 80 : index
      %get3A_161 = tpu.vector_load %arg11[%get3A_159, %get3A_160] {strides = array<i32>} : memref<2x768xf32, #tpu.memory_space<vmem>>, vector<1x16xf32>,
      %get3A_162 = vector.shape_cast %get3A_161 : vector<1x16xf32> to vector<16xf32>
      %swap3A_163 = arith.index_cast %scan3A_98 : i32 to index
      %swap3A_164 = arith.constant 80 : index
      %swap3A_165 = tpu.vector_load %arg10[%swap3A_163, %swap3A_164] {strides = array<i32>} : memref<32x768xf32, #tpu.memory_space<vmem>>, vector<1x16xf32>,
      %swap3A_166 = vector.shape_cast %swap3A_165 : vector<1x16xf32> to vector<16xf32>
      %swap3A_167 = vector.shape_cast %get3A_162 : vector<16xf32> to vector<1x16xf32>
      tpu.vector_store %arg10[%swap3A_163, %swap3A_164], %swap3A_167 {add = true, strides = array<i32>} : memref<32x768xf32, #tpu.memory_space<vmem>>, vector<1x16xf32>,
      %get3A_168 = arith.index_cast %select_n3A : i32 to index
      %get3A_169 = arith.constant 96 : index
      %get3A_170 = tpu.vector_load %arg11[%get3A_168, %get3A_169] {strides = array<i32>} : memref<2x768xf32, #tpu.memory_space<vmem>>, vector<1x16xf32>,
      %get3A_171 = vector.shape_cast %get3A_170 : vector<1x16xf32> to vector<16xf32>
      %swap3A_172 = arith.index_cast %scan3A_98 : i32 to index
      %swap3A_173 = arith.constant 96 : index
      %swap3A_174 = tpu.vector_load %arg10[%swap3A_172, %swap3A_173] {strides = array<i32>} : memref<32x768xf32, #tpu.memory_space<vmem>>, vector<1x16xf32>,
      %swap3A_175 = vector.shape_cast %swap3A_174 : vector<1x16xf32> to vector<16xf32>
      %swap3A_176 = vector.shape_cast %get3A_171 : vector<16xf32> to vector<1x16xf32>
      tpu.vector_store %arg10[%swap3A_172, %swap3A_173], %swap3A_176 {add = true, strides = array<i32>} : memref<32x768xf32, #tpu.memory_space<vmem>>, vector<1x16xf32>,
      %get3A_177 = arith.index_cast %select_n3A : i32 to index
      %get3A_178 = arith.constant 112 : index
      %get3A_179 = tpu.vector_load %arg11[%get3A_177, %get3A_178] {strides = array<i32>} : memref<2x768xf32, #tpu.memory_space<vmem>>, vector<1x16xf32>,
      %get3A_180 = vector.shape_cast %get3A_179 : vector<1x16xf32> to vector<16xf32>
      %swap3A_181 = arith.index_cast %scan3A_98 : i32 to index
      %swap3A_182 = arith.constant 112 : index
      %swap3A_183 = tpu.vector_load %arg10[%swap3A_181, %swap3A_182] {strides = array<i32>} : memref<32x768xf32, #tpu.memory_space<vmem>>, vector<1x16xf32>,
      %swap3A_184 = vector.shape_cast %swap3A_183 : vector<1x16xf32> to vector<16xf32>
      %swap3A_185 = vector.shape_cast %get3A_180 : vector<16xf32> to vector<1x16xf32>
      tpu.vector_store %arg10[%swap3A_181, %swap3A_182], %swap3A_185 {add = true, strides = array<i32>} : memref<32x768xf32, #tpu.memory_space<vmem>>, vector<1x16xf32>,
      %get3A_186 = arith.index_cast %select_n3A : i32 to index
      %get3A_187 = arith.constant 128 : index
      %get3A_188 = tpu.vector_load %arg11[%get3A_186, %get3A_187] {strides = array<i32>} : memref<2x768xf32, #tpu.memory_space<vmem>>, vector<1x16xf32>,
      %get3A_189 = vector.shape_cast %get3A_188 : vector<1x16xf32> to vector<16xf32>
      %swap3A_190 = arith.index_cast %scan3A_98 : i32 to index
      %swap3A_191 = arith.constant 128 : index
      %swap3A_192 = tpu.vector_load %arg10[%swap3A_190, %swap3A_191] {strides = array<i32>} : memref<32x768xf32, #tpu.memory_space<vmem>>, vector<1x16xf32>,
      %swap3A_193 = vector.shape_cast %swap3A_192 : vector<1x16xf32> to vector<16xf32>
      %swap3A_194 = vector.shape_cast %get3A_189 : vector<16xf32> to vector<1x16xf32>
      tpu.vector_store %arg10[%swap3A_190, %swap3A_191], %swap3A_194 {add = true, strides = array<i32>} : memref<32x768xf32, #tpu.memory_space<vmem>>, vector<1x16xf32>,
      %get3A_195 = arith.index_cast %select_n3A : i32 to index
      %get3A_196 = arith.constant 144 : index
      %get3A_197 = tpu.vector_load %arg11[%get3A_195, %get3A_196] {strides = array<i32>} : memref<2x768xf32, #tpu.memory_space<vmem>>, vector<1x16xf32>,
      %get3A_198 = vector.shape_cast %get3A_197 : vector<1x16xf32> to vector<16xf32>
      %swap3A_199 = arith.index_cast %scan3A_98 : i32 to index
      %swap3A_200 = arith.constant 144 : index
      %swap3A_201 = tpu.vector_load %arg10[%swap3A_199, %swap3A_200] {strides = array<i32>} : memref<32x768xf32, #tpu.memory_space<vmem>>, vector<1x16xf32>,
      %swap3A_202 = vector.shape_cast %swap3A_201 : vector<1x16xf32> to vector<16xf32>
      %swap3A_203 = vector.shape_cast %get3A_198 : vector<16xf32> to vector<1x16xf32>
      tpu.vector_store %arg10[%swap3A_199, %swap3A_200], %swap3A_203 {add = true, strides = array<i32>} : memref<32x768xf32, #tpu.memory_space<vmem>>, vector<1x16xf32>,
      %get3A_204 = arith.index_cast %select_n3A : i32 to index
      %get3A_205 = arith.constant 160 : index
      %get3A_206 = tpu.vector_load %arg11[%get3A_204, %get3A_205] {strides = array<i32>} : memref<2x768xf32, #tpu.memory_space<vmem>>, vector<1x16xf32>,
      %get3A_207 = vector.shape_cast %get3A_206 : vector<1x16xf32> to vector<16xf32>
      %swap3A_208 = arith.index_cast %scan3A_98 : i32 to index
      %swap3A_209 = arith.constant 160 : index
      %swap3A_210 = tpu.vector_load %arg10[%swap3A_208, %swap3A_209] {strides = array<i32>} : memref<32x768xf32, #tpu.memory_space<vmem>>, vector<1x16xf32>,
      %swap3A_211 = vector.shape_cast %swap3A_210 : vector<1x16xf32> to vector<16xf32>
      %swap3A_212 = vector.shape_cast %get3A_207 : vector<16xf32> to vector<1x16xf32>
      tpu.vector_store %arg10[%swap3A_208, %swap3A_209], %swap3A_212 {add = true, strides = array<i32>} : memref<32x768xf32, #tpu.memory_space<vmem>>, vector<1x16xf32>,
      %get3A_213 = arith.index_cast %select_n3A : i32 to index
      %get3A_214 = arith.constant 176 : index
      %get3A_215 = tpu.vector_load %arg11[%get3A_213, %get3A_214] {strides = array<i32>} : memref<2x768xf32, #tpu.memory_space<vmem>>, vector<1x16xf32>,
      %get3A_216 = vector.shape_cast %get3A_215 : vector<1x16xf32> to vector<16xf32>
      %swap3A_217 = arith.index_cast %scan3A_98 : i32 to index
      %swap3A_218 = arith.constant 176 : index
      %swap3A_219 = tpu.vector_load %arg10[%swap3A_217, %swap3A_218] {strides = array<i32>} : memref<32x768xf32, #tpu.memory_space<vmem>>, vector<1x16xf32>,
      %swap3A_220 = vector.shape_cast %swap3A_219 : vector<1x16xf32> to vector<16xf32>
      %swap3A_221 = vector.shape_cast %get3A_216 : vector<16xf32> to vector<1x16xf32>
      tpu.vector_store %arg10[%swap3A_217, %swap3A_218], %swap3A_221 {add = true, strides = array<i32>} : memref<32x768xf32, #tpu.memory_space<vmem>>, vector<1x16xf32>,
      %get3A_222 = arith.index_cast %select_n3A : i32 to index
      %get3A_223 = arith.constant 192 : index
      %get3A_224 = tpu.vector_load %arg11[%get3A_222, %get3A_223] {strides = array<i32>} : memref<2x768xf32, #tpu.memory_space<vmem>>, vector<1x16xf32>,
      %get3A_225 = vector.shape_cast %get3A_224 : vector<1x16xf32> to vector<16xf32>
      %swap3A_226 = arith.index_cast %scan3A_98 : i32 to index
      %swap3A_227 = arith.constant 192 : index
      %swap3A_228 = tpu.vector_load %arg10[%swap3A_226, %swap3A_227] {strides = array<i32>} : memref<32x768xf32, #tpu.memory_space<vmem>>, vector<1x16xf32>,
      %swap3A_229 = vector.shape_cast %swap3A_228 : vector<1x16xf32> to vector<16xf32>
      %swap3A_230 = vector.shape_cast %get3A_225 : vector<16xf32> to vector<1x16xf32>
      tpu.vector_store %arg10[%swap3A_226, %swap3A_227], %swap3A_230 {add = true, strides = array<i32>} : memref<32x768xf32, #tpu.memory_space<vmem>>, vector<1x16xf32>,
      %get3A_231 = arith.index_cast %select_n3A : i32 to index
      %get3A_232 = arith.constant 208 : index
      %get3A_233 = tpu.vector_load %arg11[%get3A_231, %get3A_232] {strides = array<i32>} : memref<2x768xf32, #tpu.memory_space<vmem>>, vector<1x16xf32>,
      %get3A_234 = vector.shape_cast %get3A_233 : vector<1x16xf32> to vector<16xf32>
      %swap3A_235 = arith.index_cast %scan3A_98 : i32 to index
      %swap3A_236 = arith.constant 208 : index
      %swap3A_237 = tpu.vector_load %arg10[%swap3A_235, %swap3A_236] {strides = array<i32>} : memref<32x768xf32, #tpu.memory_space<vmem>>, vector<1x16xf32>,
      %swap3A_238 = vector.shape_cast %swap3A_237 : vector<1x16xf32> to vector<16xf32>
      %swap3A_239 = vector.shape_cast %get3A_234 : vector<16xf32> to vector<1x16xf32>
      tpu.vector_store %arg10[%swap3A_235, %swap3A_236], %swap3A_239 {add = true, strides = array<i32>} : memref<32x768xf32, #tpu.memory_space<vmem>>, vector<1x16xf32>,
      %get3A_240 = arith.index_cast %select_n3A : i32 to index
      %get3A_241 = arith.constant 224 : index
      %get3A_242 = tpu.vector_load %arg11[%get3A_240, %get3A_241] {strides = array<i32>} : memref<2x768xf32, #tpu.memory_space<vmem>>, vector<1x16xf32>,
      %get3A_243 = vector.shape_cast %get3A_242 : vector<1x16xf32> to vector<16xf32>
      %swap3A_244 = arith.index_cast %scan3A_98 : i32 to index
      %swap3A_245 = arith.constant 224 : index
      %swap3A_246 = tpu.vector_load %arg10[%swap3A_244, %swap3A_245] {strides = array<i32>} : memref<32x768xf32, #tpu.memory_space<vmem>>, vector<1x16xf32>,
      %swap3A_247 = vector.shape_cast %swap3A_246 : vector<1x16xf32> to vector<16xf32>
      %swap3A_248 = vector.shape_cast %get3A_243 : vector<16xf32> to vector<1x16xf32>
      tpu.vector_store %arg10[%swap3A_244, %swap3A_245], %swap3A_248 {add = true, strides = array<i32>} : memref<32x768xf32, #tpu.memory_space<vmem>>, vector<1x16xf32>,
      %get3A_249 = arith.index_cast %select_n3A : i32 to index
      %get3A_250 = arith.constant 240 : index
      %get3A_251 = tpu.vector_load %arg11[%get3A_249, %get3A_250] {strides = array<i32>} : memref<2x768xf32, #tpu.memory_space<vmem>>, vector<1x16xf32>,
      %get3A_252 = vector.shape_cast %get3A_251 : vector<1x16xf32> to vector<16xf32>
      %swap3A_253 = arith.index_cast %scan3A_98 : i32 to index
      %swap3A_254 = arith.constant 240 : index
      %swap3A_255 = tpu.vector_load %arg10[%swap3A_253, %swap3A_254] {strides = array<i32>} : memref<32x768xf32, #tpu.memory_space<vmem>>, vector<1x16xf32>,
      %swap3A_256 = vector.shape_cast %swap3A_255 : vector<1x16xf32> to vector<16xf32>
      %swap3A_257 = vector.shape_cast %get3A_252 : vector<16xf32> to vector<1x16xf32>
      tpu.vector_store %arg10[%swap3A_253, %swap3A_254], %swap3A_257 {add = true, strides = array<i32>} : memref<32x768xf32, #tpu.memory_space<vmem>>, vector<1x16xf32>,
      %get3A_258 = arith.index_cast %select_n3A : i32 to index
      %get3A_259 = arith.constant 256 : index
      %get3A_260 = tpu.vector_load %arg11[%get3A_258, %get3A_259] {strides = array<i32>} : memref<2x768xf32, #tpu.memory_space<vmem>>, vector<1x16xf32>,
      %get3A_261 = vector.shape_cast %get3A_260 : vector<1x16xf32> to vector<16xf32>
      %swap3A_262 = arith.index_cast %scan3A_98 : i32 to index
      %swap3A_263 = arith.constant 256 : index
      %swap3A_264 = tpu.vector_load %arg10[%swap3A_262, %swap3A_263] {strides = array<i32>} : memref<32x768xf32, #tpu.memory_space<vmem>>, vector<1x16xf32>,
      %swap3A_265 = vector.shape_cast %swap3A_264 : vector<1x16xf32> to vector<16xf32>
      %swap3A_266 = vector.shape_cast %get3A_261 : vector<16xf32> to vector<1x16xf32>
      tpu.vector_store %arg10[%swap3A_262, %swap3A_263], %swap3A_266 {add = true, strides = array<i32>} : memref<32x768xf32, #tpu.memory_space<vmem>>, vector<1x16xf32>,
      %get3A_267 = arith.index_cast %select_n3A : i32 to index
      %get3A_268 = arith.constant 272 : index
      %get3A_269 = tpu.vector_load %arg11[%get3A_267, %get3A_268] {strides = array<i32>} : memref<2x768xf32, #tpu.memory_space<vmem>>, vector<1x16xf32>,
      %get3A_270 = vector.shape_cast %get3A_269 : vector<1x16xf32> to vector<16xf32>
      %swap3A_271 = arith.index_cast %scan3A_98 : i32 to index
      %swap3A_272 = arith.constant 272 : index
      %swap3A_273 = tpu.vector_load %arg10[%swap3A_271, %swap3A_272] {strides = array<i32>} : memref<32x768xf32, #tpu.memory_space<vmem>>, vector<1x16xf32>,
      %swap3A_274 = vector.shape_cast %swap3A_273 : vector<1x16xf32> to vector<16xf32>
      %swap3A_275 = vector.shape_cast %get3A_270 : vector<16xf32> to vector<1x16xf32>
      tpu.vector_store %arg10[%swap3A_271, %swap3A_272], %swap3A_275 {add = true, strides = array<i32>} : memref<32x768xf32, #tpu.memory_space<vmem>>, vector<1x16xf32>,
      %get3A_276 = arith.index_cast %select_n3A : i32 to index
      %get3A_277 = arith.constant 288 : index
      %get3A_278 = tpu.vector_load %arg11[%get3A_276, %get3A_277] {strides = array<i32>} : memref<2x768xf32, #tpu.memory_space<vmem>>, vector<1x16xf32>,
      %get3A_279 = vector.shape_cast %get3A_278 : vector<1x16xf32> to vector<16xf32>
      %swap3A_280 = arith.index_cast %scan3A_98 : i32 to index
      %swap3A_281 = arith.constant 288 : index
      %swap3A_282 = tpu.vector_load %arg10[%swap3A_280, %swap3A_281] {strides = array<i32>} : memref<32x768xf32, #tpu.memory_space<vmem>>, vector<1x16xf32>,
      %swap3A_283 = vector.shape_cast %swap3A_282 : vector<1x16xf32> to vector<16xf32>
      %swap3A_284 = vector.shape_cast %get3A_279 : vector<16xf32> to vector<1x16xf32>
      tpu.vector_store %arg10[%swap3A_280, %swap3A_281], %swap3A_284 {add = true, strides = array<i32>} : memref<32x768xf32, #tpu.memory_space<vmem>>, vector<1x16xf32>,
      %get3A_285 = arith.index_cast %select_n3A : i32 to index
      %get3A_286 = arith.constant 304 : index
      %get3A_287 = tpu.vector_load %arg11[%get3A_285, %get3A_286] {strides = array<i32>} : memref<2x768xf32, #tpu.memory_space<vmem>>, vector<1x16xf32>,
      %get3A_288 = vector.shape_cast %get3A_287 : vector<1x16xf32> to vector<16xf32>
      %swap3A_289 = arith.index_cast %scan3A_98 : i32 to index
      %swap3A_290 = arith.constant 304 : index
      %swap3A_291 = tpu.vector_load %arg10[%swap3A_289, %swap3A_290] {strides = array<i32>} : memref<32x768xf32, #tpu.memory_space<vmem>>, vector<1x16xf32>,
      %swap3A_292 = vector.shape_cast %swap3A_291 : vector<1x16xf32> to vector<16xf32>
      %swap3A_293 = vector.shape_cast %get3A_288 : vector<16xf32> to vector<1x16xf32>
      tpu.vector_store %arg10[%swap3A_289, %swap3A_290], %swap3A_293 {add = true, strides = array<i32>} : memref<32x768xf32, #tpu.memory_space<vmem>>, vector<1x16xf32>,
      %get3A_294 = arith.index_cast %select_n3A : i32 to index
      %get3A_295 = arith.constant 320 : index
      %get3A_296 = tpu.vector_load %arg11[%get3A_294, %get3A_295] {strides = array<i32>} : memref<2x768xf32, #tpu.memory_space<vmem>>, vector<1x16xf32>,
      %get3A_297 = vector.shape_cast %get3A_296 : vector<1x16xf32> to vector<16xf32>
      %swap3A_298 = arith.index_cast %scan3A_98 : i32 to index
      %swap3A_299 = arith.constant 320 : index
      %swap3A_300 = tpu.vector_load %arg10[%swap3A_298, %swap3A_299] {strides = array<i32>} : memref<32x768xf32, #tpu.memory_space<vmem>>, vector<1x16xf32>,
      %swap3A_301 = vector.shape_cast %swap3A_300 : vector<1x16xf32> to vector<16xf32>
      %swap3A_302 = vector.shape_cast %get3A_297 : vector<16xf32> to vector<1x16xf32>
      tpu.vector_store %arg10[%swap3A_298, %swap3A_299], %swap3A_302 {add = true, strides = array<i32>} : memref<32x768xf32, #tpu.memory_space<vmem>>, vector<1x16xf32>,
      %get3A_303 = arith.index_cast %select_n3A : i32 to index
      %get3A_304 = arith.constant 336 : index
      %get3A_305 = tpu.vector_load %arg11[%get3A_303, %get3A_304] {strides = array<i32>} : memref<2x768xf32, #tpu.memory_space<vmem>>, vector<1x16xf32>,
      %get3A_306 = vector.shape_cast %get3A_305 : vector<1x16xf32> to vector<16xf32>
      %swap3A_307 = arith.index_cast %scan3A_98 : i32 to index
      %swap3A_308 = arith.constant 336 : index
      %swap3A_309 = tpu.vector_load %arg10[%swap3A_307, %swap3A_308] {strides = array<i32>} : memref<32x768xf32, #tpu.memory_space<vmem>>, vector<1x16xf32>,
      %swap3A_310 = vector.shape_cast %swap3A_309 : vector<1x16xf32> to vector<16xf32>
      %swap3A_311 = vector.shape_cast %get3A_306 : vector<16xf32> to vector<1x16xf32>
      tpu.vector_store %arg10[%swap3A_307, %swap3A_308], %swap3A_311 {add = true, strides = array<i32>} : memref<32x768xf32, #tpu.memory_space<vmem>>, vector<1x16xf32>,
      %get3A_312 = arith.index_cast %select_n3A : i32 to index
      %get3A_313 = arith.constant 352 : index
      %get3A_314 = tpu.vector_load %arg11[%get3A_312, %get3A_313] {strides = array<i32>} : memref<2x768xf32, #tpu.memory_space<vmem>>, vector<1x16xf32>,
      %get3A_315 = vector.shape_cast %get3A_314 : vector<1x16xf32> to vector<16xf32>
      %swap3A_316 = arith.index_cast %scan3A_98 : i32 to index
      %swap3A_317 = arith.constant 352 : index
      %swap3A_318 = tpu.vector_load %arg10[%swap3A_316, %swap3A_317] {strides = array<i32>} : memref<32x768xf32, #tpu.memory_space<vmem>>, vector<1x16xf32>,
      %swap3A_319 = vector.shape_cast %swap3A_318 : vector<1x16xf32> to vector<16xf32>
      %swap3A_320 = vector.shape_cast %get3A_315 : vector<16xf32> to vector<1x16xf32>
      tpu.vector_store %arg10[%swap3A_316, %swap3A_317], %swap3A_320 {add = true, strides = array<i32>} : memref<32x768xf32, #tpu.memory_space<vmem>>, vector<1x16xf32>,
      %get3A_321 = arith.index_cast %select_n3A : i32 to index
      %get3A_322 = arith.constant 368 : index
      %get3A_323 = tpu.vector_load %arg11[%get3A_321, %get3A_322] {strides = array<i32>} : memref<2x768xf32, #tpu.memory_space<vmem>>, vector<1x16xf32>,
      %get3A_324 = vector.shape_cast %get3A_323 : vector<1x16xf32> to vector<16xf32>
      %swap3A_325 = arith.index_cast %scan3A_98 : i32 to index
      %swap3A_326 = arith.constant 368 : index
      %swap3A_327 = tpu.vector_load %arg10[%swap3A_325, %swap3A_326] {strides = array<i32>} : memref<32x768xf32, #tpu.memory_space<vmem>>, vector<1x16xf32>,
      %swap3A_328 = vector.shape_cast %swap3A_327 : vector<1x16xf32> to vector<16xf32>
      %swap3A_329 = vector.shape_cast %get3A_324 : vector<16xf32> to vector<1x16xf32>
      tpu.vector_store %arg10[%swap3A_325, %swap3A_326], %swap3A_329 {add = true, strides = array<i32>} : memref<32x768xf32, #tpu.memory_space<vmem>>, vector<1x16xf32>,
      %get3A_330 = arith.index_cast %select_n3A : i32 to index
      %get3A_331 = arith.constant 384 : index
      %get3A_332 = tpu.vector_load %arg11[%get3A_330, %get3A_331] {strides = array<i32>} : memref<2x768xf32, #tpu.memory_space<vmem>>, vector<1x16xf32>,
      %get3A_333 = vector.shape_cast %get3A_332 : vector<1x16xf32> to vector<16xf32>
      %swap3A_334 = arith.index_cast %scan3A_98 : i32 to index
      %swap3A_335 = arith.constant 384 : index
      %swap3A_336 = tpu.vector_load %arg10[%swap3A_334, %swap3A_335] {strides = array<i32>} : memref<32x768xf32, #tpu.memory_space<vmem>>, vector<1x16xf32>,
      %swap3A_337 = vector.shape_cast %swap3A_336 : vector<1x16xf32> to vector<16xf32>
      %swap3A_338 = vector.shape_cast %get3A_333 : vector<16xf32> to vector<1x16xf32>
      tpu.vector_store %arg10[%swap3A_334, %swap3A_335], %swap3A_338 {add = true, strides = array<i32>} : memref<32x768xf32, #tpu.memory_space<vmem>>, vector<1x16xf32>,
      %get3A_339 = arith.index_cast %select_n3A : i32 to index
      %get3A_340 = arith.constant 400 : index
      %get3A_341 = tpu.vector_load %arg11[%get3A_339, %get3A_340] {strides = array<i32>} : memref<2x768xf32, #tpu.memory_space<vmem>>, vector<1x16xf32>,
      %get3A_342 = vector.shape_cast %get3A_341 : vector<1x16xf32> to vector<16xf32>
      %swap3A_343 = arith.index_cast %scan3A_98 : i32 to index
      %swap3A_344 = arith.constant 400 : index
      %swap3A_345 = tpu.vector_load %arg10[%swap3A_343, %swap3A_344] {strides = array<i32>} : memref<32x768xf32, #tpu.memory_space<vmem>>, vector<1x16xf32>,
      %swap3A_346 = vector.shape_cast %swap3A_345 : vector<1x16xf32> to vector<16xf32>
      %swap3A_347 = vector.shape_cast %get3A_342 : vector<16xf32> to vector<1x16xf32>
      tpu.vector_store %arg10[%swap3A_343, %swap3A_344], %swap3A_347 {add = true, strides = array<i32>} : memref<32x768xf32, #tpu.memory_space<vmem>>, vector<1x16xf32>,
      %get3A_348 = arith.index_cast %select_n3A : i32 to index
      %get3A_349 = arith.constant 416 : index
      %get3A_350 = tpu.vector_load %arg11[%get3A_348, %get3A_349] {strides = array<i32>} : memref<2x768xf32, #tpu.memory_space<vmem>>, vector<1x16xf32>,
      %get3A_351 = vector.shape_cast %get3A_350 : vector<1x16xf32> to vector<16xf32>
      %swap3A_352 = arith.index_cast %scan3A_98 : i32 to index
      %swap3A_353 = arith.constant 416 : index
      %swap3A_354 = tpu.vector_load %arg10[%swap3A_352, %swap3A_353] {strides = array<i32>} : memref<32x768xf32, #tpu.memory_space<vmem>>, vector<1x16xf32>,
      %swap3A_355 = vector.shape_cast %swap3A_354 : vector<1x16xf32> to vector<16xf32>
      %swap3A_356 = vector.shape_cast %get3A_351 : vector<16xf32> to vector<1x16xf32>
      tpu.vector_store %arg10[%swap3A_352, %swap3A_353], %swap3A_356 {add = true, strides = array<i32>} : memref<32x768xf32, #tpu.memory_space<vmem>>, vector<1x16xf32>,
      %get3A_357 = arith.index_cast %select_n3A : i32 to index
      %get3A_358 = arith.constant 432 : index
      %get3A_359 = tpu.vector_load %arg11[%get3A_357, %get3A_358] {strides = array<i32>} : memref<2x768xf32, #tpu.memory_space<vmem>>, vector<1x16xf32>,
      %get3A_360 = vector.shape_cast %get3A_359 : vector<1x16xf32> to vector<16xf32>
      %swap3A_361 = arith.index_cast %scan3A_98 : i32 to index
      %swap3A_362 = arith.constant 432 : index
      %swap3A_363 = tpu.vector_load %arg10[%swap3A_361, %swap3A_362] {strides = array<i32>} : memref<32x768xf32, #tpu.memory_space<vmem>>, vector<1x16xf32>,
      %swap3A_364 = vector.shape_cast %swap3A_363 : vector<1x16xf32> to vector<16xf32>
      %swap3A_365 = vector.shape_cast %get3A_360 : vector<16xf32> to vector<1x16xf32>
      tpu.vector_store %arg10[%swap3A_361, %swap3A_362], %swap3A_365 {add = true, strides = array<i32>} : memref<32x768xf32, #tpu.memory_space<vmem>>, vector<1x16xf32>,
      %get3A_366 = arith.index_cast %select_n3A : i32 to index
      %get3A_367 = arith.constant 448 : index
      %get3A_368 = tpu.vector_load %arg11[%get3A_366, %get3A_367] {strides = array<i32>} : memref<2x768xf32, #tpu.memory_space<vmem>>, vector<1x16xf32>,
      %get3A_369 = vector.shape_cast %get3A_368 : vector<1x16xf32> to vector<16xf32>
      %swap3A_370 = arith.index_cast %scan3A_98 : i32 to index
      %swap3A_371 = arith.constant 448 : index
      %swap3A_372 = tpu.vector_load %arg10[%swap3A_370, %swap3A_371] {strides = array<i32>} : memref<32x768xf32, #tpu.memory_space<vmem>>, vector<1x16xf32>,
      %swap3A_373 = vector.shape_cast %swap3A_372 : vector<1x16xf32> to vector<16xf32>
      %swap3A_374 = vector.shape_cast %get3A_369 : vector<16xf32> to vector<1x16xf32>
      tpu.vector_store %arg10[%swap3A_370, %swap3A_371], %swap3A_374 {add = true, strides = array<i32>} : memref<32x768xf32, #tpu.memory_space<vmem>>, vector<1x16xf32>,
      %get3A_375 = arith.index_cast %select_n3A : i32 to index
      %get3A_376 = arith.constant 464 : index
      %get3A_377 = tpu.vector_load %arg11[%get3A_375, %get3A_376] {strides = array<i32>} : memref<2x768xf32, #tpu.memory_space<vmem>>, vector<1x16xf32>,
      %get3A_378 = vector.shape_cast %get3A_377 : vector<1x16xf32> to vector<16xf32>
      %swap3A_379 = arith.index_cast %scan3A_98 : i32 to index
      %swap3A_380 = arith.constant 464 : index
      %swap3A_381 = tpu.vector_load %arg10[%swap3A_379, %swap3A_380] {strides = array<i32>} : memref<32x768xf32, #tpu.memory_space<vmem>>, vector<1x16xf32>,
      %swap3A_382 = vector.shape_cast %swap3A_381 : vector<1x16xf32> to vector<16xf32>
      %swap3A_383 = vector.shape_cast %get3A_378 : vector<16xf32> to vector<1x16xf32>
      tpu.vector_store %arg10[%swap3A_379, %swap3A_380], %swap3A_383 {add = true, strides = array<i32>} : memref<32x768xf32, #tpu.memory_space<vmem>>, vector<1x16xf32>,
      %get3A_384 = arith.index_cast %select_n3A : i32 to index
      %get3A_385 = arith.constant 480 : index
      %get3A_386 = tpu.vector_load %arg11[%get3A_384, %get3A_385] {strides = array<i32>} : memref<2x768xf32, #tpu.memory_space<vmem>>, vector<1x16xf32>,
      %get3A_387 = vector.shape_cast %get3A_386 : vector<1x16xf32> to vector<16xf32>
      %swap3A_388 = arith.index_cast %scan3A_98 : i32 to index
      %swap3A_389 = arith.constant 480 : index
      %swap3A_390 = tpu.vector_load %arg10[%swap3A_388, %swap3A_389] {strides = array<i32>} : memref<32x768xf32, #tpu.memory_space<vmem>>, vector<1x16xf32>,
      %swap3A_391 = vector.shape_cast %swap3A_390 : vector<1x16xf32> to vector<16xf32>
      %swap3A_392 = vector.shape_cast %get3A_387 : vector<16xf32> to vector<1x16xf32>
      tpu.vector_store %arg10[%swap3A_388, %swap3A_389], %swap3A_392 {add = true, strides = array<i32>} : memref<32x768xf32, #tpu.memory_space<vmem>>, vector<1x16xf32>,
      %get3A_393 = arith.index_cast %select_n3A : i32 to index
      %get3A_394 = arith.constant 496 : index
      %get3A_395 = tpu.vector_load %arg11[%get3A_393, %get3A_394] {strides = array<i32>} : memref<2x768xf32, #tpu.memory_space<vmem>>, vector<1x16xf32>,
      %get3A_396 = vector.shape_cast %get3A_395 : vector<1x16xf32> to vector<16xf32>
      %swap3A_397 = arith.index_cast %scan3A_98 : i32 to index
      %swap3A_398 = arith.constant 496 : index
      %swap3A_399 = tpu.vector_load %arg10[%swap3A_397, %swap3A_398] {strides = array<i32>} : memref<32x768xf32, #tpu.memory_space<vmem>>, vector<1x16xf32>,
      %swap3A_400 = vector.shape_cast %swap3A_399 : vector<1x16xf32> to vector<16xf32>
      %swap3A_401 = vector.shape_cast %get3A_396 : vector<16xf32> to vector<1x16xf32>
      tpu.vector_store %arg10[%swap3A_397, %swap3A_398], %swap3A_401 {add = true, strides = array<i32>} : memref<32x768xf32, #tpu.memory_space<vmem>>, vector<1x16xf32>,
      %get3A_402 = arith.index_cast %select_n3A : i32 to index
      %get3A_403 = arith.constant 512 : index
      %get3A_404 = tpu.vector_load %arg11[%get3A_402, %get3A_403] {strides = array<i32>} : memref<2x768xf32, #tpu.memory_space<vmem>>, vector<1x16xf32>,
      %get3A_405 = vector.shape_cast %get3A_404 : vector<1x16xf32> to vector<16xf32>
      %swap3A_406 = arith.index_cast %scan3A_98 : i32 to index
      %swap3A_407 = arith.constant 512 : index
      %swap3A_408 = tpu.vector_load %arg10[%swap3A_406, %swap3A_407] {strides = array<i32>} : memref<32x768xf32, #tpu.memory_space<vmem>>, vector<1x16xf32>,
      %swap3A_409 = vector.shape_cast %swap3A_408 : vector<1x16xf32> to vector<16xf32>
      %swap3A_410 = vector.shape_cast %get3A_405 : vector<16xf32> to vector<1x16xf32>
      tpu.vector_store %arg10[%swap3A_406, %swap3A_407], %swap3A_410 {add = true, strides = array<i32>} : memref<32x768xf32, #tpu.memory_space<vmem>>, vector<1x16xf32>,
      %get3A_411 = arith.index_cast %select_n3A : i32 to index
      %get3A_412 = arith.constant 528 : index
      %get3A_413 = tpu.vector_load %arg11[%get3A_411, %get3A_412] {strides = array<i32>} : memref<2x768xf32, #tpu.memory_space<vmem>>, vector<1x16xf32>,
      %get3A_414 = vector.shape_cast %get3A_413 : vector<1x16xf32> to vector<16xf32>
      %swap3A_415 = arith.index_cast %scan3A_98 : i32 to index
      %swap3A_416 = arith.constant 528 : index
      %swap3A_417 = tpu.vector_load %arg10[%swap3A_415, %swap3A_416] {strides = array<i32>} : memref<32x768xf32, #tpu.memory_space<vmem>>, vector<1x16xf32>,
      %swap3A_418 = vector.shape_cast %swap3A_417 : vector<1x16xf32> to vector<16xf32>
      %swap3A_419 = vector.shape_cast %get3A_414 : vector<16xf32> to vector<1x16xf32>
      tpu.vector_store %arg10[%swap3A_415, %swap3A_416], %swap3A_419 {add = true, strides = array<i32>} : memref<32x768xf32, #tpu.memory_space<vmem>>, vector<1x16xf32>,
      %get3A_420 = arith.index_cast %select_n3A : i32 to index
      %get3A_421 = arith.constant 544 : index
      %get3A_422 = tpu.vector_load %arg11[%get3A_420, %get3A_421] {strides = array<i32>} : memref<2x768xf32, #tpu.memory_space<vmem>>, vector<1x16xf32>,
      %get3A_423 = vector.shape_cast %get3A_422 : vector<1x16xf32> to vector<16xf32>
      %swap3A_424 = arith.index_cast %scan3A_98 : i32 to index
      %swap3A_425 = arith.constant 544 : index
      %swap3A_426 = tpu.vector_load %arg10[%swap3A_424, %swap3A_425] {strides = array<i32>} : memref<32x768xf32, #tpu.memory_space<vmem>>, vector<1x16xf32>,
      %swap3A_427 = vector.shape_cast %swap3A_426 : vector<1x16xf32> to vector<16xf32>
      %swap3A_428 = vector.shape_cast %get3A_423 : vector<16xf32> to vector<1x16xf32>
      tpu.vector_store %arg10[%swap3A_424, %swap3A_425], %swap3A_428 {add = true, strides = array<i32>} : memref<32x768xf32, #tpu.memory_space<vmem>>, vector<1x16xf32>,
      %get3A_429 = arith.index_cast %select_n3A : i32 to index
      %get3A_430 = arith.constant 560 : index
      %get3A_431 = tpu.vector_load %arg11[%get3A_429, %get3A_430] {strides = array<i32>} : memref<2x768xf32, #tpu.memory_space<vmem>>, vector<1x16xf32>,
      %get3A_432 = vector.shape_cast %get3A_431 : vector<1x16xf32> to vector<16xf32>
      %swap3A_433 = arith.index_cast %scan3A_98 : i32 to index
      %swap3A_434 = arith.constant 560 : index
      %swap3A_435 = tpu.vector_load %arg10[%swap3A_433, %swap3A_434] {strides = array<i32>} : memref<32x768xf32, #tpu.memory_space<vmem>>, vector<1x16xf32>,
      %swap3A_436 = vector.shape_cast %swap3A_435 : vector<1x16xf32> to vector<16xf32>
      %swap3A_437 = vector.shape_cast %get3A_432 : vector<16xf32> to vector<1x16xf32>
      tpu.vector_store %arg10[%swap3A_433, %swap3A_434], %swap3A_437 {add = true, strides = array<i32>} : memref<32x768xf32, #tpu.memory_space<vmem>>, vector<1x16xf32>,
      %get3A_438 = arith.index_cast %select_n3A : i32 to index
      %get3A_439 = arith.constant 576 : index
      %get3A_440 = tpu.vector_load %arg11[%get3A_438, %get3A_439] {strides = array<i32>} : memref<2x768xf32, #tpu.memory_space<vmem>>, vector<1x16xf32>,
      %get3A_441 = vector.shape_cast %get3A_440 : vector<1x16xf32> to vector<16xf32>
      %swap3A_442 = arith.index_cast %scan3A_98 : i32 to index
      %swap3A_443 = arith.constant 576 : index
      %swap3A_444 = tpu.vector_load %arg10[%swap3A_442, %swap3A_443] {strides = array<i32>} : memref<32x768xf32, #tpu.memory_space<vmem>>, vector<1x16xf32>,
      %swap3A_445 = vector.shape_cast %swap3A_444 : vector<1x16xf32> to vector<16xf32>
      %swap3A_446 = vector.shape_cast %get3A_441 : vector<16xf32> to vector<1x16xf32>
      tpu.vector_store %arg10[%swap3A_442, %swap3A_443], %swap3A_446 {add = true, strides = array<i32>} : memref<32x768xf32, #tpu.memory_space<vmem>>, vector<1x16xf32>,
      %get3A_447 = arith.index_cast %select_n3A : i32 to index
      %get3A_448 = arith.constant 592 : index
      %get3A_449 = tpu.vector_load %arg11[%get3A_447, %get3A_448] {strides = array<i32>} : memref<2x768xf32, #tpu.memory_space<vmem>>, vector<1x16xf32>,
      %get3A_450 = vector.shape_cast %get3A_449 : vector<1x16xf32> to vector<16xf32>
      %swap3A_451 = arith.index_cast %scan3A_98 : i32 to index
      %swap3A_452 = arith.constant 592 : index
      %swap3A_453 = tpu.vector_load %arg10[%swap3A_451, %swap3A_452] {strides = array<i32>} : memref<32x768xf32, #tpu.memory_space<vmem>>, vector<1x16xf32>,
      %swap3A_454 = vector.shape_cast %swap3A_453 : vector<1x16xf32> to vector<16xf32>
      %swap3A_455 = vector.shape_cast %get3A_450 : vector<16xf32> to vector<1x16xf32>
      tpu.vector_store %arg10[%swap3A_451, %swap3A_452], %swap3A_455 {add = true, strides = array<i32>} : memref<32x768xf32, #tpu.memory_space<vmem>>, vector<1x16xf32>,
      %get3A_456 = arith.index_cast %select_n3A : i32 to index
      %get3A_457 = arith.constant 608 : index
      %get3A_458 = tpu.vector_load %arg11[%get3A_456, %get3A_457] {strides = array<i32>} : memref<2x768xf32, #tpu.memory_space<vmem>>, vector<1x16xf32>,
      %get3A_459 = vector.shape_cast %get3A_458 : vector<1x16xf32> to vector<16xf32>
      %swap3A_460 = arith.index_cast %scan3A_98 : i32 to index
      %swap3A_461 = arith.constant 608 : index
      %swap3A_462 = tpu.vector_load %arg10[%swap3A_460, %swap3A_461] {strides = array<i32>} : memref<32x768xf32, #tpu.memory_space<vmem>>, vector<1x16xf32>,
      %swap3A_463 = vector.shape_cast %swap3A_462 : vector<1x16xf32> to vector<16xf32>
      %swap3A_464 = vector.shape_cast %get3A_459 : vector<16xf32> to vector<1x16xf32>
      tpu.vector_store %arg10[%swap3A_460, %swap3A_461], %swap3A_464 {add = true, strides = array<i32>} : memref<32x768xf32, #tpu.memory_space<vmem>>, vector<1x16xf32>,
      %get3A_465 = arith.index_cast %select_n3A : i32 to index
      %get3A_466 = arith.constant 624 : index
      %get3A_467 = tpu.vector_load %arg11[%get3A_465, %get3A_466] {strides = array<i32>} : memref<2x768xf32, #tpu.memory_space<vmem>>, vector<1x16xf32>,
      %get3A_468 = vector.shape_cast %get3A_467 : vector<1x16xf32> to vector<16xf32>
      %swap3A_469 = arith.index_cast %scan3A_98 : i32 to index
      %swap3A_470 = arith.constant 624 : index
      %swap3A_471 = tpu.vector_load %arg10[%swap3A_469, %swap3A_470] {strides = array<i32>} : memref<32x768xf32, #tpu.memory_space<vmem>>, vector<1x16xf32>,
      %swap3A_472 = vector.shape_cast %swap3A_471 : vector<1x16xf32> to vector<16xf32>
      %swap3A_473 = vector.shape_cast %get3A_468 : vector<16xf32> to vector<1x16xf32>
      tpu.vector_store %arg10[%swap3A_469, %swap3A_470], %swap3A_473 {add = true, strides = array<i32>} : memref<32x768xf32, #tpu.memory_space<vmem>>, vector<1x16xf32>,
      %get3A_474 = arith.index_cast %select_n3A : i32 to index
      %get3A_475 = arith.constant 640 : index
      %get3A_476 = tpu.vector_load %arg11[%get3A_474, %get3A_475] {strides = array<i32>} : memref<2x768xf32, #tpu.memory_space<vmem>>, vector<1x16xf32>,
      %get3A_477 = vector.shape_cast %get3A_476 : vector<1x16xf32> to vector<16xf32>
      %swap3A_478 = arith.index_cast %scan3A_98 : i32 to index
      %swap3A_479 = arith.constant 640 : index
      %swap3A_480 = tpu.vector_load %arg10[%swap3A_478, %swap3A_479] {strides = array<i32>} : memref<32x768xf32, #tpu.memory_space<vmem>>, vector<1x16xf32>,
      %swap3A_481 = vector.shape_cast %swap3A_480 : vector<1x16xf32> to vector<16xf32>
      %swap3A_482 = vector.shape_cast %get3A_477 : vector<16xf32> to vector<1x16xf32>
      tpu.vector_store %arg10[%swap3A_478, %swap3A_479], %swap3A_482 {add = true, strides = array<i32>} : memref<32x768xf32, #tpu.memory_space<vmem>>, vector<1x16xf32>,
      %get3A_483 = arith.index_cast %select_n3A : i32 to index
      %get3A_484 = arith.constant 656 : index
      %get3A_485 = tpu.vector_load %arg11[%get3A_483, %get3A_484] {strides = array<i32>} : memref<2x768xf32, #tpu.memory_space<vmem>>, vector<1x16xf32>,
      %get3A_486 = vector.shape_cast %get3A_485 : vector<1x16xf32> to vector<16xf32>
      %swap3A_487 = arith.index_cast %scan3A_98 : i32 to index
      %swap3A_488 = arith.constant 656 : index
      %swap3A_489 = tpu.vector_load %arg10[%swap3A_487, %swap3A_488] {strides = array<i32>} : memref<32x768xf32, #tpu.memory_space<vmem>>, vector<1x16xf32>,
      %swap3A_490 = vector.shape_cast %swap3A_489 : vector<1x16xf32> to vector<16xf32>
      %swap3A_491 = vector.shape_cast %get3A_486 : vector<16xf32> to vector<1x16xf32>
      tpu.vector_store %arg10[%swap3A_487, %swap3A_488], %swap3A_491 {add = true, strides = array<i32>} : memref<32x768xf32, #tpu.memory_space<vmem>>, vector<1x16xf32>,
      %get3A_492 = arith.index_cast %select_n3A : i32 to index
      %get3A_493 = arith.constant 672 : index
      %get3A_494 = tpu.vector_load %arg11[%get3A_492, %get3A_493] {strides = array<i32>} : memref<2x768xf32, #tpu.memory_space<vmem>>, vector<1x16xf32>,
      %get3A_495 = vector.shape_cast %get3A_494 : vector<1x16xf32> to vector<16xf32>
      %swap3A_496 = arith.index_cast %scan3A_98 : i32 to index
      %swap3A_497 = arith.constant 672 : index
      %swap3A_498 = tpu.vector_load %arg10[%swap3A_496, %swap3A_497] {strides = array<i32>} : memref<32x768xf32, #tpu.memory_space<vmem>>, vector<1x16xf32>,
      %swap3A_499 = vector.shape_cast %swap3A_498 : vector<1x16xf32> to vector<16xf32>
      %swap3A_500 = vector.shape_cast %get3A_495 : vector<16xf32> to vector<1x16xf32>
      tpu.vector_store %arg10[%swap3A_496, %swap3A_497], %swap3A_500 {add = true, strides = array<i32>} : memref<32x768xf32, #tpu.memory_space<vmem>>, vector<1x16xf32>,
      %get3A_501 = arith.index_cast %select_n3A : i32 to index
      %get3A_502 = arith.constant 688 : index
      %get3A_503 = tpu.vector_load %arg11[%get3A_501, %get3A_502] {strides = array<i32>} : memref<2x768xf32, #tpu.memory_space<vmem>>, vector<1x16xf32>,
      %get3A_504 = vector.shape_cast %get3A_503 : vector<1x16xf32> to vector<16xf32>
      %swap3A_505 = arith.index_cast %scan3A_98 : i32 to index
      %swap3A_506 = arith.constant 688 : index
      %swap3A_507 = tpu.vector_load %arg10[%swap3A_505, %swap3A_506] {strides = array<i32>} : memref<32x768xf32, #tpu.memory_space<vmem>>, vector<1x16xf32>,
      %swap3A_508 = vector.shape_cast %swap3A_507 : vector<1x16xf32> to vector<16xf32>
      %swap3A_509 = vector.shape_cast %get3A_504 : vector<16xf32> to vector<1x16xf32>
      tpu.vector_store %arg10[%swap3A_505, %swap3A_506], %swap3A_509 {add = true, strides = array<i32>} : memref<32x768xf32, #tpu.memory_space<vmem>>, vector<1x16xf32>,
      %get3A_510 = arith.index_cast %select_n3A : i32 to index
      %get3A_511 = arith.constant 704 : index
      %get3A_512 = tpu.vector_load %arg11[%get3A_510, %get3A_511] {strides = array<i32>} : memref<2x768xf32, #tpu.memory_space<vmem>>, vector<1x16xf32>,
      %get3A_513 = vector.shape_cast %get3A_512 : vector<1x16xf32> to vector<16xf32>
      %swap3A_514 = arith.index_cast %scan3A_98 : i32 to index
      %swap3A_515 = arith.constant 704 : index
      %swap3A_516 = tpu.vector_load %arg10[%swap3A_514, %swap3A_515] {strides = array<i32>} : memref<32x768xf32, #tpu.memory_space<vmem>>, vector<1x16xf32>,
      %swap3A_517 = vector.shape_cast %swap3A_516 : vector<1x16xf32> to vector<16xf32>
      %swap3A_518 = vector.shape_cast %get3A_513 : vector<16xf32> to vector<1x16xf32>
      tpu.vector_store %arg10[%swap3A_514, %swap3A_515], %swap3A_518 {add = true, strides = array<i32>} : memref<32x768xf32, #tpu.memory_space<vmem>>, vector<1x16xf32>,
      %get3A_519 = arith.index_cast %select_n3A : i32 to index
      %get3A_520 = arith.constant 720 : index
      %get3A_521 = tpu.vector_load %arg11[%get3A_519, %get3A_520] {strides = array<i32>} : memref<2x768xf32, #tpu.memory_space<vmem>>, vector<1x16xf32>,
      %get3A_522 = vector.shape_cast %get3A_521 : vector<1x16xf32> to vector<16xf32>
      %swap3A_523 = arith.index_cast %scan3A_98 : i32 to index
      %swap3A_524 = arith.constant 720 : index
      %swap3A_525 = tpu.vector_load %arg10[%swap3A_523, %swap3A_524] {strides = array<i32>} : memref<32x768xf32, #tpu.memory_space<vmem>>, vector<1x16xf32>,
      %swap3A_526 = vector.shape_cast %swap3A_525 : vector<1x16xf32> to vector<16xf32>
      %swap3A_527 = vector.shape_cast %get3A_522 : vector<16xf32> to vector<1x16xf32>
      tpu.vector_store %arg10[%swap3A_523, %swap3A_524], %swap3A_527 {add = true, strides = array<i32>} : memref<32x768xf32, #tpu.memory_space<vmem>>, vector<1x16xf32>,
      %get3A_528 = arith.index_cast %select_n3A : i32 to index
      %get3A_529 = arith.constant 736 : index
      %get3A_530 = tpu.vector_load %arg11[%get3A_528, %get3A_529] {strides = array<i32>} : memref<2x768xf32, #tpu.memory_space<vmem>>, vector<1x16xf32>,
      %get3A_531 = vector.shape_cast %get3A_530 : vector<1x16xf32> to vector<16xf32>
      %swap3A_532 = arith.index_cast %scan3A_98 : i32 to index
      %swap3A_533 = arith.constant 736 : index
      %swap3A_534 = tpu.vector_load %arg10[%swap3A_532, %swap3A_533] {strides = array<i32>} : memref<32x768xf32, #tpu.memory_space<vmem>>, vector<1x16xf32>,
      %swap3A_535 = vector.shape_cast %swap3A_534 : vector<1x16xf32> to vector<16xf32>
      %swap3A_536 = vector.shape_cast %get3A_531 : vector<16xf32> to vector<1x16xf32>
      tpu.vector_store %arg10[%swap3A_532, %swap3A_533], %swap3A_536 {add = true, strides = array<i32>} : memref<32x768xf32, #tpu.memory_space<vmem>>, vector<1x16xf32>,
      %get3A_537 = arith.index_cast %select_n3A : i32 to index
      %get3A_538 = arith.constant 752 : index
      %get3A_539 = tpu.vector_load %arg11[%get3A_537, %get3A_538] {strides = array<i32>} : memref<2x768xf32, #tpu.memory_space<vmem>>, vector<1x16xf32>,
      %get3A_540 = vector.shape_cast %get3A_539 : vector<1x16xf32> to vector<16xf32>
      %swap3A_541 = arith.index_cast %scan3A_98 : i32 to index
      %swap3A_542 = arith.constant 752 : index
      %swap3A_543 = tpu.vector_load %arg10[%swap3A_541, %swap3A_542] {strides = array<i32>} : memref<32x768xf32, #tpu.memory_space<vmem>>, vector<1x16xf32>,
      %swap3A_544 = vector.shape_cast %swap3A_543 : vector<1x16xf32> to vector<16xf32>
      %swap3A_545 = vector.shape_cast %get3A_540 : vector<16xf32> to vector<1x16xf32>
      tpu.vector_store %arg10[%swap3A_541, %swap3A_542], %swap3A_545 {add = true, strides = array<i32>} : memref<32x768xf32, #tpu.memory_space<vmem>>, vector<1x16xf32>,
    }
    %scan3A_7 = arith.constant 32 : i32
    %get3A = arith.constant 0 : i32
    %get3A_8 = arith.index_cast %get3A : i32 to index
    %get3A_9 = arith.constant 0 : index
    %get3A_10 = tpu.vector_load %arg8[%get3A_8, %get3A_9] {strides = array<i32>} : memref<1024x16xi32, #tpu.memory_space<vmem>>, vector<1x16xi32>,
    %get3A_11 = vector.shape_cast %get3A_10 : vector<1x16xi32> to vector<16xi32>
    %dma_start3A = arith.constant 0 : i32
    %dma_start3A_12 = arith.constant 0 : i32
    %dma_start3A_13 = tpu.memref_slice %arg4[%dma_start3A, %dma_start3A_12] : memref<100000x768xf32, #tpu.memory_space<hbm>> -> memref<100000x768xf32, #tpu.memory_space<hbm>>
    tpu.enqueue_indirect_dma source(%dma_start3A_13 : memref<100000x768xf32, #tpu.memory_space<hbm>>) target(%arg12 : memref<16x768xf32, #tpu.memory_space<vmem>>) offsets(%get3A_11 : vector<16xi32>) semaphore(%arg16 : memref<!tpu.dma_semaphore, #tpu.memory_space<semaphore_mem>>)
    %get3A_14 = arith.constant 1 : i32
    %get3A_15 = arith.index_cast %get3A_14 : i32 to index
    %get3A_16 = arith.constant 0 : index
    %get3A_17 = tpu.vector_load %arg8[%get3A_15, %get3A_16] {strides = array<i32>} : memref<1024x16xi32, #tpu.memory_space<vmem>>, vector<1x16xi32>,
    %get3A_18 = vector.shape_cast %get3A_17 : vector<1x16xi32> to vector<16xi32>
    %dma_start3A_19 = arith.constant 0 : i32
    %dma_start3A_20 = arith.constant 0 : i32
    %dma_start3A_21 = tpu.memref_slice %arg4[%dma_start3A_19, %dma_start3A_20] : memref<100000x768xf32, #tpu.memory_space<hbm>> -> memref<100000x768xf32, #tpu.memory_space<hbm>>
    tpu.enqueue_indirect_dma source(%dma_start3A_21 : memref<100000x768xf32, #tpu.memory_space<hbm>>) target(%arg13 : memref<16x768xf32, #tpu.memory_space<vmem>>) offsets(%get3A_18 : vector<16xi32>) semaphore(%arg17 : memref<!tpu.dma_semaphore, #tpu.memory_space<semaphore_mem>>)
    %dma_start3A_22 = arith.constant 0 : i32
    %dma_start3A_23 = arith.constant 0 : i32
    %dma_start3A_24 = tpu.memref_slice %arg4[%dma_start3A_22, %dma_start3A_23] : memref<100000x768xf32, #tpu.memory_space<hbm>> -> memref<16x768xf32, #tpu.memory_space<hbm>>
    %dma_start3A_25 = arith.constant 0 : i32
    %dma_start3A_26 = arith.constant 0 : i32
    %dma_start3A_27 = tpu.memref_slice %arg4[%dma_start3A_25, %dma_start3A_26] : memref<100000x768xf32, #tpu.memory_space<hbm>> -> memref<16x768xf32, #tpu.memory_space<hbm>>
    tpu.enqueue_dma source(%dma_start3A_27 : memref<16x768xf32, #tpu.memory_space<hbm>>) target(%arg14 : memref<16x768xf32, #tpu.memory_space<vmem>>) target_semaphore(%arg22 : memref<!tpu.dma_semaphore, #tpu.memory_space<semaphore_mem>>)
    %dma_start3A_28 = arith.constant 0 : i32
    %dma_start3A_29 = arith.constant 0 : i32
    %dma_start3A_30 = tpu.memref_slice %arg4[%dma_start3A_28, %dma_start3A_29] : memref<100000x768xf32, #tpu.memory_space<hbm>> -> memref<16x768xf32, #tpu.memory_space<hbm>>
    %dma_start3A_31 = arith.constant 0 : i32
    %dma_start3A_32 = arith.constant 0 : i32
    %dma_start3A_33 = tpu.memref_slice %arg4[%dma_start3A_31, %dma_start3A_32] : memref<100000x768xf32, #tpu.memory_space<hbm>> -> memref<16x768xf32, #tpu.memory_space<hbm>>
    tpu.enqueue_dma source(%dma_start3A_33 : memref<16x768xf32, #tpu.memory_space<hbm>>) target(%arg15 : memref<16x768xf32, #tpu.memory_space<vmem>>) target_semaphore(%arg23 : memref<!tpu.dma_semaphore, #tpu.memory_space<semaphore_mem>>)
    %scan3A_34 = arith.constant 0 : i32
    %scan3A_35 = arith.constant 0 : i32
    %scan3A_36 = arith.constant 256 : i32
    %scan3A_37 = arith.addi %scan3A_35, %scan3A_36 : i32
    %scan3A_38 = arith.constant 1 : i32
    scf.for %scan3A_98 = %scan3A_35 to %scan3A_37 step %scan3A_38  : i32 {
      %mul3A_99 = arith.constant 4 : i32
      %mul3A_100 = arith.muli %mul3A_99, %scan3A_98 : i32
      %add3A_101 = arith.constant 0 : i32
      %add3A_102 = arith.addi %mul3A_100, %add3A_101 : i32
      %add3A_103 = arith.constant 2 : i32
      %add3A_104 = arith.addi %add3A_102, %add3A_103 : i32
      %lt3A = arith.constant 1024 : i32
      %lt3A_105 = arith.cmpi slt, %add3A_104, %lt3A : i32
      %convert_element_type3A = arith.extui %lt3A_105 : i1 to i32
      %cond3A = arith.constant 0 : i32
      %cond3A_106 = arith.cmpi ne, %convert_element_type3A, %cond3A : i32
      scf.if %cond3A_106 {
        %sub3A = arith.constant 4 : i32
        %sub3A_1105 = arith.subi %add3A_104, %sub3A : i32
        %max3A_1106 = arith.constant 0 : i32
        %max3A_1107 = arith.maxsi %sub3A_1105, %max3A_1106 : i32
        %mul3A_1108 = arith.constant 2 : i32
        %mul3A_1109 = arith.muli %mul3A_1108, %add3A : i32
        %dma_wait3A_1110 = arith.constant 0 : i32
        %dma_wait3A_1111 = arith.constant 0 : i32
        %dma_wait3A_1112 = arith.constant 0 : i32
        %dma_wait3A_1113 = tpu.memref_slice %arg7[%max3A_1107, %mul3A_1109, %dma_wait3A_1110, %dma_wait3A_1111, %dma_wait3A_1112] : memref<1024x64x6x8x128xf32, #tpu.memory_space<hbm>> -> memref<1x2x6x8x128xf32, #tpu.memory_space<hbm>>
        %dma_wait3A_1114 = tpu.memref_squeeze %dma_wait3A_1113 : memref<1x2x6x8x128xf32, #tpu.memory_space<hbm>> -> memref<2x6x8x128xf32, #tpu.memory_space<hbm>>
        %dma_wait3A_1115 = arith.constant 0 : i32
        %dma_wait3A_1116 = arith.constant 0 : i32
        %dma_wait3A_1117 = arith.constant 0 : i32
        %dma_wait3A_1118 = tpu.memref_slice %arg7[%max3A_1107, %mul3A_1109, %dma_wait3A_1115, %dma_wait3A_1116, %dma_wait3A_1117] : memref<1024x64x6x8x128xf32, #tpu.memory_space<hbm>> -> memref<1x2x6x8x128xf32, #tpu.memory_space<hbm>>
        %dma_wait3A_1119 = tpu.memref_squeeze %dma_wait3A_1118 : memref<1x2x6x8x128xf32, #tpu.memory_space<hbm>> -> memref<2x6x8x128xf32, #tpu.memory_space<hbm>>
        tpu.wait_dma2 semaphore(%arg22 : memref<!tpu.dma_semaphore, #tpu.memory_space<semaphore_mem>>) src(%arg14 : memref<16x768xf32, #tpu.memory_space<vmem>>) dst(%dma_wait3A_1119 : memref<2x6x8x128xf32, #tpu.memory_space<hbm>>)
        %get3A_1120 = arith.index_cast %add3A_104 : i32 to index
        %get3A_1121 = arith.constant 0 : index
        %get3A_1122 = tpu.vector_load %arg8[%get3A_1120, %get3A_1121] {strides = array<i32>} : memref<1024x16xi32, #tpu.memory_space<vmem>>, vector<1x16xi32>,
        %get3A_1123 = vector.shape_cast %get3A_1122 : vector<1x16xi32> to vector<16xi32>
        %dma_start3A_1124 = arith.constant 0 : i32
        %dma_start3A_1125 = arith.constant 0 : i32
        %dma_start3A_1126 = tpu.memref_slice %arg4[%dma_start3A_1124, %dma_start3A_1125] : memref<100000x768xf32, #tpu.memory_space<hbm>> -> memref<100000x768xf32, #tpu.memory_space<hbm>>
        tpu.enqueue_indirect_dma source(%dma_start3A_1126 : memref<100000x768xf32, #tpu.memory_space<hbm>>) target(%arg14 : memref<16x768xf32, #tpu.memory_space<vmem>>) offsets(%get3A_1123 : vector<16xi32>) semaphore(%arg18 : memref<!tpu.dma_semaphore, #tpu.memory_space<semaphore_mem>>)
      } else {
      }
      %get3A_107 = arith.index_cast %add3A_102 : i32 to index
      %get3A_108 = arith.constant 0 : index
      %get3A_109 = tpu.vector_load %arg8[%get3A_107, %get3A_108] {strides = array<i32>} : memref<1024x16xi32, #tpu.memory_space<vmem>>, vector<1x16xi32>,
      %get3A_110 = vector.shape_cast %get3A_109 : vector<1x16xi32> to vector<16xi32>
      %dma_wait3A_111 = arith.constant 0 : i32
      %dma_wait3A_112 = arith.constant 0 : i32
      %dma_wait3A_113 = tpu.memref_slice %arg4[%dma_wait3A_111, %dma_wait3A_112] : memref<100000x768xf32, #tpu.memory_space<hbm>> -> memref<100000x768xf32, #tpu.memory_space<hbm>>
      tpu.wait_indirect_dma semaphore(%arg16 : memref<!tpu.dma_semaphore, #tpu.memory_space<semaphore_mem>>) src(%dma_wait3A_113 : memref<100000x768xf32, #tpu.memory_space<hbm>>) dst(%arg12 : memref<16x768xf32, #tpu.memory_space<vmem>>)
      %get3A_114 = arith.index_cast %add3A_102 : i32 to index
      %get3A_115 = arith.constant 0 : index
      %get3A_116 = tpu.vector_load %arg9[%get3A_114, %get3A_115] {strides = array<i32>} : memref<1024x16xi32, #tpu.memory_space<vmem>>, vector<1x16xi32>,
      %get3A_117 = vector.shape_cast %get3A_116 : vector<1x16xi32> to vector<16xi32>
      %mul3A_118 = arith.constant 16 : i32
      %mul3A_119 = vector.broadcast %mul3A_118 : i32 to vector<16xi32>
      %mul3A_120 = arith.muli %get3A_117, %mul3A_119 : vector<16xi32>
      %iota3A = tpu.iota {dimensions = array<i32: 0>} : vector<16xi32>
      %add3A_121 = arith.addi %mul3A_120, %iota3A : vector<16xi32>
      %slice3A = vector.extract_strided_slice %add3A_121 {offsets = [0], sizes = [1], strides = [1]} : vector<16xi32> to vector<1xi32>
      %squeeze3A = vector.extract %slice3A[0] : i32 from vector<1xi32>
      %slice3A_122 = vector.extract_strided_slice %add3A_121 {offsets = [1], sizes = [1], strides = [1]} : vector<16xi32> to vector<1xi32>
      %squeeze3A_123 = vector.extract %slice3A_122[0] : i32 from vector<1xi32>
      %slice3A_124 = vector.extract_strided_slice %add3A_121 {offsets = [2], sizes = [1], strides = [1]} : vector<16xi32> to vector<1xi32>
      %squeeze3A_125 = vector.extract %slice3A_124[0] : i32 from vector<1xi32>
      %slice3A_126 = vector.extract_strided_slice %add3A_121 {offsets = [3], sizes = [1], strides = [1]} : vector<16xi32> to vector<1xi32>
      %squeeze3A_127 = vector.extract %slice3A_126[0] : i32 from vector<1xi32>
      %slice3A_128 = vector.extract_strided_slice %add3A_121 {offsets = [4], sizes = [1], strides = [1]} : vector<16xi32> to vector<1xi32>
      %squeeze3A_129 = vector.extract %slice3A_128[0] : i32 from vector<1xi32>
      %slice3A_130 = vector.extract_strided_slice %add3A_121 {offsets = [5], sizes = [1], strides = [1]} : vector<16xi32> to vector<1xi32>
      %squeeze3A_131 = vector.extract %slice3A_130[0] : i32 from vector<1xi32>
      %slice3A_132 = vector.extract_strided_slice %add3A_121 {offsets = [6], sizes = [1], strides = [1]} : vector<16xi32> to vector<1xi32>
      %squeeze3A_133 = vector.extract %slice3A_132[0] : i32 from vector<1xi32>
      %slice3A_134 = vector.extract_strided_slice %add3A_121 {offsets = [7], sizes = [1], strides = [1]} : vector<16xi32> to vector<1xi32>
      %squeeze3A_135 = vector.extract %slice3A_134[0] : i32 from vector<1xi32>
      %slice3A_136 = vector.extract_strided_slice %add3A_121 {offsets = [8], sizes = [1], strides = [1]} : vector<16xi32> to vector<1xi32>
      %squeeze3A_137 = vector.extract %slice3A_136[0] : i32 from vector<1xi32>
      %slice3A_138 = vector.extract_strided_slice %add3A_121 {offsets = [9], sizes = [1], strides = [1]} : vector<16xi32> to vector<1xi32>
      %squeeze3A_139 = vector.extract %slice3A_138[0] : i32 from vector<1xi32>
      %slice3A_140 = vector.extract_strided_slice %add3A_121 {offsets = [10], sizes = [1], strides = [1]} : vector<16xi32> to vector<1xi32>
      %squeeze3A_141 = vector.extract %slice3A_140[0] : i32 from vector<1xi32>
      %slice3A_142 = vector.extract_strided_slice %add3A_121 {offsets = [11], sizes = [1], strides = [1]} : vector<16xi32> to vector<1xi32>
      %squeeze3A_143 = vector.extract %slice3A_142[0] : i32 from vector<1xi32>
      %slice3A_144 = vector.extract_strided_slice %add3A_121 {offsets = [12], sizes = [1], strides = [1]} : vector<16xi32> to vector<1xi32>
      %squeeze3A_145 = vector.extract %slice3A_144[0] : i32 from vector<1xi32>
      %slice3A_146 = vector.extract_strided_slice %add3A_121 {offsets = [13], sizes = [1], strides = [1]} : vector<16xi32> to vector<1xi32>
      %squeeze3A_147 = vector.extract %slice3A_146[0] : i32 from vector<1xi32>
      %slice3A_148 = vector.extract_strided_slice %add3A_121 {offsets = [14], sizes = [1], strides = [1]} : vector<16xi32> to vector<1xi32>
      %squeeze3A_149 = vector.extract %slice3A_148[0] : i32 from vector<1xi32>
      %slice3A_150 = vector.extract_strided_slice %add3A_121 {offsets = [15], sizes = [1], strides = [1]} : vector<16xi32> to vector<1xi32>
      %squeeze3A_151 = vector.extract %slice3A_150[0] : i32 from vector<1xi32>
      %scan3A_152 = arith.constant 0 : i32
      %scan3A_153 = arith.constant 0 : i32
      %scan3A_154 = arith.constant 48 : i32
      %scan3A_155 = arith.addi %scan3A_153, %scan3A_154 : i32
      %scan3A_156 = arith.constant 1 : i32
      scf.for %scan3A_1105 = %scan3A_153 to %scan3A_155 step %scan3A_156  : i32 {
        %mul3A_1106 = arith.constant 16 : i32
        %mul3A_1107 = arith.muli %scan3A_1105, %mul3A_1106 : i32
        %get3A_1108 = arith.constant 0 : i32
        %get3A_1109 = tpu.memref_slice %arg10[%squeeze3A, %get3A_1108] : memref<32x768xf32, #tpu.memory_space<vmem>> -> memref<1x768xf32, #tpu.memory_space<vmem>>
        %get3A_1110 = tpu.memref_squeeze %get3A_1109 : memref<1x768xf32, #tpu.memory_space<vmem>> -> memref<768xf32, #tpu.memory_space<vmem>>
        %get3A_1111 = arith.index_cast %mul3A_1107 : i32 to index
        %get3A_1112 = tpu.vector_load %get3A_1110[%get3A_1111] {strides = array<i32>} : memref<768xf32, #tpu.memory_space<vmem>>, vector<16xf32>,
        %get3A_1113 = vector.shape_cast %get3A_1112 : vector<16xf32> to vector<16xf32>
        %swap3A = arith.constant 0 : i32
        %swap3A_1114 = arith.index_cast %swap3A : i32 to index
        %swap3A_1115 = arith.index_cast %mul3A_1107 : i32 to index
        %swap3A_1116 = tpu.vector_load %arg12[%swap3A_1114, %swap3A_1115] {strides = array<i32>} : memref<16x768xf32, #tpu.memory_space<vmem>>, vector<1x16xf32>,
        %swap3A_1117 = vector.shape_cast %swap3A_1116 : vector<1x16xf32> to vector<16xf32>
        %swap3A_1118 = vector.shape_cast %get3A_1113 : vector<16xf32> to vector<1x16xf32>
        tpu.vector_store %arg12[%swap3A_1114, %swap3A_1115], %swap3A_1118 {add = true, strides = array<i32>} : memref<16x768xf32, #tpu.memory_space<vmem>>, vector<1x16xf32>,
        %get3A_1119 = arith.constant 0 : i32
        %get3A_1120 = tpu.memref_slice %arg10[%squeeze3A_123, %get3A_1119] : memref<32x768xf32, #tpu.memory_space<vmem>> -> memref<1x768xf32, #tpu.memory_space<vmem>>
        %get3A_1121 = tpu.memref_squeeze %get3A_1120 : memref<1x768xf32, #tpu.memory_space<vmem>> -> memref<768xf32, #tpu.memory_space<vmem>>
        %get3A_1122 = arith.index_cast %mul3A_1107 : i32 to index
        %get3A_1123 = tpu.vector_load %get3A_1121[%get3A_1122] {strides = array<i32>} : memref<768xf32, #tpu.memory_space<vmem>>, vector<16xf32>,
        %get3A_1124 = vector.shape_cast %get3A_1123 : vector<16xf32> to vector<16xf32>
        %swap3A_1125 = arith.constant 1 : i32
        %swap3A_1126 = arith.index_cast %swap3A_1125 : i32 to index
        %swap3A_1127 = arith.index_cast %mul3A_1107 : i32 to index
        %swap3A_1128 = tpu.vector_load %arg12[%swap3A_1126, %swap3A_1127] {strides = array<i32>} : memref<16x768xf32, #tpu.memory_space<vmem>>, vector<1x16xf32>,
        %swap3A_1129 = vector.shape_cast %swap3A_1128 : vector<1x16xf32> to vector<16xf32>
        %swap3A_1130 = vector.shape_cast %get3A_1124 : vector<16xf32> to vector<1x16xf32>
        tpu.vector_store %arg12[%swap3A_1126, %swap3A_1127], %swap3A_1130 {add = true, strides = array<i32>} : memref<16x768xf32, #tpu.memory_space<vmem>>, vector<1x16xf32>,
        %get3A_1131 = arith.constant 0 : i32
        %get3A_1132 = tpu.memref_slice %arg10[%squeeze3A_125, %get3A_1131] : memref<32x768xf32, #tpu.memory_space<vmem>> -> memref<1x768xf32, #tpu.memory_space<vmem>>
        %get3A_1133 = tpu.memref_squeeze %get3A_1132 : memref<1x768xf32, #tpu.memory_space<vmem>> -> memref<768xf32, #tpu.memory_space<vmem>>
        %get3A_1134 = arith.index_cast %mul3A_1107 : i32 to index
        %get3A_1135 = tpu.vector_load %get3A_1133[%get3A_1134] {strides = array<i32>} : memref<768xf32, #tpu.memory_space<vmem>>, vector<16xf32>,
        %get3A_1136 = vector.shape_cast %get3A_1135 : vector<16xf32> to vector<16xf32>
        %swap3A_1137 = arith.constant 2 : i32
        %swap3A_1138 = arith.index_cast %swap3A_1137 : i32 to index
        %swap3A_1139 = arith.index_cast %mul3A_1107 : i32 to index
        %swap3A_1140 = tpu.vector_load %arg12[%swap3A_1138, %swap3A_1139] {strides = array<i32>} : memref<16x768xf32, #tpu.memory_space<vmem>>, vector<1x16xf32>,
        %swap3A_1141 = vector.shape_cast %swap3A_1140 : vector<1x16xf32> to vector<16xf32>
        %swap3A_1142 = vector.shape_cast %get3A_1136 : vector<16xf32> to vector<1x16xf32>
        tpu.vector_store %arg12[%swap3A_1138, %swap3A_1139], %swap3A_1142 {add = true, strides = array<i32>} : memref<16x768xf32, #tpu.memory_space<vmem>>, vector<1x16xf32>,
        %get3A_1143 = arith.constant 0 : i32
        %get3A_1144 = tpu.memref_slice %arg10[%squeeze3A_127, %get3A_1143] : memref<32x768xf32, #tpu.memory_space<vmem>> -> memref<1x768xf32, #tpu.memory_space<vmem>>
        %get3A_1145 = tpu.memref_squeeze %get3A_1144 : memref<1x768xf32, #tpu.memory_space<vmem>> -> memref<768xf32, #tpu.memory_space<vmem>>
        %get3A_1146 = arith.index_cast %mul3A_1107 : i32 to index
        %get3A_1147 = tpu.vector_load %get3A_1145[%get3A_1146] {strides = array<i32>} : memref<768xf32, #tpu.memory_space<vmem>>, vector<16xf32>,
        %get3A_1148 = vector.shape_cast %get3A_1147 : vector<16xf32> to vector<16xf32>
        %swap3A_1149 = arith.constant 3 : i32
        %swap3A_1150 = arith.index_cast %swap3A_1149 : i32 to index
        %swap3A_1151 = arith.index_cast %mul3A_1107 : i32 to index
        %swap3A_1152 = tpu.vector_load %arg12[%swap3A_1150, %swap3A_1151] {strides = array<i32>} : memref<16x768xf32, #tpu.memory_space<vmem>>, vector<1x16xf32>,
        %swap3A_1153 = vector.shape_cast %swap3A_1152 : vector<1x16xf32> to vector<16xf32>
        %swap3A_1154 = vector.shape_cast %get3A_1148 : vector<16xf32> to vector<1x16xf32>
        tpu.vector_store %arg12[%swap3A_1150, %swap3A_1151], %swap3A_1154 {add = true, strides = array<i32>} : memref<16x768xf32, #tpu.memory_space<vmem>>, vector<1x16xf32>,
        %get3A_1155 = arith.constant 0 : i32
        %get3A_1156 = tpu.memref_slice %arg10[%squeeze3A_129, %get3A_1155] : memref<32x768xf32, #tpu.memory_space<vmem>> -> memref<1x768xf32, #tpu.memory_space<vmem>>
        %get3A_1157 = tpu.memref_squeeze %get3A_1156 : memref<1x768xf32, #tpu.memory_space<vmem>> -> memref<768xf32, #tpu.memory_space<vmem>>
        %get3A_1158 = arith.index_cast %mul3A_1107 : i32 to index
        %get3A_1159 = tpu.vector_load %get3A_1157[%get3A_1158] {strides = array<i32>} : memref<768xf32, #tpu.memory_space<vmem>>, vector<16xf32>,
        %get3A_1160 = vector.shape_cast %get3A_1159 : vector<16xf32> to vector<16xf32>
        %swap3A_1161 = arith.constant 4 : i32
        %swap3A_1162 = arith.index_cast %swap3A_1161 : i32 to index
        %swap3A_1163 = arith.index_cast %mul3A_1107 : i32 to index
        %swap3A_1164 = tpu.vector_load %arg12[%swap3A_1162, %swap3A_1163] {strides = array<i32>} : memref<16x768xf32, #tpu.memory_space<vmem>>, vector<1x16xf32>,
        %swap3A_1165 = vector.shape_cast %swap3A_1164 : vector<1x16xf32> to vector<16xf32>
        %swap3A_1166 = vector.shape_cast %get3A_1160 : vector<16xf32> to vector<1x16xf32>
        tpu.vector_store %arg12[%swap3A_1162, %swap3A_1163], %swap3A_1166 {add = true, strides = array<i32>} : memref<16x768xf32, #tpu.memory_space<vmem>>, vector<1x16xf32>,
        %get3A_1167 = arith.constant 0 : i32
        %get3A_1168 = tpu.memref_slice %arg10[%squeeze3A_131, %get3A_1167] : memref<32x768xf32, #tpu.memory_space<vmem>> -> memref<1x768xf32, #tpu.memory_space<vmem>>
        %get3A_1169 = tpu.memref_squeeze %get3A_1168 : memref<1x768xf32, #tpu.memory_space<vmem>> -> memref<768xf32, #tpu.memory_space<vmem>>
        %get3A_1170 = arith.index_cast %mul3A_1107 : i32 to index
        %get3A_1171 = tpu.vector_load %get3A_1169[%get3A_1170] {strides = array<i32>} : memref<768xf32, #tpu.memory_space<vmem>>, vector<16xf32>,
        %get3A_1172 = vector.shape_cast %get3A_1171 : vector<16xf32> to vector<16xf32>
        %swap3A_1173 = arith.constant 5 : i32
        %swap3A_1174 = arith.index_cast %swap3A_1173 : i32 to index
        %swap3A_1175 = arith.index_cast %mul3A_1107 : i32 to index
        %swap3A_1176 = tpu.vector_load %arg12[%swap3A_1174, %swap3A_1175] {strides = array<i32>} : memref<16x768xf32, #tpu.memory_space<vmem>>, vector<1x16xf32>,
        %swap3A_1177 = vector.shape_cast %swap3A_1176 : vector<1x16xf32> to vector<16xf32>
        %swap3A_1178 = vector.shape_cast %get3A_1172 : vector<16xf32> to vector<1x16xf32>
        tpu.vector_store %arg12[%swap3A_1174, %swap3A_1175], %swap3A_1178 {add = true, strides = array<i32>} : memref<16x768xf32, #tpu.memory_space<vmem>>, vector<1x16xf32>,
        %get3A_1179 = arith.constant 0 : i32
        %get3A_1180 = tpu.memref_slice %arg10[%squeeze3A_133, %get3A_1179] : memref<32x768xf32, #tpu.memory_space<vmem>> -> memref<1x768xf32, #tpu.memory_space<vmem>>
        %get3A_1181 = tpu.memref_squeeze %get3A_1180 : memref<1x768xf32, #tpu.memory_space<vmem>> -> memref<768xf32, #tpu.memory_space<vmem>>
        %get3A_1182 = arith.index_cast %mul3A_1107 : i32 to index
        %get3A_1183 = tpu.vector_load %get3A_1181[%get3A_1182] {strides = array<i32>} : memref<768xf32, #tpu.memory_space<vmem>>, vector<16xf32>,
        %get3A_1184 = vector.shape_cast %get3A_1183 : vector<16xf32> to vector<16xf32>
        %swap3A_1185 = arith.constant 6 : i32
        %swap3A_1186 = arith.index_cast %swap3A_1185 : i32 to index
        %swap3A_1187 = arith.index_cast %mul3A_1107 : i32 to index
        %swap3A_1188 = tpu.vector_load %arg12[%swap3A_1186, %swap3A_1187] {strides = array<i32>} : memref<16x768xf32, #tpu.memory_space<vmem>>, vector<1x16xf32>,
        %swap3A_1189 = vector.shape_cast %swap3A_1188 : vector<1x16xf32> to vector<16xf32>
        %swap3A_1190 = vector.shape_cast %get3A_1184 : vector<16xf32> to vector<1x16xf32>
        tpu.vector_store %arg12[%swap3A_1186, %swap3A_1187], %swap3A_1190 {add = true, strides = array<i32>} : memref<16x768xf32, #tpu.memory_space<vmem>>, vector<1x16xf32>,
        %get3A_1191 = arith.constant 0 : i32
        %get3A_1192 = tpu.memref_slice %arg10[%squeeze3A_135, %get3A_1191] : memref<32x768xf32, #tpu.memory_space<vmem>> -> memref<1x768xf32, #tpu.memory_space<vmem>>
        %get3A_1193 = tpu.memref_squeeze %get3A_1192 : memref<1x768xf32, #tpu.memory_space<vmem>> -> memref<768xf32, #tpu.memory_space<vmem>>
        %get3A_1194 = arith.index_cast %mul3A_1107 : i32 to index
        %get3A_1195 = tpu.vector_load %get3A_1193[%get3A_1194] {strides = array<i32>} : memref<768xf32, #tpu.memory_space<vmem>>, vector<16xf32>,
        %get3A_1196 = vector.shape_cast %get3A_1195 : vector<16xf32> to vector<16xf32>
        %swap3A_1197 = arith.constant 7 : i32
        %swap3A_1198 = arith.index_cast %swap3A_1197 : i32 to index
        %swap3A_1199 = arith.index_cast %mul3A_1107 : i32 to index
        %swap3A_1200 = tpu.vector_load %arg12[%swap3A_1198, %swap3A_1199] {strides = array<i32>} : memref<16x768xf32, #tpu.memory_space<vmem>>, vector<1x16xf32>,
        %swap3A_1201 = vector.shape_cast %swap3A_1200 : vector<1x16xf32> to vector<16xf32>
        %swap3A_1202 = vector.shape_cast %get3A_1196 : vector<16xf32> to vector<1x16xf32>
        tpu.vector_store %arg12[%swap3A_1198, %swap3A_1199], %swap3A_1202 {add = true, strides = array<i32>} : memref<16x768xf32, #tpu.memory_space<vmem>>, vector<1x16xf32>,
        %get3A_1203 = arith.constant 0 : i32
        %get3A_1204 = tpu.memref_slice %arg10[%squeeze3A_137, %get3A_1203] : memref<32x768xf32, #tpu.memory_space<vmem>> -> memref<1x768xf32, #tpu.memory_space<vmem>>
        %get3A_1205 = tpu.memref_squeeze %get3A_1204 : memref<1x768xf32, #tpu.memory_space<vmem>> -> memref<768xf32, #tpu.memory_space<vmem>>
        %get3A_1206 = arith.index_cast %mul3A_1107 : i32 to index
        %get3A_1207 = tpu.vector_load %get3A_1205[%get3A_1206] {strides = array<i32>} : memref<768xf32, #tpu.memory_space<vmem>>, vector<16xf32>,
        %get3A_1208 = vector.shape_cast %get3A_1207 : vector<16xf32> to vector<16xf32>
        %swap3A_1209 = arith.constant 8 : i32
        %swap3A_1210 = arith.index_cast %swap3A_1209 : i32 to index
        %swap3A_1211 = arith.index_cast %mul3A_1107 : i32 to index
        %swap3A_1212 = tpu.vector_load %arg12[%swap3A_1210, %swap3A_1211] {strides = array<i32>} : memref<16x768xf32, #tpu.memory_space<vmem>>, vector<1x16xf32>,
        %swap3A_1213 = vector.shape_cast %swap3A_1212 : vector<1x16xf32> to vector<16xf32>
        %swap3A_1214 = vector.shape_cast %get3A_1208 : vector<16xf32> to vector<1x16xf32>
        tpu.vector_store %arg12[%swap3A_1210, %swap3A_1211], %swap3A_1214 {add = true, strides = array<i32>} : memref<16x768xf32, #tpu.memory_space<vmem>>, vector<1x16xf32>,
        %get3A_1215 = arith.constant 0 : i32
        %get3A_1216 = tpu.memref_slice %arg10[%squeeze3A_139, %get3A_1215] : memref<32x768xf32, #tpu.memory_space<vmem>> -> memref<1x768xf32, #tpu.memory_space<vmem>>
        %get3A_1217 = tpu.memref_squeeze %get3A_1216 : memref<1x768xf32, #tpu.memory_space<vmem>> -> memref<768xf32, #tpu.memory_space<vmem>>
        %get3A_1218 = arith.index_cast %mul3A_1107 : i32 to index
        %get3A_1219 = tpu.vector_load %get3A_1217[%get3A_1218] {strides = array<i32>} : memref<768xf32, #tpu.memory_space<vmem>>, vector<16xf32>,
        %get3A_1220 = vector.shape_cast %get3A_1219 : vector<16xf32> to vector<16xf32>
        %swap3A_1221 = arith.constant 9 : i32
        %swap3A_1222 = arith.index_cast %swap3A_1221 : i32 to index
        %swap3A_1223 = arith.index_cast %mul3A_1107 : i32 to index
        %swap3A_1224 = tpu.vector_load %arg12[%swap3A_1222, %swap3A_1223] {strides = array<i32>} : memref<16x768xf32, #tpu.memory_space<vmem>>, vector<1x16xf32>,
        %swap3A_1225 = vector.shape_cast %swap3A_1224 : vector<1x16xf32> to vector<16xf32>
        %swap3A_1226 = vector.shape_cast %get3A_1220 : vector<16xf32> to vector<1x16xf32>
        tpu.vector_store %arg12[%swap3A_1222, %swap3A_1223], %swap3A_1226 {add = true, strides = array<i32>} : memref<16x768xf32, #tpu.memory_space<vmem>>, vector<1x16xf32>,
        %get3A_1227 = arith.constant 0 : i32
        %get3A_1228 = tpu.memref_slice %arg10[%squeeze3A_141, %get3A_1227] : memref<32x768xf32, #tpu.memory_space<vmem>> -> memref<1x768xf32, #tpu.memory_space<vmem>>
        %get3A_1229 = tpu.memref_squeeze %get3A_1228 : memref<1x768xf32, #tpu.memory_space<vmem>> -> memref<768xf32, #tpu.memory_space<vmem>>
        %get3A_1230 = arith.index_cast %mul3A_1107 : i32 to index
        %get3A_1231 = tpu.vector_load %get3A_1229[%get3A_1230] {strides = array<i32>} : memref<768xf32, #tpu.memory_space<vmem>>, vector<16xf32>,
        %get3A_1232 = vector.shape_cast %get3A_1231 : vector<16xf32> to vector<16xf32>
        %swap3A_1233 = arith.constant 10 : i32
        %swap3A_1234 = arith.index_cast %swap3A_1233 : i32 to index
        %swap3A_1235 = arith.index_cast %mul3A_1107 : i32 to index
        %swap3A_1236 = tpu.vector_load %arg12[%swap3A_1234, %swap3A_1235] {strides = array<i32>} : memref<16x768xf32, #tpu.memory_space<vmem>>, vector<1x16xf32>,
        %swap3A_1237 = vector.shape_cast %swap3A_1236 : vector<1x16xf32> to vector<16xf32>
        %swap3A_1238 = vector.shape_cast %get3A_1232 : vector<16xf32> to vector<1x16xf32>
        tpu.vector_store %arg12[%swap3A_1234, %swap3A_1235], %swap3A_1238 {add = true, strides = array<i32>} : memref<16x768xf32, #tpu.memory_space<vmem>>, vector<1x16xf32>,
        %get3A_1239 = arith.constant 0 : i32
        %get3A_1240 = tpu.memref_slice %arg10[%squeeze3A_143, %get3A_1239] : memref<32x768xf32, #tpu.memory_space<vmem>> -> memref<1x768xf32, #tpu.memory_space<vmem>>
        %get3A_1241 = tpu.memref_squeeze %get3A_1240 : memref<1x768xf32, #tpu.memory_space<vmem>> -> memref<768xf32, #tpu.memory_space<vmem>>
        %get3A_1242 = arith.index_cast %mul3A_1107 : i32 to index
        %get3A_1243 = tpu.vector_load %get3A_1241[%get3A_1242] {strides = array<i32>} : memref<768xf32, #tpu.memory_space<vmem>>, vector<16xf32>,
        %get3A_1244 = vector.shape_cast %get3A_1243 : vector<16xf32> to vector<16xf32>
        %swap3A_1245 = arith.constant 11 : i32
        %swap3A_1246 = arith.index_cast %swap3A_1245 : i32 to index
        %swap3A_1247 = arith.index_cast %mul3A_1107 : i32 to index
        %swap3A_1248 = tpu.vector_load %arg12[%swap3A_1246, %swap3A_1247] {strides = array<i32>} : memref<16x768xf32, #tpu.memory_space<vmem>>, vector<1x16xf32>,
        %swap3A_1249 = vector.shape_cast %swap3A_1248 : vector<1x16xf32> to vector<16xf32>
        %swap3A_1250 = vector.shape_cast %get3A_1244 : vector<16xf32> to vector<1x16xf32>
        tpu.vector_store %arg12[%swap3A_1246, %swap3A_1247], %swap3A_1250 {add = true, strides = array<i32>} : memref<16x768xf32, #tpu.memory_space<vmem>>, vector<1x16xf32>,
        %get3A_1251 = arith.constant 0 : i32
        %get3A_1252 = tpu.memref_slice %arg10[%squeeze3A_145, %get3A_1251] : memref<32x768xf32, #tpu.memory_space<vmem>> -> memref<1x768xf32, #tpu.memory_space<vmem>>
        %get3A_1253 = tpu.memref_squeeze %get3A_1252 : memref<1x768xf32, #tpu.memory_space<vmem>> -> memref<768xf32, #tpu.memory_space<vmem>>
        %get3A_1254 = arith.index_cast %mul3A_1107 : i32 to index
        %get3A_1255 = tpu.vector_load %get3A_1253[%get3A_1254] {strides = array<i32>} : memref<768xf32, #tpu.memory_space<vmem>>, vector<16xf32>,
        %get3A_1256 = vector.shape_cast %get3A_1255 : vector<16xf32> to vector<16xf32>
        %swap3A_1257 = arith.constant 12 : i32
        %swap3A_1258 = arith.index_cast %swap3A_1257 : i32 to index
        %swap3A_1259 = arith.index_cast %mul3A_1107 : i32 to index
        %swap3A_1260 = tpu.vector_load %arg12[%swap3A_1258, %swap3A_1259] {strides = array<i32>} : memref<16x768xf32, #tpu.memory_space<vmem>>, vector<1x16xf32>,
        %swap3A_1261 = vector.shape_cast %swap3A_1260 : vector<1x16xf32> to vector<16xf32>
        %swap3A_1262 = vector.shape_cast %get3A_1256 : vector<16xf32> to vector<1x16xf32>
        tpu.vector_store %arg12[%swap3A_1258, %swap3A_1259], %swap3A_1262 {add = true, strides = array<i32>} : memref<16x768xf32, #tpu.memory_space<vmem>>, vector<1x16xf32>,
        %get3A_1263 = arith.constant 0 : i32
        %get3A_1264 = tpu.memref_slice %arg10[%squeeze3A_147, %get3A_1263] : memref<32x768xf32, #tpu.memory_space<vmem>> -> memref<1x768xf32, #tpu.memory_space<vmem>>
        %get3A_1265 = tpu.memref_squeeze %get3A_1264 : memref<1x768xf32, #tpu.memory_space<vmem>> -> memref<768xf32, #tpu.memory_space<vmem>>
        %get3A_1266 = arith.index_cast %mul3A_1107 : i32 to index
        %get3A_1267 = tpu.vector_load %get3A_1265[%get3A_1266] {strides = array<i32>} : memref<768xf32, #tpu.memory_space<vmem>>, vector<16xf32>,
        %get3A_1268 = vector.shape_cast %get3A_1267 : vector<16xf32> to vector<16xf32>
        %swap3A_1269 = arith.constant 13 : i32
        %swap3A_1270 = arith.index_cast %swap3A_1269 : i32 to index
        %swap3A_1271 = arith.index_cast %mul3A_1107 : i32 to index
        %swap3A_1272 = tpu.vector_load %arg12[%swap3A_1270, %swap3A_1271] {strides = array<i32>} : memref<16x768xf32, #tpu.memory_space<vmem>>, vector<1x16xf32>,
        %swap3A_1273 = vector.shape_cast %swap3A_1272 : vector<1x16xf32> to vector<16xf32>
        %swap3A_1274 = vector.shape_cast %get3A_1268 : vector<16xf32> to vector<1x16xf32>
        tpu.vector_store %arg12[%swap3A_1270, %swap3A_1271], %swap3A_1274 {add = true, strides = array<i32>} : memref<16x768xf32, #tpu.memory_space<vmem>>, vector<1x16xf32>,
        %get3A_1275 = arith.constant 0 : i32
        %get3A_1276 = tpu.memref_slice %arg10[%squeeze3A_149, %get3A_1275] : memref<32x768xf32, #tpu.memory_space<vmem>> -> memref<1x768xf32, #tpu.memory_space<vmem>>
        %get3A_1277 = tpu.memref_squeeze %get3A_1276 : memref<1x768xf32, #tpu.memory_space<vmem>> -> memref<768xf32, #tpu.memory_space<vmem>>
        %get3A_1278 = arith.index_cast %mul3A_1107 : i32 to index
        %get3A_1279 = tpu.vector_load %get3A_1277[%get3A_1278] {strides = array<i32>} : memref<768xf32, #tpu.memory_space<vmem>>, vector<16xf32>,
        %get3A_1280 = vector.shape_cast %get3A_1279 : vector<16xf32> to vector<16xf32>
        %swap3A_1281 = arith.constant 14 : i32
        %swap3A_1282 = arith.index_cast %swap3A_1281 : i32 to index
        %swap3A_1283 = arith.index_cast %mul3A_1107 : i32 to index
        %swap3A_1284 = tpu.vector_load %arg12[%swap3A_1282, %swap3A_1283] {strides = array<i32>} : memref<16x768xf32, #tpu.memory_space<vmem>>, vector<1x16xf32>,
        %swap3A_1285 = vector.shape_cast %swap3A_1284 : vector<1x16xf32> to vector<16xf32>
        %swap3A_1286 = vector.shape_cast %get3A_1280 : vector<16xf32> to vector<1x16xf32>
        tpu.vector_store %arg12[%swap3A_1282, %swap3A_1283], %swap3A_1286 {add = true, strides = array<i32>} : memref<16x768xf32, #tpu.memory_space<vmem>>, vector<1x16xf32>,
        %get3A_1287 = arith.constant 0 : i32
        %get3A_1288 = tpu.memref_slice %arg10[%squeeze3A_151, %get3A_1287] : memref<32x768xf32, #tpu.memory_space<vmem>> -> memref<1x768xf32, #tpu.memory_space<vmem>>
        %get3A_1289 = tpu.memref_squeeze %get3A_1288 : memref<1x768xf32, #tpu.memory_space<vmem>> -> memref<768xf32, #tpu.memory_space<vmem>>
        %get3A_1290 = arith.index_cast %mul3A_1107 : i32 to index
        %get3A_1291 = tpu.vector_load %get3A_1289[%get3A_1290] {strides = array<i32>} : memref<768xf32, #tpu.memory_space<vmem>>, vector<16xf32>,
        %get3A_1292 = vector.shape_cast %get3A_1291 : vector<16xf32> to vector<16xf32>
        %swap3A_1293 = arith.constant 15 : i32
        %swap3A_1294 = arith.index_cast %swap3A_1293 : i32 to index
        %swap3A_1295 = arith.index_cast %mul3A_1107 : i32 to index
        %swap3A_1296 = tpu.vector_load %arg12[%swap3A_1294, %swap3A_1295] {strides = array<i32>} : memref<16x768xf32, #tpu.memory_space<vmem>>, vector<1x16xf32>,
        %swap3A_1297 = vector.shape_cast %swap3A_1296 : vector<1x16xf32> to vector<16xf32>
        %swap3A_1298 = vector.shape_cast %get3A_1292 : vector<16xf32> to vector<1x16xf32>
        tpu.vector_store %arg12[%swap3A_1294, %swap3A_1295], %swap3A_1298 {add = true, strides = array<i32>} : memref<16x768xf32, #tpu.memory_space<vmem>>, vector<1x16xf32>,
      }
      %scan3A_157 = arith.constant 48 : i32
      %mul3A_158 = arith.constant 2 : i32
      %mul3A_159 = arith.muli %mul3A_158, %add3A : i32
      %add3A_160 = arith.constant 0 : i32
      %add3A_161 = arith.addi %mul3A_159, %add3A_160 : i32
      %dma_start3A_162 = arith.constant 0 : i32
      %dma_start3A_163 = arith.constant 0 : i32
      %dma_start3A_164 = arith.constant 0 : i32
      %dma_start3A_165 = tpu.memref_slice %arg12[%dma_start3A_163, %dma_start3A_164] : memref<16x768xf32, #tpu.memory_space<vmem>> -> memref<8x128xf32, #tpu.memory_space<vmem>>
      %dma_start3A_166 = arith.constant 0 : i32
      %dma_start3A_167 = arith.constant 0 : i32
      %dma_start3A_168 = tpu.memref_slice %arg7[%add3A_102, %add3A_161, %dma_start3A_162, %dma_start3A_166, %dma_start3A_167] : memref<1024x64x6x8x128xf32, #tpu.memory_space<hbm>> -> memref<1x1x1x8x128xf32, #tpu.memory_space<hbm>>
      %dma_start3A_169 = tpu.memref_squeeze %dma_start3A_168 : memref<1x1x1x8x128xf32, #tpu.memory_space<hbm>> -> memref<8x128xf32, #tpu.memory_space<hbm>>
      %dma_start3A_170 = arith.constant 0 : i32
      %dma_start3A_171 = arith.constant 0 : i32
      %dma_start3A_172 = tpu.memref_slice %arg7[%add3A_102, %add3A_161, %dma_start3A_162, %dma_start3A_170, %dma_start3A_171] : memref<1024x64x6x8x128xf32, #tpu.memory_space<hbm>> -> memref<1x1x1x8x128xf32, #tpu.memory_space<hbm>>
      %dma_start3A_173 = tpu.memref_squeeze %dma_start3A_172 : memref<1x1x1x8x128xf32, #tpu.memory_space<hbm>> -> memref<8x128xf32, #tpu.memory_space<hbm>>
      %dma_start3A_174 = arith.constant 0 : i32
      %dma_start3A_175 = arith.constant 0 : i32
      %dma_start3A_176 = tpu.memref_slice %arg12[%dma_start3A_174, %dma_start3A_175] : memref<16x768xf32, #tpu.memory_space<vmem>> -> memref<8x128xf32, #tpu.memory_space<vmem>>
      tpu.enqueue_dma source(%dma_start3A_176 : memref<8x128xf32, #tpu.memory_space<vmem>>) target(%dma_start3A_173 : memref<8x128xf32, #tpu.memory_space<hbm>>) target_semaphore(%arg20 : memref<!tpu.dma_semaphore, #tpu.memory_space<semaphore_mem>>)
      %dma_start3A_177 = arith.constant 1 : i32
      %dma_start3A_178 = arith.constant 0 : i32
      %dma_start3A_179 = arith.constant 128 : i32
      %dma_start3A_180 = tpu.memref_slice %arg12[%dma_start3A_178, %dma_start3A_179] : memref<16x768xf32, #tpu.memory_space<vmem>> -> memref<8x128xf32, #tpu.memory_space<vmem>>
      %dma_start3A_181 = arith.constant 0 : i32
      %dma_start3A_182 = arith.constant 0 : i32
      %dma_start3A_183 = tpu.memref_slice %arg7[%add3A_102, %add3A_161, %dma_start3A_177, %dma_start3A_181, %dma_start3A_182] : memref<1024x64x6x8x128xf32, #tpu.memory_space<hbm>> -> memref<1x1x1x8x128xf32, #tpu.memory_space<hbm>>
      %dma_start3A_184 = tpu.memref_squeeze %dma_start3A_183 : memref<1x1x1x8x128xf32, #tpu.memory_space<hbm>> -> memref<8x128xf32, #tpu.memory_space<hbm>>
      %dma_start3A_185 = arith.constant 0 : i32
      %dma_start3A_186 = arith.constant 0 : i32
      %dma_start3A_187 = tpu.memref_slice %arg7[%add3A_102, %add3A_161, %dma_start3A_177, %dma_start3A_185, %dma_start3A_186] : memref<1024x64x6x8x128xf32, #tpu.memory_space<hbm>> -> memref<1x1x1x8x128xf32, #tpu.memory_space<hbm>>
      %dma_start3A_188 = tpu.memref_squeeze %dma_start3A_187 : memref<1x1x1x8x128xf32, #tpu.memory_space<hbm>> -> memref<8x128xf32, #tpu.memory_space<hbm>>
      %dma_start3A_189 = arith.constant 0 : i32
      %dma_start3A_190 = arith.constant 128 : i32
      %dma_start3A_191 = tpu.memref_slice %arg12[%dma_start3A_189, %dma_start3A_190] : memref<16x768xf32, #tpu.memory_space<vmem>> -> memref<8x128xf32, #tpu.memory_space<vmem>>
      tpu.enqueue_dma source(%dma_start3A_191 : memref<8x128xf32, #tpu.memory_space<vmem>>) target(%dma_start3A_188 : memref<8x128xf32, #tpu.memory_space<hbm>>) target_semaphore(%arg20 : memref<!tpu.dma_semaphore, #tpu.memory_space<semaphore_mem>>)
      %dma_start3A_192 = arith.constant 2 : i32
      %dma_start3A_193 = arith.constant 0 : i32
      %dma_start3A_194 = arith.constant 256 : i32
      %dma_start3A_195 = tpu.memref_slice %arg12[%dma_start3A_193, %dma_start3A_194] : memref<16x768xf32, #tpu.memory_space<vmem>> -> memref<8x128xf32, #tpu.memory_space<vmem>>
      %dma_start3A_196 = arith.constant 0 : i32
      %dma_start3A_197 = arith.constant 0 : i32
      %dma_start3A_198 = tpu.memref_slice %arg7[%add3A_102, %add3A_161, %dma_start3A_192, %dma_start3A_196, %dma_start3A_197] : memref<1024x64x6x8x128xf32, #tpu.memory_space<hbm>> -> memref<1x1x1x8x128xf32, #tpu.memory_space<hbm>>
      %dma_start3A_199 = tpu.memref_squeeze %dma_start3A_198 : memref<1x1x1x8x128xf32, #tpu.memory_space<hbm>> -> memref<8x128xf32, #tpu.memory_space<hbm>>
      %dma_start3A_200 = arith.constant 0 : i32
      %dma_start3A_201 = arith.constant 0 : i32
      %dma_start3A_202 = tpu.memref_slice %arg7[%add3A_102, %add3A_161, %dma_start3A_192, %dma_start3A_200, %dma_start3A_201] : memref<1024x64x6x8x128xf32, #tpu.memory_space<hbm>> -> memref<1x1x1x8x128xf32, #tpu.memory_space<hbm>>
      %dma_start3A_203 = tpu.memref_squeeze %dma_start3A_202 : memref<1x1x1x8x128xf32, #tpu.memory_space<hbm>> -> memref<8x128xf32, #tpu.memory_space<hbm>>
      %dma_start3A_204 = arith.constant 0 : i32
      %dma_start3A_205 = arith.constant 256 : i32
      %dma_start3A_206 = tpu.memref_slice %arg12[%dma_start3A_204, %dma_start3A_205] : memref<16x768xf32, #tpu.memory_space<vmem>> -> memref<8x128xf32, #tpu.memory_space<vmem>>
      tpu.enqueue_dma source(%dma_start3A_206 : memref<8x128xf32, #tpu.memory_space<vmem>>) target(%dma_start3A_203 : memref<8x128xf32, #tpu.memory_space<hbm>>) target_semaphore(%arg20 : memref<!tpu.dma_semaphore, #tpu.memory_space<semaphore_mem>>)
      %dma_start3A_207 = arith.constant 3 : i32
      %dma_start3A_208 = arith.constant 0 : i32
      %dma_start3A_209 = arith.constant 384 : i32
      %dma_start3A_210 = tpu.memref_slice %arg12[%dma_start3A_208, %dma_start3A_209] : memref<16x768xf32, #tpu.memory_space<vmem>> -> memref<8x128xf32, #tpu.memory_space<vmem>>
      %dma_start3A_211 = arith.constant 0 : i32
      %dma_start3A_212 = arith.constant 0 : i32
      %dma_start3A_213 = tpu.memref_slice %arg7[%add3A_102, %add3A_161, %dma_start3A_207, %dma_start3A_211, %dma_start3A_212] : memref<1024x64x6x8x128xf32, #tpu.memory_space<hbm>> -> memref<1x1x1x8x128xf32, #tpu.memory_space<hbm>>
      %dma_start3A_214 = tpu.memref_squeeze %dma_start3A_213 : memref<1x1x1x8x128xf32, #tpu.memory_space<hbm>> -> memref<8x128xf32, #tpu.memory_space<hbm>>
      %dma_start3A_215 = arith.constant 0 : i32
      %dma_start3A_216 = arith.constant 0 : i32
      %dma_start3A_217 = tpu.memref_slice %arg7[%add3A_102, %add3A_161, %dma_start3A_207, %dma_start3A_215, %dma_start3A_216] : memref<1024x64x6x8x128xf32, #tpu.memory_space<hbm>> -> memref<1x1x1x8x128xf32, #tpu.memory_space<hbm>>
      %dma_start3A_218 = tpu.memref_squeeze %dma_start3A_217 : memref<1x1x1x8x128xf32, #tpu.memory_space<hbm>> -> memref<8x128xf32, #tpu.memory_space<hbm>>
      %dma_start3A_219 = arith.constant 0 : i32
      %dma_start3A_220 = arith.constant 384 : i32
      %dma_start3A_221 = tpu.memref_slice %arg12[%dma_start3A_219, %dma_start3A_220] : memref<16x768xf32, #tpu.memory_space<vmem>> -> memref<8x128xf32, #tpu.memory_space<vmem>>
      tpu.enqueue_dma source(%dma_start3A_221 : memref<8x128xf32, #tpu.memory_space<vmem>>) target(%dma_start3A_218 : memref<8x128xf32, #tpu.memory_space<hbm>>) target_semaphore(%arg20 : memref<!tpu.dma_semaphore, #tpu.memory_space<semaphore_mem>>)
      %dma_start3A_222 = arith.constant 4 : i32
      %dma_start3A_223 = arith.constant 0 : i32
      %dma_start3A_224 = arith.constant 512 : i32
      %dma_start3A_225 = tpu.memref_slice %arg12[%dma_start3A_223, %dma_start3A_224] : memref<16x768xf32, #tpu.memory_space<vmem>> -> memref<8x128xf32, #tpu.memory_space<vmem>>
      %dma_start3A_226 = arith.constant 0 : i32
      %dma_start3A_227 = arith.constant 0 : i32
      %dma_start3A_228 = tpu.memref_slice %arg7[%add3A_102, %add3A_161, %dma_start3A_222, %dma_start3A_226, %dma_start3A_227] : memref<1024x64x6x8x128xf32, #tpu.memory_space<hbm>> -> memref<1x1x1x8x128xf32, #tpu.memory_space<hbm>>
      %dma_start3A_229 = tpu.memref_squeeze %dma_start3A_228 : memref<1x1x1x8x128xf32, #tpu.memory_space<hbm>> -> memref<8x128xf32, #tpu.memory_space<hbm>>
      %dma_start3A_230 = arith.constant 0 : i32
      %dma_start3A_231 = arith.constant 0 : i32
      %dma_start3A_232 = tpu.memref_slice %arg7[%add3A_102, %add3A_161, %dma_start3A_222, %dma_start3A_230, %dma_start3A_231] : memref<1024x64x6x8x128xf32, #tpu.memory_space<hbm>> -> memref<1x1x1x8x128xf32, #tpu.memory_space<hbm>>
      %dma_start3A_233 = tpu.memref_squeeze %dma_start3A_232 : memref<1x1x1x8x128xf32, #tpu.memory_space<hbm>> -> memref<8x128xf32, #tpu.memory_space<hbm>>
      %dma_start3A_234 = arith.constant 0 : i32
      %dma_start3A_235 = arith.constant 512 : i32
      %dma_start3A_236 = tpu.memref_slice %arg12[%dma_start3A_234, %dma_start3A_235] : memref<16x768xf32, #tpu.memory_space<vmem>> -> memref<8x128xf32, #tpu.memory_space<vmem>>
      tpu.enqueue_dma source(%dma_start3A_236 : memref<8x128xf32, #tpu.memory_space<vmem>>) target(%dma_start3A_233 : memref<8x128xf32, #tpu.memory_space<hbm>>) target_semaphore(%arg20 : memref<!tpu.dma_semaphore, #tpu.memory_space<semaphore_mem>>)
      %dma_start3A_237 = arith.constant 5 : i32
      %dma_start3A_238 = arith.constant 0 : i32
      %dma_start3A_239 = arith.constant 640 : i32
      %dma_start3A_240 = tpu.memref_slice %arg12[%dma_start3A_238, %dma_start3A_239] : memref<16x768xf32, #tpu.memory_space<vmem>> -> memref<8x128xf32, #tpu.memory_space<vmem>>
      %dma_start3A_241 = arith.constant 0 : i32
      %dma_start3A_242 = arith.constant 0 : i32
      %dma_start3A_243 = tpu.memref_slice %arg7[%add3A_102, %add3A_161, %dma_start3A_237, %dma_start3A_241, %dma_start3A_242] : memref<1024x64x6x8x128xf32, #tpu.memory_space<hbm>> -> memref<1x1x1x8x128xf32, #tpu.memory_space<hbm>>
      %dma_start3A_244 = tpu.memref_squeeze %dma_start3A_243 : memref<1x1x1x8x128xf32, #tpu.memory_space<hbm>> -> memref<8x128xf32, #tpu.memory_space<hbm>>
      %dma_start3A_245 = arith.constant 0 : i32
      %dma_start3A_246 = arith.constant 0 : i32
      %dma_start3A_247 = tpu.memref_slice %arg7[%add3A_102, %add3A_161, %dma_start3A_237, %dma_start3A_245, %dma_start3A_246] : memref<1024x64x6x8x128xf32, #tpu.memory_space<hbm>> -> memref<1x1x1x8x128xf32, #tpu.memory_space<hbm>>
      %dma_start3A_248 = tpu.memref_squeeze %dma_start3A_247 : memref<1x1x1x8x128xf32, #tpu.memory_space<hbm>> -> memref<8x128xf32, #tpu.memory_space<hbm>>
      %dma_start3A_249 = arith.constant 0 : i32
      %dma_start3A_250 = arith.constant 640 : i32
      %dma_start3A_251 = tpu.memref_slice %arg12[%dma_start3A_249, %dma_start3A_250] : memref<16x768xf32, #tpu.memory_space<vmem>> -> memref<8x128xf32, #tpu.memory_space<vmem>>
      tpu.enqueue_dma source(%dma_start3A_251 : memref<8x128xf32, #tpu.memory_space<vmem>>) target(%dma_start3A_248 : memref<8x128xf32, #tpu.memory_space<hbm>>) target_semaphore(%arg20 : memref<!tpu.dma_semaphore, #tpu.memory_space<semaphore_mem>>)
      %mul3A_252 = arith.constant 2 : i32
      %mul3A_253 = arith.muli %mul3A_252, %add3A : i32
      %add3A_254 = arith.constant 1 : i32
      %add3A_255 = arith.addi %mul3A_253, %add3A_254 : i32
      %dma_start3A_256 = arith.constant 0 : i32
      %dma_start3A_257 = arith.constant 8 : i32
      %dma_start3A_258 = arith.constant 0 : i32
      %dma_start3A_259 = tpu.memref_slice %arg12[%dma_start3A_257, %dma_start3A_258] : memref<16x768xf32, #tpu.memory_space<vmem>> -> memref<8x128xf32, #tpu.memory_space<vmem>>
      %dma_start3A_260 = arith.constant 0 : i32
      %dma_start3A_261 = arith.constant 0 : i32
      %dma_start3A_262 = tpu.memref_slice %arg7[%add3A_102, %add3A_255, %dma_start3A_256, %dma_start3A_260, %dma_start3A_261] : memref<1024x64x6x8x128xf32, #tpu.memory_space<hbm>> -> memref<1x1x1x8x128xf32, #tpu.memory_space<hbm>>
      %dma_start3A_263 = tpu.memref_squeeze %dma_start3A_262 : memref<1x1x1x8x128xf32, #tpu.memory_space<hbm>> -> memref<8x128xf32, #tpu.memory_space<hbm>>
      %dma_start3A_264 = arith.constant 0 : i32
      %dma_start3A_265 = arith.constant 0 : i32
      %dma_start3A_266 = tpu.memref_slice %arg7[%add3A_102, %add3A_255, %dma_start3A_256, %dma_start3A_264, %dma_start3A_265] : memref<1024x64x6x8x128xf32, #tpu.memory_space<hbm>> -> memref<1x1x1x8x128xf32, #tpu.memory_space<hbm>>
      %dma_start3A_267 = tpu.memref_squeeze %dma_start3A_266 : memref<1x1x1x8x128xf32, #tpu.memory_space<hbm>> -> memref<8x128xf32, #tpu.memory_space<hbm>>
      %dma_start3A_268 = arith.constant 8 : i32
      %dma_start3A_269 = arith.constant 0 : i32
      %dma_start3A_270 = tpu.memref_slice %arg12[%dma_start3A_268, %dma_start3A_269] : memref<16x768xf32, #tpu.memory_space<vmem>> -> memref<8x128xf32, #tpu.memory_space<vmem>>
      tpu.enqueue_dma source(%dma_start3A_270 : memref<8x128xf32, #tpu.memory_space<vmem>>) target(%dma_start3A_267 : memref<8x128xf32, #tpu.memory_space<hbm>>) target_semaphore(%arg20 : memref<!tpu.dma_semaphore, #tpu.memory_space<semaphore_mem>>)
      %dma_start3A_271 = arith.constant 1 : i32
      %dma_start3A_272 = arith.constant 8 : i32
      %dma_start3A_273 = arith.constant 128 : i32
      %dma_start3A_274 = tpu.memref_slice %arg12[%dma_start3A_272, %dma_start3A_273] : memref<16x768xf32, #tpu.memory_space<vmem>> -> memref<8x128xf32, #tpu.memory_space<vmem>>
      %dma_start3A_275 = arith.constant 0 : i32
      %dma_start3A_276 = arith.constant 0 : i32
      %dma_start3A_277 = tpu.memref_slice %arg7[%add3A_102, %add3A_255, %dma_start3A_271, %dma_start3A_275, %dma_start3A_276] : memref<1024x64x6x8x128xf32, #tpu.memory_space<hbm>> -> memref<1x1x1x8x128xf32, #tpu.memory_space<hbm>>
      %dma_start3A_278 = tpu.memref_squeeze %dma_start3A_277 : memref<1x1x1x8x128xf32, #tpu.memory_space<hbm>> -> memref<8x128xf32, #tpu.memory_space<hbm>>
      %dma_start3A_279 = arith.constant 0 : i32
      %dma_start3A_280 = arith.constant 0 : i32
      %dma_start3A_281 = tpu.memref_slice %arg7[%add3A_102, %add3A_255, %dma_start3A_271, %dma_start3A_279, %dma_start3A_280] : memref<1024x64x6x8x128xf32, #tpu.memory_space<hbm>> -> memref<1x1x1x8x128xf32, #tpu.memory_space<hbm>>
      %dma_start3A_282 = tpu.memref_squeeze %dma_start3A_281 : memref<1x1x1x8x128xf32, #tpu.memory_space<hbm>> -> memref<8x128xf32, #tpu.memory_space<hbm>>
      %dma_start3A_283 = arith.constant 8 : i32
      %dma_start3A_284 = arith.constant 128 : i32
      %dma_start3A_285 = tpu.memref_slice %arg12[%dma_start3A_283, %dma_start3A_284] : memref<16x768xf32, #tpu.memory_space<vmem>> -> memref<8x128xf32, #tpu.memory_space<vmem>>
      tpu.enqueue_dma source(%dma_start3A_285 : memref<8x128xf32, #tpu.memory_space<vmem>>) target(%dma_start3A_282 : memref<8x128xf32, #tpu.memory_space<hbm>>) target_semaphore(%arg20 : memref<!tpu.dma_semaphore, #tpu.memory_space<semaphore_mem>>)
      %dma_start3A_286 = arith.constant 2 : i32
      %dma_start3A_287 = arith.constant 8 : i32
      %dma_start3A_288 = arith.constant 256 : i32
      %dma_start3A_289 = tpu.memref_slice %arg12[%dma_start3A_287, %dma_start3A_288] : memref<16x768xf32, #tpu.memory_space<vmem>> -> memref<8x128xf32, #tpu.memory_space<vmem>>
      %dma_start3A_290 = arith.constant 0 : i32
      %dma_start3A_291 = arith.constant 0 : i32
      %dma_start3A_292 = tpu.memref_slice %arg7[%add3A_102, %add3A_255, %dma_start3A_286, %dma_start3A_290, %dma_start3A_291] : memref<1024x64x6x8x128xf32, #tpu.memory_space<hbm>> -> memref<1x1x1x8x128xf32, #tpu.memory_space<hbm>>
      %dma_start3A_293 = tpu.memref_squeeze %dma_start3A_292 : memref<1x1x1x8x128xf32, #tpu.memory_space<hbm>> -> memref<8x128xf32, #tpu.memory_space<hbm>>
      %dma_start3A_294 = arith.constant 0 : i32
      %dma_start3A_295 = arith.constant 0 : i32
      %dma_start3A_296 = tpu.memref_slice %arg7[%add3A_102, %add3A_255, %dma_start3A_286, %dma_start3A_294, %dma_start3A_295] : memref<1024x64x6x8x128xf32, #tpu.memory_space<hbm>> -> memref<1x1x1x8x128xf32, #tpu.memory_space<hbm>>
      %dma_start3A_297 = tpu.memref_squeeze %dma_start3A_296 : memref<1x1x1x8x128xf32, #tpu.memory_space<hbm>> -> memref<8x128xf32, #tpu.memory_space<hbm>>
      %dma_start3A_298 = arith.constant 8 : i32
      %dma_start3A_299 = arith.constant 256 : i32
      %dma_start3A_300 = tpu.memref_slice %arg12[%dma_start3A_298, %dma_start3A_299] : memref<16x768xf32, #tpu.memory_space<vmem>> -> memref<8x128xf32, #tpu.memory_space<vmem>>
      tpu.enqueue_dma source(%dma_start3A_300 : memref<8x128xf32, #tpu.memory_space<vmem>>) target(%dma_start3A_297 : memref<8x128xf32, #tpu.memory_space<hbm>>) target_semaphore(%arg20 : memref<!tpu.dma_semaphore, #tpu.memory_space<semaphore_mem>>)
      %dma_start3A_301 = arith.constant 3 : i32
      %dma_start3A_302 = arith.constant 8 : i32
      %dma_start3A_303 = arith.constant 384 : i32
      %dma_start3A_304 = tpu.memref_slice %arg12[%dma_start3A_302, %dma_start3A_303] : memref<16x768xf32, #tpu.memory_space<vmem>> -> memref<8x128xf32, #tpu.memory_space<vmem>>
      %dma_start3A_305 = arith.constant 0 : i32
      %dma_start3A_306 = arith.constant 0 : i32
      %dma_start3A_307 = tpu.memref_slice %arg7[%add3A_102, %add3A_255, %dma_start3A_301, %dma_start3A_305, %dma_start3A_306] : memref<1024x64x6x8x128xf32, #tpu.memory_space<hbm>> -> memref<1x1x1x8x128xf32, #tpu.memory_space<hbm>>
      %dma_start3A_308 = tpu.memref_squeeze %dma_start3A_307 : memref<1x1x1x8x128xf32, #tpu.memory_space<hbm>> -> memref<8x128xf32, #tpu.memory_space<hbm>>
      %dma_start3A_309 = arith.constant 0 : i32
      %dma_start3A_310 = arith.constant 0 : i32
      %dma_start3A_311 = tpu.memref_slice %arg7[%add3A_102, %add3A_255, %dma_start3A_301, %dma_start3A_309, %dma_start3A_310] : memref<1024x64x6x8x128xf32, #tpu.memory_space<hbm>> -> memref<1x1x1x8x128xf32, #tpu.memory_space<hbm>>
      %dma_start3A_312 = tpu.memref_squeeze %dma_start3A_311 : memref<1x1x1x8x128xf32, #tpu.memory_space<hbm>> -> memref<8x128xf32, #tpu.memory_space<hbm>>
      %dma_start3A_313 = arith.constant 8 : i32
      %dma_start3A_314 = arith.constant 384 : i32
      %dma_start3A_315 = tpu.memref_slice %arg12[%dma_start3A_313, %dma_start3A_314] : memref<16x768xf32, #tpu.memory_space<vmem>> -> memref<8x128xf32, #tpu.memory_space<vmem>>
      tpu.enqueue_dma source(%dma_start3A_315 : memref<8x128xf32, #tpu.memory_space<vmem>>) target(%dma_start3A_312 : memref<8x128xf32, #tpu.memory_space<hbm>>) target_semaphore(%arg20 : memref<!tpu.dma_semaphore, #tpu.memory_space<semaphore_mem>>)
      %dma_start3A_316 = arith.constant 4 : i32
      %dma_start3A_317 = arith.constant 8 : i32
      %dma_start3A_318 = arith.constant 512 : i32
      %dma_start3A_319 = tpu.memref_slice %arg12[%dma_start3A_317, %dma_start3A_318] : memref<16x768xf32, #tpu.memory_space<vmem>> -> memref<8x128xf32, #tpu.memory_space<vmem>>
      %dma_start3A_320 = arith.constant 0 : i32
      %dma_start3A_321 = arith.constant 0 : i32
      %dma_start3A_322 = tpu.memref_slice %arg7[%add3A_102, %add3A_255, %dma_start3A_316, %dma_start3A_320, %dma_start3A_321] : memref<1024x64x6x8x128xf32, #tpu.memory_space<hbm>> -> memref<1x1x1x8x128xf32, #tpu.memory_space<hbm>>
      %dma_start3A_323 = tpu.memref_squeeze %dma_start3A_322 : memref<1x1x1x8x128xf32, #tpu.memory_space<hbm>> -> memref<8x128xf32, #tpu.memory_space<hbm>>
      %dma_start3A_324 = arith.constant 0 : i32
      %dma_start3A_325 = arith.constant 0 : i32
      %dma_start3A_326 = tpu.memref_slice %arg7[%add3A_102, %add3A_255, %dma_start3A_316, %dma_start3A_324, %dma_start3A_325] : memref<1024x64x6x8x128xf32, #tpu.memory_space<hbm>> -> memref<1x1x1x8x128xf32, #tpu.memory_space<hbm>>
      %dma_start3A_327 = tpu.memref_squeeze %dma_start3A_326 : memref<1x1x1x8x128xf32, #tpu.memory_space<hbm>> -> memref<8x128xf32, #tpu.memory_space<hbm>>
      %dma_start3A_328 = arith.constant 8 : i32
      %dma_start3A_329 = arith.constant 512 : i32
      %dma_start3A_330 = tpu.memref_slice %arg12[%dma_start3A_328, %dma_start3A_329] : memref<16x768xf32, #tpu.memory_space<vmem>> -> memref<8x128xf32, #tpu.memory_space<vmem>>
      tpu.enqueue_dma source(%dma_start3A_330 : memref<8x128xf32, #tpu.memory_space<vmem>>) target(%dma_start3A_327 : memref<8x128xf32, #tpu.memory_space<hbm>>) target_semaphore(%arg20 : memref<!tpu.dma_semaphore, #tpu.memory_space<semaphore_mem>>)
      %dma_start3A_331 = arith.constant 5 : i32
      %dma_start3A_332 = arith.constant 8 : i32
      %dma_start3A_333 = arith.constant 640 : i32
      %dma_start3A_334 = tpu.memref_slice %arg12[%dma_start3A_332, %dma_start3A_333] : memref<16x768xf32, #tpu.memory_space<vmem>> -> memref<8x128xf32, #tpu.memory_space<vmem>>
      %dma_start3A_335 = arith.constant 0 : i32
      %dma_start3A_336 = arith.constant 0 : i32
      %dma_start3A_337 = tpu.memref_slice %arg7[%add3A_102, %add3A_255, %dma_start3A_331, %dma_start3A_335, %dma_start3A_336] : memref<1024x64x6x8x128xf32, #tpu.memory_space<hbm>> -> memref<1x1x1x8x128xf32, #tpu.memory_space<hbm>>
      %dma_start3A_338 = tpu.memref_squeeze %dma_start3A_337 : memref<1x1x1x8x128xf32, #tpu.memory_space<hbm>> -> memref<8x128xf32, #tpu.memory_space<hbm>>
      %dma_start3A_339 = arith.constant 0 : i32
      %dma_start3A_340 = arith.constant 0 : i32
      %dma_start3A_341 = tpu.memref_slice %arg7[%add3A_102, %add3A_255, %dma_start3A_331, %dma_start3A_339, %dma_start3A_340] : memref<1024x64x6x8x128xf32, #tpu.memory_space<hbm>> -> memref<1x1x1x8x128xf32, #tpu.memory_space<hbm>>
      %dma_start3A_342 = tpu.memref_squeeze %dma_start3A_341 : memref<1x1x1x8x128xf32, #tpu.memory_space<hbm>> -> memref<8x128xf32, #tpu.memory_space<hbm>>
      %dma_start3A_343 = arith.constant 8 : i32
      %dma_start3A_344 = arith.constant 640 : i32
      %dma_start3A_345 = tpu.memref_slice %arg12[%dma_start3A_343, %dma_start3A_344] : memref<16x768xf32, #tpu.memory_space<vmem>> -> memref<8x128xf32, #tpu.memory_space<vmem>>
      tpu.enqueue_dma source(%dma_start3A_345 : memref<8x128xf32, #tpu.memory_space<vmem>>) target(%dma_start3A_342 : memref<8x128xf32, #tpu.memory_space<hbm>>) target_semaphore(%arg20 : memref<!tpu.dma_semaphore, #tpu.memory_space<semaphore_mem>>)
      %mul3A_346 = arith.constant 4 : i32
      %mul3A_347 = arith.muli %mul3A_346, %scan3A_98 : i32
      %add3A_348 = arith.constant 1 : i32
      %add3A_349 = arith.addi %mul3A_347, %add3A_348 : i32
      %add3A_350 = arith.constant 2 : i32
      %add3A_351 = arith.addi %add3A_349, %add3A_350 : i32
      %lt3A_352 = arith.constant 1024 : i32
      %lt3A_353 = arith.cmpi slt, %add3A_351, %lt3A_352 : i32
      %convert_element_type3A_354 = arith.extui %lt3A_353 : i1 to i32
      %cond3A_355 = arith.constant 0 : i32
      %cond3A_356 = arith.cmpi ne, %convert_element_type3A_354, %cond3A_355 : i32
      scf.if %cond3A_356 {
        %sub3A = arith.constant 4 : i32
        %sub3A_1105 = arith.subi %add3A_351, %sub3A : i32
        %max3A_1106 = arith.constant 0 : i32
        %max3A_1107 = arith.maxsi %sub3A_1105, %max3A_1106 : i32
        %mul3A_1108 = arith.constant 2 : i32
        %mul3A_1109 = arith.muli %mul3A_1108, %add3A : i32
        %dma_wait3A_1110 = arith.constant 0 : i32
        %dma_wait3A_1111 = arith.constant 0 : i32
        %dma_wait3A_1112 = arith.constant 0 : i32
        %dma_wait3A_1113 = tpu.memref_slice %arg7[%max3A_1107, %mul3A_1109, %dma_wait3A_1110, %dma_wait3A_1111, %dma_wait3A_1112] : memref<1024x64x6x8x128xf32, #tpu.memory_space<hbm>> -> memref<1x2x6x8x128xf32, #tpu.memory_space<hbm>>
        %dma_wait3A_1114 = tpu.memref_squeeze %dma_wait3A_1113 : memref<1x2x6x8x128xf32, #tpu.memory_space<hbm>> -> memref<2x6x8x128xf32, #tpu.memory_space<hbm>>
        %dma_wait3A_1115 = arith.constant 0 : i32
        %dma_wait3A_1116 = arith.constant 0 : i32
        %dma_wait3A_1117 = arith.constant 0 : i32
        %dma_wait3A_1118 = tpu.memref_slice %arg7[%max3A_1107, %mul3A_1109, %dma_wait3A_1115, %dma_wait3A_1116, %dma_wait3A_1117] : memref<1024x64x6x8x128xf32, #tpu.memory_space<hbm>> -> memref<1x2x6x8x128xf32, #tpu.memory_space<hbm>>
        %dma_wait3A_1119 = tpu.memref_squeeze %dma_wait3A_1118 : memref<1x2x6x8x128xf32, #tpu.memory_space<hbm>> -> memref<2x6x8x128xf32, #tpu.memory_space<hbm>>
        tpu.wait_dma2 semaphore(%arg23 : memref<!tpu.dma_semaphore, #tpu.memory_space<semaphore_mem>>) src(%arg15 : memref<16x768xf32, #tpu.memory_space<vmem>>) dst(%dma_wait3A_1119 : memref<2x6x8x128xf32, #tpu.memory_space<hbm>>)
        %get3A_1120 = arith.index_cast %add3A_351 : i32 to index
        %get3A_1121 = arith.constant 0 : index
        %get3A_1122 = tpu.vector_load %arg8[%get3A_1120, %get3A_1121] {strides = array<i32>} : memref<1024x16xi32, #tpu.memory_space<vmem>>, vector<1x16xi32>,
        %get3A_1123 = vector.shape_cast %get3A_1122 : vector<1x16xi32> to vector<16xi32>
        %dma_start3A_1124 = arith.constant 0 : i32
        %dma_start3A_1125 = arith.constant 0 : i32
        %dma_start3A_1126 = tpu.memref_slice %arg4[%dma_start3A_1124, %dma_start3A_1125] : memref<100000x768xf32, #tpu.memory_space<hbm>> -> memref<100000x768xf32, #tpu.memory_space<hbm>>
        tpu.enqueue_indirect_dma source(%dma_start3A_1126 : memref<100000x768xf32, #tpu.memory_space<hbm>>) target(%arg15 : memref<16x768xf32, #tpu.memory_space<vmem>>) offsets(%get3A_1123 : vector<16xi32>) semaphore(%arg19 : memref<!tpu.dma_semaphore, #tpu.memory_space<semaphore_mem>>)
      } else {
      }
      %get3A_357 = arith.index_cast %add3A_349 : i32 to index
      %get3A_358 = arith.constant 0 : index
      %get3A_359 = tpu.vector_load %arg8[%get3A_357, %get3A_358] {strides = array<i32>} : memref<1024x16xi32, #tpu.memory_space<vmem>>, vector<1x16xi32>,
      %get3A_360 = vector.shape_cast %get3A_359 : vector<1x16xi32> to vector<16xi32>
      %dma_wait3A_361 = arith.constant 0 : i32
      %dma_wait3A_362 = arith.constant 0 : i32
      %dma_wait3A_363 = tpu.memref_slice %arg4[%dma_wait3A_361, %dma_wait3A_362] : memref<100000x768xf32, #tpu.memory_space<hbm>> -> memref<100000x768xf32, #tpu.memory_space<hbm>>
      tpu.wait_indirect_dma semaphore(%arg17 : memref<!tpu.dma_semaphore, #tpu.memory_space<semaphore_mem>>) src(%dma_wait3A_363 : memref<100000x768xf32, #tpu.memory_space<hbm>>) dst(%arg13 : memref<16x768xf32, #tpu.memory_space<vmem>>)
      %get3A_364 = arith.index_cast %add3A_349 : i32 to index
      %get3A_365 = arith.constant 0 : index
      %get3A_366 = tpu.vector_load %arg9[%get3A_364, %get3A_365] {strides = array<i32>} : memref<1024x16xi32, #tpu.memory_space<vmem>>, vector<1x16xi32>,
      %get3A_367 = vector.shape_cast %get3A_366 : vector<1x16xi32> to vector<16xi32>
      %mul3A_368 = arith.constant 16 : i32
      %mul3A_369 = vector.broadcast %mul3A_368 : i32 to vector<16xi32>
      %mul3A_370 = arith.muli %get3A_367, %mul3A_369 : vector<16xi32>
      %iota3A_371 = tpu.iota {dimensions = array<i32: 0>} : vector<16xi32>
      %add3A_372 = arith.addi %mul3A_370, %iota3A_371 : vector<16xi32>
      %slice3A_373 = vector.extract_strided_slice %add3A_372 {offsets = [0], sizes = [1], strides = [1]} : vector<16xi32> to vector<1xi32>
      %squeeze3A_374 = vector.extract %slice3A_373[0] : i32 from vector<1xi32>
      %slice3A_375 = vector.extract_strided_slice %add3A_372 {offsets = [1], sizes = [1], strides = [1]} : vector<16xi32> to vector<1xi32>
      %squeeze3A_376 = vector.extract %slice3A_375[0] : i32 from vector<1xi32>
      %slice3A_377 = vector.extract_strided_slice %add3A_372 {offsets = [2], sizes = [1], strides = [1]} : vector<16xi32> to vector<1xi32>
      %squeeze3A_378 = vector.extract %slice3A_377[0] : i32 from vector<1xi32>
      %slice3A_379 = vector.extract_strided_slice %add3A_372 {offsets = [3], sizes = [1], strides = [1]} : vector<16xi32> to vector<1xi32>
      %squeeze3A_380 = vector.extract %slice3A_379[0] : i32 from vector<1xi32>
      %slice3A_381 = vector.extract_strided_slice %add3A_372 {offsets = [4], sizes = [1], strides = [1]} : vector<16xi32> to vector<1xi32>
      %squeeze3A_382 = vector.extract %slice3A_381[0] : i32 from vector<1xi32>
      %slice3A_383 = vector.extract_strided_slice %add3A_372 {offsets = [5], sizes = [1], strides = [1]} : vector<16xi32> to vector<1xi32>
      %squeeze3A_384 = vector.extract %slice3A_383[0] : i32 from vector<1xi32>
      %slice3A_385 = vector.extract_strided_slice %add3A_372 {offsets = [6], sizes = [1], strides = [1]} : vector<16xi32> to vector<1xi32>
      %squeeze3A_386 = vector.extract %slice3A_385[0] : i32 from vector<1xi32>
      %slice3A_387 = vector.extract_strided_slice %add3A_372 {offsets = [7], sizes = [1], strides = [1]} : vector<16xi32> to vector<1xi32>
      %squeeze3A_388 = vector.extract %slice3A_387[0] : i32 from vector<1xi32>
      %slice3A_389 = vector.extract_strided_slice %add3A_372 {offsets = [8], sizes = [1], strides = [1]} : vector<16xi32> to vector<1xi32>
      %squeeze3A_390 = vector.extract %slice3A_389[0] : i32 from vector<1xi32>
      %slice3A_391 = vector.extract_strided_slice %add3A_372 {offsets = [9], sizes = [1], strides = [1]} : vector<16xi32> to vector<1xi32>
      %squeeze3A_392 = vector.extract %slice3A_391[0] : i32 from vector<1xi32>
      %slice3A_393 = vector.extract_strided_slice %add3A_372 {offsets = [10], sizes = [1], strides = [1]} : vector<16xi32> to vector<1xi32>
      %squeeze3A_394 = vector.extract %slice3A_393[0] : i32 from vector<1xi32>
      %slice3A_395 = vector.extract_strided_slice %add3A_372 {offsets = [11], sizes = [1], strides = [1]} : vector<16xi32> to vector<1xi32>
      %squeeze3A_396 = vector.extract %slice3A_395[0] : i32 from vector<1xi32>
      %slice3A_397 = vector.extract_strided_slice %add3A_372 {offsets = [12], sizes = [1], strides = [1]} : vector<16xi32> to vector<1xi32>
      %squeeze3A_398 = vector.extract %slice3A_397[0] : i32 from vector<1xi32>
      %slice3A_399 = vector.extract_strided_slice %add3A_372 {offsets = [13], sizes = [1], strides = [1]} : vector<16xi32> to vector<1xi32>
      %squeeze3A_400 = vector.extract %slice3A_399[0] : i32 from vector<1xi32>
      %slice3A_401 = vector.extract_strided_slice %add3A_372 {offsets = [14], sizes = [1], strides = [1]} : vector<16xi32> to vector<1xi32>
      %squeeze3A_402 = vector.extract %slice3A_401[0] : i32 from vector<1xi32>
      %slice3A_403 = vector.extract_strided_slice %add3A_372 {offsets = [15], sizes = [1], strides = [1]} : vector<16xi32> to vector<1xi32>
      %squeeze3A_404 = vector.extract %slice3A_403[0] : i32 from vector<1xi32>
      %scan3A_405 = arith.constant 0 : i32
      %scan3A_406 = arith.constant 0 : i32
      %scan3A_407 = arith.constant 48 : i32
      %scan3A_408 = arith.addi %scan3A_406, %scan3A_407 : i32
      %scan3A_409 = arith.constant 1 : i32
      scf.for %scan3A_1105 = %scan3A_406 to %scan3A_408 step %scan3A_409  : i32 {
        %mul3A_1106 = arith.constant 16 : i32
        %mul3A_1107 = arith.muli %scan3A_1105, %mul3A_1106 : i32
        %get3A_1108 = arith.constant 0 : i32
        %get3A_1109 = tpu.memref_slice %arg10[%squeeze3A_374, %get3A_1108] : memref<32x768xf32, #tpu.memory_space<vmem>> -> memref<1x768xf32, #tpu.memory_space<vmem>>
        %get3A_1110 = tpu.memref_squeeze %get3A_1109 : memref<1x768xf32, #tpu.memory_space<vmem>> -> memref<768xf32, #tpu.memory_space<vmem>>
        %get3A_1111 = arith.index_cast %mul3A_1107 : i32 to index
        %get3A_1112 = tpu.vector_load %get3A_1110[%get3A_1111] {strides = array<i32>} : memref<768xf32, #tpu.memory_space<vmem>>, vector<16xf32>,
        %get3A_1113 = vector.shape_cast %get3A_1112 : vector<16xf32> to vector<16xf32>
        %swap3A = arith.constant 0 : i32
        %swap3A_1114 = arith.index_cast %swap3A : i32 to index
        %swap3A_1115 = arith.index_cast %mul3A_1107 : i32 to index
        %swap3A_1116 = tpu.vector_load %arg13[%swap3A_1114, %swap3A_1115] {strides = array<i32>} : memref<16x768xf32, #tpu.memory_space<vmem>>, vector<1x16xf32>,
        %swap3A_1117 = vector.shape_cast %swap3A_1116 : vector<1x16xf32> to vector<16xf32>
        %swap3A_1118 = vector.shape_cast %get3A_1113 : vector<16xf32> to vector<1x16xf32>
        tpu.vector_store %arg13[%swap3A_1114, %swap3A_1115], %swap3A_1118 {add = true, strides = array<i32>} : memref<16x768xf32, #tpu.memory_space<vmem>>, vector<1x16xf32>,
        %get3A_1119 = arith.constant 0 : i32
        %get3A_1120 = tpu.memref_slice %arg10[%squeeze3A_376, %get3A_1119] : memref<32x768xf32, #tpu.memory_space<vmem>> -> memref<1x768xf32, #tpu.memory_space<vmem>>
        %get3A_1121 = tpu.memref_squeeze %get3A_1120 : memref<1x768xf32, #tpu.memory_space<vmem>> -> memref<768xf32, #tpu.memory_space<vmem>>
        %get3A_1122 = arith.index_cast %mul3A_1107 : i32 to index
        %get3A_1123 = tpu.vector_load %get3A_1121[%get3A_1122] {strides = array<i32>} : memref<768xf32, #tpu.memory_space<vmem>>, vector<16xf32>,
        %get3A_1124 = vector.shape_cast %get3A_1123 : vector<16xf32> to vector<16xf32>
        %swap3A_1125 = arith.constant 1 : i32
        %swap3A_1126 = arith.index_cast %swap3A_1125 : i32 to index
        %swap3A_1127 = arith.index_cast %mul3A_1107 : i32 to index
        %swap3A_1128 = tpu.vector_load %arg13[%swap3A_1126, %swap3A_1127] {strides = array<i32>} : memref<16x768xf32, #tpu.memory_space<vmem>>, vector<1x16xf32>,
        %swap3A_1129 = vector.shape_cast %swap3A_1128 : vector<1x16xf32> to vector<16xf32>
        %swap3A_1130 = vector.shape_cast %get3A_1124 : vector<16xf32> to vector<1x16xf32>
        tpu.vector_store %arg13[%swap3A_1126, %swap3A_1127], %swap3A_1130 {add = true, strides = array<i32>} : memref<16x768xf32, #tpu.memory_space<vmem>>, vector<1x16xf32>,
        %get3A_1131 = arith.constant 0 : i32
        %get3A_1132 = tpu.memref_slice %arg10[%squeeze3A_378, %get3A_1131] : memref<32x768xf32, #tpu.memory_space<vmem>> -> memref<1x768xf32, #tpu.memory_space<vmem>>
        %get3A_1133 = tpu.memref_squeeze %get3A_1132 : memref<1x768xf32, #tpu.memory_space<vmem>> -> memref<768xf32, #tpu.memory_space<vmem>>
        %get3A_1134 = arith.index_cast %mul3A_1107 : i32 to index
        %get3A_1135 = tpu.vector_load %get3A_1133[%get3A_1134] {strides = array<i32>} : memref<768xf32, #tpu.memory_space<vmem>>, vector<16xf32>,
        %get3A_1136 = vector.shape_cast %get3A_1135 : vector<16xf32> to vector<16xf32>
        %swap3A_1137 = arith.constant 2 : i32
        %swap3A_1138 = arith.index_cast %swap3A_1137 : i32 to index
        %swap3A_1139 = arith.index_cast %mul3A_1107 : i32 to index
        %swap3A_1140 = tpu.vector_load %arg13[%swap3A_1138, %swap3A_1139] {strides = array<i32>} : memref<16x768xf32, #tpu.memory_space<vmem>>, vector<1x16xf32>,
        %swap3A_1141 = vector.shape_cast %swap3A_1140 : vector<1x16xf32> to vector<16xf32>
        %swap3A_1142 = vector.shape_cast %get3A_1136 : vector<16xf32> to vector<1x16xf32>
        tpu.vector_store %arg13[%swap3A_1138, %swap3A_1139], %swap3A_1142 {add = true, strides = array<i32>} : memref<16x768xf32, #tpu.memory_space<vmem>>, vector<1x16xf32>,
        %get3A_1143 = arith.constant 0 : i32
        %get3A_1144 = tpu.memref_slice %arg10[%squeeze3A_380, %get3A_1143] : memref<32x768xf32, #tpu.memory_space<vmem>> -> memref<1x768xf32, #tpu.memory_space<vmem>>
        %get3A_1145 = tpu.memref_squeeze %get3A_1144 : memref<1x768xf32, #tpu.memory_space<vmem>> -> memref<768xf32, #tpu.memory_space<vmem>>
        %get3A_1146 = arith.index_cast %mul3A_1107 : i32 to index
        %get3A_1147 = tpu.vector_load %get3A_1145[%get3A_1146] {strides = array<i32>} : memref<768xf32, #tpu.memory_space<vmem>>, vector<16xf32>,
        %get3A_1148 = vector.shape_cast %get3A_1147 : vector<16xf32> to vector<16xf32>
        %swap3A_1149 = arith.constant 3 : i32
        %swap3A_1150 = arith.index_cast %swap3A_1149 : i32 to index
        %swap3A_1151 = arith.index_cast %mul3A_1107 : i32 to index
        %swap3A_1152 = tpu.vector_load %arg13[%swap3A_1150, %swap3A_1151] {strides = array<i32>} : memref<16x768xf32, #tpu.memory_space<vmem>>, vector<1x16xf32>,
        %swap3A_1153 = vector.shape_cast %swap3A_1152 : vector<1x16xf32> to vector<16xf32>
        %swap3A_1154 = vector.shape_cast %get3A_1148 : vector<16xf32> to vector<1x16xf32>
        tpu.vector_store %arg13[%swap3A_1150, %swap3A_1151], %swap3A_1154 {add = true, strides = array<i32>} : memref<16x768xf32, #tpu.memory_space<vmem>>, vector<1x16xf32>,
        %get3A_1155 = arith.constant 0 : i32
        %get3A_1156 = tpu.memref_slice %arg10[%squeeze3A_382, %get3A_1155] : memref<32x768xf32, #tpu.memory_space<vmem>> -> memref<1x768xf32, #tpu.memory_space<vmem>>
        %get3A_1157 = tpu.memref_squeeze %get3A_1156 : memref<1x768xf32, #tpu.memory_space<vmem>> -> memref<768xf32, #tpu.memory_space<vmem>>
        %get3A_1158 = arith.index_cast %mul3A_1107 : i32 to index
        %get3A_1159 = tpu.vector_load %get3A_1157[%get3A_1158] {strides = array<i32>} : memref<768xf32, #tpu.memory_space<vmem>>, vector<16xf32>,
        %get3A_1160 = vector.shape_cast %get3A_1159 : vector<16xf32> to vector<16xf32>
        %swap3A_1161 = arith.constant 4 : i32
        %swap3A_1162 = arith.index_cast %swap3A_1161 : i32 to index
        %swap3A_1163 = arith.index_cast %mul3A_1107 : i32 to index
        %swap3A_1164 = tpu.vector_load %arg13[%swap3A_1162, %swap3A_1163] {strides = array<i32>} : memref<16x768xf32, #tpu.memory_space<vmem>>, vector<1x16xf32>,
        %swap3A_1165 = vector.shape_cast %swap3A_1164 : vector<1x16xf32> to vector<16xf32>
        %swap3A_1166 = vector.shape_cast %get3A_1160 : vector<16xf32> to vector<1x16xf32>
        tpu.vector_store %arg13[%swap3A_1162, %swap3A_1163], %swap3A_1166 {add = true, strides = array<i32>} : memref<16x768xf32, #tpu.memory_space<vmem>>, vector<1x16xf32>,
        %get3A_1167 = arith.constant 0 : i32
        %get3A_1168 = tpu.memref_slice %arg10[%squeeze3A_384, %get3A_1167] : memref<32x768xf32, #tpu.memory_space<vmem>> -> memref<1x768xf32, #tpu.memory_space<vmem>>
        %get3A_1169 = tpu.memref_squeeze %get3A_1168 : memref<1x768xf32, #tpu.memory_space<vmem>> -> memref<768xf32, #tpu.memory_space<vmem>>
        %get3A_1170 = arith.index_cast %mul3A_1107 : i32 to index
        %get3A_1171 = tpu.vector_load %get3A_1169[%get3A_1170] {strides = array<i32>} : memref<768xf32, #tpu.memory_space<vmem>>, vector<16xf32>,
        %get3A_1172 = vector.shape_cast %get3A_1171 : vector<16xf32> to vector<16xf32>
        %swap3A_1173 = arith.constant 5 : i32
        %swap3A_1174 = arith.index_cast %swap3A_1173 : i32 to index
        %swap3A_1175 = arith.index_cast %mul3A_1107 : i32 to index
        %swap3A_1176 = tpu.vector_load %arg13[%swap3A_1174, %swap3A_1175] {strides = array<i32>} : memref<16x768xf32, #tpu.memory_space<vmem>>, vector<1x16xf32>,
        %swap3A_1177 = vector.shape_cast %swap3A_1176 : vector<1x16xf32> to vector<16xf32>
        %swap3A_1178 = vector.shape_cast %get3A_1172 : vector<16xf32> to vector<1x16xf32>
        tpu.vector_store %arg13[%swap3A_1174, %swap3A_1175], %swap3A_1178 {add = true, strides = array<i32>} : memref<16x768xf32, #tpu.memory_space<vmem>>, vector<1x16xf32>,
        %get3A_1179 = arith.constant 0 : i32
        %get3A_1180 = tpu.memref_slice %arg10[%squeeze3A_386, %get3A_1179] : memref<32x768xf32, #tpu.memory_space<vmem>> -> memref<1x768xf32, #tpu.memory_space<vmem>>
        %get3A_1181 = tpu.memref_squeeze %get3A_1180 : memref<1x768xf32, #tpu.memory_space<vmem>> -> memref<768xf32, #tpu.memory_space<vmem>>
        %get3A_1182 = arith.index_cast %mul3A_1107 : i32 to index
        %get3A_1183 = tpu.vector_load %get3A_1181[%get3A_1182] {strides = array<i32>} : memref<768xf32, #tpu.memory_space<vmem>>, vector<16xf32>,
        %get3A_1184 = vector.shape_cast %get3A_1183 : vector<16xf32> to vector<16xf32>
        %swap3A_1185 = arith.constant 6 : i32
        %swap3A_1186 = arith.index_cast %swap3A_1185 : i32 to index
        %swap3A_1187 = arith.index_cast %mul3A_1107 : i32 to index
        %swap3A_1188 = tpu.vector_load %arg13[%swap3A_1186, %swap3A_1187] {strides = array<i32>} : memref<16x768xf32, #tpu.memory_space<vmem>>, vector<1x16xf32>,
        %swap3A_1189 = vector.shape_cast %swap3A_1188 : vector<1x16xf32> to vector<16xf32>
        %swap3A_1190 = vector.shape_cast %get3A_1184 : vector<16xf32> to vector<1x16xf32>
        tpu.vector_store %arg13[%swap3A_1186, %swap3A_1187], %swap3A_1190 {add = true, strides = array<i32>} : memref<16x768xf32, #tpu.memory_space<vmem>>, vector<1x16xf32>,
        %get3A_1191 = arith.constant 0 : i32
        %get3A_1192 = tpu.memref_slice %arg10[%squeeze3A_388, %get3A_1191] : memref<32x768xf32, #tpu.memory_space<vmem>> -> memref<1x768xf32, #tpu.memory_space<vmem>>
        %get3A_1193 = tpu.memref_squeeze %get3A_1192 : memref<1x768xf32, #tpu.memory_space<vmem>> -> memref<768xf32, #tpu.memory_space<vmem>>
        %get3A_1194 = arith.index_cast %mul3A_1107 : i32 to index
        %get3A_1195 = tpu.vector_load %get3A_1193[%get3A_1194] {strides = array<i32>} : memref<768xf32, #tpu.memory_space<vmem>>, vector<16xf32>,
        %get3A_1196 = vector.shape_cast %get3A_1195 : vector<16xf32> to vector<16xf32>
        %swap3A_1197 = arith.constant 7 : i32
        %swap3A_1198 = arith.index_cast %swap3A_1197 : i32 to index
        %swap3A_1199 = arith.index_cast %mul3A_1107 : i32 to index
        %swap3A_1200 = tpu.vector_load %arg13[%swap3A_1198, %swap3A_1199] {strides = array<i32>} : memref<16x768xf32, #tpu.memory_space<vmem>>, vector<1x16xf32>,
        %swap3A_1201 = vector.shape_cast %swap3A_1200 : vector<1x16xf32> to vector<16xf32>
        %swap3A_1202 = vector.shape_cast %get3A_1196 : vector<16xf32> to vector<1x16xf32>
        tpu.vector_store %arg13[%swap3A_1198, %swap3A_1199], %swap3A_1202 {add = true, strides = array<i32>} : memref<16x768xf32, #tpu.memory_space<vmem>>, vector<1x16xf32>,
        %get3A_1203 = arith.constant 0 : i32
        %get3A_1204 = tpu.memref_slice %arg10[%squeeze3A_390, %get3A_1203] : memref<32x768xf32, #tpu.memory_space<vmem>> -> memref<1x768xf32, #tpu.memory_space<vmem>>
        %get3A_1205 = tpu.memref_squeeze %get3A_1204 : memref<1x768xf32, #tpu.memory_space<vmem>> -> memref<768xf32, #tpu.memory_space<vmem>>
        %get3A_1206 = arith.index_cast %mul3A_1107 : i32 to index
        %get3A_1207 = tpu.vector_load %get3A_1205[%get3A_1206] {strides = array<i32>} : memref<768xf32, #tpu.memory_space<vmem>>, vector<16xf32>,
        %get3A_1208 = vector.shape_cast %get3A_1207 : vector<16xf32> to vector<16xf32>
        %swap3A_1209 = arith.constant 8 : i32
        %swap3A_1210 = arith.index_cast %swap3A_1209 : i32 to index
        %swap3A_1211 = arith.index_cast %mul3A_1107 : i32 to index
        %swap3A_1212 = tpu.vector_load %arg13[%swap3A_1210, %swap3A_1211] {strides = array<i32>} : memref<16x768xf32, #tpu.memory_space<vmem>>, vector<1x16xf32>,
        %swap3A_1213 = vector.shape_cast %swap3A_1212 : vector<1x16xf32> to vector<16xf32>
        %swap3A_1214 = vector.shape_cast %get3A_1208 : vector<16xf32> to vector<1x16xf32>
        tpu.vector_store %arg13[%swap3A_1210, %swap3A_1211], %swap3A_1214 {add = true, strides = array<i32>} : memref<16x768xf32, #tpu.memory_space<vmem>>, vector<1x16xf32>,
        %get3A_1215 = arith.constant 0 : i32
        %get3A_1216 = tpu.memref_slice %arg10[%squeeze3A_392, %get3A_1215] : memref<32x768xf32, #tpu.memory_space<vmem>> -> memref<1x768xf32, #tpu.memory_space<vmem>>
        %get3A_1217 = tpu.memref_squeeze %get3A_1216 : memref<1x768xf32, #tpu.memory_space<vmem>> -> memref<768xf32, #tpu.memory_space<vmem>>
        %get3A_1218 = arith.index_cast %mul3A_1107 : i32 to index
        %get3A_1219 = tpu.vector_load %get3A_1217[%get3A_1218] {strides = array<i32>} : memref<768xf32, #tpu.memory_space<vmem>>, vector<16xf32>,
        %get3A_1220 = vector.shape_cast %get3A_1219 : vector<16xf32> to vector<16xf32>
        %swap3A_1221 = arith.constant 9 : i32
        %swap3A_1222 = arith.index_cast %swap3A_1221 : i32 to index
        %swap3A_1223 = arith.index_cast %mul3A_1107 : i32 to index
        %swap3A_1224 = tpu.vector_load %arg13[%swap3A_1222, %swap3A_1223] {strides = array<i32>} : memref<16x768xf32, #tpu.memory_space<vmem>>, vector<1x16xf32>,
        %swap3A_1225 = vector.shape_cast %swap3A_1224 : vector<1x16xf32> to vector<16xf32>
        %swap3A_1226 = vector.shape_cast %get3A_1220 : vector<16xf32> to vector<1x16xf32>
        tpu.vector_store %arg13[%swap3A_1222, %swap3A_1223], %swap3A_1226 {add = true, strides = array<i32>} : memref<16x768xf32, #tpu.memory_space<vmem>>, vector<1x16xf32>,
        %get3A_1227 = arith.constant 0 : i32
        %get3A_1228 = tpu.memref_slice %arg10[%squeeze3A_394, %get3A_1227] : memref<32x768xf32, #tpu.memory_space<vmem>> -> memref<1x768xf32, #tpu.memory_space<vmem>>
        %get3A_1229 = tpu.memref_squeeze %get3A_1228 : memref<1x768xf32, #tpu.memory_space<vmem>> -> memref<768xf32, #tpu.memory_space<vmem>>
        %get3A_1230 = arith.index_cast %mul3A_1107 : i32 to index
        %get3A_1231 = tpu.vector_load %get3A_1229[%get3A_1230] {strides = array<i32>} : memref<768xf32, #tpu.memory_space<vmem>>, vector<16xf32>,
        %get3A_1232 = vector.shape_cast %get3A_1231 : vector<16xf32> to vector<16xf32>
        %swap3A_1233 = arith.constant 10 : i32
        %swap3A_1234 = arith.index_cast %swap3A_1233 : i32 to index
        %swap3A_1235 = arith.index_cast %mul3A_1107 : i32 to index
        %swap3A_1236 = tpu.vector_load %arg13[%swap3A_1234, %swap3A_1235] {strides = array<i32>} : memref<16x768xf32, #tpu.memory_space<vmem>>, vector<1x16xf32>,
        %swap3A_1237 = vector.shape_cast %swap3A_1236 : vector<1x16xf32> to vector<16xf32>
        %swap3A_1238 = vector.shape_cast %get3A_1232 : vector<16xf32> to vector<1x16xf32>
        tpu.vector_store %arg13[%swap3A_1234, %swap3A_1235], %swap3A_1238 {add = true, strides = array<i32>} : memref<16x768xf32, #tpu.memory_space<vmem>>, vector<1x16xf32>,
        %get3A_1239 = arith.constant 0 : i32
        %get3A_1240 = tpu.memref_slice %arg10[%squeeze3A_396, %get3A_1239] : memref<32x768xf32, #tpu.memory_space<vmem>> -> memref<1x768xf32, #tpu.memory_space<vmem>>
        %get3A_1241 = tpu.memref_squeeze %get3A_1240 : memref<1x768xf32, #tpu.memory_space<vmem>> -> memref<768xf32, #tpu.memory_space<vmem>>
        %get3A_1242 = arith.index_cast %mul3A_1107 : i32 to index
        %get3A_1243 = tpu.vector_load %get3A_1241[%get3A_1242] {strides = array<i32>} : memref<768xf32, #tpu.memory_space<vmem>>, vector<16xf32>,
        %get3A_1244 = vector.shape_cast %get3A_1243 : vector<16xf32> to vector<16xf32>
        %swap3A_1245 = arith.constant 11 : i32
        %swap3A_1246 = arith.index_cast %swap3A_1245 : i32 to index
        %swap3A_1247 = arith.index_cast %mul3A_1107 : i32 to index
        %swap3A_1248 = tpu.vector_load %arg13[%swap3A_1246, %swap3A_1247] {strides = array<i32>} : memref<16x768xf32, #tpu.memory_space<vmem>>, vector<1x16xf32>,
        %swap3A_1249 = vector.shape_cast %swap3A_1248 : vector<1x16xf32> to vector<16xf32>
        %swap3A_1250 = vector.shape_cast %get3A_1244 : vector<16xf32> to vector<1x16xf32>
        tpu.vector_store %arg13[%swap3A_1246, %swap3A_1247], %swap3A_1250 {add = true, strides = array<i32>} : memref<16x768xf32, #tpu.memory_space<vmem>>, vector<1x16xf32>,
        %get3A_1251 = arith.constant 0 : i32
        %get3A_1252 = tpu.memref_slice %arg10[%squeeze3A_398, %get3A_1251] : memref<32x768xf32, #tpu.memory_space<vmem>> -> memref<1x768xf32, #tpu.memory_space<vmem>>
        %get3A_1253 = tpu.memref_squeeze %get3A_1252 : memref<1x768xf32, #tpu.memory_space<vmem>> -> memref<768xf32, #tpu.memory_space<vmem>>
        %get3A_1254 = arith.index_cast %mul3A_1107 : i32 to index
        %get3A_1255 = tpu.vector_load %get3A_1253[%get3A_1254] {strides = array<i32>} : memref<768xf32, #tpu.memory_space<vmem>>, vector<16xf32>,
        %get3A_1256 = vector.shape_cast %get3A_1255 : vector<16xf32> to vector<16xf32>
        %swap3A_1257 = arith.constant 12 : i32
        %swap3A_1258 = arith.index_cast %swap3A_1257 : i32 to index
        %swap3A_1259 = arith.index_cast %mul3A_1107 : i32 to index
        %swap3A_1260 = tpu.vector_load %arg13[%swap3A_1258, %swap3A_1259] {strides = array<i32>} : memref<16x768xf32, #tpu.memory_space<vmem>>, vector<1x16xf32>,
        %swap3A_1261 = vector.shape_cast %swap3A_1260 : vector<1x16xf32> to vector<16xf32>
        %swap3A_1262 = vector.shape_cast %get3A_1256 : vector<16xf32> to vector<1x16xf32>
        tpu.vector_store %arg13[%swap3A_1258, %swap3A_1259], %swap3A_1262 {add = true, strides = array<i32>} : memref<16x768xf32, #tpu.memory_space<vmem>>, vector<1x16xf32>,
        %get3A_1263 = arith.constant 0 : i32
        %get3A_1264 = tpu.memref_slice %arg10[%squeeze3A_400, %get3A_1263] : memref<32x768xf32, #tpu.memory_space<vmem>> -> memref<1x768xf32, #tpu.memory_space<vmem>>
        %get3A_1265 = tpu.memref_squeeze %get3A_1264 : memref<1x768xf32, #tpu.memory_space<vmem>> -> memref<768xf32, #tpu.memory_space<vmem>>
        %get3A_1266 = arith.index_cast %mul3A_1107 : i32 to index
        %get3A_1267 = tpu.vector_load %get3A_1265[%get3A_1266] {strides = array<i32>} : memref<768xf32, #tpu.memory_space<vmem>>, vector<16xf32>,
        %get3A_1268 = vector.shape_cast %get3A_1267 : vector<16xf32> to vector<16xf32>
        %swap3A_1269 = arith.constant 13 : i32
        %swap3A_1270 = arith.index_cast %swap3A_1269 : i32 to index
        %swap3A_1271 = arith.index_cast %mul3A_1107 : i32 to index
        %swap3A_1272 = tpu.vector_load %arg13[%swap3A_1270, %swap3A_1271] {strides = array<i32>} : memref<16x768xf32, #tpu.memory_space<vmem>>, vector<1x16xf32>,
        %swap3A_1273 = vector.shape_cast %swap3A_1272 : vector<1x16xf32> to vector<16xf32>
        %swap3A_1274 = vector.shape_cast %get3A_1268 : vector<16xf32> to vector<1x16xf32>
        tpu.vector_store %arg13[%swap3A_1270, %swap3A_1271], %swap3A_1274 {add = true, strides = array<i32>} : memref<16x768xf32, #tpu.memory_space<vmem>>, vector<1x16xf32>,
        %get3A_1275 = arith.constant 0 : i32
        %get3A_1276 = tpu.memref_slice %arg10[%squeeze3A_402, %get3A_1275] : memref<32x768xf32, #tpu.memory_space<vmem>> -> memref<1x768xf32, #tpu.memory_space<vmem>>
        %get3A_1277 = tpu.memref_squeeze %get3A_1276 : memref<1x768xf32, #tpu.memory_space<vmem>> -> memref<768xf32, #tpu.memory_space<vmem>>
        %get3A_1278 = arith.index_cast %mul3A_1107 : i32 to index
        %get3A_1279 = tpu.vector_load %get3A_1277[%get3A_1278] {strides = array<i32>} : memref<768xf32, #tpu.memory_space<vmem>>, vector<16xf32>,
        %get3A_1280 = vector.shape_cast %get3A_1279 : vector<16xf32> to vector<16xf32>
        %swap3A_1281 = arith.constant 14 : i32
        %swap3A_1282 = arith.index_cast %swap3A_1281 : i32 to index
        %swap3A_1283 = arith.index_cast %mul3A_1107 : i32 to index
        %swap3A_1284 = tpu.vector_load %arg13[%swap3A_1282, %swap3A_1283] {strides = array<i32>} : memref<16x768xf32, #tpu.memory_space<vmem>>, vector<1x16xf32>,
        %swap3A_1285 = vector.shape_cast %swap3A_1284 : vector<1x16xf32> to vector<16xf32>
        %swap3A_1286 = vector.shape_cast %get3A_1280 : vector<16xf32> to vector<1x16xf32>
        tpu.vector_store %arg13[%swap3A_1282, %swap3A_1283], %swap3A_1286 {add = true, strides = array<i32>} : memref<16x768xf32, #tpu.memory_space<vmem>>, vector<1x16xf32>,
        %get3A_1287 = arith.constant 0 : i32
        %get3A_1288 = tpu.memref_slice %arg10[%squeeze3A_404, %get3A_1287] : memref<32x768xf32, #tpu.memory_space<vmem>> -> memref<1x768xf32, #tpu.memory_space<vmem>>
        %get3A_1289 = tpu.memref_squeeze %get3A_1288 : memref<1x768xf32, #tpu.memory_space<vmem>> -> memref<768xf32, #tpu.memory_space<vmem>>
        %get3A_1290 = arith.index_cast %mul3A_1107 : i32 to index
        %get3A_1291 = tpu.vector_load %get3A_1289[%get3A_1290] {strides = array<i32>} : memref<768xf32, #tpu.memory_space<vmem>>, vector<16xf32>,
        %get3A_1292 = vector.shape_cast %get3A_1291 : vector<16xf32> to vector<16xf32>
        %swap3A_1293 = arith.constant 15 : i32
        %swap3A_1294 = arith.index_cast %swap3A_1293 : i32 to index
        %swap3A_1295 = arith.index_cast %mul3A_1107 : i32 to index
        %swap3A_1296 = tpu.vector_load %arg13[%swap3A_1294, %swap3A_1295] {strides = array<i32>} : memref<16x768xf32, #tpu.memory_space<vmem>>, vector<1x16xf32>,
        %swap3A_1297 = vector.shape_cast %swap3A_1296 : vector<1x16xf32> to vector<16xf32>
        %swap3A_1298 = vector.shape_cast %get3A_1292 : vector<16xf32> to vector<1x16xf32>
        tpu.vector_store %arg13[%swap3A_1294, %swap3A_1295], %swap3A_1298 {add = true, strides = array<i32>} : memref<16x768xf32, #tpu.memory_space<vmem>>, vector<1x16xf32>,
      }
      %scan3A_410 = arith.constant 48 : i32
      %mul3A_411 = arith.constant 2 : i32
      %mul3A_412 = arith.muli %mul3A_411, %add3A : i32
      %add3A_413 = arith.constant 0 : i32
      %add3A_414 = arith.addi %mul3A_412, %add3A_413 : i32
      %dma_start3A_415 = arith.constant 0 : i32
      %dma_start3A_416 = arith.constant 0 : i32
      %dma_start3A_417 = arith.constant 0 : i32
      %dma_start3A_418 = tpu.memref_slice %arg13[%dma_start3A_416, %dma_start3A_417] : memref<16x768xf32, #tpu.memory_space<vmem>> -> memref<8x128xf32, #tpu.memory_space<vmem>>
      %dma_start3A_419 = arith.constant 0 : i32
      %dma_start3A_420 = arith.constant 0 : i32
      %dma_start3A_421 = tpu.memref_slice %arg7[%add3A_349, %add3A_414, %dma_start3A_415, %dma_start3A_419, %dma_start3A_420] : memref<1024x64x6x8x128xf32, #tpu.memory_space<hbm>> -> memref<1x1x1x8x128xf32, #tpu.memory_space<hbm>>
      %dma_start3A_422 = tpu.memref_squeeze %dma_start3A_421 : memref<1x1x1x8x128xf32, #tpu.memory_space<hbm>> -> memref<8x128xf32, #tpu.memory_space<hbm>>
      %dma_start3A_423 = arith.constant 0 : i32
      %dma_start3A_424 = arith.constant 0 : i32
      %dma_start3A_425 = tpu.memref_slice %arg7[%add3A_349, %add3A_414, %dma_start3A_415, %dma_start3A_423, %dma_start3A_424] : memref<1024x64x6x8x128xf32, #tpu.memory_space<hbm>> -> memref<1x1x1x8x128xf32, #tpu.memory_space<hbm>>
      %dma_start3A_426 = tpu.memref_squeeze %dma_start3A_425 : memref<1x1x1x8x128xf32, #tpu.memory_space<hbm>> -> memref<8x128xf32, #tpu.memory_space<hbm>>
      %dma_start3A_427 = arith.constant 0 : i32
      %dma_start3A_428 = arith.constant 0 : i32
      %dma_start3A_429 = tpu.memref_slice %arg13[%dma_start3A_427, %dma_start3A_428] : memref<16x768xf32, #tpu.memory_space<vmem>> -> memref<8x128xf32, #tpu.memory_space<vmem>>
      tpu.enqueue_dma source(%dma_start3A_429 : memref<8x128xf32, #tpu.memory_space<vmem>>) target(%dma_start3A_426 : memref<8x128xf32, #tpu.memory_space<hbm>>) target_semaphore(%arg21 : memref<!tpu.dma_semaphore, #tpu.memory_space<semaphore_mem>>)
      %dma_start3A_430 = arith.constant 1 : i32
      %dma_start3A_431 = arith.constant 0 : i32
      %dma_start3A_432 = arith.constant 128 : i32
      %dma_start3A_433 = tpu.memref_slice %arg13[%dma_start3A_431, %dma_start3A_432] : memref<16x768xf32, #tpu.memory_space<vmem>> -> memref<8x128xf32, #tpu.memory_space<vmem>>
      %dma_start3A_434 = arith.constant 0 : i32
      %dma_start3A_435 = arith.constant 0 : i32
      %dma_start3A_436 = tpu.memref_slice %arg7[%add3A_349, %add3A_414, %dma_start3A_430, %dma_start3A_434, %dma_start3A_435] : memref<1024x64x6x8x128xf32, #tpu.memory_space<hbm>> -> memref<1x1x1x8x128xf32, #tpu.memory_space<hbm>>
      %dma_start3A_437 = tpu.memref_squeeze %dma_start3A_436 : memref<1x1x1x8x128xf32, #tpu.memory_space<hbm>> -> memref<8x128xf32, #tpu.memory_space<hbm>>
      %dma_start3A_438 = arith.constant 0 : i32
      %dma_start3A_439 = arith.constant 0 : i32
      %dma_start3A_440 = tpu.memref_slice %arg7[%add3A_349, %add3A_414, %dma_start3A_430, %dma_start3A_438, %dma_start3A_439] : memref<1024x64x6x8x128xf32, #tpu.memory_space<hbm>> -> memref<1x1x1x8x128xf32, #tpu.memory_space<hbm>>
      %dma_start3A_441 = tpu.memref_squeeze %dma_start3A_440 : memref<1x1x1x8x128xf32, #tpu.memory_space<hbm>> -> memref<8x128xf32, #tpu.memory_space<hbm>>
      %dma_start3A_442 = arith.constant 0 : i32
      %dma_start3A_443 = arith.constant 128 : i32
      %dma_start3A_444 = tpu.memref_slice %arg13[%dma_start3A_442, %dma_start3A_443] : memref<16x768xf32, #tpu.memory_space<vmem>> -> memref<8x128xf32, #tpu.memory_space<vmem>>
      tpu.enqueue_dma source(%dma_start3A_444 : memref<8x128xf32, #tpu.memory_space<vmem>>) target(%dma_start3A_441 : memref<8x128xf32, #tpu.memory_space<hbm>>) target_semaphore(%arg21 : memref<!tpu.dma_semaphore, #tpu.memory_space<semaphore_mem>>)
      %dma_start3A_445 = arith.constant 2 : i32
      %dma_start3A_446 = arith.constant 0 : i32
      %dma_start3A_447 = arith.constant 256 : i32
      %dma_start3A_448 = tpu.memref_slice %arg13[%dma_start3A_446, %dma_start3A_447] : memref<16x768xf32, #tpu.memory_space<vmem>> -> memref<8x128xf32, #tpu.memory_space<vmem>>
      %dma_start3A_449 = arith.constant 0 : i32
      %dma_start3A_450 = arith.constant 0 : i32
      %dma_start3A_451 = tpu.memref_slice %arg7[%add3A_349, %add3A_414, %dma_start3A_445, %dma_start3A_449, %dma_start3A_450] : memref<1024x64x6x8x128xf32, #tpu.memory_space<hbm>> -> memref<1x1x1x8x128xf32, #tpu.memory_space<hbm>>
      %dma_start3A_452 = tpu.memref_squeeze %dma_start3A_451 : memref<1x1x1x8x128xf32, #tpu.memory_space<hbm>> -> memref<8x128xf32, #tpu.memory_space<hbm>>
      %dma_start3A_453 = arith.constant 0 : i32
      %dma_start3A_454 = arith.constant 0 : i32
      %dma_start3A_455 = tpu.memref_slice %arg7[%add3A_349, %add3A_414, %dma_start3A_445, %dma_start3A_453, %dma_start3A_454] : memref<1024x64x6x8x128xf32, #tpu.memory_space<hbm>> -> memref<1x1x1x8x128xf32, #tpu.memory_space<hbm>>
      %dma_start3A_456 = tpu.memref_squeeze %dma_start3A_455 : memref<1x1x1x8x128xf32, #tpu.memory_space<hbm>> -> memref<8x128xf32, #tpu.memory_space<hbm>>
      %dma_start3A_457 = arith.constant 0 : i32
      %dma_start3A_458 = arith.constant 256 : i32
      %dma_start3A_459 = tpu.memref_slice %arg13[%dma_start3A_457, %dma_start3A_458] : memref<16x768xf32, #tpu.memory_space<vmem>> -> memref<8x128xf32, #tpu.memory_space<vmem>>
      tpu.enqueue_dma source(%dma_start3A_459 : memref<8x128xf32, #tpu.memory_space<vmem>>) target(%dma_start3A_456 : memref<8x128xf32, #tpu.memory_space<hbm>>) target_semaphore(%arg21 : memref<!tpu.dma_semaphore, #tpu.memory_space<semaphore_mem>>)
      %dma_start3A_460 = arith.constant 3 : i32
      %dma_start3A_461 = arith.constant 0 : i32
      %dma_start3A_462 = arith.constant 384 : i32
      %dma_start3A_463 = tpu.memref_slice %arg13[%dma_start3A_461, %dma_start3A_462] : memref<16x768xf32, #tpu.memory_space<vmem>> -> memref<8x128xf32, #tpu.memory_space<vmem>>
      %dma_start3A_464 = arith.constant 0 : i32
      %dma_start3A_465 = arith.constant 0 : i32
      %dma_start3A_466 = tpu.memref_slice %arg7[%add3A_349, %add3A_414, %dma_start3A_460, %dma_start3A_464, %dma_start3A_465] : memref<1024x64x6x8x128xf32, #tpu.memory_space<hbm>> -> memref<1x1x1x8x128xf32, #tpu.memory_space<hbm>>
      %dma_start3A_467 = tpu.memref_squeeze %dma_start3A_466 : memref<1x1x1x8x128xf32, #tpu.memory_space<hbm>> -> memref<8x128xf32, #tpu.memory_space<hbm>>
      %dma_start3A_468 = arith.constant 0 : i32
      %dma_start3A_469 = arith.constant 0 : i32
      %dma_start3A_470 = tpu.memref_slice %arg7[%add3A_349, %add3A_414, %dma_start3A_460, %dma_start3A_468, %dma_start3A_469] : memref<1024x64x6x8x128xf32, #tpu.memory_space<hbm>> -> memref<1x1x1x8x128xf32, #tpu.memory_space<hbm>>
      %dma_start3A_471 = tpu.memref_squeeze %dma_start3A_470 : memref<1x1x1x8x128xf32, #tpu.memory_space<hbm>> -> memref<8x128xf32, #tpu.memory_space<hbm>>
      %dma_start3A_472 = arith.constant 0 : i32
      %dma_start3A_473 = arith.constant 384 : i32
      %dma_start3A_474 = tpu.memref_slice %arg13[%dma_start3A_472, %dma_start3A_473] : memref<16x768xf32, #tpu.memory_space<vmem>> -> memref<8x128xf32, #tpu.memory_space<vmem>>
      tpu.enqueue_dma source(%dma_start3A_474 : memref<8x128xf32, #tpu.memory_space<vmem>>) target(%dma_start3A_471 : memref<8x128xf32, #tpu.memory_space<hbm>>) target_semaphore(%arg21 : memref<!tpu.dma_semaphore, #tpu.memory_space<semaphore_mem>>)
      %dma_start3A_475 = arith.constant 4 : i32
      %dma_start3A_476 = arith.constant 0 : i32
      %dma_start3A_477 = arith.constant 512 : i32
      %dma_start3A_478 = tpu.memref_slice %arg13[%dma_start3A_476, %dma_start3A_477] : memref<16x768xf32, #tpu.memory_space<vmem>> -> memref<8x128xf32, #tpu.memory_space<vmem>>
      %dma_start3A_479 = arith.constant 0 : i32
      %dma_start3A_480 = arith.constant 0 : i32
      %dma_start3A_481 = tpu.memref_slice %arg7[%add3A_349, %add3A_414, %dma_start3A_475, %dma_start3A_479, %dma_start3A_480] : memref<1024x64x6x8x128xf32, #tpu.memory_space<hbm>> -> memref<1x1x1x8x128xf32, #tpu.memory_space<hbm>>
      %dma_start3A_482 = tpu.memref_squeeze %dma_start3A_481 : memref<1x1x1x8x128xf32, #tpu.memory_space<hbm>> -> memref<8x128xf32, #tpu.memory_space<hbm>>
      %dma_start3A_483 = arith.constant 0 : i32
      %dma_start3A_484 = arith.constant 0 : i32
      %dma_start3A_485 = tpu.memref_slice %arg7[%add3A_349, %add3A_414, %dma_start3A_475, %dma_start3A_483, %dma_start3A_484] : memref<1024x64x6x8x128xf32, #tpu.memory_space<hbm>> -> memref<1x1x1x8x128xf32, #tpu.memory_space<hbm>>
      %dma_start3A_486 = tpu.memref_squeeze %dma_start3A_485 : memref<1x1x1x8x128xf32, #tpu.memory_space<hbm>> -> memref<8x128xf32, #tpu.memory_space<hbm>>
      %dma_start3A_487 = arith.constant 0 : i32
      %dma_start3A_488 = arith.constant 512 : i32
      %dma_start3A_489 = tpu.memref_slice %arg13[%dma_start3A_487, %dma_start3A_488] : memref<16x768xf32, #tpu.memory_space<vmem>> -> memref<8x128xf32, #tpu.memory_space<vmem>>
      tpu.enqueue_dma source(%dma_start3A_489 : memref<8x128xf32, #tpu.memory_space<vmem>>) target(%dma_start3A_486 : memref<8x128xf32, #tpu.memory_space<hbm>>) target_semaphore(%arg21 : memref<!tpu.dma_semaphore, #tpu.memory_space<semaphore_mem>>)
      %dma_start3A_490 = arith.constant 5 : i32
      %dma_start3A_491 = arith.constant 0 : i32
      %dma_start3A_492 = arith.constant 640 : i32
      %dma_start3A_493 = tpu.memref_slice %arg13[%dma_start3A_491, %dma_start3A_492] : memref<16x768xf32, #tpu.memory_space<vmem>> -> memref<8x128xf32, #tpu.memory_space<vmem>>
      %dma_start3A_494 = arith.constant 0 : i32
      %dma_start3A_495 = arith.constant 0 : i32
      %dma_start3A_496 = tpu.memref_slice %arg7[%add3A_349, %add3A_414, %dma_start3A_490, %dma_start3A_494, %dma_start3A_495] : memref<1024x64x6x8x128xf32, #tpu.memory_space<hbm>> -> memref<1x1x1x8x128xf32, #tpu.memory_space<hbm>>
      %dma_start3A_497 = tpu.memref_squeeze %dma_start3A_496 : memref<1x1x1x8x128xf32, #tpu.memory_space<hbm>> -> memref<8x128xf32, #tpu.memory_space<hbm>>
      %dma_start3A_498 = arith.constant 0 : i32
      %dma_start3A_499 = arith.constant 0 : i32
      %dma_start3A_500 = tpu.memref_slice %arg7[%add3A_349, %add3A_414, %dma_start3A_490, %dma_start3A_498, %dma_start3A_499] : memref<1024x64x6x8x128xf32, #tpu.memory_space<hbm>> -> memref<1x1x1x8x128xf32, #tpu.memory_space<hbm>>
      %dma_start3A_501 = tpu.memref_squeeze %dma_start3A_500 : memref<1x1x1x8x128xf32, #tpu.memory_space<hbm>> -> memref<8x128xf32, #tpu.memory_space<hbm>>
      %dma_start3A_502 = arith.constant 0 : i32
      %dma_start3A_503 = arith.constant 640 : i32
      %dma_start3A_504 = tpu.memref_slice %arg13[%dma_start3A_502, %dma_start3A_503] : memref<16x768xf32, #tpu.memory_space<vmem>> -> memref<8x128xf32, #tpu.memory_space<vmem>>
      tpu.enqueue_dma source(%dma_start3A_504 : memref<8x128xf32, #tpu.memory_space<vmem>>) target(%dma_start3A_501 : memref<8x128xf32, #tpu.memory_space<hbm>>) target_semaphore(%arg21 : memref<!tpu.dma_semaphore, #tpu.memory_space<semaphore_mem>>)
      %mul3A_505 = arith.constant 2 : i32
      %mul3A_506 = arith.muli %mul3A_505, %add3A : i32
      %add3A_507 = arith.constant 1 : i32
      %add3A_508 = arith.addi %mul3A_506, %add3A_507 : i32
      %dma_start3A_509 = arith.constant 0 : i32
      %dma_start3A_510 = arith.constant 8 : i32
      %dma_start3A_511 = arith.constant 0 : i32
      %dma_start3A_512 = tpu.memref_slice %arg13[%dma_start3A_510, %dma_start3A_511] : memref<16x768xf32, #tpu.memory_space<vmem>> -> memref<8x128xf32, #tpu.memory_space<vmem>>
      %dma_start3A_513 = arith.constant 0 : i32
      %dma_start3A_514 = arith.constant 0 : i32
      %dma_start3A_515 = tpu.memref_slice %arg7[%add3A_349, %add3A_508, %dma_start3A_509, %dma_start3A_513, %dma_start3A_514] : memref<1024x64x6x8x128xf32, #tpu.memory_space<hbm>> -> memref<1x1x1x8x128xf32, #tpu.memory_space<hbm>>
      %dma_start3A_516 = tpu.memref_squeeze %dma_start3A_515 : memref<1x1x1x8x128xf32, #tpu.memory_space<hbm>> -> memref<8x128xf32, #tpu.memory_space<hbm>>
      %dma_start3A_517 = arith.constant 0 : i32
      %dma_start3A_518 = arith.constant 0 : i32
      %dma_start3A_519 = tpu.memref_slice %arg7[%add3A_349, %add3A_508, %dma_start3A_509, %dma_start3A_517, %dma_start3A_518] : memref<1024x64x6x8x128xf32, #tpu.memory_space<hbm>> -> memref<1x1x1x8x128xf32, #tpu.memory_space<hbm>>
      %dma_start3A_520 = tpu.memref_squeeze %dma_start3A_519 : memref<1x1x1x8x128xf32, #tpu.memory_space<hbm>> -> memref<8x128xf32, #tpu.memory_space<hbm>>
      %dma_start3A_521 = arith.constant 8 : i32
      %dma_start3A_522 = arith.constant 0 : i32
      %dma_start3A_523 = tpu.memref_slice %arg13[%dma_start3A_521, %dma_start3A_522] : memref<16x768xf32, #tpu.memory_space<vmem>> -> memref<8x128xf32, #tpu.memory_space<vmem>>
      tpu.enqueue_dma source(%dma_start3A_523 : memref<8x128xf32, #tpu.memory_space<vmem>>) target(%dma_start3A_520 : memref<8x128xf32, #tpu.memory_space<hbm>>) target_semaphore(%arg21 : memref<!tpu.dma_semaphore, #tpu.memory_space<semaphore_mem>>)
      %dma_start3A_524 = arith.constant 1 : i32
      %dma_start3A_525 = arith.constant 8 : i32
      %dma_start3A_526 = arith.constant 128 : i32
      %dma_start3A_527 = tpu.memref_slice %arg13[%dma_start3A_525, %dma_start3A_526] : memref<16x768xf32, #tpu.memory_space<vmem>> -> memref<8x128xf32, #tpu.memory_space<vmem>>
      %dma_start3A_528 = arith.constant 0 : i32
      %dma_start3A_529 = arith.constant 0 : i32
      %dma_start3A_530 = tpu.memref_slice %arg7[%add3A_349, %add3A_508, %dma_start3A_524, %dma_start3A_528, %dma_start3A_529] : memref<1024x64x6x8x128xf32, #tpu.memory_space<hbm>> -> memref<1x1x1x8x128xf32, #tpu.memory_space<hbm>>
      %dma_start3A_531 = tpu.memref_squeeze %dma_start3A_530 : memref<1x1x1x8x128xf32, #tpu.memory_space<hbm>> -> memref<8x128xf32, #tpu.memory_space<hbm>>
      %dma_start3A_532 = arith.constant 0 : i32
      %dma_start3A_533 = arith.constant 0 : i32
      %dma_start3A_534 = tpu.memref_slice %arg7[%add3A_349, %add3A_508, %dma_start3A_524, %dma_start3A_532, %dma_start3A_533] : memref<1024x64x6x8x128xf32, #tpu.memory_space<hbm>> -> memref<1x1x1x8x128xf32, #tpu.memory_space<hbm>>
      %dma_start3A_535 = tpu.memref_squeeze %dma_start3A_534 : memref<1x1x1x8x128xf32, #tpu.memory_space<hbm>> -> memref<8x128xf32, #tpu.memory_space<hbm>>
      %dma_start3A_536 = arith.constant 8 : i32
      %dma_start3A_537 = arith.constant 128 : i32
      %dma_start3A_538 = tpu.memref_slice %arg13[%dma_start3A_536, %dma_start3A_537] : memref<16x768xf32, #tpu.memory_space<vmem>> -> memref<8x128xf32, #tpu.memory_space<vmem>>
      tpu.enqueue_dma source(%dma_start3A_538 : memref<8x128xf32, #tpu.memory_space<vmem>>) target(%dma_start3A_535 : memref<8x128xf32, #tpu.memory_space<hbm>>) target_semaphore(%arg21 : memref<!tpu.dma_semaphore, #tpu.memory_space<semaphore_mem>>)
      %dma_start3A_539 = arith.constant 2 : i32
      %dma_start3A_540 = arith.constant 8 : i32
      %dma_start3A_541 = arith.constant 256 : i32
      %dma_start3A_542 = tpu.memref_slice %arg13[%dma_start3A_540, %dma_start3A_541] : memref<16x768xf32, #tpu.memory_space<vmem>> -> memref<8x128xf32, #tpu.memory_space<vmem>>
      %dma_start3A_543 = arith.constant 0 : i32
      %dma_start3A_544 = arith.constant 0 : i32
      %dma_start3A_545 = tpu.memref_slice %arg7[%add3A_349, %add3A_508, %dma_start3A_539, %dma_start3A_543, %dma_start3A_544] : memref<1024x64x6x8x128xf32, #tpu.memory_space<hbm>> -> memref<1x1x1x8x128xf32, #tpu.memory_space<hbm>>
      %dma_start3A_546 = tpu.memref_squeeze %dma_start3A_545 : memref<1x1x1x8x128xf32, #tpu.memory_space<hbm>> -> memref<8x128xf32, #tpu.memory_space<hbm>>
      %dma_start3A_547 = arith.constant 0 : i32
      %dma_start3A_548 = arith.constant 0 : i32
      %dma_start3A_549 = tpu.memref_slice %arg7[%add3A_349, %add3A_508, %dma_start3A_539, %dma_start3A_547, %dma_start3A_548] : memref<1024x64x6x8x128xf32, #tpu.memory_space<hbm>> -> memref<1x1x1x8x128xf32, #tpu.memory_space<hbm>>
      %dma_start3A_550 = tpu.memref_squeeze %dma_start3A_549 : memref<1x1x1x8x128xf32, #tpu.memory_space<hbm>> -> memref<8x128xf32, #tpu.memory_space<hbm>>
      %dma_start3A_551 = arith.constant 8 : i32
      %dma_start3A_552 = arith.constant 256 : i32
      %dma_start3A_553 = tpu.memref_slice %arg13[%dma_start3A_551, %dma_start3A_552] : memref<16x768xf32, #tpu.memory_space<vmem>> -> memref<8x128xf32, #tpu.memory_space<vmem>>
      tpu.enqueue_dma source(%dma_start3A_553 : memref<8x128xf32, #tpu.memory_space<vmem>>) target(%dma_start3A_550 : memref<8x128xf32, #tpu.memory_space<hbm>>) target_semaphore(%arg21 : memref<!tpu.dma_semaphore, #tpu.memory_space<semaphore_mem>>)
      %dma_start3A_554 = arith.constant 3 : i32
      %dma_start3A_555 = arith.constant 8 : i32
      %dma_start3A_556 = arith.constant 384 : i32
      %dma_start3A_557 = tpu.memref_slice %arg13[%dma_start3A_555, %dma_start3A_556] : memref<16x768xf32, #tpu.memory_space<vmem>> -> memref<8x128xf32, #tpu.memory_space<vmem>>
      %dma_start3A_558 = arith.constant 0 : i32
      %dma_start3A_559 = arith.constant 0 : i32
      %dma_start3A_560 = tpu.memref_slice %arg7[%add3A_349, %add3A_508, %dma_start3A_554, %dma_start3A_558, %dma_start3A_559] : memref<1024x64x6x8x128xf32, #tpu.memory_space<hbm>> -> memref<1x1x1x8x128xf32, #tpu.memory_space<hbm>>
      %dma_start3A_561 = tpu.memref_squeeze %dma_start3A_560 : memref<1x1x1x8x128xf32, #tpu.memory_space<hbm>> -> memref<8x128xf32, #tpu.memory_space<hbm>>
      %dma_start3A_562 = arith.constant 0 : i32
      %dma_start3A_563 = arith.constant 0 : i32
      %dma_start3A_564 = tpu.memref_slice %arg7[%add3A_349, %add3A_508, %dma_start3A_554, %dma_start3A_562, %dma_start3A_563] : memref<1024x64x6x8x128xf32, #tpu.memory_space<hbm>> -> memref<1x1x1x8x128xf32, #tpu.memory_space<hbm>>
      %dma_start3A_565 = tpu.memref_squeeze %dma_start3A_564 : memref<1x1x1x8x128xf32, #tpu.memory_space<hbm>> -> memref<8x128xf32, #tpu.memory_space<hbm>>
      %dma_start3A_566 = arith.constant 8 : i32
      %dma_start3A_567 = arith.constant 384 : i32
      %dma_start3A_568 = tpu.memref_slice %arg13[%dma_start3A_566, %dma_start3A_567] : memref<16x768xf32, #tpu.memory_space<vmem>> -> memref<8x128xf32, #tpu.memory_space<vmem>>
      tpu.enqueue_dma source(%dma_start3A_568 : memref<8x128xf32, #tpu.memory_space<vmem>>) target(%dma_start3A_565 : memref<8x128xf32, #tpu.memory_space<hbm>>) target_semaphore(%arg21 : memref<!tpu.dma_semaphore, #tpu.memory_space<semaphore_mem>>)
      %dma_start3A_569 = arith.constant 4 : i32
      %dma_start3A_570 = arith.constant 8 : i32
      %dma_start3A_571 = arith.constant 512 : i32
      %dma_start3A_572 = tpu.memref_slice %arg13[%dma_start3A_570, %dma_start3A_571] : memref<16x768xf32, #tpu.memory_space<vmem>> -> memref<8x128xf32, #tpu.memory_space<vmem>>
      %dma_start3A_573 = arith.constant 0 : i32
      %dma_start3A_574 = arith.constant 0 : i32
      %dma_start3A_575 = tpu.memref_slice %arg7[%add3A_349, %add3A_508, %dma_start3A_569, %dma_start3A_573, %dma_start3A_574] : memref<1024x64x6x8x128xf32, #tpu.memory_space<hbm>> -> memref<1x1x1x8x128xf32, #tpu.memory_space<hbm>>
      %dma_start3A_576 = tpu.memref_squeeze %dma_start3A_575 : memref<1x1x1x8x128xf32, #tpu.memory_space<hbm>> -> memref<8x128xf32, #tpu.memory_space<hbm>>
      %dma_start3A_577 = arith.constant 0 : i32
      %dma_start3A_578 = arith.constant 0 : i32
      %dma_start3A_579 = tpu.memref_slice %arg7[%add3A_349, %add3A_508, %dma_start3A_569, %dma_start3A_577, %dma_start3A_578] : memref<1024x64x6x8x128xf32, #tpu.memory_space<hbm>> -> memref<1x1x1x8x128xf32, #tpu.memory_space<hbm>>
      %dma_start3A_580 = tpu.memref_squeeze %dma_start3A_579 : memref<1x1x1x8x128xf32, #tpu.memory_space<hbm>> -> memref<8x128xf32, #tpu.memory_space<hbm>>
      %dma_start3A_581 = arith.constant 8 : i32
      %dma_start3A_582 = arith.constant 512 : i32
      %dma_start3A_583 = tpu.memref_slice %arg13[%dma_start3A_581, %dma_start3A_582] : memref<16x768xf32, #tpu.memory_space<vmem>> -> memref<8x128xf32, #tpu.memory_space<vmem>>
      tpu.enqueue_dma source(%dma_start3A_583 : memref<8x128xf32, #tpu.memory_space<vmem>>) target(%dma_start3A_580 : memref<8x128xf32, #tpu.memory_space<hbm>>) target_semaphore(%arg21 : memref<!tpu.dma_semaphore, #tpu.memory_space<semaphore_mem>>)
      %dma_start3A_584 = arith.constant 5 : i32
      %dma_start3A_585 = arith.constant 8 : i32
      %dma_start3A_586 = arith.constant 640 : i32
      %dma_start3A_587 = tpu.memref_slice %arg13[%dma_start3A_585, %dma_start3A_586] : memref<16x768xf32, #tpu.memory_space<vmem>> -> memref<8x128xf32, #tpu.memory_space<vmem>>
      %dma_start3A_588 = arith.constant 0 : i32
      %dma_start3A_589 = arith.constant 0 : i32
      %dma_start3A_590 = tpu.memref_slice %arg7[%add3A_349, %add3A_508, %dma_start3A_584, %dma_start3A_588, %dma_start3A_589] : memref<1024x64x6x8x128xf32, #tpu.memory_space<hbm>> -> memref<1x1x1x8x128xf32, #tpu.memory_space<hbm>>
      %dma_start3A_591 = tpu.memref_squeeze %dma_start3A_590 : memref<1x1x1x8x128xf32, #tpu.memory_space<hbm>> -> memref<8x128xf32, #tpu.memory_space<hbm>>
      %dma_start3A_592 = arith.constant 0 : i32
      %dma_start3A_593 = arith.constant 0 : i32
      %dma_start3A_594 = tpu.memref_slice %arg7[%add3A_349, %add3A_508, %dma_start3A_584, %dma_start3A_592, %dma_start3A_593] : memref<1024x64x6x8x128xf32, #tpu.memory_space<hbm>> -> memref<1x1x1x8x128xf32, #tpu.memory_space<hbm>>
      %dma_start3A_595 = tpu.memref_squeeze %dma_start3A_594 : memref<1x1x1x8x128xf32, #tpu.memory_space<hbm>> -> memref<8x128xf32, #tpu.memory_space<hbm>>
      %dma_start3A_596 = arith.constant 8 : i32
      %dma_start3A_597 = arith.constant 640 : i32
      %dma_start3A_598 = tpu.memref_slice %arg13[%dma_start3A_596, %dma_start3A_597] : memref<16x768xf32, #tpu.memory_space<vmem>> -> memref<8x128xf32, #tpu.memory_space<vmem>>
      tpu.enqueue_dma source(%dma_start3A_598 : memref<8x128xf32, #tpu.memory_space<vmem>>) target(%dma_start3A_595 : memref<8x128xf32, #tpu.memory_space<hbm>>) target_semaphore(%arg21 : memref<!tpu.dma_semaphore, #tpu.memory_space<semaphore_mem>>)
      %mul3A_599 = arith.constant 4 : i32
      %mul3A_600 = arith.muli %mul3A_599, %scan3A_98 : i32
      %add3A_601 = arith.constant 2 : i32
      %add3A_602 = arith.addi %mul3A_600, %add3A_601 : i32
      %add3A_603 = arith.constant 2 : i32
      %add3A_604 = arith.addi %add3A_602, %add3A_603 : i32
      %lt3A_605 = arith.constant 1024 : i32
      %lt3A_606 = arith.cmpi slt, %add3A_604, %lt3A_605 : i32
      %convert_element_type3A_607 = arith.extui %lt3A_606 : i1 to i32
      %cond3A_608 = arith.constant 0 : i32
      %cond3A_609 = arith.cmpi ne, %convert_element_type3A_607, %cond3A_608 : i32
      scf.if %cond3A_609 {
        %sub3A = arith.constant 4 : i32
        %sub3A_1105 = arith.subi %add3A_604, %sub3A : i32
        %max3A_1106 = arith.constant 0 : i32
        %max3A_1107 = arith.maxsi %sub3A_1105, %max3A_1106 : i32
        %mul3A_1108 = arith.constant 2 : i32
        %mul3A_1109 = arith.muli %mul3A_1108, %add3A : i32
        %dma_wait3A_1110 = arith.constant 0 : i32
        %dma_wait3A_1111 = arith.constant 0 : i32
        %dma_wait3A_1112 = arith.constant 0 : i32
        %dma_wait3A_1113 = tpu.memref_slice %arg7[%max3A_1107, %mul3A_1109, %dma_wait3A_1110, %dma_wait3A_1111, %dma_wait3A_1112] : memref<1024x64x6x8x128xf32, #tpu.memory_space<hbm>> -> memref<1x2x6x8x128xf32, #tpu.memory_space<hbm>>
        %dma_wait3A_1114 = tpu.memref_squeeze %dma_wait3A_1113 : memref<1x2x6x8x128xf32, #tpu.memory_space<hbm>> -> memref<2x6x8x128xf32, #tpu.memory_space<hbm>>
        %dma_wait3A_1115 = arith.constant 0 : i32
        %dma_wait3A_1116 = arith.constant 0 : i32
        %dma_wait3A_1117 = arith.constant 0 : i32
        %dma_wait3A_1118 = tpu.memref_slice %arg7[%max3A_1107, %mul3A_1109, %dma_wait3A_1115, %dma_wait3A_1116, %dma_wait3A_1117] : memref<1024x64x6x8x128xf32, #tpu.memory_space<hbm>> -> memref<1x2x6x8x128xf32, #tpu.memory_space<hbm>>
        %dma_wait3A_1119 = tpu.memref_squeeze %dma_wait3A_1118 : memref<1x2x6x8x128xf32, #tpu.memory_space<hbm>> -> memref<2x6x8x128xf32, #tpu.memory_space<hbm>>
        tpu.wait_dma2 semaphore(%arg20 : memref<!tpu.dma_semaphore, #tpu.memory_space<semaphore_mem>>) src(%arg12 : memref<16x768xf32, #tpu.memory_space<vmem>>) dst(%dma_wait3A_1119 : memref<2x6x8x128xf32, #tpu.memory_space<hbm>>)
        %get3A_1120 = arith.index_cast %add3A_604 : i32 to index
        %get3A_1121 = arith.constant 0 : index
        %get3A_1122 = tpu.vector_load %arg8[%get3A_1120, %get3A_1121] {strides = array<i32>} : memref<1024x16xi32, #tpu.memory_space<vmem>>, vector<1x16xi32>,
        %get3A_1123 = vector.shape_cast %get3A_1122 : vector<1x16xi32> to vector<16xi32>
        %dma_start3A_1124 = arith.constant 0 : i32
        %dma_start3A_1125 = arith.constant 0 : i32
        %dma_start3A_1126 = tpu.memref_slice %arg4[%dma_start3A_1124, %dma_start3A_1125] : memref<100000x768xf32, #tpu.memory_space<hbm>> -> memref<100000x768xf32, #tpu.memory_space<hbm>>
        tpu.enqueue_indirect_dma source(%dma_start3A_1126 : memref<100000x768xf32, #tpu.memory_space<hbm>>) target(%arg12 : memref<16x768xf32, #tpu.memory_space<vmem>>) offsets(%get3A_1123 : vector<16xi32>) semaphore(%arg16 : memref<!tpu.dma_semaphore, #tpu.memory_space<semaphore_mem>>)
      } else {
      }
      %get3A_610 = arith.index_cast %add3A_602 : i32 to index
      %get3A_611 = arith.constant 0 : index
      %get3A_612 = tpu.vector_load %arg8[%get3A_610, %get3A_611] {strides = array<i32>} : memref<1024x16xi32, #tpu.memory_space<vmem>>, vector<1x16xi32>,
      %get3A_613 = vector.shape_cast %get3A_612 : vector<1x16xi32> to vector<16xi32>
      %dma_wait3A_614 = arith.constant 0 : i32
      %dma_wait3A_615 = arith.constant 0 : i32
      %dma_wait3A_616 = tpu.memref_slice %arg4[%dma_wait3A_614, %dma_wait3A_615] : memref<100000x768xf32, #tpu.memory_space<hbm>> -> memref<100000x768xf32, #tpu.memory_space<hbm>>
      tpu.wait_indirect_dma semaphore(%arg18 : memref<!tpu.dma_semaphore, #tpu.memory_space<semaphore_mem>>) src(%dma_wait3A_616 : memref<100000x768xf32, #tpu.memory_space<hbm>>) dst(%arg14 : memref<16x768xf32, #tpu.memory_space<vmem>>)
      %get3A_617 = arith.index_cast %add3A_602 : i32 to index
      %get3A_618 = arith.constant 0 : index
      %get3A_619 = tpu.vector_load %arg9[%get3A_617, %get3A_618] {strides = array<i32>} : memref<1024x16xi32, #tpu.memory_space<vmem>>, vector<1x16xi32>,
      %get3A_620 = vector.shape_cast %get3A_619 : vector<1x16xi32> to vector<16xi32>
      %mul3A_621 = arith.constant 16 : i32
      %mul3A_622 = vector.broadcast %mul3A_621 : i32 to vector<16xi32>
      %mul3A_623 = arith.muli %get3A_620, %mul3A_622 : vector<16xi32>
      %iota3A_624 = tpu.iota {dimensions = array<i32: 0>} : vector<16xi32>
      %add3A_625 = arith.addi %mul3A_623, %iota3A_624 : vector<16xi32>
      %slice3A_626 = vector.extract_strided_slice %add3A_625 {offsets = [0], sizes = [1], strides = [1]} : vector<16xi32> to vector<1xi32>
      %squeeze3A_627 = vector.extract %slice3A_626[0] : i32 from vector<1xi32>
      %slice3A_628 = vector.extract_strided_slice %add3A_625 {offsets = [1], sizes = [1], strides = [1]} : vector<16xi32> to vector<1xi32>
      %squeeze3A_629 = vector.extract %slice3A_628[0] : i32 from vector<1xi32>
      %slice3A_630 = vector.extract_strided_slice %add3A_625 {offsets = [2], sizes = [1], strides = [1]} : vector<16xi32> to vector<1xi32>
      %squeeze3A_631 = vector.extract %slice3A_630[0] : i32 from vector<1xi32>
      %slice3A_632 = vector.extract_strided_slice %add3A_625 {offsets = [3], sizes = [1], strides = [1]} : vector<16xi32> to vector<1xi32>
      %squeeze3A_633 = vector.extract %slice3A_632[0] : i32 from vector<1xi32>
      %slice3A_634 = vector.extract_strided_slice %add3A_625 {offsets = [4], sizes = [1], strides = [1]} : vector<16xi32> to vector<1xi32>
      %squeeze3A_635 = vector.extract %slice3A_634[0] : i32 from vector<1xi32>
      %slice3A_636 = vector.extract_strided_slice %add3A_625 {offsets = [5], sizes = [1], strides = [1]} : vector<16xi32> to vector<1xi32>
      %squeeze3A_637 = vector.extract %slice3A_636[0] : i32 from vector<1xi32>
      %slice3A_638 = vector.extract_strided_slice %add3A_625 {offsets = [6], sizes = [1], strides = [1]} : vector<16xi32> to vector<1xi32>
      %squeeze3A_639 = vector.extract %slice3A_638[0] : i32 from vector<1xi32>
      %slice3A_640 = vector.extract_strided_slice %add3A_625 {offsets = [7], sizes = [1], strides = [1]} : vector<16xi32> to vector<1xi32>
      %squeeze3A_641 = vector.extract %slice3A_640[0] : i32 from vector<1xi32>
      %slice3A_642 = vector.extract_strided_slice %add3A_625 {offsets = [8], sizes = [1], strides = [1]} : vector<16xi32> to vector<1xi32>
      %squeeze3A_643 = vector.extract %slice3A_642[0] : i32 from vector<1xi32>
      %slice3A_644 = vector.extract_strided_slice %add3A_625 {offsets = [9], sizes = [1], strides = [1]} : vector<16xi32> to vector<1xi32>
      %squeeze3A_645 = vector.extract %slice3A_644[0] : i32 from vector<1xi32>
      %slice3A_646 = vector.extract_strided_slice %add3A_625 {offsets = [10], sizes = [1], strides = [1]} : vector<16xi32> to vector<1xi32>
      %squeeze3A_647 = vector.extract %slice3A_646[0] : i32 from vector<1xi32>
      %slice3A_648 = vector.extract_strided_slice %add3A_625 {offsets = [11], sizes = [1], strides = [1]} : vector<16xi32> to vector<1xi32>
      %squeeze3A_649 = vector.extract %slice3A_648[0] : i32 from vector<1xi32>
      %slice3A_650 = vector.extract_strided_slice %add3A_625 {offsets = [12], sizes = [1], strides = [1]} : vector<16xi32> to vector<1xi32>
      %squeeze3A_651 = vector.extract %slice3A_650[0] : i32 from vector<1xi32>
      %slice3A_652 = vector.extract_strided_slice %add3A_625 {offsets = [13], sizes = [1], strides = [1]} : vector<16xi32> to vector<1xi32>
      %squeeze3A_653 = vector.extract %slice3A_652[0] : i32 from vector<1xi32>
      %slice3A_654 = vector.extract_strided_slice %add3A_625 {offsets = [14], sizes = [1], strides = [1]} : vector<16xi32> to vector<1xi32>
      %squeeze3A_655 = vector.extract %slice3A_654[0] : i32 from vector<1xi32>
      %slice3A_656 = vector.extract_strided_slice %add3A_625 {offsets = [15], sizes = [1], strides = [1]} : vector<16xi32> to vector<1xi32>
      %squeeze3A_657 = vector.extract %slice3A_656[0] : i32 from vector<1xi32>
      %scan3A_658 = arith.constant 0 : i32
      %scan3A_659 = arith.constant 0 : i32
      %scan3A_660 = arith.constant 48 : i32
      %scan3A_661 = arith.addi %scan3A_659, %scan3A_660 : i32
      %scan3A_662 = arith.constant 1 : i32
      scf.for %scan3A_1105 = %scan3A_659 to %scan3A_661 step %scan3A_662  : i32 {
        %mul3A_1106 = arith.constant 16 : i32
        %mul3A_1107 = arith.muli %scan3A_1105, %mul3A_1106 : i32
        %get3A_1108 = arith.constant 0 : i32
        %get3A_1109 = tpu.memref_slice %arg10[%squeeze3A_627, %get3A_1108] : memref<32x768xf32, #tpu.memory_space<vmem>> -> memref<1x768xf32, #tpu.memory_space<vmem>>
        %get3A_1110 = tpu.memref_squeeze %get3A_1109 : memref<1x768xf32, #tpu.memory_space<vmem>> -> memref<768xf32, #tpu.memory_space<vmem>>
        %get3A_1111 = arith.index_cast %mul3A_1107 : i32 to index
        %get3A_1112 = tpu.vector_load %get3A_1110[%get3A_1111] {strides = array<i32>} : memref<768xf32, #tpu.memory_space<vmem>>, vector<16xf32>,
        %get3A_1113 = vector.shape_cast %get3A_1112 : vector<16xf32> to vector<16xf32>
        %swap3A = arith.constant 0 : i32
        %swap3A_1114 = arith.index_cast %swap3A : i32 to index
        %swap3A_1115 = arith.index_cast %mul3A_1107 : i32 to index
        %swap3A_1116 = tpu.vector_load %arg14[%swap3A_1114, %swap3A_1115] {strides = array<i32>} : memref<16x768xf32, #tpu.memory_space<vmem>>, vector<1x16xf32>,
        %swap3A_1117 = vector.shape_cast %swap3A_1116 : vector<1x16xf32> to vector<16xf32>
        %swap3A_1118 = vector.shape_cast %get3A_1113 : vector<16xf32> to vector<1x16xf32>
        tpu.vector_store %arg14[%swap3A_1114, %swap3A_1115], %swap3A_1118 {add = true, strides = array<i32>} : memref<16x768xf32, #tpu.memory_space<vmem>>, vector<1x16xf32>,
        %get3A_1119 = arith.constant 0 : i32
        %get3A_1120 = tpu.memref_slice %arg10[%squeeze3A_629, %get3A_1119] : memref<32x768xf32, #tpu.memory_space<vmem>> -> memref<1x768xf32, #tpu.memory_space<vmem>>
        %get3A_1121 = tpu.memref_squeeze %get3A_1120 : memref<1x768xf32, #tpu.memory_space<vmem>> -> memref<768xf32, #tpu.memory_space<vmem>>
        %get3A_1122 = arith.index_cast %mul3A_1107 : i32 to index
        %get3A_1123 = tpu.vector_load %get3A_1121[%get3A_1122] {strides = array<i32>} : memref<768xf32, #tpu.memory_space<vmem>>, vector<16xf32>,
        %get3A_1124 = vector.shape_cast %get3A_1123 : vector<16xf32> to vector<16xf32>
        %swap3A_1125 = arith.constant 1 : i32
        %swap3A_1126 = arith.index_cast %swap3A_1125 : i32 to index
        %swap3A_1127 = arith.index_cast %mul3A_1107 : i32 to index
        %swap3A_1128 = tpu.vector_load %arg14[%swap3A_1126, %swap3A_1127] {strides = array<i32>} : memref<16x768xf32, #tpu.memory_space<vmem>>, vector<1x16xf32>,
        %swap3A_1129 = vector.shape_cast %swap3A_1128 : vector<1x16xf32> to vector<16xf32>
        %swap3A_1130 = vector.shape_cast %get3A_1124 : vector<16xf32> to vector<1x16xf32>
        tpu.vector_store %arg14[%swap3A_1126, %swap3A_1127], %swap3A_1130 {add = true, strides = array<i32>} : memref<16x768xf32, #tpu.memory_space<vmem>>, vector<1x16xf32>,
        %get3A_1131 = arith.constant 0 : i32
        %get3A_1132 = tpu.memref_slice %arg10[%squeeze3A_631, %get3A_1131] : memref<32x768xf32, #tpu.memory_space<vmem>> -> memref<1x768xf32, #tpu.memory_space<vmem>>
        %get3A_1133 = tpu.memref_squeeze %get3A_1132 : memref<1x768xf32, #tpu.memory_space<vmem>> -> memref<768xf32, #tpu.memory_space<vmem>>
        %get3A_1134 = arith.index_cast %mul3A_1107 : i32 to index
        %get3A_1135 = tpu.vector_load %get3A_1133[%get3A_1134] {strides = array<i32>} : memref<768xf32, #tpu.memory_space<vmem>>, vector<16xf32>,
        %get3A_1136 = vector.shape_cast %get3A_1135 : vector<16xf32> to vector<16xf32>
        %swap3A_1137 = arith.constant 2 : i32
        %swap3A_1138 = arith.index_cast %swap3A_1137 : i32 to index
        %swap3A_1139 = arith.index_cast %mul3A_1107 : i32 to index
        %swap3A_1140 = tpu.vector_load %arg14[%swap3A_1138, %swap3A_1139] {strides = array<i32>} : memref<16x768xf32, #tpu.memory_space<vmem>>, vector<1x16xf32>,
        %swap3A_1141 = vector.shape_cast %swap3A_1140 : vector<1x16xf32> to vector<16xf32>
        %swap3A_1142 = vector.shape_cast %get3A_1136 : vector<16xf32> to vector<1x16xf32>
        tpu.vector_store %arg14[%swap3A_1138, %swap3A_1139], %swap3A_1142 {add = true, strides = array<i32>} : memref<16x768xf32, #tpu.memory_space<vmem>>, vector<1x16xf32>,
        %get3A_1143 = arith.constant 0 : i32
        %get3A_1144 = tpu.memref_slice %arg10[%squeeze3A_633, %get3A_1143] : memref<32x768xf32, #tpu.memory_space<vmem>> -> memref<1x768xf32, #tpu.memory_space<vmem>>
        %get3A_1145 = tpu.memref_squeeze %get3A_1144 : memref<1x768xf32, #tpu.memory_space<vmem>> -> memref<768xf32, #tpu.memory_space<vmem>>
        %get3A_1146 = arith.index_cast %mul3A_1107 : i32 to index
        %get3A_1147 = tpu.vector_load %get3A_1145[%get3A_1146] {strides = array<i32>} : memref<768xf32, #tpu.memory_space<vmem>>, vector<16xf32>,
        %get3A_1148 = vector.shape_cast %get3A_1147 : vector<16xf32> to vector<16xf32>
        %swap3A_1149 = arith.constant 3 : i32
        %swap3A_1150 = arith.index_cast %swap3A_1149 : i32 to index
        %swap3A_1151 = arith.index_cast %mul3A_1107 : i32 to index
        %swap3A_1152 = tpu.vector_load %arg14[%swap3A_1150, %swap3A_1151] {strides = array<i32>} : memref<16x768xf32, #tpu.memory_space<vmem>>, vector<1x16xf32>,
        %swap3A_1153 = vector.shape_cast %swap3A_1152 : vector<1x16xf32> to vector<16xf32>
        %swap3A_1154 = vector.shape_cast %get3A_1148 : vector<16xf32> to vector<1x16xf32>
        tpu.vector_store %arg14[%swap3A_1150, %swap3A_1151], %swap3A_1154 {add = true, strides = array<i32>} : memref<16x768xf32, #tpu.memory_space<vmem>>, vector<1x16xf32>,
        %get3A_1155 = arith.constant 0 : i32
        %get3A_1156 = tpu.memref_slice %arg10[%squeeze3A_635, %get3A_1155] : memref<32x768xf32, #tpu.memory_space<vmem>> -> memref<1x768xf32, #tpu.memory_space<vmem>>
        %get3A_1157 = tpu.memref_squeeze %get3A_1156 : memref<1x768xf32, #tpu.memory_space<vmem>> -> memref<768xf32, #tpu.memory_space<vmem>>
        %get3A_1158 = arith.index_cast %mul3A_1107 : i32 to index
        %get3A_1159 = tpu.vector_load %get3A_1157[%get3A_1158] {strides = array<i32>} : memref<768xf32, #tpu.memory_space<vmem>>, vector<16xf32>,
        %get3A_1160 = vector.shape_cast %get3A_1159 : vector<16xf32> to vector<16xf32>
        %swap3A_1161 = arith.constant 4 : i32
        %swap3A_1162 = arith.index_cast %swap3A_1161 : i32 to index
        %swap3A_1163 = arith.index_cast %mul3A_1107 : i32 to index
        %swap3A_1164 = tpu.vector_load %arg14[%swap3A_1162, %swap3A_1163] {strides = array<i32>} : memref<16x768xf32, #tpu.memory_space<vmem>>, vector<1x16xf32>,
        %swap3A_1165 = vector.shape_cast %swap3A_1164 : vector<1x16xf32> to vector<16xf32>
        %swap3A_1166 = vector.shape_cast %get3A_1160 : vector<16xf32> to vector<1x16xf32>
        tpu.vector_store %arg14[%swap3A_1162, %swap3A_1163], %swap3A_1166 {add = true, strides = array<i32>} : memref<16x768xf32, #tpu.memory_space<vmem>>, vector<1x16xf32>,
        %get3A_1167 = arith.constant 0 : i32
        %get3A_1168 = tpu.memref_slice %arg10[%squeeze3A_637, %get3A_1167] : memref<32x768xf32, #tpu.memory_space<vmem>> -> memref<1x768xf32, #tpu.memory_space<vmem>>
        %get3A_1169 = tpu.memref_squeeze %get3A_1168 : memref<1x768xf32, #tpu.memory_space<vmem>> -> memref<768xf32, #tpu.memory_space<vmem>>
        %get3A_1170 = arith.index_cast %mul3A_1107 : i32 to index
        %get3A_1171 = tpu.vector_load %get3A_1169[%get3A_1170] {strides = array<i32>} : memref<768xf32, #tpu.memory_space<vmem>>, vector<16xf32>,
        %get3A_1172 = vector.shape_cast %get3A_1171 : vector<16xf32> to vector<16xf32>
        %swap3A_1173 = arith.constant 5 : i32
        %swap3A_1174 = arith.index_cast %swap3A_1173 : i32 to index
        %swap3A_1175 = arith.index_cast %mul3A_1107 : i32 to index
        %swap3A_1176 = tpu.vector_load %arg14[%swap3A_1174, %swap3A_1175] {strides = array<i32>} : memref<16x768xf32, #tpu.memory_space<vmem>>, vector<1x16xf32>,
        %swap3A_1177 = vector.shape_cast %swap3A_1176 : vector<1x16xf32> to vector<16xf32>
        %swap3A_1178 = vector.shape_cast %get3A_1172 : vector<16xf32> to vector<1x16xf32>
        tpu.vector_store %arg14[%swap3A_1174, %swap3A_1175], %swap3A_1178 {add = true, strides = array<i32>} : memref<16x768xf32, #tpu.memory_space<vmem>>, vector<1x16xf32>,
        %get3A_1179 = arith.constant 0 : i32
        %get3A_1180 = tpu.memref_slice %arg10[%squeeze3A_639, %get3A_1179] : memref<32x768xf32, #tpu.memory_space<vmem>> -> memref<1x768xf32, #tpu.memory_space<vmem>>
        %get3A_1181 = tpu.memref_squeeze %get3A_1180 : memref<1x768xf32, #tpu.memory_space<vmem>> -> memref<768xf32, #tpu.memory_space<vmem>>
        %get3A_1182 = arith.index_cast %mul3A_1107 : i32 to index
        %get3A_1183 = tpu.vector_load %get3A_1181[%get3A_1182] {strides = array<i32>} : memref<768xf32, #tpu.memory_space<vmem>>, vector<16xf32>,
        %get3A_1184 = vector.shape_cast %get3A_1183 : vector<16xf32> to vector<16xf32>
        %swap3A_1185 = arith.constant 6 : i32
        %swap3A_1186 = arith.index_cast %swap3A_1185 : i32 to index
        %swap3A_1187 = arith.index_cast %mul3A_1107 : i32 to index
        %swap3A_1188 = tpu.vector_load %arg14[%swap3A_1186, %swap3A_1187] {strides = array<i32>} : memref<16x768xf32, #tpu.memory_space<vmem>>, vector<1x16xf32>,
        %swap3A_1189 = vector.shape_cast %swap3A_1188 : vector<1x16xf32> to vector<16xf32>
        %swap3A_1190 = vector.shape_cast %get3A_1184 : vector<16xf32> to vector<1x16xf32>
        tpu.vector_store %arg14[%swap3A_1186, %swap3A_1187], %swap3A_1190 {add = true, strides = array<i32>} : memref<16x768xf32, #tpu.memory_space<vmem>>, vector<1x16xf32>,
        %get3A_1191 = arith.constant 0 : i32
        %get3A_1192 = tpu.memref_slice %arg10[%squeeze3A_641, %get3A_1191] : memref<32x768xf32, #tpu.memory_space<vmem>> -> memref<1x768xf32, #tpu.memory_space<vmem>>
        %get3A_1193 = tpu.memref_squeeze %get3A_1192 : memref<1x768xf32, #tpu.memory_space<vmem>> -> memref<768xf32, #tpu.memory_space<vmem>>
        %get3A_1194 = arith.index_cast %mul3A_1107 : i32 to index
        %get3A_1195 = tpu.vector_load %get3A_1193[%get3A_1194] {strides = array<i32>} : memref<768xf32, #tpu.memory_space<vmem>>, vector<16xf32>,
        %get3A_1196 = vector.shape_cast %get3A_1195 : vector<16xf32> to vector<16xf32>
        %swap3A_1197 = arith.constant 7 : i32
        %swap3A_1198 = arith.index_cast %swap3A_1197 : i32 to index
        %swap3A_1199 = arith.index_cast %mul3A_1107 : i32 to index
        %swap3A_1200 = tpu.vector_load %arg14[%swap3A_1198, %swap3A_1199] {strides = array<i32>} : memref<16x768xf32, #tpu.memory_space<vmem>>, vector<1x16xf32>,
        %swap3A_1201 = vector.shape_cast %swap3A_1200 : vector<1x16xf32> to vector<16xf32>
        %swap3A_1202 = vector.shape_cast %get3A_1196 : vector<16xf32> to vector<1x16xf32>
        tpu.vector_store %arg14[%swap3A_1198, %swap3A_1199], %swap3A_1202 {add = true, strides = array<i32>} : memref<16x768xf32, #tpu.memory_space<vmem>>, vector<1x16xf32>,
        %get3A_1203 = arith.constant 0 : i32
        %get3A_1204 = tpu.memref_slice %arg10[%squeeze3A_643, %get3A_1203] : memref<32x768xf32, #tpu.memory_space<vmem>> -> memref<1x768xf32, #tpu.memory_space<vmem>>
        %get3A_1205 = tpu.memref_squeeze %get3A_1204 : memref<1x768xf32, #tpu.memory_space<vmem>> -> memref<768xf32, #tpu.memory_space<vmem>>
        %get3A_1206 = arith.index_cast %mul3A_1107 : i32 to index
        %get3A_1207 = tpu.vector_load %get3A_1205[%get3A_1206] {strides = array<i32>} : memref<768xf32, #tpu.memory_space<vmem>>, vector<16xf32>,
        %get3A_1208 = vector.shape_cast %get3A_1207 : vector<16xf32> to vector<16xf32>
        %swap3A_1209 = arith.constant 8 : i32
        %swap3A_1210 = arith.index_cast %swap3A_1209 : i32 to index
        %swap3A_1211 = arith.index_cast %mul3A_1107 : i32 to index
        %swap3A_1212 = tpu.vector_load %arg14[%swap3A_1210, %swap3A_1211] {strides = array<i32>} : memref<16x768xf32, #tpu.memory_space<vmem>>, vector<1x16xf32>,
        %swap3A_1213 = vector.shape_cast %swap3A_1212 : vector<1x16xf32> to vector<16xf32>
        %swap3A_1214 = vector.shape_cast %get3A_1208 : vector<16xf32> to vector<1x16xf32>
        tpu.vector_store %arg14[%swap3A_1210, %swap3A_1211], %swap3A_1214 {add = true, strides = array<i32>} : memref<16x768xf32, #tpu.memory_space<vmem>>, vector<1x16xf32>,
        %get3A_1215 = arith.constant 0 : i32
        %get3A_1216 = tpu.memref_slice %arg10[%squeeze3A_645, %get3A_1215] : memref<32x768xf32, #tpu.memory_space<vmem>> -> memref<1x768xf32, #tpu.memory_space<vmem>>
        %get3A_1217 = tpu.memref_squeeze %get3A_1216 : memref<1x768xf32, #tpu.memory_space<vmem>> -> memref<768xf32, #tpu.memory_space<vmem>>
        %get3A_1218 = arith.index_cast %mul3A_1107 : i32 to index
        %get3A_1219 = tpu.vector_load %get3A_1217[%get3A_1218] {strides = array<i32>} : memref<768xf32, #tpu.memory_space<vmem>>, vector<16xf32>,
        %get3A_1220 = vector.shape_cast %get3A_1219 : vector<16xf32> to vector<16xf32>
        %swap3A_1221 = arith.constant 9 : i32
        %swap3A_1222 = arith.index_cast %swap3A_1221 : i32 to index
        %swap3A_1223 = arith.index_cast %mul3A_1107 : i32 to index
        %swap3A_1224 = tpu.vector_load %arg14[%swap3A_1222, %swap3A_1223] {strides = array<i32>} : memref<16x768xf32, #tpu.memory_space<vmem>>, vector<1x16xf32>,
        %swap3A_1225 = vector.shape_cast %swap3A_1224 : vector<1x16xf32> to vector<16xf32>
        %swap3A_1226 = vector.shape_cast %get3A_1220 : vector<16xf32> to vector<1x16xf32>
        tpu.vector_store %arg14[%swap3A_1222, %swap3A_1223], %swap3A_1226 {add = true, strides = array<i32>} : memref<16x768xf32, #tpu.memory_space<vmem>>, vector<1x16xf32>,
        %get3A_1227 = arith.constant 0 : i32
        %get3A_1228 = tpu.memref_slice %arg10[%squeeze3A_647, %get3A_1227] : memref<32x768xf32, #tpu.memory_space<vmem>> -> memref<1x768xf32, #tpu.memory_space<vmem>>
        %get3A_1229 = tpu.memref_squeeze %get3A_1228 : memref<1x768xf32, #tpu.memory_space<vmem>> -> memref<768xf32, #tpu.memory_space<vmem>>
        %get3A_1230 = arith.index_cast %mul3A_1107 : i32 to index
        %get3A_1231 = tpu.vector_load %get3A_1229[%get3A_1230] {strides = array<i32>} : memref<768xf32, #tpu.memory_space<vmem>>, vector<16xf32>,
        %get3A_1232 = vector.shape_cast %get3A_1231 : vector<16xf32> to vector<16xf32>
        %swap3A_1233 = arith.constant 10 : i32
        %swap3A_1234 = arith.index_cast %swap3A_1233 : i32 to index
        %swap3A_1235 = arith.index_cast %mul3A_1107 : i32 to index
        %swap3A_1236 = tpu.vector_load %arg14[%swap3A_1234, %swap3A_1235] {strides = array<i32>} : memref<16x768xf32, #tpu.memory_space<vmem>>, vector<1x16xf32>,
        %swap3A_1237 = vector.shape_cast %swap3A_1236 : vector<1x16xf32> to vector<16xf32>
        %swap3A_1238 = vector.shape_cast %get3A_1232 : vector<16xf32> to vector<1x16xf32>
        tpu.vector_store %arg14[%swap3A_1234, %swap3A_1235], %swap3A_1238 {add = true, strides = array<i32>} : memref<16x768xf32, #tpu.memory_space<vmem>>, vector<1x16xf32>,
        %get3A_1239 = arith.constant 0 : i32
        %get3A_1240 = tpu.memref_slice %arg10[%squeeze3A_649, %get3A_1239] : memref<32x768xf32, #tpu.memory_space<vmem>> -> memref<1x768xf32, #tpu.memory_space<vmem>>
        %get3A_1241 = tpu.memref_squeeze %get3A_1240 : memref<1x768xf32, #tpu.memory_space<vmem>> -> memref<768xf32, #tpu.memory_space<vmem>>
        %get3A_1242 = arith.index_cast %mul3A_1107 : i32 to index
        %get3A_1243 = tpu.vector_load %get3A_1241[%get3A_1242] {strides = array<i32>} : memref<768xf32, #tpu.memory_space<vmem>>, vector<16xf32>,
        %get3A_1244 = vector.shape_cast %get3A_1243 : vector<16xf32> to vector<16xf32>
        %swap3A_1245 = arith.constant 11 : i32
        %swap3A_1246 = arith.index_cast %swap3A_1245 : i32 to index
        %swap3A_1247 = arith.index_cast %mul3A_1107 : i32 to index
        %swap3A_1248 = tpu.vector_load %arg14[%swap3A_1246, %swap3A_1247] {strides = array<i32>} : memref<16x768xf32, #tpu.memory_space<vmem>>, vector<1x16xf32>,
        %swap3A_1249 = vector.shape_cast %swap3A_1248 : vector<1x16xf32> to vector<16xf32>
        %swap3A_1250 = vector.shape_cast %get3A_1244 : vector<16xf32> to vector<1x16xf32>
        tpu.vector_store %arg14[%swap3A_1246, %swap3A_1247], %swap3A_1250 {add = true, strides = array<i32>} : memref<16x768xf32, #tpu.memory_space<vmem>>, vector<1x16xf32>,
        %get3A_1251 = arith.constant 0 : i32
        %get3A_1252 = tpu.memref_slice %arg10[%squeeze3A_651, %get3A_1251] : memref<32x768xf32, #tpu.memory_space<vmem>> -> memref<1x768xf32, #tpu.memory_space<vmem>>
        %get3A_1253 = tpu.memref_squeeze %get3A_1252 : memref<1x768xf32, #tpu.memory_space<vmem>> -> memref<768xf32, #tpu.memory_space<vmem>>
        %get3A_1254 = arith.index_cast %mul3A_1107 : i32 to index
        %get3A_1255 = tpu.vector_load %get3A_1253[%get3A_1254] {strides = array<i32>} : memref<768xf32, #tpu.memory_space<vmem>>, vector<16xf32>,
        %get3A_1256 = vector.shape_cast %get3A_1255 : vector<16xf32> to vector<16xf32>
        %swap3A_1257 = arith.constant 12 : i32
        %swap3A_1258 = arith.index_cast %swap3A_1257 : i32 to index
        %swap3A_1259 = arith.index_cast %mul3A_1107 : i32 to index
        %swap3A_1260 = tpu.vector_load %arg14[%swap3A_1258, %swap3A_1259] {strides = array<i32>} : memref<16x768xf32, #tpu.memory_space<vmem>>, vector<1x16xf32>,
        %swap3A_1261 = vector.shape_cast %swap3A_1260 : vector<1x16xf32> to vector<16xf32>
        %swap3A_1262 = vector.shape_cast %get3A_1256 : vector<16xf32> to vector<1x16xf32>
        tpu.vector_store %arg14[%swap3A_1258, %swap3A_1259], %swap3A_1262 {add = true, strides = array<i32>} : memref<16x768xf32, #tpu.memory_space<vmem>>, vector<1x16xf32>,
        %get3A_1263 = arith.constant 0 : i32
        %get3A_1264 = tpu.memref_slice %arg10[%squeeze3A_653, %get3A_1263] : memref<32x768xf32, #tpu.memory_space<vmem>> -> memref<1x768xf32, #tpu.memory_space<vmem>>
        %get3A_1265 = tpu.memref_squeeze %get3A_1264 : memref<1x768xf32, #tpu.memory_space<vmem>> -> memref<768xf32, #tpu.memory_space<vmem>>
        %get3A_1266 = arith.index_cast %mul3A_1107 : i32 to index
        %get3A_1267 = tpu.vector_load %get3A_1265[%get3A_1266] {strides = array<i32>} : memref<768xf32, #tpu.memory_space<vmem>>, vector<16xf32>,
        %get3A_1268 = vector.shape_cast %get3A_1267 : vector<16xf32> to vector<16xf32>
        %swap3A_1269 = arith.constant 13 : i32
        %swap3A_1270 = arith.index_cast %swap3A_1269 : i32 to index
        %swap3A_1271 = arith.index_cast %mul3A_1107 : i32 to index
        %swap3A_1272 = tpu.vector_load %arg14[%swap3A_1270, %swap3A_1271] {strides = array<i32>} : memref<16x768xf32, #tpu.memory_space<vmem>>, vector<1x16xf32>,
        %swap3A_1273 = vector.shape_cast %swap3A_1272 : vector<1x16xf32> to vector<16xf32>
        %swap3A_1274 = vector.shape_cast %get3A_1268 : vector<16xf32> to vector<1x16xf32>
        tpu.vector_store %arg14[%swap3A_1270, %swap3A_1271], %swap3A_1274 {add = true, strides = array<i32>} : memref<16x768xf32, #tpu.memory_space<vmem>>, vector<1x16xf32>,
        %get3A_1275 = arith.constant 0 : i32
        %get3A_1276 = tpu.memref_slice %arg10[%squeeze3A_655, %get3A_1275] : memref<32x768xf32, #tpu.memory_space<vmem>> -> memref<1x768xf32, #tpu.memory_space<vmem>>
        %get3A_1277 = tpu.memref_squeeze %get3A_1276 : memref<1x768xf32, #tpu.memory_space<vmem>> -> memref<768xf32, #tpu.memory_space<vmem>>
        %get3A_1278 = arith.index_cast %mul3A_1107 : i32 to index
        %get3A_1279 = tpu.vector_load %get3A_1277[%get3A_1278] {strides = array<i32>} : memref<768xf32, #tpu.memory_space<vmem>>, vector<16xf32>,
        %get3A_1280 = vector.shape_cast %get3A_1279 : vector<16xf32> to vector<16xf32>
        %swap3A_1281 = arith.constant 14 : i32
        %swap3A_1282 = arith.index_cast %swap3A_1281 : i32 to index
        %swap3A_1283 = arith.index_cast %mul3A_1107 : i32 to index
        %swap3A_1284 = tpu.vector_load %arg14[%swap3A_1282, %swap3A_1283] {strides = array<i32>} : memref<16x768xf32, #tpu.memory_space<vmem>>, vector<1x16xf32>,
        %swap3A_1285 = vector.shape_cast %swap3A_1284 : vector<1x16xf32> to vector<16xf32>
        %swap3A_1286 = vector.shape_cast %get3A_1280 : vector<16xf32> to vector<1x16xf32>
        tpu.vector_store %arg14[%swap3A_1282, %swap3A_1283], %swap3A_1286 {add = true, strides = array<i32>} : memref<16x768xf32, #tpu.memory_space<vmem>>, vector<1x16xf32>,
        %get3A_1287 = arith.constant 0 : i32
        %get3A_1288 = tpu.memref_slice %arg10[%squeeze3A_657, %get3A_1287] : memref<32x768xf32, #tpu.memory_space<vmem>> -> memref<1x768xf32, #tpu.memory_space<vmem>>
        %get3A_1289 = tpu.memref_squeeze %get3A_1288 : memref<1x768xf32, #tpu.memory_space<vmem>> -> memref<768xf32, #tpu.memory_space<vmem>>
        %get3A_1290 = arith.index_cast %mul3A_1107 : i32 to index
        %get3A_1291 = tpu.vector_load %get3A_1289[%get3A_1290] {strides = array<i32>} : memref<768xf32, #tpu.memory_space<vmem>>, vector<16xf32>,
        %get3A_1292 = vector.shape_cast %get3A_1291 : vector<16xf32> to vector<16xf32>
        %swap3A_1293 = arith.constant 15 : i32
        %swap3A_1294 = arith.index_cast %swap3A_1293 : i32 to index
        %swap3A_1295 = arith.index_cast %mul3A_1107 : i32 to index
        %swap3A_1296 = tpu.vector_load %arg14[%swap3A_1294, %swap3A_1295] {strides = array<i32>} : memref<16x768xf32, #tpu.memory_space<vmem>>, vector<1x16xf32>,
        %swap3A_1297 = vector.shape_cast %swap3A_1296 : vector<1x16xf32> to vector<16xf32>
        %swap3A_1298 = vector.shape_cast %get3A_1292 : vector<16xf32> to vector<1x16xf32>
        tpu.vector_store %arg14[%swap3A_1294, %swap3A_1295], %swap3A_1298 {add = true, strides = array<i32>} : memref<16x768xf32, #tpu.memory_space<vmem>>, vector<1x16xf32>,
      }
      %scan3A_663 = arith.constant 48 : i32
      %mul3A_664 = arith.constant 2 : i32
      %mul3A_665 = arith.muli %mul3A_664, %add3A : i32
      %add3A_666 = arith.constant 0 : i32
      %add3A_667 = arith.addi %mul3A_665, %add3A_666 : i32
      %dma_start3A_668 = arith.constant 0 : i32
      %dma_start3A_669 = arith.constant 0 : i32
      %dma_start3A_670 = arith.constant 0 : i32
      %dma_start3A_671 = tpu.memref_slice %arg14[%dma_start3A_669, %dma_start3A_670] : memref<16x768xf32, #tpu.memory_space<vmem>> -> memref<8x128xf32, #tpu.memory_space<vmem>>
      %dma_start3A_672 = arith.constant 0 : i32
      %dma_start3A_673 = arith.constant 0 : i32
      %dma_start3A_674 = tpu.memref_slice %arg7[%add3A_602, %add3A_667, %dma_start3A_668, %dma_start3A_672, %dma_start3A_673] : memref<1024x64x6x8x128xf32, #tpu.memory_space<hbm>> -> memref<1x1x1x8x128xf32, #tpu.memory_space<hbm>>
      %dma_start3A_675 = tpu.memref_squeeze %dma_start3A_674 : memref<1x1x1x8x128xf32, #tpu.memory_space<hbm>> -> memref<8x128xf32, #tpu.memory_space<hbm>>
      %dma_start3A_676 = arith.constant 0 : i32
      %dma_start3A_677 = arith.constant 0 : i32
      %dma_start3A_678 = tpu.memref_slice %arg7[%add3A_602, %add3A_667, %dma_start3A_668, %dma_start3A_676, %dma_start3A_677] : memref<1024x64x6x8x128xf32, #tpu.memory_space<hbm>> -> memref<1x1x1x8x128xf32, #tpu.memory_space<hbm>>
      %dma_start3A_679 = tpu.memref_squeeze %dma_start3A_678 : memref<1x1x1x8x128xf32, #tpu.memory_space<hbm>> -> memref<8x128xf32, #tpu.memory_space<hbm>>
      %dma_start3A_680 = arith.constant 0 : i32
      %dma_start3A_681 = arith.constant 0 : i32
      %dma_start3A_682 = tpu.memref_slice %arg14[%dma_start3A_680, %dma_start3A_681] : memref<16x768xf32, #tpu.memory_space<vmem>> -> memref<8x128xf32, #tpu.memory_space<vmem>>
      tpu.enqueue_dma source(%dma_start3A_682 : memref<8x128xf32, #tpu.memory_space<vmem>>) target(%dma_start3A_679 : memref<8x128xf32, #tpu.memory_space<hbm>>) target_semaphore(%arg22 : memref<!tpu.dma_semaphore, #tpu.memory_space<semaphore_mem>>)
      %dma_start3A_683 = arith.constant 1 : i32
      %dma_start3A_684 = arith.constant 0 : i32
      %dma_start3A_685 = arith.constant 128 : i32
      %dma_start3A_686 = tpu.memref_slice %arg14[%dma_start3A_684, %dma_start3A_685] : memref<16x768xf32, #tpu.memory_space<vmem>> -> memref<8x128xf32, #tpu.memory_space<vmem>>
      %dma_start3A_687 = arith.constant 0 : i32
      %dma_start3A_688 = arith.constant 0 : i32
      %dma_start3A_689 = tpu.memref_slice %arg7[%add3A_602, %add3A_667, %dma_start3A_683, %dma_start3A_687, %dma_start3A_688] : memref<1024x64x6x8x128xf32, #tpu.memory_space<hbm>> -> memref<1x1x1x8x128xf32, #tpu.memory_space<hbm>>
      %dma_start3A_690 = tpu.memref_squeeze %dma_start3A_689 : memref<1x1x1x8x128xf32, #tpu.memory_space<hbm>> -> memref<8x128xf32, #tpu.memory_space<hbm>>
      %dma_start3A_691 = arith.constant 0 : i32
      %dma_start3A_692 = arith.constant 0 : i32
      %dma_start3A_693 = tpu.memref_slice %arg7[%add3A_602, %add3A_667, %dma_start3A_683, %dma_start3A_691, %dma_start3A_692] : memref<1024x64x6x8x128xf32, #tpu.memory_space<hbm>> -> memref<1x1x1x8x128xf32, #tpu.memory_space<hbm>>
      %dma_start3A_694 = tpu.memref_squeeze %dma_start3A_693 : memref<1x1x1x8x128xf32, #tpu.memory_space<hbm>> -> memref<8x128xf32, #tpu.memory_space<hbm>>
      %dma_start3A_695 = arith.constant 0 : i32
      %dma_start3A_696 = arith.constant 128 : i32
      %dma_start3A_697 = tpu.memref_slice %arg14[%dma_start3A_695, %dma_start3A_696] : memref<16x768xf32, #tpu.memory_space<vmem>> -> memref<8x128xf32, #tpu.memory_space<vmem>>
      tpu.enqueue_dma source(%dma_start3A_697 : memref<8x128xf32, #tpu.memory_space<vmem>>) target(%dma_start3A_694 : memref<8x128xf32, #tpu.memory_space<hbm>>) target_semaphore(%arg22 : memref<!tpu.dma_semaphore, #tpu.memory_space<semaphore_mem>>)
      %dma_start3A_698 = arith.constant 2 : i32
      %dma_start3A_699 = arith.constant 0 : i32
      %dma_start3A_700 = arith.constant 256 : i32
      %dma_start3A_701 = tpu.memref_slice %arg14[%dma_start3A_699, %dma_start3A_700] : memref<16x768xf32, #tpu.memory_space<vmem>> -> memref<8x128xf32, #tpu.memory_space<vmem>>
      %dma_start3A_702 = arith.constant 0 : i32
      %dma_start3A_703 = arith.constant 0 : i32
      %dma_start3A_704 = tpu.memref_slice %arg7[%add3A_602, %add3A_667, %dma_start3A_698, %dma_start3A_702, %dma_start3A_703] : memref<1024x64x6x8x128xf32, #tpu.memory_space<hbm>> -> memref<1x1x1x8x128xf32, #tpu.memory_space<hbm>>
      %dma_start3A_705 = tpu.memref_squeeze %dma_start3A_704 : memref<1x1x1x8x128xf32, #tpu.memory_space<hbm>> -> memref<8x128xf32, #tpu.memory_space<hbm>>
      %dma_start3A_706 = arith.constant 0 : i32
      %dma_start3A_707 = arith.constant 0 : i32
      %dma_start3A_708 = tpu.memref_slice %arg7[%add3A_602, %add3A_667, %dma_start3A_698, %dma_start3A_706, %dma_start3A_707] : memref<1024x64x6x8x128xf32, #tpu.memory_space<hbm>> -> memref<1x1x1x8x128xf32, #tpu.memory_space<hbm>>
      %dma_start3A_709 = tpu.memref_squeeze %dma_start3A_708 : memref<1x1x1x8x128xf32, #tpu.memory_space<hbm>> -> memref<8x128xf32, #tpu.memory_space<hbm>>
      %dma_start3A_710 = arith.constant 0 : i32
      %dma_start3A_711 = arith.constant 256 : i32
      %dma_start3A_712 = tpu.memref_slice %arg14[%dma_start3A_710, %dma_start3A_711] : memref<16x768xf32, #tpu.memory_space<vmem>> -> memref<8x128xf32, #tpu.memory_space<vmem>>
      tpu.enqueue_dma source(%dma_start3A_712 : memref<8x128xf32, #tpu.memory_space<vmem>>) target(%dma_start3A_709 : memref<8x128xf32, #tpu.memory_space<hbm>>) target_semaphore(%arg22 : memref<!tpu.dma_semaphore, #tpu.memory_space<semaphore_mem>>)
      %dma_start3A_713 = arith.constant 3 : i32
      %dma_start3A_714 = arith.constant 0 : i32
      %dma_start3A_715 = arith.constant 384 : i32
      %dma_start3A_716 = tpu.memref_slice %arg14[%dma_start3A_714, %dma_start3A_715] : memref<16x768xf32, #tpu.memory_space<vmem>> -> memref<8x128xf32, #tpu.memory_space<vmem>>
      %dma_start3A_717 = arith.constant 0 : i32
      %dma_start3A_718 = arith.constant 0 : i32
      %dma_start3A_719 = tpu.memref_slice %arg7[%add3A_602, %add3A_667, %dma_start3A_713, %dma_start3A_717, %dma_start3A_718] : memref<1024x64x6x8x128xf32, #tpu.memory_space<hbm>> -> memref<1x1x1x8x128xf32, #tpu.memory_space<hbm>>
      %dma_start3A_720 = tpu.memref_squeeze %dma_start3A_719 : memref<1x1x1x8x128xf32, #tpu.memory_space<hbm>> -> memref<8x128xf32, #tpu.memory_space<hbm>>
      %dma_start3A_721 = arith.constant 0 : i32
      %dma_start3A_722 = arith.constant 0 : i32
      %dma_start3A_723 = tpu.memref_slice %arg7[%add3A_602, %add3A_667, %dma_start3A_713, %dma_start3A_721, %dma_start3A_722] : memref<1024x64x6x8x128xf32, #tpu.memory_space<hbm>> -> memref<1x1x1x8x128xf32, #tpu.memory_space<hbm>>
      %dma_start3A_724 = tpu.memref_squeeze %dma_start3A_723 : memref<1x1x1x8x128xf32, #tpu.memory_space<hbm>> -> memref<8x128xf32, #tpu.memory_space<hbm>>
      %dma_start3A_725 = arith.constant 0 : i32
      %dma_start3A_726 = arith.constant 384 : i32
      %dma_start3A_727 = tpu.memref_slice %arg14[%dma_start3A_725, %dma_start3A_726] : memref<16x768xf32, #tpu.memory_space<vmem>> -> memref<8x128xf32, #tpu.memory_space<vmem>>
      tpu.enqueue_dma source(%dma_start3A_727 : memref<8x128xf32, #tpu.memory_space<vmem>>) target(%dma_start3A_724 : memref<8x128xf32, #tpu.memory_space<hbm>>) target_semaphore(%arg22 : memref<!tpu.dma_semaphore, #tpu.memory_space<semaphore_mem>>)
      %dma_start3A_728 = arith.constant 4 : i32
      %dma_start3A_729 = arith.constant 0 : i32
      %dma_start3A_730 = arith.constant 512 : i32
      %dma_start3A_731 = tpu.memref_slice %arg14[%dma_start3A_729, %dma_start3A_730] : memref<16x768xf32, #tpu.memory_space<vmem>> -> memref<8x128xf32, #tpu.memory_space<vmem>>
      %dma_start3A_732 = arith.constant 0 : i32
      %dma_start3A_733 = arith.constant 0 : i32
      %dma_start3A_734 = tpu.memref_slice %arg7[%add3A_602, %add3A_667, %dma_start3A_728, %dma_start3A_732, %dma_start3A_733] : memref<1024x64x6x8x128xf32, #tpu.memory_space<hbm>> -> memref<1x1x1x8x128xf32, #tpu.memory_space<hbm>>
      %dma_start3A_735 = tpu.memref_squeeze %dma_start3A_734 : memref<1x1x1x8x128xf32, #tpu.memory_space<hbm>> -> memref<8x128xf32, #tpu.memory_space<hbm>>
      %dma_start3A_736 = arith.constant 0 : i32
      %dma_start3A_737 = arith.constant 0 : i32
      %dma_start3A_738 = tpu.memref_slice %arg7[%add3A_602, %add3A_667, %dma_start3A_728, %dma_start3A_736, %dma_start3A_737] : memref<1024x64x6x8x128xf32, #tpu.memory_space<hbm>> -> memref<1x1x1x8x128xf32, #tpu.memory_space<hbm>>
      %dma_start3A_739 = tpu.memref_squeeze %dma_start3A_738 : memref<1x1x1x8x128xf32, #tpu.memory_space<hbm>> -> memref<8x128xf32, #tpu.memory_space<hbm>>
      %dma_start3A_740 = arith.constant 0 : i32
      %dma_start3A_741 = arith.constant 512 : i32
      %dma_start3A_742 = tpu.memref_slice %arg14[%dma_start3A_740, %dma_start3A_741] : memref<16x768xf32, #tpu.memory_space<vmem>> -> memref<8x128xf32, #tpu.memory_space<vmem>>
      tpu.enqueue_dma source(%dma_start3A_742 : memref<8x128xf32, #tpu.memory_space<vmem>>) target(%dma_start3A_739 : memref<8x128xf32, #tpu.memory_space<hbm>>) target_semaphore(%arg22 : memref<!tpu.dma_semaphore, #tpu.memory_space<semaphore_mem>>)
      %dma_start3A_743 = arith.constant 5 : i32
      %dma_start3A_744 = arith.constant 0 : i32
      %dma_start3A_745 = arith.constant 640 : i32
      %dma_start3A_746 = tpu.memref_slice %arg14[%dma_start3A_744, %dma_start3A_745] : memref<16x768xf32, #tpu.memory_space<vmem>> -> memref<8x128xf32, #tpu.memory_space<vmem>>
      %dma_start3A_747 = arith.constant 0 : i32
      %dma_start3A_748 = arith.constant 0 : i32
      %dma_start3A_749 = tpu.memref_slice %arg7[%add3A_602, %add3A_667, %dma_start3A_743, %dma_start3A_747, %dma_start3A_748] : memref<1024x64x6x8x128xf32, #tpu.memory_space<hbm>> -> memref<1x1x1x8x128xf32, #tpu.memory_space<hbm>>
      %dma_start3A_750 = tpu.memref_squeeze %dma_start3A_749 : memref<1x1x1x8x128xf32, #tpu.memory_space<hbm>> -> memref<8x128xf32, #tpu.memory_space<hbm>>
      %dma_start3A_751 = arith.constant 0 : i32
      %dma_start3A_752 = arith.constant 0 : i32
      %dma_start3A_753 = tpu.memref_slice %arg7[%add3A_602, %add3A_667, %dma_start3A_743, %dma_start3A_751, %dma_start3A_752] : memref<1024x64x6x8x128xf32, #tpu.memory_space<hbm>> -> memref<1x1x1x8x128xf32, #tpu.memory_space<hbm>>
      %dma_start3A_754 = tpu.memref_squeeze %dma_start3A_753 : memref<1x1x1x8x128xf32, #tpu.memory_space<hbm>> -> memref<8x128xf32, #tpu.memory_space<hbm>>
      %dma_start3A_755 = arith.constant 0 : i32
      %dma_start3A_756 = arith.constant 640 : i32
      %dma_start3A_757 = tpu.memref_slice %arg14[%dma_start3A_755, %dma_start3A_756] : memref<16x768xf32, #tpu.memory_space<vmem>> -> memref<8x128xf32, #tpu.memory_space<vmem>>
      tpu.enqueue_dma source(%dma_start3A_757 : memref<8x128xf32, #tpu.memory_space<vmem>>) target(%dma_start3A_754 : memref<8x128xf32, #tpu.memory_space<hbm>>) target_semaphore(%arg22 : memref<!tpu.dma_semaphore, #tpu.memory_space<semaphore_mem>>)
      %mul3A_758 = arith.constant 2 : i32
      %mul3A_759 = arith.muli %mul3A_758, %add3A : i32
      %add3A_760 = arith.constant 1 : i32
      %add3A_761 = arith.addi %mul3A_759, %add3A_760 : i32
      %dma_start3A_762 = arith.constant 0 : i32
      %dma_start3A_763 = arith.constant 8 : i32
      %dma_start3A_764 = arith.constant 0 : i32
      %dma_start3A_765 = tpu.memref_slice %arg14[%dma_start3A_763, %dma_start3A_764] : memref<16x768xf32, #tpu.memory_space<vmem>> -> memref<8x128xf32, #tpu.memory_space<vmem>>
      %dma_start3A_766 = arith.constant 0 : i32
      %dma_start3A_767 = arith.constant 0 : i32
      %dma_start3A_768 = tpu.memref_slice %arg7[%add3A_602, %add3A_761, %dma_start3A_762, %dma_start3A_766, %dma_start3A_767] : memref<1024x64x6x8x128xf32, #tpu.memory_space<hbm>> -> memref<1x1x1x8x128xf32, #tpu.memory_space<hbm>>
      %dma_start3A_769 = tpu.memref_squeeze %dma_start3A_768 : memref<1x1x1x8x128xf32, #tpu.memory_space<hbm>> -> memref<8x128xf32, #tpu.memory_space<hbm>>
      %dma_start3A_770 = arith.constant 0 : i32
      %dma_start3A_771 = arith.constant 0 : i32
      %dma_start3A_772 = tpu.memref_slice %arg7[%add3A_602, %add3A_761, %dma_start3A_762, %dma_start3A_770, %dma_start3A_771] : memref<1024x64x6x8x128xf32, #tpu.memory_space<hbm>> -> memref<1x1x1x8x128xf32, #tpu.memory_space<hbm>>
      %dma_start3A_773 = tpu.memref_squeeze %dma_start3A_772 : memref<1x1x1x8x128xf32, #tpu.memory_space<hbm>> -> memref<8x128xf32, #tpu.memory_space<hbm>>
      %dma_start3A_774 = arith.constant 8 : i32
      %dma_start3A_775 = arith.constant 0 : i32
      %dma_start3A_776 = tpu.memref_slice %arg14[%dma_start3A_774, %dma_start3A_775] : memref<16x768xf32, #tpu.memory_space<vmem>> -> memref<8x128xf32, #tpu.memory_space<vmem>>
      tpu.enqueue_dma source(%dma_start3A_776 : memref<8x128xf32, #tpu.memory_space<vmem>>) target(%dma_start3A_773 : memref<8x128xf32, #tpu.memory_space<hbm>>) target_semaphore(%arg22 : memref<!tpu.dma_semaphore, #tpu.memory_space<semaphore_mem>>)
      %dma_start3A_777 = arith.constant 1 : i32
      %dma_start3A_778 = arith.constant 8 : i32
      %dma_start3A_779 = arith.constant 128 : i32
      %dma_start3A_780 = tpu.memref_slice %arg14[%dma_start3A_778, %dma_start3A_779] : memref<16x768xf32, #tpu.memory_space<vmem>> -> memref<8x128xf32, #tpu.memory_space<vmem>>
      %dma_start3A_781 = arith.constant 0 : i32
      %dma_start3A_782 = arith.constant 0 : i32
      %dma_start3A_783 = tpu.memref_slice %arg7[%add3A_602, %add3A_761, %dma_start3A_777, %dma_start3A_781, %dma_start3A_782] : memref<1024x64x6x8x128xf32, #tpu.memory_space<hbm>> -> memref<1x1x1x8x128xf32, #tpu.memory_space<hbm>>
      %dma_start3A_784 = tpu.memref_squeeze %dma_start3A_783 : memref<1x1x1x8x128xf32, #tpu.memory_space<hbm>> -> memref<8x128xf32, #tpu.memory_space<hbm>>
      %dma_start3A_785 = arith.constant 0 : i32
      %dma_start3A_786 = arith.constant 0 : i32
      %dma_start3A_787 = tpu.memref_slice %arg7[%add3A_602, %add3A_761, %dma_start3A_777, %dma_start3A_785, %dma_start3A_786] : memref<1024x64x6x8x128xf32, #tpu.memory_space<hbm>> -> memref<1x1x1x8x128xf32, #tpu.memory_space<hbm>>
      %dma_start3A_788 = tpu.memref_squeeze %dma_start3A_787 : memref<1x1x1x8x128xf32, #tpu.memory_space<hbm>> -> memref<8x128xf32, #tpu.memory_space<hbm>>
      %dma_start3A_789 = arith.constant 8 : i32
      %dma_start3A_790 = arith.constant 128 : i32
      %dma_start3A_791 = tpu.memref_slice %arg14[%dma_start3A_789, %dma_start3A_790] : memref<16x768xf32, #tpu.memory_space<vmem>> -> memref<8x128xf32, #tpu.memory_space<vmem>>
      tpu.enqueue_dma source(%dma_start3A_791 : memref<8x128xf32, #tpu.memory_space<vmem>>) target(%dma_start3A_788 : memref<8x128xf32, #tpu.memory_space<hbm>>) target_semaphore(%arg22 : memref<!tpu.dma_semaphore, #tpu.memory_space<semaphore_mem>>)
      %dma_start3A_792 = arith.constant 2 : i32
      %dma_start3A_793 = arith.constant 8 : i32
      %dma_start3A_794 = arith.constant 256 : i32
      %dma_start3A_795 = tpu.memref_slice %arg14[%dma_start3A_793, %dma_start3A_794] : memref<16x768xf32, #tpu.memory_space<vmem>> -> memref<8x128xf32, #tpu.memory_space<vmem>>
      %dma_start3A_796 = arith.constant 0 : i32
      %dma_start3A_797 = arith.constant 0 : i32
      %dma_start3A_798 = tpu.memref_slice %arg7[%add3A_602, %add3A_761, %dma_start3A_792, %dma_start3A_796, %dma_start3A_797] : memref<1024x64x6x8x128xf32, #tpu.memory_space<hbm>> -> memref<1x1x1x8x128xf32, #tpu.memory_space<hbm>>
      %dma_start3A_799 = tpu.memref_squeeze %dma_start3A_798 : memref<1x1x1x8x128xf32, #tpu.memory_space<hbm>> -> memref<8x128xf32, #tpu.memory_space<hbm>>
      %dma_start3A_800 = arith.constant 0 : i32
      %dma_start3A_801 = arith.constant 0 : i32
      %dma_start3A_802 = tpu.memref_slice %arg7[%add3A_602, %add3A_761, %dma_start3A_792, %dma_start3A_800, %dma_start3A_801] : memref<1024x64x6x8x128xf32, #tpu.memory_space<hbm>> -> memref<1x1x1x8x128xf32, #tpu.memory_space<hbm>>
      %dma_start3A_803 = tpu.memref_squeeze %dma_start3A_802 : memref<1x1x1x8x128xf32, #tpu.memory_space<hbm>> -> memref<8x128xf32, #tpu.memory_space<hbm>>
      %dma_start3A_804 = arith.constant 8 : i32
      %dma_start3A_805 = arith.constant 256 : i32
      %dma_start3A_806 = tpu.memref_slice %arg14[%dma_start3A_804, %dma_start3A_805] : memref<16x768xf32, #tpu.memory_space<vmem>> -> memref<8x128xf32, #tpu.memory_space<vmem>>
      tpu.enqueue_dma source(%dma_start3A_806 : memref<8x128xf32, #tpu.memory_space<vmem>>) target(%dma_start3A_803 : memref<8x128xf32, #tpu.memory_space<hbm>>) target_semaphore(%arg22 : memref<!tpu.dma_semaphore, #tpu.memory_space<semaphore_mem>>)
      %dma_start3A_807 = arith.constant 3 : i32
      %dma_start3A_808 = arith.constant 8 : i32
      %dma_start3A_809 = arith.constant 384 : i32
      %dma_start3A_810 = tpu.memref_slice %arg14[%dma_start3A_808, %dma_start3A_809] : memref<16x768xf32, #tpu.memory_space<vmem>> -> memref<8x128xf32, #tpu.memory_space<vmem>>
      %dma_start3A_811 = arith.constant 0 : i32
      %dma_start3A_812 = arith.constant 0 : i32
      %dma_start3A_813 = tpu.memref_slice %arg7[%add3A_602, %add3A_761, %dma_start3A_807, %dma_start3A_811, %dma_start3A_812] : memref<1024x64x6x8x128xf32, #tpu.memory_space<hbm>> -> memref<1x1x1x8x128xf32, #tpu.memory_space<hbm>>
      %dma_start3A_814 = tpu.memref_squeeze %dma_start3A_813 : memref<1x1x1x8x128xf32, #tpu.memory_space<hbm>> -> memref<8x128xf32, #tpu.memory_space<hbm>>
      %dma_start3A_815 = arith.constant 0 : i32
      %dma_start3A_816 = arith.constant 0 : i32
      %dma_start3A_817 = tpu.memref_slice %arg7[%add3A_602, %add3A_761, %dma_start3A_807, %dma_start3A_815, %dma_start3A_816] : memref<1024x64x6x8x128xf32, #tpu.memory_space<hbm>> -> memref<1x1x1x8x128xf32, #tpu.memory_space<hbm>>
      %dma_start3A_818 = tpu.memref_squeeze %dma_start3A_817 : memref<1x1x1x8x128xf32, #tpu.memory_space<hbm>> -> memref<8x128xf32, #tpu.memory_space<hbm>>
      %dma_start3A_819 = arith.constant 8 : i32
      %dma_start3A_820 = arith.constant 384 : i32
      %dma_start3A_821 = tpu.memref_slice %arg14[%dma_start3A_819, %dma_start3A_820] : memref<16x768xf32, #tpu.memory_space<vmem>> -> memref<8x128xf32, #tpu.memory_space<vmem>>
      tpu.enqueue_dma source(%dma_start3A_821 : memref<8x128xf32, #tpu.memory_space<vmem>>) target(%dma_start3A_818 : memref<8x128xf32, #tpu.memory_space<hbm>>) target_semaphore(%arg22 : memref<!tpu.dma_semaphore, #tpu.memory_space<semaphore_mem>>)
      %dma_start3A_822 = arith.constant 4 : i32
      %dma_start3A_823 = arith.constant 8 : i32
      %dma_start3A_824 = arith.constant 512 : i32
      %dma_start3A_825 = tpu.memref_slice %arg14[%dma_start3A_823, %dma_start3A_824] : memref<16x768xf32, #tpu.memory_space<vmem>> -> memref<8x128xf32, #tpu.memory_space<vmem>>
      %dma_start3A_826 = arith.constant 0 : i32
      %dma_start3A_827 = arith.constant 0 : i32
      %dma_start3A_828 = tpu.memref_slice %arg7[%add3A_602, %add3A_761, %dma_start3A_822, %dma_start3A_826, %dma_start3A_827] : memref<1024x64x6x8x128xf32, #tpu.memory_space<hbm>> -> memref<1x1x1x8x128xf32, #tpu.memory_space<hbm>>
      %dma_start3A_829 = tpu.memref_squeeze %dma_start3A_828 : memref<1x1x1x8x128xf32, #tpu.memory_space<hbm>> -> memref<8x128xf32, #tpu.memory_space<hbm>>
      %dma_start3A_830 = arith.constant 0 : i32
      %dma_start3A_831 = arith.constant 0 : i32
      %dma_start3A_832 = tpu.memref_slice %arg7[%add3A_602, %add3A_761, %dma_start3A_822, %dma_start3A_830, %dma_start3A_831] : memref<1024x64x6x8x128xf32, #tpu.memory_space<hbm>> -> memref<1x1x1x8x128xf32, #tpu.memory_space<hbm>>
      %dma_start3A_833 = tpu.memref_squeeze %dma_start3A_832 : memref<1x1x1x8x128xf32, #tpu.memory_space<hbm>> -> memref<8x128xf32, #tpu.memory_space<hbm>>
      %dma_start3A_834 = arith.constant 8 : i32
      %dma_start3A_835 = arith.constant 512 : i32
      %dma_start3A_836 = tpu.memref_slice %arg14[%dma_start3A_834, %dma_start3A_835] : memref<16x768xf32, #tpu.memory_space<vmem>> -> memref<8x128xf32, #tpu.memory_space<vmem>>
      tpu.enqueue_dma source(%dma_start3A_836 : memref<8x128xf32, #tpu.memory_space<vmem>>) target(%dma_start3A_833 : memref<8x128xf32, #tpu.memory_space<hbm>>) target_semaphore(%arg22 : memref<!tpu.dma_semaphore, #tpu.memory_space<semaphore_mem>>)
      %dma_start3A_837 = arith.constant 5 : i32
      %dma_start3A_838 = arith.constant 8 : i32
      %dma_start3A_839 = arith.constant 640 : i32
      %dma_start3A_840 = tpu.memref_slice %arg14[%dma_start3A_838, %dma_start3A_839] : memref<16x768xf32, #tpu.memory_space<vmem>> -> memref<8x128xf32, #tpu.memory_space<vmem>>
      %dma_start3A_841 = arith.constant 0 : i32
      %dma_start3A_842 = arith.constant 0 : i32
      %dma_start3A_843 = tpu.memref_slice %arg7[%add3A_602, %add3A_761, %dma_start3A_837, %dma_start3A_841, %dma_start3A_842] : memref<1024x64x6x8x128xf32, #tpu.memory_space<hbm>> -> memref<1x1x1x8x128xf32, #tpu.memory_space<hbm>>
      %dma_start3A_844 = tpu.memref_squeeze %dma_start3A_843 : memref<1x1x1x8x128xf32, #tpu.memory_space<hbm>> -> memref<8x128xf32, #tpu.memory_space<hbm>>
      %dma_start3A_845 = arith.constant 0 : i32
      %dma_start3A_846 = arith.constant 0 : i32
      %dma_start3A_847 = tpu.memref_slice %arg7[%add3A_602, %add3A_761, %dma_start3A_837, %dma_start3A_845, %dma_start3A_846] : memref<1024x64x6x8x128xf32, #tpu.memory_space<hbm>> -> memref<1x1x1x8x128xf32, #tpu.memory_space<hbm>>
      %dma_start3A_848 = tpu.memref_squeeze %dma_start3A_847 : memref<1x1x1x8x128xf32, #tpu.memory_space<hbm>> -> memref<8x128xf32, #tpu.memory_space<hbm>>
      %dma_start3A_849 = arith.constant 8 : i32
      %dma_start3A_850 = arith.constant 640 : i32
      %dma_start3A_851 = tpu.memref_slice %arg14[%dma_start3A_849, %dma_start3A_850] : memref<16x768xf32, #tpu.memory_space<vmem>> -> memref<8x128xf32, #tpu.memory_space<vmem>>
      tpu.enqueue_dma source(%dma_start3A_851 : memref<8x128xf32, #tpu.memory_space<vmem>>) target(%dma_start3A_848 : memref<8x128xf32, #tpu.memory_space<hbm>>) target_semaphore(%arg22 : memref<!tpu.dma_semaphore, #tpu.memory_space<semaphore_mem>>)
      %mul3A_852 = arith.constant 4 : i32
      %mul3A_853 = arith.muli %mul3A_852, %scan3A_98 : i32
      %add3A_854 = arith.constant 3 : i32
      %add3A_855 = arith.addi %mul3A_853, %add3A_854 : i32
      %add3A_856 = arith.constant 2 : i32
      %add3A_857 = arith.addi %add3A_855, %add3A_856 : i32
      %lt3A_858 = arith.constant 1024 : i32
      %lt3A_859 = arith.cmpi slt, %add3A_857, %lt3A_858 : i32
      %convert_element_type3A_860 = arith.extui %lt3A_859 : i1 to i32
      %cond3A_861 = arith.constant 0 : i32
      %cond3A_862 = arith.cmpi ne, %convert_element_type3A_860, %cond3A_861 : i32
      scf.if %cond3A_862 {
        %sub3A = arith.constant 4 : i32
        %sub3A_1105 = arith.subi %add3A_857, %sub3A : i32
        %max3A_1106 = arith.constant 0 : i32
        %max3A_1107 = arith.maxsi %sub3A_1105, %max3A_1106 : i32
        %mul3A_1108 = arith.constant 2 : i32
        %mul3A_1109 = arith.muli %mul3A_1108, %add3A : i32
        %dma_wait3A_1110 = arith.constant 0 : i32
        %dma_wait3A_1111 = arith.constant 0 : i32
        %dma_wait3A_1112 = arith.constant 0 : i32
        %dma_wait3A_1113 = tpu.memref_slice %arg7[%max3A_1107, %mul3A_1109, %dma_wait3A_1110, %dma_wait3A_1111, %dma_wait3A_1112] : memref<1024x64x6x8x128xf32, #tpu.memory_space<hbm>> -> memref<1x2x6x8x128xf32, #tpu.memory_space<hbm>>
        %dma_wait3A_1114 = tpu.memref_squeeze %dma_wait3A_1113 : memref<1x2x6x8x128xf32, #tpu.memory_space<hbm>> -> memref<2x6x8x128xf32, #tpu.memory_space<hbm>>
        %dma_wait3A_1115 = arith.constant 0 : i32
        %dma_wait3A_1116 = arith.constant 0 : i32
        %dma_wait3A_1117 = arith.constant 0 : i32
        %dma_wait3A_1118 = tpu.memref_slice %arg7[%max3A_1107, %mul3A_1109, %dma_wait3A_1115, %dma_wait3A_1116, %dma_wait3A_1117] : memref<1024x64x6x8x128xf32, #tpu.memory_space<hbm>> -> memref<1x2x6x8x128xf32, #tpu.memory_space<hbm>>
        %dma_wait3A_1119 = tpu.memref_squeeze %dma_wait3A_1118 : memref<1x2x6x8x128xf32, #tpu.memory_space<hbm>> -> memref<2x6x8x128xf32, #tpu.memory_space<hbm>>
        tpu.wait_dma2 semaphore(%arg21 : memref<!tpu.dma_semaphore, #tpu.memory_space<semaphore_mem>>) src(%arg13 : memref<16x768xf32, #tpu.memory_space<vmem>>) dst(%dma_wait3A_1119 : memref<2x6x8x128xf32, #tpu.memory_space<hbm>>)
        %get3A_1120 = arith.index_cast %add3A_857 : i32 to index
        %get3A_1121 = arith.constant 0 : index
        %get3A_1122 = tpu.vector_load %arg8[%get3A_1120, %get3A_1121] {strides = array<i32>} : memref<1024x16xi32, #tpu.memory_space<vmem>>, vector<1x16xi32>,
        %get3A_1123 = vector.shape_cast %get3A_1122 : vector<1x16xi32> to vector<16xi32>
        %dma_start3A_1124 = arith.constant 0 : i32
        %dma_start3A_1125 = arith.constant 0 : i32
        %dma_start3A_1126 = tpu.memref_slice %arg4[%dma_start3A_1124, %dma_start3A_1125] : memref<100000x768xf32, #tpu.memory_space<hbm>> -> memref<100000x768xf32, #tpu.memory_space<hbm>>
        tpu.enqueue_indirect_dma source(%dma_start3A_1126 : memref<100000x768xf32, #tpu.memory_space<hbm>>) target(%arg13 : memref<16x768xf32, #tpu.memory_space<vmem>>) offsets(%get3A_1123 : vector<16xi32>) semaphore(%arg17 : memref<!tpu.dma_semaphore, #tpu.memory_space<semaphore_mem>>)
      } else {
      }
      %get3A_863 = arith.index_cast %add3A_855 : i32 to index
      %get3A_864 = arith.constant 0 : index
      %get3A_865 = tpu.vector_load %arg8[%get3A_863, %get3A_864] {strides = array<i32>} : memref<1024x16xi32, #tpu.memory_space<vmem>>, vector<1x16xi32>,
      %get3A_866 = vector.shape_cast %get3A_865 : vector<1x16xi32> to vector<16xi32>
      %dma_wait3A_867 = arith.constant 0 : i32
      %dma_wait3A_868 = arith.constant 0 : i32
      %dma_wait3A_869 = tpu.memref_slice %arg4[%dma_wait3A_867, %dma_wait3A_868] : memref<100000x768xf32, #tpu.memory_space<hbm>> -> memref<100000x768xf32, #tpu.memory_space<hbm>>
      tpu.wait_indirect_dma semaphore(%arg19 : memref<!tpu.dma_semaphore, #tpu.memory_space<semaphore_mem>>) src(%dma_wait3A_869 : memref<100000x768xf32, #tpu.memory_space<hbm>>) dst(%arg15 : memref<16x768xf32, #tpu.memory_space<vmem>>)
      %get3A_870 = arith.index_cast %add3A_855 : i32 to index
      %get3A_871 = arith.constant 0 : index
      %get3A_872 = tpu.vector_load %arg9[%get3A_870, %get3A_871] {strides = array<i32>} : memref<1024x16xi32, #tpu.memory_space<vmem>>, vector<1x16xi32>,
      %get3A_873 = vector.shape_cast %get3A_872 : vector<1x16xi32> to vector<16xi32>
      %mul3A_874 = arith.constant 16 : i32
      %mul3A_875 = vector.broadcast %mul3A_874 : i32 to vector<16xi32>
      %mul3A_876 = arith.muli %get3A_873, %mul3A_875 : vector<16xi32>
      %iota3A_877 = tpu.iota {dimensions = array<i32: 0>} : vector<16xi32>
      %add3A_878 = arith.addi %mul3A_876, %iota3A_877 : vector<16xi32>
      %slice3A_879 = vector.extract_strided_slice %add3A_878 {offsets = [0], sizes = [1], strides = [1]} : vector<16xi32> to vector<1xi32>
      %squeeze3A_880 = vector.extract %slice3A_879[0] : i32 from vector<1xi32>
      %slice3A_881 = vector.extract_strided_slice %add3A_878 {offsets = [1], sizes = [1], strides = [1]} : vector<16xi32> to vector<1xi32>
      %squeeze3A_882 = vector.extract %slice3A_881[0] : i32 from vector<1xi32>
      %slice3A_883 = vector.extract_strided_slice %add3A_878 {offsets = [2], sizes = [1], strides = [1]} : vector<16xi32> to vector<1xi32>
      %squeeze3A_884 = vector.extract %slice3A_883[0] : i32 from vector<1xi32>
      %slice3A_885 = vector.extract_strided_slice %add3A_878 {offsets = [3], sizes = [1], strides = [1]} : vector<16xi32> to vector<1xi32>
      %squeeze3A_886 = vector.extract %slice3A_885[0] : i32 from vector<1xi32>
      %slice3A_887 = vector.extract_strided_slice %add3A_878 {offsets = [4], sizes = [1], strides = [1]} : vector<16xi32> to vector<1xi32>
      %squeeze3A_888 = vector.extract %slice3A_887[0] : i32 from vector<1xi32>
      %slice3A_889 = vector.extract_strided_slice %add3A_878 {offsets = [5], sizes = [1], strides = [1]} : vector<16xi32> to vector<1xi32>
      %squeeze3A_890 = vector.extract %slice3A_889[0] : i32 from vector<1xi32>
      %slice3A_891 = vector.extract_strided_slice %add3A_878 {offsets = [6], sizes = [1], strides = [1]} : vector<16xi32> to vector<1xi32>
      %squeeze3A_892 = vector.extract %slice3A_891[0] : i32 from vector<1xi32>
      %slice3A_893 = vector.extract_strided_slice %add3A_878 {offsets = [7], sizes = [1], strides = [1]} : vector<16xi32> to vector<1xi32>
      %squeeze3A_894 = vector.extract %slice3A_893[0] : i32 from vector<1xi32>
      %slice3A_895 = vector.extract_strided_slice %add3A_878 {offsets = [8], sizes = [1], strides = [1]} : vector<16xi32> to vector<1xi32>
      %squeeze3A_896 = vector.extract %slice3A_895[0] : i32 from vector<1xi32>
      %slice3A_897 = vector.extract_strided_slice %add3A_878 {offsets = [9], sizes = [1], strides = [1]} : vector<16xi32> to vector<1xi32>
      %squeeze3A_898 = vector.extract %slice3A_897[0] : i32 from vector<1xi32>
      %slice3A_899 = vector.extract_strided_slice %add3A_878 {offsets = [10], sizes = [1], strides = [1]} : vector<16xi32> to vector<1xi32>
      %squeeze3A_900 = vector.extract %slice3A_899[0] : i32 from vector<1xi32>
      %slice3A_901 = vector.extract_strided_slice %add3A_878 {offsets = [11], sizes = [1], strides = [1]} : vector<16xi32> to vector<1xi32>
      %squeeze3A_902 = vector.extract %slice3A_901[0] : i32 from vector<1xi32>
      %slice3A_903 = vector.extract_strided_slice %add3A_878 {offsets = [12], sizes = [1], strides = [1]} : vector<16xi32> to vector<1xi32>
      %squeeze3A_904 = vector.extract %slice3A_903[0] : i32 from vector<1xi32>
      %slice3A_905 = vector.extract_strided_slice %add3A_878 {offsets = [13], sizes = [1], strides = [1]} : vector<16xi32> to vector<1xi32>
      %squeeze3A_906 = vector.extract %slice3A_905[0] : i32 from vector<1xi32>
      %slice3A_907 = vector.extract_strided_slice %add3A_878 {offsets = [14], sizes = [1], strides = [1]} : vector<16xi32> to vector<1xi32>
      %squeeze3A_908 = vector.extract %slice3A_907[0] : i32 from vector<1xi32>
      %slice3A_909 = vector.extract_strided_slice %add3A_878 {offsets = [15], sizes = [1], strides = [1]} : vector<16xi32> to vector<1xi32>
      %squeeze3A_910 = vector.extract %slice3A_909[0] : i32 from vector<1xi32>
      %scan3A_911 = arith.constant 0 : i32
      %scan3A_912 = arith.constant 0 : i32
      %scan3A_913 = arith.constant 48 : i32
      %scan3A_914 = arith.addi %scan3A_912, %scan3A_913 : i32
      %scan3A_915 = arith.constant 1 : i32
      scf.for %scan3A_1105 = %scan3A_912 to %scan3A_914 step %scan3A_915  : i32 {
        %mul3A_1106 = arith.constant 16 : i32
        %mul3A_1107 = arith.muli %scan3A_1105, %mul3A_1106 : i32
        %get3A_1108 = arith.constant 0 : i32
        %get3A_1109 = tpu.memref_slice %arg10[%squeeze3A_880, %get3A_1108] : memref<32x768xf32, #tpu.memory_space<vmem>> -> memref<1x768xf32, #tpu.memory_space<vmem>>
        %get3A_1110 = tpu.memref_squeeze %get3A_1109 : memref<1x768xf32, #tpu.memory_space<vmem>> -> memref<768xf32, #tpu.memory_space<vmem>>
        %get3A_1111 = arith.index_cast %mul3A_1107 : i32 to index
        %get3A_1112 = tpu.vector_load %get3A_1110[%get3A_1111] {strides = array<i32>} : memref<768xf32, #tpu.memory_space<vmem>>, vector<16xf32>,
        %get3A_1113 = vector.shape_cast %get3A_1112 : vector<16xf32> to vector<16xf32>
        %swap3A = arith.constant 0 : i32
        %swap3A_1114 = arith.index_cast %swap3A : i32 to index
        %swap3A_1115 = arith.index_cast %mul3A_1107 : i32 to index
        %swap3A_1116 = tpu.vector_load %arg15[%swap3A_1114, %swap3A_1115] {strides = array<i32>} : memref<16x768xf32, #tpu.memory_space<vmem>>, vector<1x16xf32>,
        %swap3A_1117 = vector.shape_cast %swap3A_1116 : vector<1x16xf32> to vector<16xf32>
        %swap3A_1118 = vector.shape_cast %get3A_1113 : vector<16xf32> to vector<1x16xf32>
        tpu.vector_store %arg15[%swap3A_1114, %swap3A_1115], %swap3A_1118 {add = true, strides = array<i32>} : memref<16x768xf32, #tpu.memory_space<vmem>>, vector<1x16xf32>,
        %get3A_1119 = arith.constant 0 : i32
        %get3A_1120 = tpu.memref_slice %arg10[%squeeze3A_882, %get3A_1119] : memref<32x768xf32, #tpu.memory_space<vmem>> -> memref<1x768xf32, #tpu.memory_space<vmem>>
        %get3A_1121 = tpu.memref_squeeze %get3A_1120 : memref<1x768xf32, #tpu.memory_space<vmem>> -> memref<768xf32, #tpu.memory_space<vmem>>
        %get3A_1122 = arith.index_cast %mul3A_1107 : i32 to index
        %get3A_1123 = tpu.vector_load %get3A_1121[%get3A_1122] {strides = array<i32>} : memref<768xf32, #tpu.memory_space<vmem>>, vector<16xf32>,
        %get3A_1124 = vector.shape_cast %get3A_1123 : vector<16xf32> to vector<16xf32>
        %swap3A_1125 = arith.constant 1 : i32
        %swap3A_1126 = arith.index_cast %swap3A_1125 : i32 to index
        %swap3A_1127 = arith.index_cast %mul3A_1107 : i32 to index
        %swap3A_1128 = tpu.vector_load %arg15[%swap3A_1126, %swap3A_1127] {strides = array<i32>} : memref<16x768xf32, #tpu.memory_space<vmem>>, vector<1x16xf32>,
        %swap3A_1129 = vector.shape_cast %swap3A_1128 : vector<1x16xf32> to vector<16xf32>
        %swap3A_1130 = vector.shape_cast %get3A_1124 : vector<16xf32> to vector<1x16xf32>
        tpu.vector_store %arg15[%swap3A_1126, %swap3A_1127], %swap3A_1130 {add = true, strides = array<i32>} : memref<16x768xf32, #tpu.memory_space<vmem>>, vector<1x16xf32>,
        %get3A_1131 = arith.constant 0 : i32
        %get3A_1132 = tpu.memref_slice %arg10[%squeeze3A_884, %get3A_1131] : memref<32x768xf32, #tpu.memory_space<vmem>> -> memref<1x768xf32, #tpu.memory_space<vmem>>
        %get3A_1133 = tpu.memref_squeeze %get3A_1132 : memref<1x768xf32, #tpu.memory_space<vmem>> -> memref<768xf32, #tpu.memory_space<vmem>>
        %get3A_1134 = arith.index_cast %mul3A_1107 : i32 to index
        %get3A_1135 = tpu.vector_load %get3A_1133[%get3A_1134] {strides = array<i32>} : memref<768xf32, #tpu.memory_space<vmem>>, vector<16xf32>,
        %get3A_1136 = vector.shape_cast %get3A_1135 : vector<16xf32> to vector<16xf32>
        %swap3A_1137 = arith.constant 2 : i32
        %swap3A_1138 = arith.index_cast %swap3A_1137 : i32 to index
        %swap3A_1139 = arith.index_cast %mul3A_1107 : i32 to index
        %swap3A_1140 = tpu.vector_load %arg15[%swap3A_1138, %swap3A_1139] {strides = array<i32>} : memref<16x768xf32, #tpu.memory_space<vmem>>, vector<1x16xf32>,
        %swap3A_1141 = vector.shape_cast %swap3A_1140 : vector<1x16xf32> to vector<16xf32>
        %swap3A_1142 = vector.shape_cast %get3A_1136 : vector<16xf32> to vector<1x16xf32>
        tpu.vector_store %arg15[%swap3A_1138, %swap3A_1139], %swap3A_1142 {add = true, strides = array<i32>} : memref<16x768xf32, #tpu.memory_space<vmem>>, vector<1x16xf32>,
        %get3A_1143 = arith.constant 0 : i32
        %get3A_1144 = tpu.memref_slice %arg10[%squeeze3A_886, %get3A_1143] : memref<32x768xf32, #tpu.memory_space<vmem>> -> memref<1x768xf32, #tpu.memory_space<vmem>>
        %get3A_1145 = tpu.memref_squeeze %get3A_1144 : memref<1x768xf32, #tpu.memory_space<vmem>> -> memref<768xf32, #tpu.memory_space<vmem>>
        %get3A_1146 = arith.index_cast %mul3A_1107 : i32 to index
        %get3A_1147 = tpu.vector_load %get3A_1145[%get3A_1146] {strides = array<i32>} : memref<768xf32, #tpu.memory_space<vmem>>, vector<16xf32>,
        %get3A_1148 = vector.shape_cast %get3A_1147 : vector<16xf32> to vector<16xf32>
        %swap3A_1149 = arith.constant 3 : i32
        %swap3A_1150 = arith.index_cast %swap3A_1149 : i32 to index
        %swap3A_1151 = arith.index_cast %mul3A_1107 : i32 to index
        %swap3A_1152 = tpu.vector_load %arg15[%swap3A_1150, %swap3A_1151] {strides = array<i32>} : memref<16x768xf32, #tpu.memory_space<vmem>>, vector<1x16xf32>,
        %swap3A_1153 = vector.shape_cast %swap3A_1152 : vector<1x16xf32> to vector<16xf32>
        %swap3A_1154 = vector.shape_cast %get3A_1148 : vector<16xf32> to vector<1x16xf32>
        tpu.vector_store %arg15[%swap3A_1150, %swap3A_1151], %swap3A_1154 {add = true, strides = array<i32>} : memref<16x768xf32, #tpu.memory_space<vmem>>, vector<1x16xf32>,
        %get3A_1155 = arith.constant 0 : i32
        %get3A_1156 = tpu.memref_slice %arg10[%squeeze3A_888, %get3A_1155] : memref<32x768xf32, #tpu.memory_space<vmem>> -> memref<1x768xf32, #tpu.memory_space<vmem>>
        %get3A_1157 = tpu.memref_squeeze %get3A_1156 : memref<1x768xf32, #tpu.memory_space<vmem>> -> memref<768xf32, #tpu.memory_space<vmem>>
        %get3A_1158 = arith.index_cast %mul3A_1107 : i32 to index
        %get3A_1159 = tpu.vector_load %get3A_1157[%get3A_1158] {strides = array<i32>} : memref<768xf32, #tpu.memory_space<vmem>>, vector<16xf32>,
        %get3A_1160 = vector.shape_cast %get3A_1159 : vector<16xf32> to vector<16xf32>
        %swap3A_1161 = arith.constant 4 : i32
        %swap3A_1162 = arith.index_cast %swap3A_1161 : i32 to index
        %swap3A_1163 = arith.index_cast %mul3A_1107 : i32 to index
        %swap3A_1164 = tpu.vector_load %arg15[%swap3A_1162, %swap3A_1163] {strides = array<i32>} : memref<16x768xf32, #tpu.memory_space<vmem>>, vector<1x16xf32>,
        %swap3A_1165 = vector.shape_cast %swap3A_1164 : vector<1x16xf32> to vector<16xf32>
        %swap3A_1166 = vector.shape_cast %get3A_1160 : vector<16xf32> to vector<1x16xf32>
        tpu.vector_store %arg15[%swap3A_1162, %swap3A_1163], %swap3A_1166 {add = true, strides = array<i32>} : memref<16x768xf32, #tpu.memory_space<vmem>>, vector<1x16xf32>,
        %get3A_1167 = arith.constant 0 : i32
        %get3A_1168 = tpu.memref_slice %arg10[%squeeze3A_890, %get3A_1167] : memref<32x768xf32, #tpu.memory_space<vmem>> -> memref<1x768xf32, #tpu.memory_space<vmem>>
        %get3A_1169 = tpu.memref_squeeze %get3A_1168 : memref<1x768xf32, #tpu.memory_space<vmem>> -> memref<768xf32, #tpu.memory_space<vmem>>
        %get3A_1170 = arith.index_cast %mul3A_1107 : i32 to index
        %get3A_1171 = tpu.vector_load %get3A_1169[%get3A_1170] {strides = array<i32>} : memref<768xf32, #tpu.memory_space<vmem>>, vector<16xf32>,
        %get3A_1172 = vector.shape_cast %get3A_1171 : vector<16xf32> to vector<16xf32>
        %swap3A_1173 = arith.constant 5 : i32
        %swap3A_1174 = arith.index_cast %swap3A_1173 : i32 to index
        %swap3A_1175 = arith.index_cast %mul3A_1107 : i32 to index
        %swap3A_1176 = tpu.vector_load %arg15[%swap3A_1174, %swap3A_1175] {strides = array<i32>} : memref<16x768xf32, #tpu.memory_space<vmem>>, vector<1x16xf32>,
        %swap3A_1177 = vector.shape_cast %swap3A_1176 : vector<1x16xf32> to vector<16xf32>
        %swap3A_1178 = vector.shape_cast %get3A_1172 : vector<16xf32> to vector<1x16xf32>
        tpu.vector_store %arg15[%swap3A_1174, %swap3A_1175], %swap3A_1178 {add = true, strides = array<i32>} : memref<16x768xf32, #tpu.memory_space<vmem>>, vector<1x16xf32>,
        %get3A_1179 = arith.constant 0 : i32
        %get3A_1180 = tpu.memref_slice %arg10[%squeeze3A_892, %get3A_1179] : memref<32x768xf32, #tpu.memory_space<vmem>> -> memref<1x768xf32, #tpu.memory_space<vmem>>
        %get3A_1181 = tpu.memref_squeeze %get3A_1180 : memref<1x768xf32, #tpu.memory_space<vmem>> -> memref<768xf32, #tpu.memory_space<vmem>>
        %get3A_1182 = arith.index_cast %mul3A_1107 : i32 to index
        %get3A_1183 = tpu.vector_load %get3A_1181[%get3A_1182] {strides = array<i32>} : memref<768xf32, #tpu.memory_space<vmem>>, vector<16xf32>,
        %get3A_1184 = vector.shape_cast %get3A_1183 : vector<16xf32> to vector<16xf32>
        %swap3A_1185 = arith.constant 6 : i32
        %swap3A_1186 = arith.index_cast %swap3A_1185 : i32 to index
        %swap3A_1187 = arith.index_cast %mul3A_1107 : i32 to index
        %swap3A_1188 = tpu.vector_load %arg15[%swap3A_1186, %swap3A_1187] {strides = array<i32>} : memref<16x768xf32, #tpu.memory_space<vmem>>, vector<1x16xf32>,
        %swap3A_1189 = vector.shape_cast %swap3A_1188 : vector<1x16xf32> to vector<16xf32>
        %swap3A_1190 = vector.shape_cast %get3A_1184 : vector<16xf32> to vector<1x16xf32>
        tpu.vector_store %arg15[%swap3A_1186, %swap3A_1187], %swap3A_1190 {add = true, strides = array<i32>} : memref<16x768xf32, #tpu.memory_space<vmem>>, vector<1x16xf32>,
        %get3A_1191 = arith.constant 0 : i32
        %get3A_1192 = tpu.memref_slice %arg10[%squeeze3A_894, %get3A_1191] : memref<32x768xf32, #tpu.memory_space<vmem>> -> memref<1x768xf32, #tpu.memory_space<vmem>>
        %get3A_1193 = tpu.memref_squeeze %get3A_1192 : memref<1x768xf32, #tpu.memory_space<vmem>> -> memref<768xf32, #tpu.memory_space<vmem>>
        %get3A_1194 = arith.index_cast %mul3A_1107 : i32 to index
        %get3A_1195 = tpu.vector_load %get3A_1193[%get3A_1194] {strides = array<i32>} : memref<768xf32, #tpu.memory_space<vmem>>, vector<16xf32>,
        %get3A_1196 = vector.shape_cast %get3A_1195 : vector<16xf32> to vector<16xf32>
        %swap3A_1197 = arith.constant 7 : i32
        %swap3A_1198 = arith.index_cast %swap3A_1197 : i32 to index
        %swap3A_1199 = arith.index_cast %mul3A_1107 : i32 to index
        %swap3A_1200 = tpu.vector_load %arg15[%swap3A_1198, %swap3A_1199] {strides = array<i32>} : memref<16x768xf32, #tpu.memory_space<vmem>>, vector<1x16xf32>,
        %swap3A_1201 = vector.shape_cast %swap3A_1200 : vector<1x16xf32> to vector<16xf32>
        %swap3A_1202 = vector.shape_cast %get3A_1196 : vector<16xf32> to vector<1x16xf32>
        tpu.vector_store %arg15[%swap3A_1198, %swap3A_1199], %swap3A_1202 {add = true, strides = array<i32>} : memref<16x768xf32, #tpu.memory_space<vmem>>, vector<1x16xf32>,
        %get3A_1203 = arith.constant 0 : i32
        %get3A_1204 = tpu.memref_slice %arg10[%squeeze3A_896, %get3A_1203] : memref<32x768xf32, #tpu.memory_space<vmem>> -> memref<1x768xf32, #tpu.memory_space<vmem>>
        %get3A_1205 = tpu.memref_squeeze %get3A_1204 : memref<1x768xf32, #tpu.memory_space<vmem>> -> memref<768xf32, #tpu.memory_space<vmem>>
        %get3A_1206 = arith.index_cast %mul3A_1107 : i32 to index
        %get3A_1207 = tpu.vector_load %get3A_1205[%get3A_1206] {strides = array<i32>} : memref<768xf32, #tpu.memory_space<vmem>>, vector<16xf32>,
        %get3A_1208 = vector.shape_cast %get3A_1207 : vector<16xf32> to vector<16xf32>
        %swap3A_1209 = arith.constant 8 : i32
        %swap3A_1210 = arith.index_cast %swap3A_1209 : i32 to index
        %swap3A_1211 = arith.index_cast %mul3A_1107 : i32 to index
        %swap3A_1212 = tpu.vector_load %arg15[%swap3A_1210, %swap3A_1211] {strides = array<i32>} : memref<16x768xf32, #tpu.memory_space<vmem>>, vector<1x16xf32>,
        %swap3A_1213 = vector.shape_cast %swap3A_1212 : vector<1x16xf32> to vector<16xf32>
        %swap3A_1214 = vector.shape_cast %get3A_1208 : vector<16xf32> to vector<1x16xf32>
        tpu.vector_store %arg15[%swap3A_1210, %swap3A_1211], %swap3A_1214 {add = true, strides = array<i32>} : memref<16x768xf32, #tpu.memory_space<vmem>>, vector<1x16xf32>,
        %get3A_1215 = arith.constant 0 : i32
        %get3A_1216 = tpu.memref_slice %arg10[%squeeze3A_898, %get3A_1215] : memref<32x768xf32, #tpu.memory_space<vmem>> -> memref<1x768xf32, #tpu.memory_space<vmem>>
        %get3A_1217 = tpu.memref_squeeze %get3A_1216 : memref<1x768xf32, #tpu.memory_space<vmem>> -> memref<768xf32, #tpu.memory_space<vmem>>
        %get3A_1218 = arith.index_cast %mul3A_1107 : i32 to index
        %get3A_1219 = tpu.vector_load %get3A_1217[%get3A_1218] {strides = array<i32>} : memref<768xf32, #tpu.memory_space<vmem>>, vector<16xf32>,
        %get3A_1220 = vector.shape_cast %get3A_1219 : vector<16xf32> to vector<16xf32>
        %swap3A_1221 = arith.constant 9 : i32
        %swap3A_1222 = arith.index_cast %swap3A_1221 : i32 to index
        %swap3A_1223 = arith.index_cast %mul3A_1107 : i32 to index
        %swap3A_1224 = tpu.vector_load %arg15[%swap3A_1222, %swap3A_1223] {strides = array<i32>} : memref<16x768xf32, #tpu.memory_space<vmem>>, vector<1x16xf32>,
        %swap3A_1225 = vector.shape_cast %swap3A_1224 : vector<1x16xf32> to vector<16xf32>
        %swap3A_1226 = vector.shape_cast %get3A_1220 : vector<16xf32> to vector<1x16xf32>
        tpu.vector_store %arg15[%swap3A_1222, %swap3A_1223], %swap3A_1226 {add = true, strides = array<i32>} : memref<16x768xf32, #tpu.memory_space<vmem>>, vector<1x16xf32>,
        %get3A_1227 = arith.constant 0 : i32
        %get3A_1228 = tpu.memref_slice %arg10[%squeeze3A_900, %get3A_1227] : memref<32x768xf32, #tpu.memory_space<vmem>> -> memref<1x768xf32, #tpu.memory_space<vmem>>
        %get3A_1229 = tpu.memref_squeeze %get3A_1228 : memref<1x768xf32, #tpu.memory_space<vmem>> -> memref<768xf32, #tpu.memory_space<vmem>>
        %get3A_1230 = arith.index_cast %mul3A_1107 : i32 to index
        %get3A_1231 = tpu.vector_load %get3A_1229[%get3A_1230] {strides = array<i32>} : memref<768xf32, #tpu.memory_space<vmem>>, vector<16xf32>,
        %get3A_1232 = vector.shape_cast %get3A_1231 : vector<16xf32> to vector<16xf32>
        %swap3A_1233 = arith.constant 10 : i32
        %swap3A_1234 = arith.index_cast %swap3A_1233 : i32 to index
        %swap3A_1235 = arith.index_cast %mul3A_1107 : i32 to index
        %swap3A_1236 = tpu.vector_load %arg15[%swap3A_1234, %swap3A_1235] {strides = array<i32>} : memref<16x768xf32, #tpu.memory_space<vmem>>, vector<1x16xf32>,
        %swap3A_1237 = vector.shape_cast %swap3A_1236 : vector<1x16xf32> to vector<16xf32>
        %swap3A_1238 = vector.shape_cast %get3A_1232 : vector<16xf32> to vector<1x16xf32>
        tpu.vector_store %arg15[%swap3A_1234, %swap3A_1235], %swap3A_1238 {add = true, strides = array<i32>} : memref<16x768xf32, #tpu.memory_space<vmem>>, vector<1x16xf32>,
        %get3A_1239 = arith.constant 0 : i32
        %get3A_1240 = tpu.memref_slice %arg10[%squeeze3A_902, %get3A_1239] : memref<32x768xf32, #tpu.memory_space<vmem>> -> memref<1x768xf32, #tpu.memory_space<vmem>>
        %get3A_1241 = tpu.memref_squeeze %get3A_1240 : memref<1x768xf32, #tpu.memory_space<vmem>> -> memref<768xf32, #tpu.memory_space<vmem>>
        %get3A_1242 = arith.index_cast %mul3A_1107 : i32 to index
        %get3A_1243 = tpu.vector_load %get3A_1241[%get3A_1242] {strides = array<i32>} : memref<768xf32, #tpu.memory_space<vmem>>, vector<16xf32>,
        %get3A_1244 = vector.shape_cast %get3A_1243 : vector<16xf32> to vector<16xf32>
        %swap3A_1245 = arith.constant 11 : i32
        %swap3A_1246 = arith.index_cast %swap3A_1245 : i32 to index
        %swap3A_1247 = arith.index_cast %mul3A_1107 : i32 to index
        %swap3A_1248 = tpu.vector_load %arg15[%swap3A_1246, %swap3A_1247] {strides = array<i32>} : memref<16x768xf32, #tpu.memory_space<vmem>>, vector<1x16xf32>,
        %swap3A_1249 = vector.shape_cast %swap3A_1248 : vector<1x16xf32> to vector<16xf32>
        %swap3A_1250 = vector.shape_cast %get3A_1244 : vector<16xf32> to vector<1x16xf32>
        tpu.vector_store %arg15[%swap3A_1246, %swap3A_1247], %swap3A_1250 {add = true, strides = array<i32>} : memref<16x768xf32, #tpu.memory_space<vmem>>, vector<1x16xf32>,
        %get3A_1251 = arith.constant 0 : i32
        %get3A_1252 = tpu.memref_slice %arg10[%squeeze3A_904, %get3A_1251] : memref<32x768xf32, #tpu.memory_space<vmem>> -> memref<1x768xf32, #tpu.memory_space<vmem>>
        %get3A_1253 = tpu.memref_squeeze %get3A_1252 : memref<1x768xf32, #tpu.memory_space<vmem>> -> memref<768xf32, #tpu.memory_space<vmem>>
        %get3A_1254 = arith.index_cast %mul3A_1107 : i32 to index
        %get3A_1255 = tpu.vector_load %get3A_1253[%get3A_1254] {strides = array<i32>} : memref<768xf32, #tpu.memory_space<vmem>>, vector<16xf32>,
        %get3A_1256 = vector.shape_cast %get3A_1255 : vector<16xf32> to vector<16xf32>
        %swap3A_1257 = arith.constant 12 : i32
        %swap3A_1258 = arith.index_cast %swap3A_1257 : i32 to index
        %swap3A_1259 = arith.index_cast %mul3A_1107 : i32 to index
        %swap3A_1260 = tpu.vector_load %arg15[%swap3A_1258, %swap3A_1259] {strides = array<i32>} : memref<16x768xf32, #tpu.memory_space<vmem>>, vector<1x16xf32>,
        %swap3A_1261 = vector.shape_cast %swap3A_1260 : vector<1x16xf32> to vector<16xf32>
        %swap3A_1262 = vector.shape_cast %get3A_1256 : vector<16xf32> to vector<1x16xf32>
        tpu.vector_store %arg15[%swap3A_1258, %swap3A_1259], %swap3A_1262 {add = true, strides = array<i32>} : memref<16x768xf32, #tpu.memory_space<vmem>>, vector<1x16xf32>,
        %get3A_1263 = arith.constant 0 : i32
        %get3A_1264 = tpu.memref_slice %arg10[%squeeze3A_906, %get3A_1263] : memref<32x768xf32, #tpu.memory_space<vmem>> -> memref<1x768xf32, #tpu.memory_space<vmem>>
        %get3A_1265 = tpu.memref_squeeze %get3A_1264 : memref<1x768xf32, #tpu.memory_space<vmem>> -> memref<768xf32, #tpu.memory_space<vmem>>
        %get3A_1266 = arith.index_cast %mul3A_1107 : i32 to index
        %get3A_1267 = tpu.vector_load %get3A_1265[%get3A_1266] {strides = array<i32>} : memref<768xf32, #tpu.memory_space<vmem>>, vector<16xf32>,
        %get3A_1268 = vector.shape_cast %get3A_1267 : vector<16xf32> to vector<16xf32>
        %swap3A_1269 = arith.constant 13 : i32
        %swap3A_1270 = arith.index_cast %swap3A_1269 : i32 to index
        %swap3A_1271 = arith.index_cast %mul3A_1107 : i32 to index
        %swap3A_1272 = tpu.vector_load %arg15[%swap3A_1270, %swap3A_1271] {strides = array<i32>} : memref<16x768xf32, #tpu.memory_space<vmem>>, vector<1x16xf32>,
        %swap3A_1273 = vector.shape_cast %swap3A_1272 : vector<1x16xf32> to vector<16xf32>
        %swap3A_1274 = vector.shape_cast %get3A_1268 : vector<16xf32> to vector<1x16xf32>
        tpu.vector_store %arg15[%swap3A_1270, %swap3A_1271], %swap3A_1274 {add = true, strides = array<i32>} : memref<16x768xf32, #tpu.memory_space<vmem>>, vector<1x16xf32>,
        %get3A_1275 = arith.constant 0 : i32
        %get3A_1276 = tpu.memref_slice %arg10[%squeeze3A_908, %get3A_1275] : memref<32x768xf32, #tpu.memory_space<vmem>> -> memref<1x768xf32, #tpu.memory_space<vmem>>
        %get3A_1277 = tpu.memref_squeeze %get3A_1276 : memref<1x768xf32, #tpu.memory_space<vmem>> -> memref<768xf32, #tpu.memory_space<vmem>>
        %get3A_1278 = arith.index_cast %mul3A_1107 : i32 to index
        %get3A_1279 = tpu.vector_load %get3A_1277[%get3A_1278] {strides = array<i32>} : memref<768xf32, #tpu.memory_space<vmem>>, vector<16xf32>,
        %get3A_1280 = vector.shape_cast %get3A_1279 : vector<16xf32> to vector<16xf32>
        %swap3A_1281 = arith.constant 14 : i32
        %swap3A_1282 = arith.index_cast %swap3A_1281 : i32 to index
        %swap3A_1283 = arith.index_cast %mul3A_1107 : i32 to index
        %swap3A_1284 = tpu.vector_load %arg15[%swap3A_1282, %swap3A_1283] {strides = array<i32>} : memref<16x768xf32, #tpu.memory_space<vmem>>, vector<1x16xf32>,
        %swap3A_1285 = vector.shape_cast %swap3A_1284 : vector<1x16xf32> to vector<16xf32>
        %swap3A_1286 = vector.shape_cast %get3A_1280 : vector<16xf32> to vector<1x16xf32>
        tpu.vector_store %arg15[%swap3A_1282, %swap3A_1283], %swap3A_1286 {add = true, strides = array<i32>} : memref<16x768xf32, #tpu.memory_space<vmem>>, vector<1x16xf32>,
        %get3A_1287 = arith.constant 0 : i32
        %get3A_1288 = tpu.memref_slice %arg10[%squeeze3A_910, %get3A_1287] : memref<32x768xf32, #tpu.memory_space<vmem>> -> memref<1x768xf32, #tpu.memory_space<vmem>>
        %get3A_1289 = tpu.memref_squeeze %get3A_1288 : memref<1x768xf32, #tpu.memory_space<vmem>> -> memref<768xf32, #tpu.memory_space<vmem>>
        %get3A_1290 = arith.index_cast %mul3A_1107 : i32 to index
        %get3A_1291 = tpu.vector_load %get3A_1289[%get3A_1290] {strides = array<i32>} : memref<768xf32, #tpu.memory_space<vmem>>, vector<16xf32>,
        %get3A_1292 = vector.shape_cast %get3A_1291 : vector<16xf32> to vector<16xf32>
        %swap3A_1293 = arith.constant 15 : i32
        %swap3A_1294 = arith.index_cast %swap3A_1293 : i32 to index
        %swap3A_1295 = arith.index_cast %mul3A_1107 : i32 to index
        %swap3A_1296 = tpu.vector_load %arg15[%swap3A_1294, %swap3A_1295] {strides = array<i32>} : memref<16x768xf32, #tpu.memory_space<vmem>>, vector<1x16xf32>,
        %swap3A_1297 = vector.shape_cast %swap3A_1296 : vector<1x16xf32> to vector<16xf32>
        %swap3A_1298 = vector.shape_cast %get3A_1292 : vector<16xf32> to vector<1x16xf32>
        tpu.vector_store %arg15[%swap3A_1294, %swap3A_1295], %swap3A_1298 {add = true, strides = array<i32>} : memref<16x768xf32, #tpu.memory_space<vmem>>, vector<1x16xf32>,
      }
      %scan3A_916 = arith.constant 48 : i32
      %mul3A_917 = arith.constant 2 : i32
      %mul3A_918 = arith.muli %mul3A_917, %add3A : i32
      %add3A_919 = arith.constant 0 : i32
      %add3A_920 = arith.addi %mul3A_918, %add3A_919 : i32
      %dma_start3A_921 = arith.constant 0 : i32
      %dma_start3A_922 = arith.constant 0 : i32
      %dma_start3A_923 = arith.constant 0 : i32
      %dma_start3A_924 = tpu.memref_slice %arg15[%dma_start3A_922, %dma_start3A_923] : memref<16x768xf32, #tpu.memory_space<vmem>> -> memref<8x128xf32, #tpu.memory_space<vmem>>
      %dma_start3A_925 = arith.constant 0 : i32
      %dma_start3A_926 = arith.constant 0 : i32
      %dma_start3A_927 = tpu.memref_slice %arg7[%add3A_855, %add3A_920, %dma_start3A_921, %dma_start3A_925, %dma_start3A_926] : memref<1024x64x6x8x128xf32, #tpu.memory_space<hbm>> -> memref<1x1x1x8x128xf32, #tpu.memory_space<hbm>>
      %dma_start3A_928 = tpu.memref_squeeze %dma_start3A_927 : memref<1x1x1x8x128xf32, #tpu.memory_space<hbm>> -> memref<8x128xf32, #tpu.memory_space<hbm>>
      %dma_start3A_929 = arith.constant 0 : i32
      %dma_start3A_930 = arith.constant 0 : i32
      %dma_start3A_931 = tpu.memref_slice %arg7[%add3A_855, %add3A_920, %dma_start3A_921, %dma_start3A_929, %dma_start3A_930] : memref<1024x64x6x8x128xf32, #tpu.memory_space<hbm>> -> memref<1x1x1x8x128xf32, #tpu.memory_space<hbm>>
      %dma_start3A_932 = tpu.memref_squeeze %dma_start3A_931 : memref<1x1x1x8x128xf32, #tpu.memory_space<hbm>> -> memref<8x128xf32, #tpu.memory_space<hbm>>
      %dma_start3A_933 = arith.constant 0 : i32
      %dma_start3A_934 = arith.constant 0 : i32
      %dma_start3A_935 = tpu.memref_slice %arg15[%dma_start3A_933, %dma_start3A_934] : memref<16x768xf32, #tpu.memory_space<vmem>> -> memref<8x128xf32, #tpu.memory_space<vmem>>
      tpu.enqueue_dma source(%dma_start3A_935 : memref<8x128xf32, #tpu.memory_space<vmem>>) target(%dma_start3A_932 : memref<8x128xf32, #tpu.memory_space<hbm>>) target_semaphore(%arg23 : memref<!tpu.dma_semaphore, #tpu.memory_space<semaphore_mem>>)
      %dma_start3A_936 = arith.constant 1 : i32
      %dma_start3A_937 = arith.constant 0 : i32
      %dma_start3A_938 = arith.constant 128 : i32
      %dma_start3A_939 = tpu.memref_slice %arg15[%dma_start3A_937, %dma_start3A_938] : memref<16x768xf32, #tpu.memory_space<vmem>> -> memref<8x128xf32, #tpu.memory_space<vmem>>
      %dma_start3A_940 = arith.constant 0 : i32
      %dma_start3A_941 = arith.constant 0 : i32
      %dma_start3A_942 = tpu.memref_slice %arg7[%add3A_855, %add3A_920, %dma_start3A_936, %dma_start3A_940, %dma_start3A_941] : memref<1024x64x6x8x128xf32, #tpu.memory_space<hbm>> -> memref<1x1x1x8x128xf32, #tpu.memory_space<hbm>>
      %dma_start3A_943 = tpu.memref_squeeze %dma_start3A_942 : memref<1x1x1x8x128xf32, #tpu.memory_space<hbm>> -> memref<8x128xf32, #tpu.memory_space<hbm>>
      %dma_start3A_944 = arith.constant 0 : i32
      %dma_start3A_945 = arith.constant 0 : i32
      %dma_start3A_946 = tpu.memref_slice %arg7[%add3A_855, %add3A_920, %dma_start3A_936, %dma_start3A_944, %dma_start3A_945] : memref<1024x64x6x8x128xf32, #tpu.memory_space<hbm>> -> memref<1x1x1x8x128xf32, #tpu.memory_space<hbm>>
      %dma_start3A_947 = tpu.memref_squeeze %dma_start3A_946 : memref<1x1x1x8x128xf32, #tpu.memory_space<hbm>> -> memref<8x128xf32, #tpu.memory_space<hbm>>
      %dma_start3A_948 = arith.constant 0 : i32
      %dma_start3A_949 = arith.constant 128 : i32
      %dma_start3A_950 = tpu.memref_slice %arg15[%dma_start3A_948, %dma_start3A_949] : memref<16x768xf32, #tpu.memory_space<vmem>> -> memref<8x128xf32, #tpu.memory_space<vmem>>
      tpu.enqueue_dma source(%dma_start3A_950 : memref<8x128xf32, #tpu.memory_space<vmem>>) target(%dma_start3A_947 : memref<8x128xf32, #tpu.memory_space<hbm>>) target_semaphore(%arg23 : memref<!tpu.dma_semaphore, #tpu.memory_space<semaphore_mem>>)
      %dma_start3A_951 = arith.constant 2 : i32
      %dma_start3A_952 = arith.constant 0 : i32
      %dma_start3A_953 = arith.constant 256 : i32
      %dma_start3A_954 = tpu.memref_slice %arg15[%dma_start3A_952, %dma_start3A_953] : memref<16x768xf32, #tpu.memory_space<vmem>> -> memref<8x128xf32, #tpu.memory_space<vmem>>
      %dma_start3A_955 = arith.constant 0 : i32
      %dma_start3A_956 = arith.constant 0 : i32
      %dma_start3A_957 = tpu.memref_slice %arg7[%add3A_855, %add3A_920, %dma_start3A_951, %dma_start3A_955, %dma_start3A_956] : memref<1024x64x6x8x128xf32, #tpu.memory_space<hbm>> -> memref<1x1x1x8x128xf32, #tpu.memory_space<hbm>>
      %dma_start3A_958 = tpu.memref_squeeze %dma_start3A_957 : memref<1x1x1x8x128xf32, #tpu.memory_space<hbm>> -> memref<8x128xf32, #tpu.memory_space<hbm>>
      %dma_start3A_959 = arith.constant 0 : i32
      %dma_start3A_960 = arith.constant 0 : i32
      %dma_start3A_961 = tpu.memref_slice %arg7[%add3A_855, %add3A_920, %dma_start3A_951, %dma_start3A_959, %dma_start3A_960] : memref<1024x64x6x8x128xf32, #tpu.memory_space<hbm>> -> memref<1x1x1x8x128xf32, #tpu.memory_space<hbm>>
      %dma_start3A_962 = tpu.memref_squeeze %dma_start3A_961 : memref<1x1x1x8x128xf32, #tpu.memory_space<hbm>> -> memref<8x128xf32, #tpu.memory_space<hbm>>
      %dma_start3A_963 = arith.constant 0 : i32
      %dma_start3A_964 = arith.constant 256 : i32
      %dma_start3A_965 = tpu.memref_slice %arg15[%dma_start3A_963, %dma_start3A_964] : memref<16x768xf32, #tpu.memory_space<vmem>> -> memref<8x128xf32, #tpu.memory_space<vmem>>
      tpu.enqueue_dma source(%dma_start3A_965 : memref<8x128xf32, #tpu.memory_space<vmem>>) target(%dma_start3A_962 : memref<8x128xf32, #tpu.memory_space<hbm>>) target_semaphore(%arg23 : memref<!tpu.dma_semaphore, #tpu.memory_space<semaphore_mem>>)
      %dma_start3A_966 = arith.constant 3 : i32
      %dma_start3A_967 = arith.constant 0 : i32
      %dma_start3A_968 = arith.constant 384 : i32
      %dma_start3A_969 = tpu.memref_slice %arg15[%dma_start3A_967, %dma_start3A_968] : memref<16x768xf32, #tpu.memory_space<vmem>> -> memref<8x128xf32, #tpu.memory_space<vmem>>
      %dma_start3A_970 = arith.constant 0 : i32
      %dma_start3A_971 = arith.constant 0 : i32
      %dma_start3A_972 = tpu.memref_slice %arg7[%add3A_855, %add3A_920, %dma_start3A_966, %dma_start3A_970, %dma_start3A_971] : memref<1024x64x6x8x128xf32, #tpu.memory_space<hbm>> -> memref<1x1x1x8x128xf32, #tpu.memory_space<hbm>>
      %dma_start3A_973 = tpu.memref_squeeze %dma_start3A_972 : memref<1x1x1x8x128xf32, #tpu.memory_space<hbm>> -> memref<8x128xf32, #tpu.memory_space<hbm>>
      %dma_start3A_974 = arith.constant 0 : i32
      %dma_start3A_975 = arith.constant 0 : i32
      %dma_start3A_976 = tpu.memref_slice %arg7[%add3A_855, %add3A_920, %dma_start3A_966, %dma_start3A_974, %dma_start3A_975] : memref<1024x64x6x8x128xf32, #tpu.memory_space<hbm>> -> memref<1x1x1x8x128xf32, #tpu.memory_space<hbm>>
      %dma_start3A_977 = tpu.memref_squeeze %dma_start3A_976 : memref<1x1x1x8x128xf32, #tpu.memory_space<hbm>> -> memref<8x128xf32, #tpu.memory_space<hbm>>
      %dma_start3A_978 = arith.constant 0 : i32
      %dma_start3A_979 = arith.constant 384 : i32
      %dma_start3A_980 = tpu.memref_slice %arg15[%dma_start3A_978, %dma_start3A_979] : memref<16x768xf32, #tpu.memory_space<vmem>> -> memref<8x128xf32, #tpu.memory_space<vmem>>
      tpu.enqueue_dma source(%dma_start3A_980 : memref<8x128xf32, #tpu.memory_space<vmem>>) target(%dma_start3A_977 : memref<8x128xf32, #tpu.memory_space<hbm>>) target_semaphore(%arg23 : memref<!tpu.dma_semaphore, #tpu.memory_space<semaphore_mem>>)
      %dma_start3A_981 = arith.constant 4 : i32
      %dma_start3A_982 = arith.constant 0 : i32
      %dma_start3A_983 = arith.constant 512 : i32
      %dma_start3A_984 = tpu.memref_slice %arg15[%dma_start3A_982, %dma_start3A_983] : memref<16x768xf32, #tpu.memory_space<vmem>> -> memref<8x128xf32, #tpu.memory_space<vmem>>
      %dma_start3A_985 = arith.constant 0 : i32
      %dma_start3A_986 = arith.constant 0 : i32
      %dma_start3A_987 = tpu.memref_slice %arg7[%add3A_855, %add3A_920, %dma_start3A_981, %dma_start3A_985, %dma_start3A_986] : memref<1024x64x6x8x128xf32, #tpu.memory_space<hbm>> -> memref<1x1x1x8x128xf32, #tpu.memory_space<hbm>>
      %dma_start3A_988 = tpu.memref_squeeze %dma_start3A_987 : memref<1x1x1x8x128xf32, #tpu.memory_space<hbm>> -> memref<8x128xf32, #tpu.memory_space<hbm>>
      %dma_start3A_989 = arith.constant 0 : i32
      %dma_start3A_990 = arith.constant 0 : i32
      %dma_start3A_991 = tpu.memref_slice %arg7[%add3A_855, %add3A_920, %dma_start3A_981, %dma_start3A_989, %dma_start3A_990] : memref<1024x64x6x8x128xf32, #tpu.memory_space<hbm>> -> memref<1x1x1x8x128xf32, #tpu.memory_space<hbm>>
      %dma_start3A_992 = tpu.memref_squeeze %dma_start3A_991 : memref<1x1x1x8x128xf32, #tpu.memory_space<hbm>> -> memref<8x128xf32, #tpu.memory_space<hbm>>
      %dma_start3A_993 = arith.constant 0 : i32
      %dma_start3A_994 = arith.constant 512 : i32
      %dma_start3A_995 = tpu.memref_slice %arg15[%dma_start3A_993, %dma_start3A_994] : memref<16x768xf32, #tpu.memory_space<vmem>> -> memref<8x128xf32, #tpu.memory_space<vmem>>
      tpu.enqueue_dma source(%dma_start3A_995 : memref<8x128xf32, #tpu.memory_space<vmem>>) target(%dma_start3A_992 : memref<8x128xf32, #tpu.memory_space<hbm>>) target_semaphore(%arg23 : memref<!tpu.dma_semaphore, #tpu.memory_space<semaphore_mem>>)
      %dma_start3A_996 = arith.constant 5 : i32
      %dma_start3A_997 = arith.constant 0 : i32
      %dma_start3A_998 = arith.constant 640 : i32
      %dma_start3A_999 = tpu.memref_slice %arg15[%dma_start3A_997, %dma_start3A_998] : memref<16x768xf32, #tpu.memory_space<vmem>> -> memref<8x128xf32, #tpu.memory_space<vmem>>
      %dma_start3A_1000 = arith.constant 0 : i32
      %dma_start3A_1001 = arith.constant 0 : i32
      %dma_start3A_1002 = tpu.memref_slice %arg7[%add3A_855, %add3A_920, %dma_start3A_996, %dma_start3A_1000, %dma_start3A_1001] : memref<1024x64x6x8x128xf32, #tpu.memory_space<hbm>> -> memref<1x1x1x8x128xf32, #tpu.memory_space<hbm>>
      %dma_start3A_1003 = tpu.memref_squeeze %dma_start3A_1002 : memref<1x1x1x8x128xf32, #tpu.memory_space<hbm>> -> memref<8x128xf32, #tpu.memory_space<hbm>>
      %dma_start3A_1004 = arith.constant 0 : i32
      %dma_start3A_1005 = arith.constant 0 : i32
      %dma_start3A_1006 = tpu.memref_slice %arg7[%add3A_855, %add3A_920, %dma_start3A_996, %dma_start3A_1004, %dma_start3A_1005] : memref<1024x64x6x8x128xf32, #tpu.memory_space<hbm>> -> memref<1x1x1x8x128xf32, #tpu.memory_space<hbm>>
      %dma_start3A_1007 = tpu.memref_squeeze %dma_start3A_1006 : memref<1x1x1x8x128xf32, #tpu.memory_space<hbm>> -> memref<8x128xf32, #tpu.memory_space<hbm>>
      %dma_start3A_1008 = arith.constant 0 : i32
      %dma_start3A_1009 = arith.constant 640 : i32
      %dma_start3A_1010 = tpu.memref_slice %arg15[%dma_start3A_1008, %dma_start3A_1009] : memref<16x768xf32, #tpu.memory_space<vmem>> -> memref<8x128xf32, #tpu.memory_space<vmem>>
      tpu.enqueue_dma source(%dma_start3A_1010 : memref<8x128xf32, #tpu.memory_space<vmem>>) target(%dma_start3A_1007 : memref<8x128xf32, #tpu.memory_space<hbm>>) target_semaphore(%arg23 : memref<!tpu.dma_semaphore, #tpu.memory_space<semaphore_mem>>)
      %mul3A_1011 = arith.constant 2 : i32
      %mul3A_1012 = arith.muli %mul3A_1011, %add3A : i32
      %add3A_1013 = arith.constant 1 : i32
      %add3A_1014 = arith.addi %mul3A_1012, %add3A_1013 : i32
      %dma_start3A_1015 = arith.constant 0 : i32
      %dma_start3A_1016 = arith.constant 8 : i32
      %dma_start3A_1017 = arith.constant 0 : i32
      %dma_start3A_1018 = tpu.memref_slice %arg15[%dma_start3A_1016, %dma_start3A_1017] : memref<16x768xf32, #tpu.memory_space<vmem>> -> memref<8x128xf32, #tpu.memory_space<vmem>>
      %dma_start3A_1019 = arith.constant 0 : i32
      %dma_start3A_1020 = arith.constant 0 : i32
      %dma_start3A_1021 = tpu.memref_slice %arg7[%add3A_855, %add3A_1014, %dma_start3A_1015, %dma_start3A_1019, %dma_start3A_1020] : memref<1024x64x6x8x128xf32, #tpu.memory_space<hbm>> -> memref<1x1x1x8x128xf32, #tpu.memory_space<hbm>>
      %dma_start3A_1022 = tpu.memref_squeeze %dma_start3A_1021 : memref<1x1x1x8x128xf32, #tpu.memory_space<hbm>> -> memref<8x128xf32, #tpu.memory_space<hbm>>
      %dma_start3A_1023 = arith.constant 0 : i32
      %dma_start3A_1024 = arith.constant 0 : i32
      %dma_start3A_1025 = tpu.memref_slice %arg7[%add3A_855, %add3A_1014, %dma_start3A_1015, %dma_start3A_1023, %dma_start3A_1024] : memref<1024x64x6x8x128xf32, #tpu.memory_space<hbm>> -> memref<1x1x1x8x128xf32, #tpu.memory_space<hbm>>
      %dma_start3A_1026 = tpu.memref_squeeze %dma_start3A_1025 : memref<1x1x1x8x128xf32, #tpu.memory_space<hbm>> -> memref<8x128xf32, #tpu.memory_space<hbm>>
      %dma_start3A_1027 = arith.constant 8 : i32
      %dma_start3A_1028 = arith.constant 0 : i32
      %dma_start3A_1029 = tpu.memref_slice %arg15[%dma_start3A_1027, %dma_start3A_1028] : memref<16x768xf32, #tpu.memory_space<vmem>> -> memref<8x128xf32, #tpu.memory_space<vmem>>
      tpu.enqueue_dma source(%dma_start3A_1029 : memref<8x128xf32, #tpu.memory_space<vmem>>) target(%dma_start3A_1026 : memref<8x128xf32, #tpu.memory_space<hbm>>) target_semaphore(%arg23 : memref<!tpu.dma_semaphore, #tpu.memory_space<semaphore_mem>>)
      %dma_start3A_1030 = arith.constant 1 : i32
      %dma_start3A_1031 = arith.constant 8 : i32
      %dma_start3A_1032 = arith.constant 128 : i32
      %dma_start3A_1033 = tpu.memref_slice %arg15[%dma_start3A_1031, %dma_start3A_1032] : memref<16x768xf32, #tpu.memory_space<vmem>> -> memref<8x128xf32, #tpu.memory_space<vmem>>
      %dma_start3A_1034 = arith.constant 0 : i32
      %dma_start3A_1035 = arith.constant 0 : i32
      %dma_start3A_1036 = tpu.memref_slice %arg7[%add3A_855, %add3A_1014, %dma_start3A_1030, %dma_start3A_1034, %dma_start3A_1035] : memref<1024x64x6x8x128xf32, #tpu.memory_space<hbm>> -> memref<1x1x1x8x128xf32, #tpu.memory_space<hbm>>
      %dma_start3A_1037 = tpu.memref_squeeze %dma_start3A_1036 : memref<1x1x1x8x128xf32, #tpu.memory_space<hbm>> -> memref<8x128xf32, #tpu.memory_space<hbm>>
      %dma_start3A_1038 = arith.constant 0 : i32
      %dma_start3A_1039 = arith.constant 0 : i32
      %dma_start3A_1040 = tpu.memref_slice %arg7[%add3A_855, %add3A_1014, %dma_start3A_1030, %dma_start3A_1038, %dma_start3A_1039] : memref<1024x64x6x8x128xf32, #tpu.memory_space<hbm>> -> memref<1x1x1x8x128xf32, #tpu.memory_space<hbm>>
      %dma_start3A_1041 = tpu.memref_squeeze %dma_start3A_1040 : memref<1x1x1x8x128xf32, #tpu.memory_space<hbm>> -> memref<8x128xf32, #tpu.memory_space<hbm>>
      %dma_start3A_1042 = arith.constant 8 : i32
      %dma_start3A_1043 = arith.constant 128 : i32
      %dma_start3A_1044 = tpu.memref_slice %arg15[%dma_start3A_1042, %dma_start3A_1043] : memref<16x768xf32, #tpu.memory_space<vmem>> -> memref<8x128xf32, #tpu.memory_space<vmem>>
      tpu.enqueue_dma source(%dma_start3A_1044 : memref<8x128xf32, #tpu.memory_space<vmem>>) target(%dma_start3A_1041 : memref<8x128xf32, #tpu.memory_space<hbm>>) target_semaphore(%arg23 : memref<!tpu.dma_semaphore, #tpu.memory_space<semaphore_mem>>)
      %dma_start3A_1045 = arith.constant 2 : i32
      %dma_start3A_1046 = arith.constant 8 : i32
      %dma_start3A_1047 = arith.constant 256 : i32
      %dma_start3A_1048 = tpu.memref_slice %arg15[%dma_start3A_1046, %dma_start3A_1047] : memref<16x768xf32, #tpu.memory_space<vmem>> -> memref<8x128xf32, #tpu.memory_space<vmem>>
      %dma_start3A_1049 = arith.constant 0 : i32
      %dma_start3A_1050 = arith.constant 0 : i32
      %dma_start3A_1051 = tpu.memref_slice %arg7[%add3A_855, %add3A_1014, %dma_start3A_1045, %dma_start3A_1049, %dma_start3A_1050] : memref<1024x64x6x8x128xf32, #tpu.memory_space<hbm>> -> memref<1x1x1x8x128xf32, #tpu.memory_space<hbm>>
      %dma_start3A_1052 = tpu.memref_squeeze %dma_start3A_1051 : memref<1x1x1x8x128xf32, #tpu.memory_space<hbm>> -> memref<8x128xf32, #tpu.memory_space<hbm>>
      %dma_start3A_1053 = arith.constant 0 : i32
      %dma_start3A_1054 = arith.constant 0 : i32
      %dma_start3A_1055 = tpu.memref_slice %arg7[%add3A_855, %add3A_1014, %dma_start3A_1045, %dma_start3A_1053, %dma_start3A_1054] : memref<1024x64x6x8x128xf32, #tpu.memory_space<hbm>> -> memref<1x1x1x8x128xf32, #tpu.memory_space<hbm>>
      %dma_start3A_1056 = tpu.memref_squeeze %dma_start3A_1055 : memref<1x1x1x8x128xf32, #tpu.memory_space<hbm>> -> memref<8x128xf32, #tpu.memory_space<hbm>>
      %dma_start3A_1057 = arith.constant 8 : i32
      %dma_start3A_1058 = arith.constant 256 : i32
      %dma_start3A_1059 = tpu.memref_slice %arg15[%dma_start3A_1057, %dma_start3A_1058] : memref<16x768xf32, #tpu.memory_space<vmem>> -> memref<8x128xf32, #tpu.memory_space<vmem>>
      tpu.enqueue_dma source(%dma_start3A_1059 : memref<8x128xf32, #tpu.memory_space<vmem>>) target(%dma_start3A_1056 : memref<8x128xf32, #tpu.memory_space<hbm>>) target_semaphore(%arg23 : memref<!tpu.dma_semaphore, #tpu.memory_space<semaphore_mem>>)
      %dma_start3A_1060 = arith.constant 3 : i32
      %dma_start3A_1061 = arith.constant 8 : i32
      %dma_start3A_1062 = arith.constant 384 : i32
      %dma_start3A_1063 = tpu.memref_slice %arg15[%dma_start3A_1061, %dma_start3A_1062] : memref<16x768xf32, #tpu.memory_space<vmem>> -> memref<8x128xf32, #tpu.memory_space<vmem>>
      %dma_start3A_1064 = arith.constant 0 : i32
      %dma_start3A_1065 = arith.constant 0 : i32
      %dma_start3A_1066 = tpu.memref_slice %arg7[%add3A_855, %add3A_1014, %dma_start3A_1060, %dma_start3A_1064, %dma_start3A_1065] : memref<1024x64x6x8x128xf32, #tpu.memory_space<hbm>> -> memref<1x1x1x8x128xf32, #tpu.memory_space<hbm>>
      %dma_start3A_1067 = tpu.memref_squeeze %dma_start3A_1066 : memref<1x1x1x8x128xf32, #tpu.memory_space<hbm>> -> memref<8x128xf32, #tpu.memory_space<hbm>>
      %dma_start3A_1068 = arith.constant 0 : i32
      %dma_start3A_1069 = arith.constant 0 : i32
      %dma_start3A_1070 = tpu.memref_slice %arg7[%add3A_855, %add3A_1014, %dma_start3A_1060, %dma_start3A_1068, %dma_start3A_1069] : memref<1024x64x6x8x128xf32, #tpu.memory_space<hbm>> -> memref<1x1x1x8x128xf32, #tpu.memory_space<hbm>>
      %dma_start3A_1071 = tpu.memref_squeeze %dma_start3A_1070 : memref<1x1x1x8x128xf32, #tpu.memory_space<hbm>> -> memref<8x128xf32, #tpu.memory_space<hbm>>
      %dma_start3A_1072 = arith.constant 8 : i32
      %dma_start3A_1073 = arith.constant 384 : i32
      %dma_start3A_1074 = tpu.memref_slice %arg15[%dma_start3A_1072, %dma_start3A_1073] : memref<16x768xf32, #tpu.memory_space<vmem>> -> memref<8x128xf32, #tpu.memory_space<vmem>>
      tpu.enqueue_dma source(%dma_start3A_1074 : memref<8x128xf32, #tpu.memory_space<vmem>>) target(%dma_start3A_1071 : memref<8x128xf32, #tpu.memory_space<hbm>>) target_semaphore(%arg23 : memref<!tpu.dma_semaphore, #tpu.memory_space<semaphore_mem>>)
      %dma_start3A_1075 = arith.constant 4 : i32
      %dma_start3A_1076 = arith.constant 8 : i32
      %dma_start3A_1077 = arith.constant 512 : i32
      %dma_start3A_1078 = tpu.memref_slice %arg15[%dma_start3A_1076, %dma_start3A_1077] : memref<16x768xf32, #tpu.memory_space<vmem>> -> memref<8x128xf32, #tpu.memory_space<vmem>>
      %dma_start3A_1079 = arith.constant 0 : i32
      %dma_start3A_1080 = arith.constant 0 : i32
      %dma_start3A_1081 = tpu.memref_slice %arg7[%add3A_855, %add3A_1014, %dma_start3A_1075, %dma_start3A_1079, %dma_start3A_1080] : memref<1024x64x6x8x128xf32, #tpu.memory_space<hbm>> -> memref<1x1x1x8x128xf32, #tpu.memory_space<hbm>>
      %dma_start3A_1082 = tpu.memref_squeeze %dma_start3A_1081 : memref<1x1x1x8x128xf32, #tpu.memory_space<hbm>> -> memref<8x128xf32, #tpu.memory_space<hbm>>
      %dma_start3A_1083 = arith.constant 0 : i32
      %dma_start3A_1084 = arith.constant 0 : i32
      %dma_start3A_1085 = tpu.memref_slice %arg7[%add3A_855, %add3A_1014, %dma_start3A_1075, %dma_start3A_1083, %dma_start3A_1084] : memref<1024x64x6x8x128xf32, #tpu.memory_space<hbm>> -> memref<1x1x1x8x128xf32, #tpu.memory_space<hbm>>
      %dma_start3A_1086 = tpu.memref_squeeze %dma_start3A_1085 : memref<1x1x1x8x128xf32, #tpu.memory_space<hbm>> -> memref<8x128xf32, #tpu.memory_space<hbm>>
      %dma_start3A_1087 = arith.constant 8 : i32
      %dma_start3A_1088 = arith.constant 512 : i32
      %dma_start3A_1089 = tpu.memref_slice %arg15[%dma_start3A_1087, %dma_start3A_1088] : memref<16x768xf32, #tpu.memory_space<vmem>> -> memref<8x128xf32, #tpu.memory_space<vmem>>
      tpu.enqueue_dma source(%dma_start3A_1089 : memref<8x128xf32, #tpu.memory_space<vmem>>) target(%dma_start3A_1086 : memref<8x128xf32, #tpu.memory_space<hbm>>) target_semaphore(%arg23 : memref<!tpu.dma_semaphore, #tpu.memory_space<semaphore_mem>>)
      %dma_start3A_1090 = arith.constant 5 : i32
      %dma_start3A_1091 = arith.constant 8 : i32
      %dma_start3A_1092 = arith.constant 640 : i32
      %dma_start3A_1093 = tpu.memref_slice %arg15[%dma_start3A_1091, %dma_start3A_1092] : memref<16x768xf32, #tpu.memory_space<vmem>> -> memref<8x128xf32, #tpu.memory_space<vmem>>
      %dma_start3A_1094 = arith.constant 0 : i32
      %dma_start3A_1095 = arith.constant 0 : i32
      %dma_start3A_1096 = tpu.memref_slice %arg7[%add3A_855, %add3A_1014, %dma_start3A_1090, %dma_start3A_1094, %dma_start3A_1095] : memref<1024x64x6x8x128xf32, #tpu.memory_space<hbm>> -> memref<1x1x1x8x128xf32, #tpu.memory_space<hbm>>
      %dma_start3A_1097 = tpu.memref_squeeze %dma_start3A_1096 : memref<1x1x1x8x128xf32, #tpu.memory_space<hbm>> -> memref<8x128xf32, #tpu.memory_space<hbm>>
      %dma_start3A_1098 = arith.constant 0 : i32
      %dma_start3A_1099 = arith.constant 0 : i32
      %dma_start3A_1100 = tpu.memref_slice %arg7[%add3A_855, %add3A_1014, %dma_start3A_1090, %dma_start3A_1098, %dma_start3A_1099] : memref<1024x64x6x8x128xf32, #tpu.memory_space<hbm>> -> memref<1x1x1x8x128xf32, #tpu.memory_space<hbm>>
      %dma_start3A_1101 = tpu.memref_squeeze %dma_start3A_1100 : memref<1x1x1x8x128xf32, #tpu.memory_space<hbm>> -> memref<8x128xf32, #tpu.memory_space<hbm>>
      %dma_start3A_1102 = arith.constant 8 : i32
      %dma_start3A_1103 = arith.constant 640 : i32
      %dma_start3A_1104 = tpu.memref_slice %arg15[%dma_start3A_1102, %dma_start3A_1103] : memref<16x768xf32, #tpu.memory_space<vmem>> -> memref<8x128xf32, #tpu.memory_space<vmem>>
      tpu.enqueue_dma source(%dma_start3A_1104 : memref<8x128xf32, #tpu.memory_space<vmem>>) target(%dma_start3A_1101 : memref<8x128xf32, #tpu.memory_space<hbm>>) target_semaphore(%arg23 : memref<!tpu.dma_semaphore, #tpu.memory_space<semaphore_mem>>)
    }
    %scan3A_39 = arith.constant 256 : i32
    %max3A = arith.constant 1020 : i32
    %max3A_40 = arith.constant 0 : i32
    %max3A_41 = arith.maxsi %max3A, %max3A_40 : i32
    %mul3A_42 = arith.constant 2 : i32
    %mul3A_43 = arith.muli %mul3A_42, %add3A : i32
    %dma_wait3A = arith.constant 0 : i32
    %dma_wait3A_44 = arith.constant 0 : i32
    %dma_wait3A_45 = arith.constant 0 : i32
    %dma_wait3A_46 = tpu.memref_slice %arg7[%max3A_41, %mul3A_43, %dma_wait3A, %dma_wait3A_44, %dma_wait3A_45] : memref<1024x64x6x8x128xf32, #tpu.memory_space<hbm>> -> memref<1x2x6x8x128xf32, #tpu.memory_space<hbm>>
    %dma_wait3A_47 = tpu.memref_squeeze %dma_wait3A_46 : memref<1x2x6x8x128xf32, #tpu.memory_space<hbm>> -> memref<2x6x8x128xf32, #tpu.memory_space<hbm>>
    %dma_wait3A_48 = arith.constant 0 : i32
    %dma_wait3A_49 = arith.constant 0 : i32
    %dma_wait3A_50 = arith.constant 0 : i32
    %dma_wait3A_51 = tpu.memref_slice %arg7[%max3A_41, %mul3A_43, %dma_wait3A_48, %dma_wait3A_49, %dma_wait3A_50] : memref<1024x64x6x8x128xf32, #tpu.memory_space<hbm>> -> memref<1x2x6x8x128xf32, #tpu.memory_space<hbm>>
    %dma_wait3A_52 = tpu.memref_squeeze %dma_wait3A_51 : memref<1x2x6x8x128xf32, #tpu.memory_space<hbm>> -> memref<2x6x8x128xf32, #tpu.memory_space<hbm>>
    tpu.wait_dma2 semaphore(%arg20 : memref<!tpu.dma_semaphore, #tpu.memory_space<semaphore_mem>>) src(%arg12 : memref<16x768xf32, #tpu.memory_space<vmem>>) dst(%dma_wait3A_52 : memref<2x6x8x128xf32, #tpu.memory_space<hbm>>)
    %max3A_53 = arith.constant 1021 : i32
    %max3A_54 = arith.constant 0 : i32
    %max3A_55 = arith.maxsi %max3A_53, %max3A_54 : i32
    %mul3A_56 = arith.constant 2 : i32
    %mul3A_57 = arith.muli %mul3A_56, %add3A : i32
    %dma_wait3A_58 = arith.constant 0 : i32
    %dma_wait3A_59 = arith.constant 0 : i32
    %dma_wait3A_60 = arith.constant 0 : i32
    %dma_wait3A_61 = tpu.memref_slice %arg7[%max3A_55, %mul3A_57, %dma_wait3A_58, %dma_wait3A_59, %dma_wait3A_60] : memref<1024x64x6x8x128xf32, #tpu.memory_space<hbm>> -> memref<1x2x6x8x128xf32, #tpu.memory_space<hbm>>
    %dma_wait3A_62 = tpu.memref_squeeze %dma_wait3A_61 : memref<1x2x6x8x128xf32, #tpu.memory_space<hbm>> -> memref<2x6x8x128xf32, #tpu.memory_space<hbm>>
    %dma_wait3A_63 = arith.constant 0 : i32
    %dma_wait3A_64 = arith.constant 0 : i32
    %dma_wait3A_65 = arith.constant 0 : i32
    %dma_wait3A_66 = tpu.memref_slice %arg7[%max3A_55, %mul3A_57, %dma_wait3A_63, %dma_wait3A_64, %dma_wait3A_65] : memref<1024x64x6x8x128xf32, #tpu.memory_space<hbm>> -> memref<1x2x6x8x128xf32, #tpu.memory_space<hbm>>
    %dma_wait3A_67 = tpu.memref_squeeze %dma_wait3A_66 : memref<1x2x6x8x128xf32, #tpu.memory_space<hbm>> -> memref<2x6x8x128xf32, #tpu.memory_space<hbm>>
    tpu.wait_dma2 semaphore(%arg21 : memref<!tpu.dma_semaphore, #tpu.memory_space<semaphore_mem>>) src(%arg13 : memref<16x768xf32, #tpu.memory_space<vmem>>) dst(%dma_wait3A_67 : memref<2x6x8x128xf32, #tpu.memory_space<hbm>>)
    %max3A_68 = arith.constant 1022 : i32
    %max3A_69 = arith.constant 0 : i32
    %max3A_70 = arith.maxsi %max3A_68, %max3A_69 : i32
    %mul3A_71 = arith.constant 2 : i32
    %mul3A_72 = arith.muli %mul3A_71, %add3A : i32
    %dma_wait3A_73 = arith.constant 0 : i32
    %dma_wait3A_74 = arith.constant 0 : i32
    %dma_wait3A_75 = arith.constant 0 : i32
    %dma_wait3A_76 = tpu.memref_slice %arg7[%max3A_70, %mul3A_72, %dma_wait3A_73, %dma_wait3A_74, %dma_wait3A_75] : memref<1024x64x6x8x128xf32, #tpu.memory_space<hbm>> -> memref<1x2x6x8x128xf32, #tpu.memory_space<hbm>>
    %dma_wait3A_77 = tpu.memref_squeeze %dma_wait3A_76 : memref<1x2x6x8x128xf32, #tpu.memory_space<hbm>> -> memref<2x6x8x128xf32, #tpu.memory_space<hbm>>
    %dma_wait3A_78 = arith.constant 0 : i32
    %dma_wait3A_79 = arith.constant 0 : i32
    %dma_wait3A_80 = arith.constant 0 : i32
    %dma_wait3A_81 = tpu.memref_slice %arg7[%max3A_70, %mul3A_72, %dma_wait3A_78, %dma_wait3A_79, %dma_wait3A_80] : memref<1024x64x6x8x128xf32, #tpu.memory_space<hbm>> -> memref<1x2x6x8x128xf32, #tpu.memory_space<hbm>>
    %dma_wait3A_82 = tpu.memref_squeeze %dma_wait3A_81 : memref<1x2x6x8x128xf32, #tpu.memory_space<hbm>> -> memref<2x6x8x128xf32, #tpu.memory_space<hbm>>
    tpu.wait_dma2 semaphore(%arg22 : memref<!tpu.dma_semaphore, #tpu.memory_space<semaphore_mem>>) src(%arg14 : memref<16x768xf32, #tpu.memory_space<vmem>>) dst(%dma_wait3A_82 : memref<2x6x8x128xf32, #tpu.memory_space<hbm>>)
    %max3A_83 = arith.constant 1023 : i32
    %max3A_84 = arith.constant 0 : i32
    %max3A_85 = arith.maxsi %max3A_83, %max3A_84 : i32
    %mul3A_86 = arith.constant 2 : i32
    %mul3A_87 = arith.muli %mul3A_86, %add3A : i32
    %dma_wait3A_88 = arith.constant 0 : i32
    %dma_wait3A_89 = arith.constant 0 : i32
    %dma_wait3A_90 = arith.constant 0 : i32
    %dma_wait3A_91 = tpu.memref_slice %arg7[%max3A_85, %mul3A_87, %dma_wait3A_88, %dma_wait3A_89, %dma_wait3A_90] : memref<1024x64x6x8x128xf32, #tpu.memory_space<hbm>> -> memref<1x2x6x8x128xf32, #tpu.memory_space<hbm>>
    %dma_wait3A_92 = tpu.memref_squeeze %dma_wait3A_91 : memref<1x2x6x8x128xf32, #tpu.memory_space<hbm>> -> memref<2x6x8x128xf32, #tpu.memory_space<hbm>>
    %dma_wait3A_93 = arith.constant 0 : i32
    %dma_wait3A_94 = arith.constant 0 : i32
    %dma_wait3A_95 = arith.constant 0 : i32
    %dma_wait3A_96 = tpu.memref_slice %arg7[%max3A_85, %mul3A_87, %dma_wait3A_93, %dma_wait3A_94, %dma_wait3A_95] : memref<1024x64x6x8x128xf32, #tpu.memory_space<hbm>> -> memref<1x2x6x8x128xf32, #tpu.memory_space<hbm>>
    %dma_wait3A_97 = tpu.memref_squeeze %dma_wait3A_96 : memref<1x2x6x8x128xf32, #tpu.memory_space<hbm>> -> memref<2x6x8x128xf32, #tpu.memory_space<hbm>>
    tpu.wait_dma2 semaphore(%arg23 : memref<!tpu.dma_semaphore, #tpu.memory_space<semaphore_mem>>) src(%arg15 : memref<16x768xf32, #tpu.memory_space<vmem>>) dst(%dma_wait3A_97 : memref<2x6x8x128xf32, #tpu.memory_space<hbm>>)
    return
  }
}

</mosaic_0001>

<sc_bundles>
// kernel: kernel.3.cloned.1.call-start
scs
__scs_entry_jumppad:
0x0: {  	(pc) =	sbr.rel $0x88, $3  }
0x1: {  	(tag) =	ssettag $0x0;
	lr =	simm.s32 $0x1  }
0x2: {  	[smem:$0x3F9C] =	sst lr;
	_ =	strace $0xD0000000  }
0x3: {  	_ = 	snop  }
0x4: {  	_ = 	snop  }
0x5: {  	_ = 	snop  }
0x6: {  	_ = 	snop  }
0x7: {  	_ = 	snop  }
__scs_overlays_trampoline_lowered:
0x8: {  	[smem:$0x3FAB] =	sst s0  }
0x9: {  	[smem:$0x3FAC] =	sst s1  }
0xa: {  	[smem:$0x3FAD] =	sst s2  }
0xb: {  	[smem:$0x3FAE] =	sst s3  }
0xc: {  	[smem:$0x3FAF] =	sst s4  }
0xd: {  	[smem:$0x3FB0] =	sst s5  }
0xe: {  	[smem:$0x3FB1] =	sst s6  }
0xf: {  	[smem:$0x3FB2] =	sst s7  }
0x10: {  	[smem:$0x3FB3] =	sst s8  }
0x11: {  	[smem:$0x3FB4] =	sst s9;
	s0 =	simm.s32 @!p0 $0x0  }
0x12: {  	s1 =	sld [smem:$0x3F9A];
	s0 =	simm.s32 @p0 $0x1  }
0x13: {  	[smem:$0x3FB5] =	sst s0;
	s0 =	simm.s32 @!p1 $0x0  }
0x14: {  	s2 =	sld [smem:$0x3F99];
	s0 =	simm.s32 @p1 $0x1  }
0x15: {  	[smem:$0x3FB6] =	sst s0;
	s0 =	simm.s32 @!p2 $0x0  }
0x16: {  	s3 =	sld [smem:$0x3FDB];
	s0 =	simm.s32 @p2 $0x1  }
0x17: {  	s4 =	simm.s32 $0x1BF5;
	[smem:$0x3FB8] =	sst s0  }
0x18: {  	s0 =	sld [smem:$0x3F9B];
	_ =	swait.ge [sflag:s4], $0x0  }
0x19: {  	s7 =	sld [smem:$0x3F9C]  }
0x1a: {  	s8 =	sadd.s32 $0xFFFFE003, lr  }
0x1b: {  	s9 =	sadd.s32 $0xFFFFFEF7, lr;
	s5 =	simm.s32 $0xFFFFFFFF;
	p2 =	slt.u32 s8, $0xFFFFF086  }
0x1c: {  	p1 =	slt.u32 s9, $0xF7A;
	s5 =	simm.s32 @!p2 $0x0  }
0x1d: {  	s5 =	simm.s32 @p1 $0x1;
	p0 =	seq.s32 s7, s2  }
0x1e: {  	s7 =	smul.u32 @!p0 $0xF7A, s2;
	p2 =	seq.s32 @!p0 s5, $0x0  }
0x1f: {  	s9 =	smul.u32 $0xF7A, s1;
	s8 =	simm.s32 @!p0 $0x1BF5;
	p2 =	por !p2, p0  }
0x20: {  	[sflag:s8] =	ssyncset.s32 @!p0 $0xFFFFF086;
	s6 =	sadd.s32 @!p0 s3, s7;
	s7 =	simm.s32 @!p0 $0x108  }
0x21: {  	s3 =	sadd.s32 s3, s9;
	s6 =	sadd.s32 @!p0 $0x88, s6;
	s7 =	simm.s32 @p2 $0x1082  }
0x22: {  	[simem:s7], [sflag:s8] =	dma.local @!p0 [hbm:s6], $0xF7A  }
0x23: {  	s9 =	sor.u32 $0xD0000000, s2;
	s6 =	simm.s32 $0x108;
	_ =	swait.ge @!p0 [sflag:s8], $0x0  }
0x24: {  	s3 =	sadd.s32 $0x88, s3;
	s6 =	simm.s32 @!p1 $0x1082;
	[sflag:s4] =	ssyncset.s32 $0xFFFFF086  }
0x25: {  	[simem:s6], [sflag:s4] =	dma.local [hbm:s3], $0xF7A  }
0x26: {  	[smem:$0x3F9C] =	sst s1;
	(tag) =	ssettag s2;
	_ =	strace s9  }
0x27: {  	s1 =	sld [smem:$0x3FAC]  }
0x28: {  	s2 =	sld [smem:$0x3FAD]  }
0x29: {  	s4 =	sld [smem:$0x3FAF]  }
0x2a: {  	p0 =	seq.s32 s5, $0x0;
	s5 =	sld [smem:$0x3FB0]  }
0x2b: {  	s6 =	sld [smem:$0x3FB1]  }
0x2c: {  	s7 =	sld [smem:$0x3FB2]  }
0x2d: {  	s3 =	simm.s32 $0x108;
	s8 =	sld [smem:$0x3FB3]  }
0x2e: {  	s3 =	simm.s32 @!p0 $0x1082;
	s9 =	sld [smem:$0x3FB4]  }
0x2f: {  	lr =	sadd.s32 s0, s3;
	s0 =	sld [smem:$0x3FAB]  }
0x30: {  	s3 =	sld [smem:$0x3FAE]  }
0x31: {  	[smem:$0x3FB7] =	sst s10  }
0x32: {  	s10 =	sld [smem:$0x3FB5];
	_ =	sdelay $0x3  }
0x33: {  	p0 =	seq.s32 s10, $0x1;
	s10 =	sld [smem:$0x3FB7];
	_ =	sdelay $0x3  }
0x34: {  	[smem:$0x3FB7] =	sst s10  }
0x35: {  	s10 =	sld [smem:$0x3FB6];
	_ =	sdelay $0x3  }
0x36: {  	p1 =	seq.s32 s10, $0x1;
	s10 =	sld [smem:$0x3FB7];
	_ =	sdelay $0x3  }
0x37: {  	[smem:$0x3FB7] =	sst s10  }
0x38: {  	s10 =	sld [smem:$0x3FB8]  }
0x39: {  	_ = 	snop;
	(pc) =	sbr.ind lr, $3  }
0x3a: {  	_ = 	snop  }
0x3b: {  	_ = 	snop  }
0x3c: {  	p2 =	seq.s32 s10, $0x1;
	s10 =	sld [smem:$0x3FB7]  }
0x3d: {  	_ =	shalt  }
0x3e: {  	_ =	shalt  }
0x3f: {  	_ =	shalt  }
0x40: {  	_ =	shalt  }
0x41: {  	_ =	shalt  }
0x42: {  	_ =	shalt  }
0x43: {  	_ =	shalt  }
0x44: {  	_ =	shalt  }
0x45: {  	_ =	shalt  }
0x46: {  	_ =	shalt  }
0x47: {  	_ =	shalt  }
0x48: {  	_ =	shalt  }
0x49: {  	_ =	shalt  }
0x4a: {  	_ =	shalt  }
0x4b: {  	_ =	shalt  }
0x4c: {  	_ =	shalt  }
0x4d: {  	_ =	shalt  }
0x4e: {  	_ =	shalt  }
0x4f: {  	_ =	shalt  }
0x50: {  	_ =	shalt  }
0x51: {  	_ =	shalt  }
0x52: {  	_ =	shalt  }
0x53: {  	_ =	shalt  }
0x54: {  	_ =	shalt  }
0x55: {  	_ =	shalt  }
0x56: {  	_ =	shalt  }
0x57: {  	_ =	shalt  }
0x58: {  	_ =	shalt  }
0x59: {  	_ =	shalt  }
0x5a: {  	_ =	shalt  }
0x5b: {  	_ =	shalt  }
0x5c: {  	_ =	shalt  }
0x5d: {  	_ =	shalt  }
0x5e: {  	_ =	shalt  }
0x5f: {  	_ =	shalt  }
0x60: {  	_ =	shalt  }
0x61: {  	_ =	shalt  }
0x62: {  	_ =	shalt  }
0x63: {  	_ =	shalt  }
0x64: {  	_ =	shalt  }
0x65: {  	_ =	shalt  }
0x66: {  	_ =	shalt  }
0x67: {  	_ =	shalt  }
0x68: {  	_ =	shalt  }
0x69: {  	_ =	shalt  }
0x6a: {  	_ =	shalt  }
0x6b: {  	_ =	shalt  }
0x6c: {  	_ =	shalt  }
0x6d: {  	_ =	shalt  }
0x6e: {  	_ =	shalt  }
0x6f: {  	_ =	shalt  }
0x70: {  	_ =	shalt  }
0x71: {  	_ =	shalt  }
0x72: {  	_ =	shalt  }
0x73: {  	_ =	shalt  }
0x74: {  	_ =	shalt  }
0x75: {  	_ =	shalt  }
0x76: {  	_ =	shalt  }
0x77: {  	_ =	shalt  }
0x78: {  	_ =	shalt  }
0x79: {  	_ =	shalt  }
0x7a: {  	_ =	shalt  }
0x7b: {  	_ =	shalt  }
0x7c: {  	_ =	shalt  }
0x7d: {  	_ =	shalt  }
0x7e: {  	_ =	shalt  }
0x7f: {  	_ =	shalt  }
0x80: {  	_ =	shalt  }
0x81: {  	_ =	shalt  }
0x82: {  	_ =	shalt  }
0x83: {  	_ =	shalt  }
0x84: {  	_ =	shalt  }
0x85: {  	_ =	shalt  }
0x86: {  	_ =	shalt  }
0x87: {  	_ =	shalt  }
.Lfunc_end0:
.L_simem_size_0:
called_computation_lowered:
.L_overlay_start_0:
0x88: {  	s2 =	sld [smem:$0x3FD9]  }
0x89: {  	s3 =	sld [smem:$0x3FFE];
	_ =	sdelay $0x1  }
0x8a: {  	s1 =	srdreg.scid  }
0x8b: {  	s0 =	sand.u32 $0x1, s1  }
0x8c: {  	s17 =	sshll.u32 s0, $0xA;
	s2 =	sadd.s32 s3, s2  }
0x8d: {  	s2 =	sadd.s32 s2, s17  }
0x8e: {  	[smem:$0x3FC3] =	sst s2  }
0x8f: {  	_ = 	snop  }
0x90: {  	s2 =	sld [smem:$0x3FD0];
	(tm) =	ssettm $0x1  }
0x91: {  	s18 =	sld [smem:$0x3FFB];
	_ =	sdelay $0x3  }
0x92: {  	_ =	strace s18  }
0x93: {  	s3 =	sld [smem:$0x3FFC];
	_ =	sdelay $0x3  }
0x94: {  	_ =	strace s3  }
0x95: {  	s3 =	sld [smem:$0x3FFD];
	_ =	sdelay $0x3  }
0x96: {  	_ =	strace s3  }
0x97: {  	_ =	strace $0x8FFFFFFF  }
0x98: {  	s19 =	sld [smem:$0x3FDB];
	_ =	sdelay $0x1  }
0x99: {  	s4 =	simm.s32 $_scs_section_size  }
0x9a: {  	s5 =	simm.s32 $_size__tile_overlayer_lowered;
	s6 =	simm.s32 $_tile_overlayer_lowered  }
0x9b: {  	s22 =	simm.s32 $0x1BFF;
	s21 =	sshll.u32 s6, $0x1;
	s3 =	sadd.s32 s4, s19  }
0x9c: {  	s7 =	simm.s32 $0x0;
	s20 =	sshll.u32 s5, $0x1;
	s5 =	sadd.s32 s21, s3  }
0x9d: {  	[timem:s7], [sflag:s22] =	dma.local [hbm:s5], s20  }
0x9e: {  	_ =	swait.ge [sflag:s22], s20  }
0x9f: {  	s4 =	ssub.s32 $0x0, s20;
	[sflag:s22] =	ssyncset.done $0x0  }
0xa0: {  	[sflag:s22] =	ssyncadd.s32 s4;
	_ =	sdelay $0x1  }
0xa1: {  	s23 =	simm.s32 $0x1B8B  }
0xa2: {  	_ =	swait.ge [sflag:s23], $0x1  }
0xa3: {  	[sflag:s23] =	ssyncset.done $0x0  }
0xa4: {  	s25 =	simm.s32 $0x1B8E;
	s24 =	sld [smem:$0x3FFE];
	[sflag:s23] =	ssyncadd.s32 $0xFFFFFFFF  }
0xa5: {  	s26 =	simm.s32 $execute0_lowered;
	[smem:$0x3FD2] =	sst s25  }
0xa6: {  	s5 =	sshll.u32 s26, $0x1;
	_ =	strace $0x80000046;
	[dreg:$0x1] =	wrdreg $0xFFFFFFFF  }
0xa7: {  	s28 =	simm.s32 $_size_execute0_lowered;
	s3 =	sadd.s32 s3, s5;
	[dreg:$0x0] =	wrdreg $0x0  }
0xa8: {  	s5 =	sshll.u32 s28, $0x1;
	[dreg:$0x2] =	wrdreg s3  }
0xa9: {  	[dreg:$0x3] =	wrdreg s5  }
0xaa: {  	[dreg:$0x4] =	wrdreg $0xC0  }
0xab: {  	_ =	task [dreg:s7], $0x5FFFF  }
0xac: {  	[dreg:$0x1] =	wrdreg $0xFFFFFFFF  }
0xad: {  	[dreg:$0x0] =	wrdreg $0x60  }
0xae: {  	[dreg:$0x2] =	wrdreg s24  }
0xaf: {  	[dreg:$0x3] =	wrdreg s2  }
0xb0: {  	[dreg:$0x4] =	wrdreg $0x9  }
0xb1: {  	_ =	task.clear_ibuf [dreg:s7], $0x5FFFF;
	_ =	strace $0x90000046  }
0xb2: {  	s29 =	simm.s32 $0x9;
	_ =	strace $0x80000048  }
0xb3: {  	_ =	swait.ge [sflag:s29], $0x1  }
0xb4: {  	[sflag:s29] =	ssyncadd.s32 $0xFFFFFFFF  }
0xb5: {  	_ =	strace $0x90000048  }
0xb6: {  	_ =	sfence  }
0xb7: {  	s30 =	sld [smem:$0x0];
	_ =	sdelay $0x2  }
0xb8: {  	s31 =	sshll.u32 s1, $0xD;
	s1 =	sshrl.u32 s1, $0x2  }
0xb9: {  	s3 =	sand.u32 $0x4000, s31;
	s1 =	sadd.s32 s1, s30  }
0xba: {  	s0 =	sor.u32 s3, s0;
	s1 =	sshll.u32 s1, $0x11  }
0xbb: {  	s0 =	sor.u32 s1, s0  }
0xbc: {  	s0 =	sadd.s32 $0x8F2B, s0  }
0xbd: {  	[sflag:s0] =	ssyncadd.remote.s32 $0x1  }
0xbe: {  	_ =	sfence.sel $0xFFFF  }
0xbf: {  	[dreg:$0x0] =	wrdreg $0xFFFFFFFF;
	(pc) =	sbr.abs _section_cstart, $3  }
0xc0: {  	[dreg:$0x1] =	wrdreg $0xFFFFFFFF  }
0xc1: {  	_ =	task.clear_ibuf [dreg:s7], $0x2FFFF;
	_ =	strace $0x9FFFFFFF  }
0xc2: {  	(tm) =	ssettm $0x7FFFFFFF  }
0xc3: {  	_ =	shalt  }
tec
execute0_lowered:
.L_overlay_start_1:
0x0: {  	(tag) =	ssettag $0x1  }
0x1: {  	s0 =	rddreg [dreg:$0x0]  }
0x2: {  	s2 =	rddreg [dreg:$0x1]  }
0x3: {  	s1 =	srdreg.scid;
	s4 =	stileid.u32;
	s3 =	simm.s32 $0x0  }
0x4: {  	s24 =	simm.s32 $0x14600;
	s28 =	simm.s32 $0x17600;
	s16 =	simm.s32 $0x8  }
0x5: {  	s31 =	simm.s32 $0x4;
	s1 =	sand.u32 $0x1, s1;
	s4 =	sshll.u32 s4, $0x1  }
0x6: {  	[smem:$0x7FF] =	sst s3;
	s8 =	sadd.s32 $0x800, s0;
	s10 =	sadd.s32 $0x80, s2  }
0x7: {  	s11 =	sadd.s32 $0x100, s2;
	s12 =	sadd.s32 $0x180, s2;
	s5 =	sor.u32 s1, s4  }
0x8: {  	_ =	strace $0x80000047;
	s1 =	ssub.s32 $0x2, s1;
	[dreg:$0x3] =	wrdreg s8  }
0x9: {  	s4 =	sshll.u32 s5, $0x1;
	s7 =	smul.u32 $0x600, s5;
	s26 =	sshrl.u32 s1, $0x1  }
0xa: {  	s9 =	smul.u32 $0x3000, s5;
	s5 =	simm.s32 $0x2;
	s6 =	sadd.s32 s4, s0  }
0xb: {  	s4 =	sadd.s32 $0x2CA00, s0;
	s1 =	ssub.s32 s1, s26;
	s29 =	sadd.s32 $0xCA00, s6  }
0xc: {  	s26 =	simm.s32 $0x7;
	s6 =	sadd.s32 $0x1CA00, s6;
	[dreg:$0x4] =	wrdreg s29  }
0xd: {  	s0 =	sadd.s32 s7, s0;
	s30 =	smax.u32 s1, $0x1;
	[dreg:$0x5] =	wrdreg s6  }
0xe: {  	s13 =	sadd.s32 $0x1800, s9;
	s0 =	sadd.s32 $0xA00, s0;
	[dreg:$0x7] =	wrdreg s30  }
0xf: {  	vm0 =	vmmov $0xffff;
	v0 =	vlaneseq.u32;
	s6 =	simm.s32 $0x0;
	[dreg:$0x6] =	wrdreg s0;
	s0 =	simm.s32 $0x3  }
.LBB2_1:
0x10: {  	[dreg:$0x8] =	wrdreg s6  }
0x11: {  	s1 =	rddreg [dreg:$0x4]  }
0x12: {  	s18 =	simm.s32 $0x10;
	s7 =	simm.s32 $0x200;
	s8 =	simm.s32 $0x9  }
0x13: {  	[tilespmem:s3], [sflag:$0x9] =	stream.strided.gather [hbm4b:s1+s18], $0x4000, s7, s18, $0x38;
	[tilespmem:$0x1A600] =	vst v63  }
0x14: {  	_ =	swait.ge [sflag:s8], $0x4000  }
0x15: {  	[sflag:s8] =	ssyncset.done $0x0  }
0x16: {  	s14 =	simm.s32 $0x4000;
	s19 =	rddreg [dreg:$0x5];
	[sflag:s8] =	ssyncadd.s32 $0xFFFFC000  }
0x17: {  	[tilespmem:s14], [sflag:$0x9] =	stream.strided.gather [hbm4b:s19+s18], $0x4000, s7, s18, $0x38;
	[tilespmem:$0x1A600] =	vst v63  }
0x18: {  	_ =	swait.ge [sflag:s8], $0x4000  }
0x19: {  	[sflag:s8] =	ssyncset.done $0x0  }
0x1a: {  	s21 =	simm.s32 $0x8000;
	s20 =	rddreg [dreg:$0x6];
	[sflag:s8] =	ssyncadd.s32 $0xFFFFC000  }
0x1b: {  	[tilespmem:s21], [sflag:$0x9] =	stream.linear.gather [hbm4b:s20+s3], $0x3000, $0x38;
	[tilespmem:$0x1A600] =	vst v63  }
0x1c: {  	_ =	swait.ge [sflag:s8], $0x3000  }
0x1d: {  	[sflag:s8] =	ssyncset.done $0x0  }
0x1e: {  	s22 =	simm.s32 $0xB000;
	[sflag:s8] =	ssyncadd.s32 $0xFFFFD000  }
0x1f: {  	[tilespmem:s22], [sflag:$0x9] =	stream.linear.gather [hbm4b:s20+s3], $0x3000, $0x38;
	[tilespmem:$0x1A600] =	vst v63  }
0x20: {  	_ =	swait.ge [sflag:s8], $0x3000  }
0x21: {  	s25 =	simm.s32 $0xE000;
	[sflag:s8] =	ssyncset.done $0x0  }
0x22: {  	s29 =	simm.s32 $0x0;
	s23 =	rddreg [dreg:$0x3];
	[sflag:s8] =	ssyncadd.s32 $0xFFFFD000  }
0x23: {  	[tilespmem:s25], [sflag:$0x9] =	stream.linear.gather [hbm4b:s23+s3], $0x600, $0x38;
	[tilespmem:$0x1A600] =	vst v63  }
0x24: {  	s6 =	smul.u32 $0xC00, s29;
	_ =	swait.ge [sflag:s8], $0x600  }
0x25: {  	[sflag:s8] =	ssyncset.done $0x0  }
0x26: {  	s30 =	sshra.s32 s6, $0x2;
	[sflag:s8] =	ssyncadd.s32 $0xFFFFFA00  }
0x27: {  	v1 =	vld [tilespmem:s30+$0xE000];
	_ =	sdelay $0x3  }
0x28: {  	s6 =	simm.s32 $0x0  }
0x29: {  	[tilespmem:s6+$0x8000] =	vst.add.f32.msk $0xffff, v1  }
0x2a: {  	v1 =	vld [tilespmem:s30+$0xE010];
	_ =	sdelay $0x4  }
0x2b: {  	[tilespmem:s6+$0x8010] =	vst.add.f32.msk $0xffff, v1  }
0x2c: {  	v1 =	vld [tilespmem:s30+$0xE020];
	_ =	sdelay $0x4  }
0x2d: {  	[tilespmem:s6+$0x8020] =	vst.add.f32.msk $0xffff, v1  }
0x2e: {  	v1 =	vld [tilespmem:s30+$0xE030];
	_ =	sdelay $0x4  }
0x2f: {  	[tilespmem:s6+$0x8030] =	vst.add.f32.msk $0xffff, v1  }
0x30: {  	v1 =	vld [tilespmem:s30+$0xE040];
	_ =	sdelay $0x4  }
0x31: {  	[tilespmem:s6+$0x8040] =	vst.add.f32.msk $0xffff, v1  }
0x32: {  	v1 =	vld [tilespmem:s30+$0xE050];
	_ =	sdelay $0x4  }
0x33: {  	[tilespmem:s6+$0x8050] =	vst.add.f32.msk $0xffff, v1  }
0x34: {  	v1 =	vld [tilespmem:s30+$0xE060];
	_ =	sdelay $0x4  }
0x35: {  	[tilespmem:s6+$0x8060] =	vst.add.f32.msk $0xffff, v1  }
0x36: {  	v1 =	vld [tilespmem:s30+$0xE070];
	_ =	sdelay $0x4  }
0x37: {  	[tilespmem:s6+$0x8070] =	vst.add.f32.msk $0xffff, v1  }
0x38: {  	v1 =	vld [tilespmem:s30+$0xE080];
	_ =	sdelay $0x4  }
0x39: {  	[tilespmem:s6+$0x8080] =	vst.add.f32.msk $0xffff, v1  }
0x3a: {  	v1 =	vld [tilespmem:s30+$0xE090];
	_ =	sdelay $0x4  }
0x3b: {  	[tilespmem:s6+$0x8090] =	vst.add.f32.msk $0xffff, v1  }
0x3c: {  	v1 =	vld [tilespmem:s30+$0xE0A0];
	_ =	sdelay $0x4  }
0x3d: {  	[tilespmem:s6+$0x80A0] =	vst.add.f32.msk $0xffff, v1  }
0x3e: {  	v1 =	vld [tilespmem:s30+$0xE0B0];
	_ =	sdelay $0x4  }
0x3f: {  	[tilespmem:s6+$0x80B0] =	vst.add.f32.msk $0xffff, v1  }
0x40: {  	v1 =	vld [tilespmem:s30+$0xE0C0];
	_ =	sdelay $0x4  }
0x41: {  	[tilespmem:s6+$0x80C0] =	vst.add.f32.msk $0xffff, v1  }
0x42: {  	v1 =	vld [tilespmem:s30+$0xE0D0];
	_ =	sdelay $0x4  }
0x43: {  	[tilespmem:s6+$0x80D0] =	vst.add.f32.msk $0xffff, v1  }
0x44: {  	v1 =	vld [tilespmem:s30+$0xE0E0];
	_ =	sdelay $0x4  }
0x45: {  	[tilespmem:s6+$0x80E0] =	vst.add.f32.msk $0xffff, v1  }
0x46: {  	v1 =	vld [tilespmem:s30+$0xE0F0];
	_ =	sdelay $0x4  }
0x47: {  	[tilespmem:s6+$0x80F0] =	vst.add.f32.msk $0xffff, v1  }
0x48: {  	v1 =	vld [tilespmem:s30+$0xE100];
	_ =	sdelay $0x4  }
0x49: {  	[tilespmem:s6+$0x8100] =	vst.add.f32.msk $0xffff, v1  }
0x4a: {  	v1 =	vld [tilespmem:s30+$0xE110];
	_ =	sdelay $0x4  }
0x4b: {  	[tilespmem:s6+$0x8110] =	vst.add.f32.msk $0xffff, v1  }
0x4c: {  	v1 =	vld [tilespmem:s30+$0xE120];
	_ =	sdelay $0x4  }
0x4d: {  	[tilespmem:s6+$0x8120] =	vst.add.f32.msk $0xffff, v1  }
0x4e: {  	v1 =	vld [tilespmem:s30+$0xE130];
	_ =	sdelay $0x4  }
0x4f: {  	[tilespmem:s6+$0x8130] =	vst.add.f32.msk $0xffff, v1  }
0x50: {  	v1 =	vld [tilespmem:s30+$0xE140];
	_ =	sdelay $0x4  }
0x51: {  	[tilespmem:s6+$0x8140] =	vst.add.f32.msk $0xffff, v1  }
0x52: {  	v1 =	vld [tilespmem:s30+$0xE150];
	_ =	sdelay $0x4  }
0x53: {  	[tilespmem:s6+$0x8150] =	vst.add.f32.msk $0xffff, v1  }
0x54: {  	v1 =	vld [tilespmem:s30+$0xE160];
	_ =	sdelay $0x4  }
0x55: {  	[tilespmem:s6+$0x8160] =	vst.add.f32.msk $0xffff, v1  }
0x56: {  	v1 =	vld [tilespmem:s30+$0xE170];
	_ =	sdelay $0x4  }
0x57: {  	[tilespmem:s6+$0x8170] =	vst.add.f32.msk $0xffff, v1  }
0x58: {  	v1 =	vld [tilespmem:s30+$0xE180];
	_ =	sdelay $0x4  }
0x59: {  	[tilespmem:s6+$0x8180] =	vst.add.f32.msk $0xffff, v1  }
0x5a: {  	v1 =	vld [tilespmem:s30+$0xE190];
	_ =	sdelay $0x4  }
0x5b: {  	[tilespmem:s6+$0x8190] =	vst.add.f32.msk $0xffff, v1  }
0x5c: {  	v1 =	vld [tilespmem:s30+$0xE1A0];
	_ =	sdelay $0x4  }
0x5d: {  	[tilespmem:s6+$0x81A0] =	vst.add.f32.msk $0xffff, v1  }
0x5e: {  	v1 =	vld [tilespmem:s30+$0xE1B0];
	_ =	sdelay $0x4  }
0x5f: {  	[tilespmem:s6+$0x81B0] =	vst.add.f32.msk $0xffff, v1  }
0x60: {  	v1 =	vld [tilespmem:s30+$0xE1C0];
	_ =	sdelay $0x4  }
0x61: {  	[tilespmem:s6+$0x81C0] =	vst.add.f32.msk $0xffff, v1  }
0x62: {  	v1 =	vld [tilespmem:s30+$0xE1D0];
	_ =	sdelay $0x4  }
0x63: {  	[tilespmem:s6+$0x81D0] =	vst.add.f32.msk $0xffff, v1  }
0x64: {  	v1 =	vld [tilespmem:s30+$0xE1E0];
	_ =	sdelay $0x4  }
0x65: {  	[tilespmem:s6+$0x81E0] =	vst.add.f32.msk $0xffff, v1  }
0x66: {  	v1 =	vld [tilespmem:s30+$0xE1F0];
	_ =	sdelay $0x4  }
0x67: {  	[tilespmem:s6+$0x81F0] =	vst.add.f32.msk $0xffff, v1  }
0x68: {  	v1 =	vld [tilespmem:s30+$0xE200];
	_ =	sdelay $0x4  }
0x69: {  	[tilespmem:s6+$0x8200] =	vst.add.f32.msk $0xffff, v1  }
0x6a: {  	v1 =	vld [tilespmem:s30+$0xE210];
	_ =	sdelay $0x4  }
0x6b: {  	[tilespmem:s6+$0x8210] =	vst.add.f32.msk $0xffff, v1  }
0x6c: {  	v1 =	vld [tilespmem:s30+$0xE220];
	_ =	sdelay $0x4  }
0x6d: {  	[tilespmem:s6+$0x8220] =	vst.add.f32.msk $0xffff, v1  }
0x6e: {  	v1 =	vld [tilespmem:s30+$0xE230];
	_ =	sdelay $0x4  }
0x6f: {  	[tilespmem:s6+$0x8230] =	vst.add.f32.msk $0xffff, v1  }
0x70: {  	v1 =	vld [tilespmem:s30+$0xE240];
	_ =	sdelay $0x4  }
0x71: {  	[tilespmem:s6+$0x8240] =	vst.add.f32.msk $0xffff, v1  }
0x72: {  	v1 =	vld [tilespmem:s30+$0xE250];
	_ =	sdelay $0x4  }
0x73: {  	[tilespmem:s6+$0x8250] =	vst.add.f32.msk $0xffff, v1  }
0x74: {  	v1 =	vld [tilespmem:s30+$0xE260];
	_ =	sdelay $0x4  }
0x75: {  	[tilespmem:s6+$0x8260] =	vst.add.f32.msk $0xffff, v1  }
0x76: {  	v1 =	vld [tilespmem:s30+$0xE270];
	_ =	sdelay $0x4  }
0x77: {  	[tilespmem:s6+$0x8270] =	vst.add.f32.msk $0xffff, v1  }
0x78: {  	v1 =	vld [tilespmem:s30+$0xE280];
	_ =	sdelay $0x4  }
0x79: {  	[tilespmem:s6+$0x8280] =	vst.add.f32.msk $0xffff, v1  }
0x7a: {  	v1 =	vld [tilespmem:s30+$0xE290];
	_ =	sdelay $0x4  }
0x7b: {  	[tilespmem:s6+$0x8290] =	vst.add.f32.msk $0xffff, v1  }
0x7c: {  	v1 =	vld [tilespmem:s30+$0xE2A0];
	_ =	sdelay $0x4  }
0x7d: {  	[tilespmem:s6+$0x82A0] =	vst.add.f32.msk $0xffff, v1  }
0x7e: {  	v1 =	vld [tilespmem:s30+$0xE2B0];
	_ =	sdelay $0x4  }
0x7f: {  	[tilespmem:s6+$0x82B0] =	vst.add.f32.msk $0xffff, v1  }
0x80: {  	v1 =	vld [tilespmem:s30+$0xE2C0];
	_ =	sdelay $0x4  }
0x81: {  	[tilespmem:s6+$0x82C0] =	vst.add.f32.msk $0xffff, v1  }
0x82: {  	v1 =	vld [tilespmem:s30+$0xE2D0];
	_ =	sdelay $0x4  }
0x83: {  	[tilespmem:s6+$0x82D0] =	vst.add.f32.msk $0xffff, v1  }
0x84: {  	v1 =	vld [tilespmem:s30+$0xE2E0];
	_ =	sdelay $0x4  }
0x85: {  	[tilespmem:s6+$0x82E0] =	vst.add.f32.msk $0xffff, v1  }
0x86: {  	v1 =	vld [tilespmem:s30+$0xE2F0]  }
0x87: {  	s15 =	simm.s32 $0x0  }
0x88: {  	s7 =	simm.s32 $0xC00;
	s14 =	simm.s32 $0x1800;
	s8 =	simm.s32 $0x1  }
.LBB2_2:
0x89: {  	p0 =	sne.s32 s14, $0x17400;
	s15 =	smul.u32 $0xC00, s15;
	_ =	sdelay $0x1  }
0x8a: {  	s15 =	sshra.s32 s15, $0x2;
	[tilespmem:s6+$0x82F0] =	vst.add.f32.msk $0xffff, v1  }
0x8b: {  	v1 =	vld [tilespmem:s15+$0xE000];
	_ =	sdelay $0x3  }
0x8c: {  	s6 =	sshra.s32 s7, $0x2;
	s7 =	smov.u32 s14  }
0x8d: {  	[tilespmem:s6+$0x8000] =	vst.add.f32.msk $0xffff, v1  }
0x8e: {  	v1 =	vld [tilespmem:s15+$0xE010];
	_ =	sdelay $0x4  }
0x8f: {  	[tilespmem:s6+$0x8010] =	vst.add.f32.msk $0xffff, v1  }
0x90: {  	v1 =	vld [tilespmem:s15+$0xE020];
	_ =	sdelay $0x4  }
0x91: {  	[tilespmem:s6+$0x8020] =	vst.add.f32.msk $0xffff, v1  }
0x92: {  	v1 =	vld [tilespmem:s15+$0xE030];
	_ =	sdelay $0x4  }
0x93: {  	[tilespmem:s6+$0x8030] =	vst.add.f32.msk $0xffff, v1  }
0x94: {  	v1 =	vld [tilespmem:s15+$0xE040];
	_ =	sdelay $0x4  }
0x95: {  	[tilespmem:s6+$0x8040] =	vst.add.f32.msk $0xffff, v1  }
0x96: {  	v1 =	vld [tilespmem:s15+$0xE050];
	_ =	sdelay $0x4  }
0x97: {  	[tilespmem:s6+$0x8050] =	vst.add.f32.msk $0xffff, v1  }
0x98: {  	v1 =	vld [tilespmem:s15+$0xE060];
	_ =	sdelay $0x4  }
0x99: {  	[tilespmem:s6+$0x8060] =	vst.add.f32.msk $0xffff, v1  }
0x9a: {  	v1 =	vld [tilespmem:s15+$0xE070];
	_ =	sdelay $0x4  }
0x9b: {  	[tilespmem:s6+$0x8070] =	vst.add.f32.msk $0xffff, v1  }
0x9c: {  	v1 =	vld [tilespmem:s15+$0xE080];
	_ =	sdelay $0x4  }
0x9d: {  	[tilespmem:s6+$0x8080] =	vst.add.f32.msk $0xffff, v1  }
0x9e: {  	v1 =	vld [tilespmem:s15+$0xE090];
	_ =	sdelay $0x4  }
0x9f: {  	[tilespmem:s6+$0x8090] =	vst.add.f32.msk $0xffff, v1  }
0xa0: {  	v1 =	vld [tilespmem:s15+$0xE0A0];
	_ =	sdelay $0x4  }
0xa1: {  	[tilespmem:s6+$0x80A0] =	vst.add.f32.msk $0xffff, v1  }
0xa2: {  	v1 =	vld [tilespmem:s15+$0xE0B0];
	_ =	sdelay $0x4  }
0xa3: {  	[tilespmem:s6+$0x80B0] =	vst.add.f32.msk $0xffff, v1  }
0xa4: {  	v1 =	vld [tilespmem:s15+$0xE0C0];
	_ =	sdelay $0x4  }
0xa5: {  	[tilespmem:s6+$0x80C0] =	vst.add.f32.msk $0xffff, v1  }
0xa6: {  	v1 =	vld [tilespmem:s15+$0xE0D0];
	_ =	sdelay $0x4  }
0xa7: {  	[tilespmem:s6+$0x80D0] =	vst.add.f32.msk $0xffff, v1  }
0xa8: {  	v1 =	vld [tilespmem:s15+$0xE0E0];
	_ =	sdelay $0x4  }
0xa9: {  	[tilespmem:s6+$0x80E0] =	vst.add.f32.msk $0xffff, v1  }
0xaa: {  	v1 =	vld [tilespmem:s15+$0xE0F0];
	_ =	sdelay $0x4  }
0xab: {  	[tilespmem:s6+$0x80F0] =	vst.add.f32.msk $0xffff, v1  }
0xac: {  	v1 =	vld [tilespmem:s15+$0xE100];
	_ =	sdelay $0x4  }
0xad: {  	[tilespmem:s6+$0x8100] =	vst.add.f32.msk $0xffff, v1  }
0xae: {  	v1 =	vld [tilespmem:s15+$0xE110];
	_ =	sdelay $0x4  }
0xaf: {  	[tilespmem:s6+$0x8110] =	vst.add.f32.msk $0xffff, v1  }
0xb0: {  	v1 =	vld [tilespmem:s15+$0xE120];
	_ =	sdelay $0x4  }
0xb1: {  	[tilespmem:s6+$0x8120] =	vst.add.f32.msk $0xffff, v1  }
0xb2: {  	v1 =	vld [tilespmem:s15+$0xE130];
	_ =	sdelay $0x4  }
0xb3: {  	[tilespmem:s6+$0x8130] =	vst.add.f32.msk $0xffff, v1  }
0xb4: {  	v1 =	vld [tilespmem:s15+$0xE140];
	_ =	sdelay $0x4  }
0xb5: {  	[tilespmem:s6+$0x8140] =	vst.add.f32.msk $0xffff, v1  }
0xb6: {  	v1 =	vld [tilespmem:s15+$0xE150];
	_ =	sdelay $0x4  }
0xb7: {  	[tilespmem:s6+$0x8150] =	vst.add.f32.msk $0xffff, v1  }
0xb8: {  	v1 =	vld [tilespmem:s15+$0xE160];
	_ =	sdelay $0x4  }
0xb9: {  	[tilespmem:s6+$0x8160] =	vst.add.f32.msk $0xffff, v1  }
0xba: {  	v1 =	vld [tilespmem:s15+$0xE170];
	_ =	sdelay $0x4  }
0xbb: {  	[tilespmem:s6+$0x8170] =	vst.add.f32.msk $0xffff, v1  }
0xbc: {  	v1 =	vld [tilespmem:s15+$0xE180];
	_ =	sdelay $0x4  }
0xbd: {  	[tilespmem:s6+$0x8180] =	vst.add.f32.msk $0xffff, v1  }
0xbe: {  	v1 =	vld [tilespmem:s15+$0xE190];
	_ =	sdelay $0x4  }
0xbf: {  	[tilespmem:s6+$0x8190] =	vst.add.f32.msk $0xffff, v1  }
0xc0: {  	v1 =	vld [tilespmem:s15+$0xE1A0];
	_ =	sdelay $0x4  }
0xc1: {  	[tilespmem:s6+$0x81A0] =	vst.add.f32.msk $0xffff, v1  }
0xc2: {  	v1 =	vld [tilespmem:s15+$0xE1B0];
	_ =	sdelay $0x4  }
0xc3: {  	[tilespmem:s6+$0x81B0] =	vst.add.f32.msk $0xffff, v1  }
0xc4: {  	v1 =	vld [tilespmem:s15+$0xE1C0];
	_ =	sdelay $0x4  }
0xc5: {  	[tilespmem:s6+$0x81C0] =	vst.add.f32.msk $0xffff, v1  }
0xc6: {  	v1 =	vld [tilespmem:s15+$0xE1D0];
	_ =	sdelay $0x4  }
0xc7: {  	[tilespmem:s6+$0x81D0] =	vst.add.f32.msk $0xffff, v1  }
0xc8: {  	v1 =	vld [tilespmem:s15+$0xE1E0];
	_ =	sdelay $0x4  }
0xc9: {  	[tilespmem:s6+$0x81E0] =	vst.add.f32.msk $0xffff, v1  }
0xca: {  	v1 =	vld [tilespmem:s15+$0xE1F0];
	_ =	sdelay $0x4  }
0xcb: {  	[tilespmem:s6+$0x81F0] =	vst.add.f32.msk $0xffff, v1  }
0xcc: {  	v1 =	vld [tilespmem:s15+$0xE200];
	_ =	sdelay $0x4  }
0xcd: {  	[tilespmem:s6+$0x8200] =	vst.add.f32.msk $0xffff, v1  }
0xce: {  	v1 =	vld [tilespmem:s15+$0xE210];
	_ =	sdelay $0x4  }
0xcf: {  	[tilespmem:s6+$0x8210] =	vst.add.f32.msk $0xffff, v1  }
0xd0: {  	v1 =	vld [tilespmem:s15+$0xE220];
	_ =	sdelay $0x4  }
0xd1: {  	[tilespmem:s6+$0x8220] =	vst.add.f32.msk $0xffff, v1  }
0xd2: {  	v1 =	vld [tilespmem:s15+$0xE230];
	_ =	sdelay $0x4  }
0xd3: {  	[tilespmem:s6+$0x8230] =	vst.add.f32.msk $0xffff, v1  }
0xd4: {  	v1 =	vld [tilespmem:s15+$0xE240];
	_ =	sdelay $0x4  }
0xd5: {  	[tilespmem:s6+$0x8240] =	vst.add.f32.msk $0xffff, v1  }
0xd6: {  	v1 =	vld [tilespmem:s15+$0xE250];
	_ =	sdelay $0x4  }
0xd7: {  	[tilespmem:s6+$0x8250] =	vst.add.f32.msk $0xffff, v1  }
0xd8: {  	v1 =	vld [tilespmem:s15+$0xE260];
	_ =	sdelay $0x4  }
0xd9: {  	[tilespmem:s6+$0x8260] =	vst.add.f32.msk $0xffff, v1  }
0xda: {  	v1 =	vld [tilespmem:s15+$0xE270];
	_ =	sdelay $0x4  }
0xdb: {  	[tilespmem:s6+$0x8270] =	vst.add.f32.msk $0xffff, v1  }
0xdc: {  	v1 =	vld [tilespmem:s15+$0xE280];
	_ =	sdelay $0x4  }
0xdd: {  	[tilespmem:s6+$0x8280] =	vst.add.f32.msk $0xffff, v1  }
0xde: {  	v1 =	vld [tilespmem:s15+$0xE290];
	_ =	sdelay $0x4  }
0xdf: {  	[tilespmem:s6+$0x8290] =	vst.add.f32.msk $0xffff, v1  }
0xe0: {  	v1 =	vld [tilespmem:s15+$0xE2A0];
	_ =	sdelay $0x4  }
0xe1: {  	[tilespmem:s6+$0x82A0] =	vst.add.f32.msk $0xffff, v1  }
0xe2: {  	v1 =	vld [tilespmem:s15+$0xE2B0];
	_ =	sdelay $0x4  }
0xe3: {  	[tilespmem:s6+$0x82B0] =	vst.add.f32.msk $0xffff, v1  }
0xe4: {  	v1 =	vld [tilespmem:s15+$0xE2C0];
	_ =	sdelay $0x4  }
0xe5: {  	[tilespmem:s6+$0x82C0] =	vst.add.f32.msk $0xffff, v1  }
0xe6: {  	v1 =	vld [tilespmem:s15+$0xE2D0];
	_ =	sdelay $0x4  }
0xe7: {  	[tilespmem:s6+$0x82D0] =	vst.add.f32.msk $0xffff, v1  }
0xe8: {  	v1 =	vld [tilespmem:s15+$0xE2E0];
	_ =	sdelay $0x3  }
.Ltmp0:
0xe9: {  	(pc) =	sbr.rel @p0 .LBB2_2-.Ltmp0, $4  }
0xea: {  	[tilespmem:s6+$0x82E0] =	vst.add.f32.msk $0xffff, v1  }
0xeb: {  	v1 =	vld [tilespmem:s15+$0xE2F0]  }
0xec: {  	s8 =	sadd.s32 $0x1, s8  }
0xed: {  	s14 =	sadd.s32 $0xC00, s14;
	s15 =	sshrl.u32 s8, $0x4  }
0xee: {  	s8 =	smul.u32 $0xC00, s15;
	_ =	sdelay $0x1  }
0xef: {  	s8 =	sshra.s32 s8, $0x2;
	[tilespmem:s6+$0x82F0] =	vst.add.f32.msk $0xffff, v1  }
0xf0: {  	v1 =	vld [tilespmem:s8+$0xE000];
	_ =	sdelay $0x3  }
0xf1: {  	s25 =	sshra.s32 s7, $0x2  }
0xf2: {  	[tilespmem:s25+$0x8000] =	vst.add.f32.msk $0xffff, v1  }
0xf3: {  	v1 =	vld [tilespmem:s8+$0xE010];
	_ =	sdelay $0x4  }
0xf4: {  	[tilespmem:s25+$0x8010] =	vst.add.f32.msk $0xffff, v1  }
0xf5: {  	v1 =	vld [tilespmem:s8+$0xE020];
	_ =	sdelay $0x4  }
0xf6: {  	[tilespmem:s25+$0x8020] =	vst.add.f32.msk $0xffff, v1  }
0xf7: {  	v1 =	vld [tilespmem:s8+$0xE030];
	_ =	sdelay $0x4  }
0xf8: {  	[tilespmem:s25+$0x8030] =	vst.add.f32.msk $0xffff, v1  }
0xf9: {  	v1 =	vld [tilespmem:s8+$0xE040];
	_ =	sdelay $0x4  }
0xfa: {  	[tilespmem:s25+$0x8040] =	vst.add.f32.msk $0xffff, v1  }
0xfb: {  	v1 =	vld [tilespmem:s8+$0xE050];
	_ =	sdelay $0x4  }
0xfc: {  	[tilespmem:s25+$0x8050] =	vst.add.f32.msk $0xffff, v1  }
0xfd: {  	v1 =	vld [tilespmem:s8+$0xE060];
	_ =	sdelay $0x4  }
0xfe: {  	[tilespmem:s25+$0x8060] =	vst.add.f32.msk $0xffff, v1  }
0xff: {  	v1 =	vld [tilespmem:s8+$0xE070];
	_ =	sdelay $0x4  }
0x100: {  	[tilespmem:s25+$0x8070] =	vst.add.f32.msk $0xffff, v1  }
0x101: {  	v1 =	vld [tilespmem:s8+$0xE080];
	_ =	sdelay $0x4  }
0x102: {  	[tilespmem:s25+$0x8080] =	vst.add.f32.msk $0xffff, v1  }
0x103: {  	v1 =	vld [tilespmem:s8+$0xE090];
	_ =	sdelay $0x4  }
0x104: {  	[tilespmem:s25+$0x8090] =	vst.add.f32.msk $0xffff, v1  }
0x105: {  	v1 =	vld [tilespmem:s8+$0xE0A0];
	_ =	sdelay $0x4  }
0x106: {  	[tilespmem:s25+$0x80A0] =	vst.add.f32.msk $0xffff, v1  }
0x107: {  	v1 =	vld [tilespmem:s8+$0xE0B0];
	_ =	sdelay $0x4  }
0x108: {  	[tilespmem:s25+$0x80B0] =	vst.add.f32.msk $0xffff, v1  }
0x109: {  	v1 =	vld [tilespmem:s8+$0xE0C0];
	_ =	sdelay $0x4  }
0x10a: {  	[tilespmem:s25+$0x80C0] =	vst.add.f32.msk $0xffff, v1  }
0x10b: {  	v1 =	vld [tilespmem:s8+$0xE0D0];
	_ =	sdelay $0x4  }
0x10c: {  	[tilespmem:s25+$0x80D0] =	vst.add.f32.msk $0xffff, v1  }
0x10d: {  	v1 =	vld [tilespmem:s8+$0xE0E0];
	_ =	sdelay $0x4  }
0x10e: {  	[tilespmem:s25+$0x80E0] =	vst.add.f32.msk $0xffff, v1  }
0x10f: {  	v1 =	vld [tilespmem:s8+$0xE0F0];
	_ =	sdelay $0x4  }
0x110: {  	[tilespmem:s25+$0x80F0] =	vst.add.f32.msk $0xffff, v1  }
0x111: {  	v1 =	vld [tilespmem:s8+$0xE100];
	_ =	sdelay $0x4  }
0x112: {  	[tilespmem:s25+$0x8100] =	vst.add.f32.msk $0xffff, v1  }
0x113: {  	v1 =	vld [tilespmem:s8+$0xE110];
	_ =	sdelay $0x4  }
0x114: {  	[tilespmem:s25+$0x8110] =	vst.add.f32.msk $0xffff, v1  }
0x115: {  	v1 =	vld [tilespmem:s8+$0xE120];
	_ =	sdelay $0x4  }
0x116: {  	[tilespmem:s25+$0x8120] =	vst.add.f32.msk $0xffff, v1  }
0x117: {  	v1 =	vld [tilespmem:s8+$0xE130];
	_ =	sdelay $0x4  }
0x118: {  	[tilespmem:s25+$0x8130] =	vst.add.f32.msk $0xffff, v1  }
0x119: {  	v1 =	vld [tilespmem:s8+$0xE140];
	_ =	sdelay $0x4  }
0x11a: {  	[tilespmem:s25+$0x8140] =	vst.add.f32.msk $0xffff, v1  }
0x11b: {  	v1 =	vld [tilespmem:s8+$0xE150];
	_ =	sdelay $0x4  }
0x11c: {  	[tilespmem:s25+$0x8150] =	vst.add.f32.msk $0xffff, v1  }
0x11d: {  	v1 =	vld [tilespmem:s8+$0xE160];
	_ =	sdelay $0x4  }
0x11e: {  	[tilespmem:s25+$0x8160] =	vst.add.f32.msk $0xffff, v1  }
0x11f: {  	v1 =	vld [tilespmem:s8+$0xE170];
	_ =	sdelay $0x4  }
0x120: {  	[tilespmem:s25+$0x8170] =	vst.add.f32.msk $0xffff, v1  }
0x121: {  	v1 =	vld [tilespmem:s8+$0xE180];
	_ =	sdelay $0x4  }
0x122: {  	[tilespmem:s25+$0x8180] =	vst.add.f32.msk $0xffff, v1  }
0x123: {  	v1 =	vld [tilespmem:s8+$0xE190];
	_ =	sdelay $0x4  }
0x124: {  	[tilespmem:s25+$0x8190] =	vst.add.f32.msk $0xffff, v1  }
0x125: {  	v1 =	vld [tilespmem:s8+$0xE1A0];
	_ =	sdelay $0x4  }
0x126: {  	[tilespmem:s25+$0x81A0] =	vst.add.f32.msk $0xffff, v1  }
0x127: {  	v1 =	vld [tilespmem:s8+$0xE1B0];
	_ =	sdelay $0x4  }
0x128: {  	[tilespmem:s25+$0x81B0] =	vst.add.f32.msk $0xffff, v1  }
0x129: {  	v1 =	vld [tilespmem:s8+$0xE1C0];
	_ =	sdelay $0x4  }
0x12a: {  	[tilespmem:s25+$0x81C0] =	vst.add.f32.msk $0xffff, v1  }
0x12b: {  	v1 =	vld [tilespmem:s8+$0xE1D0];
	_ =	sdelay $0x4  }
0x12c: {  	[tilespmem:s25+$0x81D0] =	vst.add.f32.msk $0xffff, v1  }
0x12d: {  	v1 =	vld [tilespmem:s8+$0xE1E0];
	_ =	sdelay $0x4  }
0x12e: {  	[tilespmem:s25+$0x81E0] =	vst.add.f32.msk $0xffff, v1  }
0x12f: {  	v1 =	vld [tilespmem:s8+$0xE1F0];
	_ =	sdelay $0x4  }
0x130: {  	[tilespmem:s25+$0x81F0] =	vst.add.f32.msk $0xffff, v1  }
0x131: {  	v1 =	vld [tilespmem:s8+$0xE200];
	_ =	sdelay $0x4  }
0x132: {  	[tilespmem:s25+$0x8200] =	vst.add.f32.msk $0xffff, v1  }
0x133: {  	v1 =	vld [tilespmem:s8+$0xE210];
	_ =	sdelay $0x4  }
0x134: {  	[tilespmem:s25+$0x8210] =	vst.add.f32.msk $0xffff, v1  }
0x135: {  	v1 =	vld [tilespmem:s8+$0xE220];
	_ =	sdelay $0x4  }
0x136: {  	[tilespmem:s25+$0x8220] =	vst.add.f32.msk $0xffff, v1  }
0x137: {  	v1 =	vld [tilespmem:s8+$0xE230];
	_ =	sdelay $0x4  }
0x138: {  	[tilespmem:s25+$0x8230] =	vst.add.f32.msk $0xffff, v1  }
0x139: {  	v1 =	vld [tilespmem:s8+$0xE240];
	_ =	sdelay $0x4  }
0x13a: {  	[tilespmem:s25+$0x8240] =	vst.add.f32.msk $0xffff, v1  }
0x13b: {  	v1 =	vld [tilespmem:s8+$0xE250];
	_ =	sdelay $0x4  }
0x13c: {  	[tilespmem:s25+$0x8250] =	vst.add.f32.msk $0xffff, v1  }
0x13d: {  	v1 =	vld [tilespmem:s8+$0xE260];
	_ =	sdelay $0x4  }
0x13e: {  	[tilespmem:s25+$0x8260] =	vst.add.f32.msk $0xffff, v1  }
0x13f: {  	v1 =	vld [tilespmem:s8+$0xE270];
	_ =	sdelay $0x4  }
0x140: {  	[tilespmem:s25+$0x8270] =	vst.add.f32.msk $0xffff, v1  }
0x141: {  	v1 =	vld [tilespmem:s8+$0xE280];
	_ =	sdelay $0x4  }
0x142: {  	[tilespmem:s25+$0x8280] =	vst.add.f32.msk $0xffff, v1  }
0x143: {  	v1 =	vld [tilespmem:s8+$0xE290];
	_ =	sdelay $0x4  }
0x144: {  	[tilespmem:s25+$0x8290] =	vst.add.f32.msk $0xffff, v1  }
0x145: {  	v1 =	vld [tilespmem:s8+$0xE2A0];
	_ =	sdelay $0x4  }
0x146: {  	[tilespmem:s25+$0x82A0] =	vst.add.f32.msk $0xffff, v1  }
0x147: {  	v1 =	vld [tilespmem:s8+$0xE2B0];
	_ =	sdelay $0x4  }
0x148: {  	[tilespmem:s25+$0x82B0] =	vst.add.f32.msk $0xffff, v1  }
0x149: {  	v1 =	vld [tilespmem:s8+$0xE2C0];
	_ =	sdelay $0x4  }
0x14a: {  	[tilespmem:s25+$0x82C0] =	vst.add.f32.msk $0xffff, v1  }
0x14b: {  	v1 =	vld [tilespmem:s8+$0xE2D0];
	_ =	sdelay $0x4  }
0x14c: {  	[tilespmem:s25+$0x82D0] =	vst.add.f32.msk $0xffff, v1  }
0x14d: {  	v1 =	vld [tilespmem:s8+$0xE2E0];
	_ =	sdelay $0x4  }
0x14e: {  	[tilespmem:s25+$0x82E0] =	vst.add.f32.msk $0xffff, v1  }
0x14f: {  	v1 =	vld [tilespmem:s8+$0xE2F0];
	_ =	sdelay $0x4  }
0x150: {  	[tilespmem:s25+$0x82F0] =	vst.add.f32.msk $0xffff, v1  }
0x151: {  	v1 =	vld [tilespmem:$0x0];
	_ =	sdelay $0x6  }
0x152: {  	s29 =	simm.s32 $0x0;
	s1 =	simm.s32 $0xE600  }
0x153: {  	[tilespmem:s1], [sflag:$0x1] =	stream.indirect_vreg.gather [hbm4b:s4+s29], $0x300, v1, vm0, $0xb8;
	[tilespmem:$0x1A600] =	vst v63  }
0x154: {  	v1 =	vld [tilespmem:$0x10];
	_ =	sdelay $0x6  }
0x155: {  	s30 =	simm.s32 $0x11600  }
0x156: {  	[tilespmem:s30], [sflag:$0x2] =	stream.indirect_vreg.gather [hbm4b:s4+s29], $0x300, v1, vm0, $0xb8;
	[tilespmem:$0x1A600] =	vst v63  }
0x157: {  	_ = 	snop  }
0x158: {  	[tilespmem:s24], [sflag:$0x7] =	stream.linear.gather [hbm4b:s4+s29], $0x3000, $0x38;
	[tilespmem:$0x1A600] =	vst v63  }
0x159: {  	s6 =	simm.s32 $0x0  }
0x15a: {  	[tilespmem:s28], [sflag:$0x8] =	stream.linear.gather [hbm4b:s4+s29], $0x3000, $0x38;
	[tilespmem:$0x1A600] =	vst v63  }
.LBB2_4:
0x15b: {  	s17 =	sshll.u32 s6, $0x2  }
0x15c: {  	_ =	swait.ge [sflag:s26], $0x3000;
	s22 =	sor.u32 $0x2, s17  }
0x15d: {  	[sflag:s26] =	ssyncset.done $0x0;
	s7 =	sshll.u32 s22, $0x6  }
0x15e: {  	[sflag:s26] =	ssyncadd.s32 $0xFFFFD000;
	s23 =	sshrl.u32 s7, $0x2  }
0x15f: {  	v1 =	vld [tilespmem:s23+$0x0];
	_ =	sdelay $0x6  }
0x160: {  	s1 =	simm.s32 $0x0  }
0x161: {  	[tilespmem:s24], [sflag:$0x3] =	stream.indirect_vreg.gather [hbm4b:s4+s1], $0x300, v1, vm0, $0xb8;
	[tilespmem:$0x1A600] =	vst v63  }
0x162: {  	s24 =	simm.s32 $0x1  }
0x163: {  	_ =	swait.ge [sflag:s24], $0x3000  }
0x164: {  	s8 =	sshll.u32 s6, $0x8;
	[sflag:s24] =	ssyncset.done $0x0  }
0x165: {  	s25 =	sshrl.u32 s8, $0x2;
	[sflag:s24] =	ssyncadd.s32 $0xFFFFD000  }
0x166: {  	v1 =	vld [tilespmem:s25+$0x4000];
	_ =	sdelay $0x4  }
0x167: {  	v1 =	vshll.u32 v1, $0x4  }
0x168: {  	v1 =	vor.u32 v0, v1  }
0x169: {  	v1 =	vmul.u32 $0xC00, v1;
	_ =	sdelay $0x1  }
0x16a: {  	v1 =	vshra.s32 v1, $0x2  }
0x16b: {  	v1 =	vadd.s32 $0x8000, v1  }
0x16c: {  	(v2sf) =	vpush v1, $0x0  }
0x16d: {  	(v2sf) =	vpush v1, $0x1  }
0x16e: {  	(v2sf) =	vpush v1, $0x2  }
0x16f: {  	(v2sf) =	vpush v1, $0x3  }
0x170: {  	(v2sf) =	vpush v1, $0x4  }
0x171: {  	(v2sf) =	vpush v1, $0x5  }
0x172: {  	(v2sf) =	vpush v1, $0x6  }
0x173: {  	(v2sf) =	vpush v1, $0x7  }
0x174: {  	(v2sf) =	vpush v1, $0x8  }
0x175: {  	(v2sf) =	vpush v1, $0x9  }
0x176: {  	(v2sf) =	vpush v1, $0xA  }
0x177: {  	(v2sf) =	vpush v1, $0xB  }
0x178: {  	(v2sf) =	vpush v1, $0xC  }
0x179: {  	(v2sf) =	vpush v1, $0xD  }
0x17a: {  	(v2sf) =	vpush v1, $0xE  }
0x17b: {  	s7 =	spop (v2sf);
	(v2sf) =	vpush v1, $0xF  }
0x17c: {  	s14 =	spop (v2sf)  }
0x17d: {  	s29 =	spop (v2sf)  }
0x17e: {  	s30 =	spop (v2sf)  }
0x17f: {  	s1 =	spop (v2sf)  }
0x180: {  	s18 =	spop (v2sf)  }
0x181: {  	s19 =	spop (v2sf)  }
0x182: {  	s20 =	spop (v2sf)  }
0x183: {  	s21 =	spop (v2sf)  }
0x184: {  	s15 =	spop (v2sf)  }
0x185: {  	s24 =	spop (v2sf)  }
0x186: {  	v15 =	vmov s7;
	s25 =	spop (v2sf)  }
0x187: {  	v16 =	vmov s14;
	v14 =	vmov s29;
	v12 =	vmov s30;
	s7 =	spop (v2sf)  }
0x188: {  	v13 =	vmov s1;
	v11 =	vmov s18;
	v9 =	vmov s19;
	s14 =	spop (v2sf)  }
0x189: {  	v10 =	vmov s20;
	v8 =	vmov s21;
	v6 =	vmov s15;
	s29 =	spop (v2sf)  }
0x18a: {  	v7 =	vmov s24;
	v5 =	vmov s25;
	v4 =	vmov s7;
	s30 =	spop (v2sf)  }
0x18b: {  	s7 =	simm.s32 $0x0;
	v3 =	vmov s14;
	s14 =	simm.s32 $0x40;
	v2 =	vmov s29;
	v1 =	vmov s30  }
.LBB2_5:
0x18c: {  	p0 =	sne.s32 s14, $0xBC0;
	v17 =	vld.idx.msk [tilespmem:v15+s7+$0x0 ss:$0x1], $0xffff;
	_ =	sdelay $0x5  }
0x18d: {  	[tilespmem:s7+$0xE600] =	vst.add.f32.msk $0xffff, v17  }
0x18e: {  	v17 =	vld.idx.msk [tilespmem:v16+s7+$0x0 ss:$0x1], $0xffff;
	_ =	sdelay $0x5  }
0x18f: {  	[tilespmem:s7+$0xE900] =	vst.add.f32.msk $0xffff, v17  }
0x190: {  	v17 =	vld.idx.msk [tilespmem:v14+s7+$0x0 ss:$0x1], $0xffff;
	_ =	sdelay $0x5  }
0x191: {  	[tilespmem:s7+$0xEC00] =	vst.add.f32.msk $0xffff, v17  }
0x192: {  	v17 =	vld.idx.msk [tilespmem:v12+s7+$0x0 ss:$0x1], $0xffff;
	_ =	sdelay $0x5  }
0x193: {  	[tilespmem:s7+$0xEF00] =	vst.add.f32.msk $0xffff, v17  }
0x194: {  	v17 =	vld.idx.msk [tilespmem:v13+s7+$0x0 ss:$0x1], $0xffff;
	_ =	sdelay $0x5  }
0x195: {  	[tilespmem:s7+$0xF200] =	vst.add.f32.msk $0xffff, v17  }
0x196: {  	v17 =	vld.idx.msk [tilespmem:v11+s7+$0x0 ss:$0x1], $0xffff;
	_ =	sdelay $0x5  }
0x197: {  	[tilespmem:s7+$0xF500] =	vst.add.f32.msk $0xffff, v17  }
0x198: {  	v17 =	vld.idx.msk [tilespmem:v9+s7+$0x0 ss:$0x1], $0xffff;
	_ =	sdelay $0x5  }
0x199: {  	[tilespmem:s7+$0xF800] =	vst.add.f32.msk $0xffff, v17  }
0x19a: {  	v17 =	vld.idx.msk [tilespmem:v10+s7+$0x0 ss:$0x1], $0xffff;
	_ =	sdelay $0x5  }
0x19b: {  	[tilespmem:s7+$0xFB00] =	vst.add.f32.msk $0xffff, v17  }
0x19c: {  	v17 =	vld.idx.msk [tilespmem:v8+s7+$0x0 ss:$0x1], $0xffff;
	_ =	sdelay $0x5  }
0x19d: {  	[tilespmem:s7+$0xFE00] =	vst.add.f32.msk $0xffff, v17  }
0x19e: {  	v17 =	vld.idx.msk [tilespmem:v6+s7+$0x0 ss:$0x1], $0xffff;
	_ =	sdelay $0x5  }
0x19f: {  	[tilespmem:s7+$0x10100] =	vst.add.f32.msk $0xffff, v17  }
0x1a0: {  	v17 =	vld.idx.msk [tilespmem:v7+s7+$0x0 ss:$0x1], $0xffff;
	_ =	sdelay $0x5  }
0x1a1: {  	[tilespmem:s7+$0x10400] =	vst.add.f32.msk $0xffff, v17  }
0x1a2: {  	v17 =	vld.idx.msk [tilespmem:v5+s7+$0x0 ss:$0x1], $0xffff;
	_ =	sdelay $0x5  }
0x1a3: {  	[tilespmem:s7+$0x10700] =	vst.add.f32.msk $0xffff, v17  }
0x1a4: {  	v17 =	vld.idx.msk [tilespmem:v4+s7+$0x0 ss:$0x1], $0xffff;
	_ =	sdelay $0x5  }
0x1a5: {  	[tilespmem:s7+$0x10A00] =	vst.add.f32.msk $0xffff, v17  }
0x1a6: {  	v17 =	vld.idx.msk [tilespmem:v3+s7+$0x0 ss:$0x1], $0xffff;
	_ =	sdelay $0x5  }
0x1a7: {  	[tilespmem:s7+$0x10D00] =	vst.add.f32.msk $0xffff, v17  }
0x1a8: {  	v17 =	vld.idx.msk [tilespmem:v2+s7+$0x0 ss:$0x1], $0xffff;
	_ =	sdelay $0x5  }
0x1a9: {  	[tilespmem:s7+$0x11000] =	vst.add.f32.msk $0xffff, v17  }
0x1aa: {  	v17 =	vld.idx.msk [tilespmem:v1+s7+$0x0 ss:$0x1], $0xffff;
	_ =	sdelay $0x1  }
.Ltmp1:
0x1ab: {  	(pc) =	sbr.rel @p0 .LBB2_5-.Ltmp1, $2  }
0x1ac: {  	_ =	sdelay $0x2  }
0x1ad: {  	[tilespmem:s7+$0x11300] =	vst.add.f32.msk $0xffff, v17;
	s7 =	sshra.s32 s14, $0x2;
	s14 =	sadd.s32 $0x40, s14  }
0x1ae: {  	_ =	sdelay $0x3  }
0x1af: {  	v15 =	vld.idx.msk [tilespmem:v15+s7+$0x0 ss:$0x1], $0xffff;
	_ =	sdelay $0x4  }
0x1b0: {  	[tilespmem:s7+$0xE600] =	vst.add.f32.msk $0xffff, v15  }
0x1b1: {  	v15 =	vld.idx.msk [tilespmem:v16+s7+$0x0 ss:$0x1], $0xffff;
	_ =	sdelay $0x4  }
0x1b2: {  	[tilespmem:s7+$0xE900] =	vst.add.f32.msk $0xffff, v15  }
0x1b3: {  	v14 =	vld.idx.msk [tilespmem:v14+s7+$0x0 ss:$0x1], $0xffff;
	_ =	sdelay $0x4  }
0x1b4: {  	[tilespmem:s7+$0xEC00] =	vst.add.f32.msk $0xffff, v14  }
0x1b5: {  	v12 =	vld.idx.msk [tilespmem:v12+s7+$0x0 ss:$0x1], $0xffff;
	_ =	sdelay $0x4  }
0x1b6: {  	[tilespmem:s7+$0xEF00] =	vst.add.f32.msk $0xffff, v12  }
0x1b7: {  	v12 =	vld.idx.msk [tilespmem:v13+s7+$0x0 ss:$0x1], $0xffff;
	_ =	sdelay $0x4  }
0x1b8: {  	[tilespmem:s7+$0xF200] =	vst.add.f32.msk $0xffff, v12  }
0x1b9: {  	v11 =	vld.idx.msk [tilespmem:v11+s7+$0x0 ss:$0x1], $0xffff;
	_ =	sdelay $0x4  }
0x1ba: {  	[tilespmem:s7+$0xF500] =	vst.add.f32.msk $0xffff, v11  }
0x1bb: {  	v9 =	vld.idx.msk [tilespmem:v9+s7+$0x0 ss:$0x1], $0xffff;
	_ =	sdelay $0x4  }
0x1bc: {  	[tilespmem:s7+$0xF800] =	vst.add.f32.msk $0xffff, v9  }
0x1bd: {  	v9 =	vld.idx.msk [tilespmem:v10+s7+$0x0 ss:$0x1], $0xffff;
	_ =	sdelay $0x4  }
0x1be: {  	[tilespmem:s7+$0xFB00] =	vst.add.f32.msk $0xffff, v9  }
0x1bf: {  	v8 =	vld.idx.msk [tilespmem:v8+s7+$0x0 ss:$0x1], $0xffff;
	_ =	sdelay $0x4  }
0x1c0: {  	[tilespmem:s7+$0xFE00] =	vst.add.f32.msk $0xffff, v8  }
0x1c1: {  	v6 =	vld.idx.msk [tilespmem:v6+s7+$0x0 ss:$0x1], $0xffff;
	_ =	sdelay $0x4  }
0x1c2: {  	[tilespmem:s7+$0x10100] =	vst.add.f32.msk $0xffff, v6  }
0x1c3: {  	v6 =	vld.idx.msk [tilespmem:v7+s7+$0x0 ss:$0x1], $0xffff;
	_ =	sdelay $0x4  }
0x1c4: {  	[tilespmem:s7+$0x10400] =	vst.add.f32.msk $0xffff, v6  }
0x1c5: {  	v5 =	vld.idx.msk [tilespmem:v5+s7+$0x0 ss:$0x1], $0xffff;
	_ =	sdelay $0x4  }
0x1c6: {  	[tilespmem:s7+$0x10700] =	vst.add.f32.msk $0xffff, v5  }
0x1c7: {  	v4 =	vld.idx.msk [tilespmem:v4+s7+$0x0 ss:$0x1], $0xffff;
	_ =	sdelay $0x4  }
0x1c8: {  	[tilespmem:s7+$0x10A00] =	vst.add.f32.msk $0xffff, v4  }
0x1c9: {  	v3 =	vld.idx.msk [tilespmem:v3+s7+$0x0 ss:$0x1], $0xffff;
	_ =	sdelay $0x4  }
0x1ca: {  	[tilespmem:s7+$0x10D00] =	vst.add.f32.msk $0xffff, v3  }
0x1cb: {  	v2 =	vld.idx.msk [tilespmem:v2+s7+$0x0 ss:$0x1], $0xffff;
	_ =	sdelay $0x4  }
0x1cc: {  	[tilespmem:s7+$0x11000] =	vst.add.f32.msk $0xffff, v2  }
0x1cd: {  	v1 =	vld.idx.msk [tilespmem:v1+s7+$0x0 ss:$0x1], $0xffff  }
0x1ce: {  	s14 =	smul.u32 $0x180000, s6;
	_ =	sdelay $0x1  }
0x1cf: {  	s1 =	sor.u32 s9, s14  }
0x1d0: {  	s1 =	sshrl.u32 s1, $0x3  }
0x1d1: {  	s29 =	simm.s32 $0x0;
	s15 =	simm.s32 $0xE600;
	[tilespmem:s7+$0x11300] =	vst.add.f32.msk $0xffff, v1;
	s7 =	sadd.s32 s2, s1  }
0x1d2: {  	[hbm4b:s7+s29] =	stream.linear.scatter [tilespmem:s15], [sflag:$0x5], $0x80, $0x38;
	[tilespmem:$0x1A600] =	vst v63  }
0x1d3: {  	s18 =	simm.s32 $0xE900;
	s19 =	sadd.s32 $0x10, s7  }
0x1d4: {  	[hbm4b:s19+s29] =	stream.linear.scatter [tilespmem:s18], [sflag:$0x5], $0x80, $0x38;
	[tilespmem:$0x1A600] =	vst v63  }
0x1d5: {  	s21 =	simm.s32 $0xEC00;
	s20 =	sadd.s32 $0x20, s7  }
0x1d6: {  	[hbm4b:s20+s29] =	stream.linear.scatter [tilespmem:s21], [sflag:$0x5], $0x80, $0x38;
	[tilespmem:$0x1A600] =	vst v63  }
0x1d7: {  	s25 =	simm.s32 $0xEF00;
	s24 =	sadd.s32 $0x30, s7  }
0x1d8: {  	[hbm4b:s24+s29] =	stream.linear.scatter [tilespmem:s25], [sflag:$0x5], $0x80, $0x38;
	[tilespmem:$0x1A600] =	vst v63  }
0x1d9: {  	s18 =	sadd.s32 $0x40, s7;
	s19 =	simm.s32 $0xF200  }
0x1da: {  	[hbm4b:s18+s29] =	stream.linear.scatter [tilespmem:s19], [sflag:$0x5], $0x80, $0x38;
	[tilespmem:$0x1A600] =	vst v63  }
0x1db: {  	s20 =	sadd.s32 $0x50, s7;
	s21 =	simm.s32 $0xF500  }
0x1dc: {  	[hbm4b:s20+s29] =	stream.linear.scatter [tilespmem:s21], [sflag:$0x5], $0x80, $0x38;
	[tilespmem:$0x1A600] =	vst v63  }
0x1dd: {  	s24 =	sadd.s32 $0x60, s7;
	s25 =	simm.s32 $0xF800  }
0x1de: {  	[hbm4b:s24+s29] =	stream.linear.scatter [tilespmem:s25], [sflag:$0x5], $0x80, $0x38;
	[tilespmem:$0x1A600] =	vst v63  }
0x1df: {  	s18 =	sadd.s32 $0x70, s7;
	s19 =	simm.s32 $0xFB00  }
0x1e0: {  	[hbm4b:s18+s29] =	stream.linear.scatter [tilespmem:s19], [sflag:$0x5], $0x80, $0x38;
	[tilespmem:$0x1A600] =	vst v63  }
0x1e1: {  	s15 =	sadd.s32 s1, s10;
	s20 =	simm.s32 $0xE680  }
0x1e2: {  	[hbm4b:s15+s29] =	stream.linear.scatter [tilespmem:s20], [sflag:$0x5], $0x80, $0x38;
	[tilespmem:$0x1A600] =	vst v63  }
0x1e3: {  	s21 =	sadd.s32 $0x10, s15;
	s19 =	simm.s32 $0xE980  }
0x1e4: {  	[hbm4b:s21+s29] =	stream.linear.scatter [tilespmem:s19], [sflag:$0x5], $0x80, $0x38;
	[tilespmem:$0x1A600] =	vst v63  }
0x1e5: {  	s24 =	sadd.s32 $0x20, s15;
	s25 =	simm.s32 $0xEC80  }
0x1e6: {  	[hbm4b:s24+s29] =	stream.linear.scatter [tilespmem:s25], [sflag:$0x5], $0x80, $0x38;
	[tilespmem:$0x1A600] =	vst v63  }
0x1e7: {  	s20 =	sadd.s32 $0x30, s15;
	s21 =	simm.s32 $0xEF80  }
0x1e8: {  	[hbm4b:s20+s29] =	stream.linear.scatter [tilespmem:s21], [sflag:$0x5], $0x80, $0x38;
	[tilespmem:$0x1A600] =	vst v63  }
0x1e9: {  	s24 =	sadd.s32 $0x40, s15;
	s25 =	simm.s32 $0xF280  }
0x1ea: {  	[hbm4b:s24+s29] =	stream.linear.scatter [tilespmem:s25], [sflag:$0x5], $0x80, $0x38;
	[tilespmem:$0x1A600] =	vst v63  }
0x1eb: {  	s19 =	sadd.s32 $0x50, s15;
	s20 =	simm.s32 $0xF580  }
0x1ec: {  	[hbm4b:s19+s29] =	stream.linear.scatter [tilespmem:s20], [sflag:$0x5], $0x80, $0x38;
	[tilespmem:$0x1A600] =	vst v63  }
0x1ed: {  	s21 =	sadd.s32 $0x60, s15;
	s24 =	simm.s32 $0xF880  }
0x1ee: {  	[hbm4b:s21+s29] =	stream.linear.scatter [tilespmem:s24], [sflag:$0x5], $0x80, $0x38;
	[tilespmem:$0x1A600] =	vst v63  }
0x1ef: {  	s15 =	sadd.s32 $0x70, s15;
	s25 =	simm.s32 $0xFB80  }
0x1f0: {  	[hbm4b:s15+s29] =	stream.linear.scatter [tilespmem:s25], [sflag:$0x5], $0x80, $0x38;
	[tilespmem:$0x1A600] =	vst v63  }
0x1f1: {  	s19 =	simm.s32 $0xE700;
	s15 =	sadd.s32 s1, s11  }
0x1f2: {  	[hbm4b:s15+s29] =	stream.linear.scatter [tilespmem:s19], [sflag:$0x5], $0x80, $0x38;
	[tilespmem:$0x1A600] =	vst v63  }
0x1f3: {  	s21 =	simm.s32 $0xEA00;
	s20 =	sadd.s32 $0x10, s15  }
0x1f4: {  	[hbm4b:s20+s29] =	stream.linear.scatter [tilespmem:s21], [sflag:$0x5], $0x80, $0x38;
	[tilespmem:$0x1A600] =	vst v63  }
0x1f5: {  	s25 =	simm.s32 $0xED00;
	s24 =	sadd.s32 $0x20, s15  }
0x1f6: {  	[hbm4b:s24+s29] =	stream.linear.scatter [tilespmem:s25], [sflag:$0x5], $0x80, $0x38;
	[tilespmem:$0x1A600] =	vst v63  }
0x1f7: {  	s20 =	sadd.s32 $0x30, s15;
	s21 =	simm.s32 $0xF000  }
0x1f8: {  	[hbm4b:s20+s29] =	stream.linear.scatter [tilespmem:s21], [sflag:$0x5], $0x80, $0x38;
	[tilespmem:$0x1A600] =	vst v63  }
0x1f9: {  	s24 =	sadd.s32 $0x40, s15;
	s25 =	simm.s32 $0xF300  }
0x1fa: {  	[hbm4b:s24+s29] =	stream.linear.scatter [tilespmem:s25], [sflag:$0x5], $0x80, $0x38;
	[tilespmem:$0x1A600] =	vst v63  }
0x1fb: {  	s20 =	sadd.s32 $0x50, s15;
	s21 =	simm.s32 $0xF600  }
0x1fc: {  	[hbm4b:s20+s29] =	stream.linear.scatter [tilespmem:s21], [sflag:$0x5], $0x80, $0x38;
	[tilespmem:$0x1A600] =	vst v63  }
0x1fd: {  	s24 =	sadd.s32 $0x60, s15;
	s25 =	simm.s32 $0xF900  }
0x1fe: {  	[hbm4b:s24+s29] =	stream.linear.scatter [tilespmem:s25], [sflag:$0x5], $0x80, $0x38;
	[tilespmem:$0x1A600] =	vst v63  }
0x1ff: {  	s15 =	sadd.s32 $0x70, s15;
	s20 =	simm.s32 $0xFC00  }
0x200: {  	[hbm4b:s15+s29] =	stream.linear.scatter [tilespmem:s20], [sflag:$0x5], $0x80, $0x38;
	[tilespmem:$0x1A600] =	vst v63  }
0x201: {  	s1 =	sadd.s32 s1, s12;
	s21 =	simm.s32 $0xE780  }
0x202: {  	[hbm4b:s1+s29] =	stream.linear.scatter [tilespmem:s21], [sflag:$0x5], $0x80, $0x38;
	[tilespmem:$0x1A600] =	vst v63  }
0x203: {  	s24 =	sadd.s32 $0x10, s1;
	s25 =	simm.s32 $0xEA80  }
0x204: {  	[hbm4b:s24+s29] =	stream.linear.scatter [tilespmem:s25], [sflag:$0x5], $0x80, $0x38;
	[tilespmem:$0x1A600] =	vst v63  }
0x205: {  	s18 =	sadd.s32 $0x20, s1;
	s19 =	simm.s32 $0xED80  }
0x206: {  	[hbm4b:s18+s29] =	stream.linear.scatter [tilespmem:s19], [sflag:$0x5], $0x80, $0x38;
	[tilespmem:$0x1A600] =	vst v63  }
0x207: {  	s20 =	sadd.s32 $0x30, s1;
	s21 =	simm.s32 $0xF080  }
0x208: {  	[hbm4b:s20+s29] =	stream.linear.scatter [tilespmem:s21], [sflag:$0x5], $0x80, $0x38;
	[tilespmem:$0x1A600] =	vst v63  }
0x209: {  	s24 =	sadd.s32 $0x40, s1;
	s25 =	simm.s32 $0xF380  }
0x20a: {  	[hbm4b:s24+s29] =	stream.linear.scatter [tilespmem:s25], [sflag:$0x5], $0x80, $0x38;
	[tilespmem:$0x1A600] =	vst v63  }
0x20b: {  	s19 =	sadd.s32 $0x50, s1;
	s20 =	simm.s32 $0xF680  }
0x20c: {  	[hbm4b:s19+s29] =	stream.linear.scatter [tilespmem:s20], [sflag:$0x5], $0x80, $0x38;
	[tilespmem:$0x1A600] =	vst v63  }
0x20d: {  	s21 =	sadd.s32 $0x60, s1;
	s24 =	simm.s32 $0xF980  }
0x20e: {  	[hbm4b:s21+s29] =	stream.linear.scatter [tilespmem:s24], [sflag:$0x5], $0x80, $0x38;
	[tilespmem:$0x1A600] =	vst v63  }
0x20f: {  	s1 =	sadd.s32 $0x70, s1;
	s25 =	simm.s32 $0xFC80  }
0x210: {  	[hbm4b:s1+s29] =	stream.linear.scatter [tilespmem:s25], [sflag:$0x5], $0x80, $0x38;
	[tilespmem:$0x1A600] =	vst v63  }
0x211: {  	s18 =	sadd.s32 $0x200, s7;
	s19 =	simm.s32 $0xE800  }
0x212: {  	[hbm4b:s18+s29] =	stream.linear.scatter [tilespmem:s19], [sflag:$0x5], $0x80, $0x38;
	[tilespmem:$0x1A600] =	vst v63  }
0x213: {  	s20 =	sadd.s32 $0x210, s7;
	s21 =	simm.s32 $0xEB00  }
0x214: {  	[hbm4b:s20+s29] =	stream.linear.scatter [tilespmem:s21], [sflag:$0x5], $0x80, $0x38;
	[tilespmem:$0x1A600] =	vst v63  }
0x215: {  	s24 =	sadd.s32 $0x220, s7;
	s25 =	simm.s32 $0xEE00  }
0x216: {  	[hbm4b:s24+s29] =	stream.linear.scatter [tilespmem:s25], [sflag:$0x5], $0x80, $0x38;
	[tilespmem:$0x1A600] =	vst v63  }
0x217: {  	s18 =	sadd.s32 $0x230, s7;
	s19 =	simm.s32 $0xF100  }
0x218: {  	[hbm4b:s18+s29] =	stream.linear.scatter [tilespmem:s19], [sflag:$0x5], $0x80, $0x38;
	[tilespmem:$0x1A600] =	vst v63  }
0x219: {  	s20 =	sadd.s32 $0x240, s7;
	s21 =	simm.s32 $0xF400  }
0x21a: {  	[hbm4b:s20+s29] =	stream.linear.scatter [tilespmem:s21], [sflag:$0x5], $0x80, $0x38;
	[tilespmem:$0x1A600] =	vst v63  }
0x21b: {  	s24 =	sadd.s32 $0x250, s7;
	s25 =	simm.s32 $0xF700  }
0x21c: {  	[hbm4b:s24+s29] =	stream.linear.scatter [tilespmem:s25], [sflag:$0x5], $0x80, $0x38;
	[tilespmem:$0x1A600] =	vst v63  }
0x21d: {  	s18 =	sadd.s32 $0x260, s7;
	s19 =	simm.s32 $0xFA00  }
0x21e: {  	[hbm4b:s18+s29] =	stream.linear.scatter [tilespmem:s19], [sflag:$0x5], $0x80, $0x38;
	[tilespmem:$0x1A600] =	vst v63  }
0x21f: {  	s20 =	sadd.s32 $0x270, s7;
	s21 =	simm.s32 $0xFD00  }
0x220: {  	[hbm4b:s20+s29] =	stream.linear.scatter [tilespmem:s21], [sflag:$0x5], $0x80, $0x38;
	[tilespmem:$0x1A600] =	vst v63  }
0x221: {  	s24 =	sadd.s32 $0x280, s7;
	s25 =	simm.s32 $0xE880  }
0x222: {  	[hbm4b:s24+s29] =	stream.linear.scatter [tilespmem:s25], [sflag:$0x5], $0x80, $0x38;
	[tilespmem:$0x1A600] =	vst v63  }
0x223: {  	s18 =	sadd.s32 $0x290, s7;
	s19 =	simm.s32 $0xEB80  }
0x224: {  	[hbm4b:s18+s29] =	stream.linear.scatter [tilespmem:s19], [sflag:$0x5], $0x80, $0x38;
	[tilespmem:$0x1A600] =	vst v63  }
0x225: {  	s20 =	sadd.s32 $0x2A0, s7;
	s21 =	simm.s32 $0xEE80  }
0x226: {  	[hbm4b:s20+s29] =	stream.linear.scatter [tilespmem:s21], [sflag:$0x5], $0x80, $0x38;
	[tilespmem:$0x1A600] =	vst v63  }
0x227: {  	s24 =	sadd.s32 $0x2B0, s7;
	s25 =	simm.s32 $0xF180  }
0x228: {  	[hbm4b:s24+s29] =	stream.linear.scatter [tilespmem:s25], [sflag:$0x5], $0x80, $0x38;
	[tilespmem:$0x1A600] =	vst v63  }
0x229: {  	s18 =	sadd.s32 $0x2C0, s7;
	s19 =	simm.s32 $0xF480  }
0x22a: {  	[hbm4b:s18+s29] =	stream.linear.scatter [tilespmem:s19], [sflag:$0x5], $0x80, $0x38;
	[tilespmem:$0x1A600] =	vst v63  }
0x22b: {  	s20 =	sadd.s32 $0x2D0, s7;
	s21 =	simm.s32 $0xF780  }
0x22c: {  	[hbm4b:s20+s29] =	stream.linear.scatter [tilespmem:s21], [sflag:$0x5], $0x80, $0x38;
	[tilespmem:$0x1A600] =	vst v63  }
0x22d: {  	s24 =	sadd.s32 $0x2E0, s7;
	s25 =	simm.s32 $0xFA80;
	s20 =	sadd.s32 s13, s14  }
0x22e: {  	[hbm4b:s24+s29] =	stream.linear.scatter [tilespmem:s25], [sflag:$0x5], $0x80, $0x38;
	[tilespmem:$0x1A600] =	vst v63  }
0x22f: {  	s18 =	sadd.s32 $0x2F0, s7;
	s19 =	simm.s32 $0xFD80;
	s1 =	sshrl.u32 s20, $0x3  }
0x230: {  	[hbm4b:s18+s29] =	stream.linear.scatter [tilespmem:s19], [sflag:$0x5], $0x80, $0x38;
	[tilespmem:$0x1A600] =	vst v63  }
0x231: {  	s21 =	simm.s32 $0xFE00;
	s7 =	sadd.s32 s2, s1  }
0x232: {  	[hbm4b:s7+s29] =	stream.linear.scatter [tilespmem:s21], [sflag:$0x5], $0x80, $0x38;
	[tilespmem:$0x1A600] =	vst v63  }
0x233: {  	s25 =	simm.s32 $0x10100;
	s24 =	sadd.s32 $0x10, s7  }
0x234: {  	[hbm4b:s24+s29] =	stream.linear.scatter [tilespmem:s25], [sflag:$0x5], $0x80, $0x38;
	[tilespmem:$0x1A600] =	vst v63  }
0x235: {  	s18 =	sadd.s32 $0x20, s7;
	s19 =	simm.s32 $0x10400  }
0x236: {  	[hbm4b:s18+s29] =	stream.linear.scatter [tilespmem:s19], [sflag:$0x5], $0x80, $0x38;
	[tilespmem:$0x1A600] =	vst v63  }
0x237: {  	s20 =	sadd.s32 $0x30, s7;
	s21 =	simm.s32 $0x10700  }
0x238: {  	[hbm4b:s20+s29] =	stream.linear.scatter [tilespmem:s21], [sflag:$0x5], $0x80, $0x38;
	[tilespmem:$0x1A600] =	vst v63  }
0x239: {  	s24 =	sadd.s32 $0x40, s7;
	s25 =	simm.s32 $0x10A00  }
0x23a: {  	[hbm4b:s24+s29] =	stream.linear.scatter [tilespmem:s25], [sflag:$0x5], $0x80, $0x38;
	[tilespmem:$0x1A600] =	vst v63  }
0x23b: {  	s18 =	sadd.s32 $0x50, s7;
	s19 =	simm.s32 $0x10D00  }
0x23c: {  	[hbm4b:s18+s29] =	stream.linear.scatter [tilespmem:s19], [sflag:$0x5], $0x80, $0x38;
	[tilespmem:$0x1A600] =	vst v63  }
0x23d: {  	s20 =	sadd.s32 $0x60, s7;
	s21 =	simm.s32 $0x11000  }
0x23e: {  	[hbm4b:s20+s29] =	stream.linear.scatter [tilespmem:s21], [sflag:$0x5], $0x80, $0x38;
	[tilespmem:$0x1A600] =	vst v63  }
0x23f: {  	s24 =	sadd.s32 $0x70, s7;
	s25 =	simm.s32 $0x11300  }
0x240: {  	[hbm4b:s24+s29] =	stream.linear.scatter [tilespmem:s25], [sflag:$0x5], $0x80, $0x38;
	[tilespmem:$0x1A600] =	vst v63  }
0x241: {  	s15 =	simm.s32 $0xFE80;
	s1 =	sadd.s32 s1, s10  }
0x242: {  	[hbm4b:s1+s29] =	stream.linear.scatter [tilespmem:s15], [sflag:$0x5], $0x80, $0x38;
	[tilespmem:$0x1A600] =	vst v63  }
0x243: {  	s18 =	sadd.s32 $0x10, s1;
	s19 =	simm.s32 $0x10180  }
0x244: {  	[hbm4b:s18+s29] =	stream.linear.scatter [tilespmem:s19], [sflag:$0x5], $0x80, $0x38;
	[tilespmem:$0x1A600] =	vst v63  }
0x245: {  	s20 =	sadd.s32 $0x20, s1;
	s21 =	simm.s32 $0x10480  }
0x246: {  	[hbm4b:s20+s29] =	stream.linear.scatter [tilespmem:s21], [sflag:$0x5], $0x80, $0x38;
	[tilespmem:$0x1A600] =	vst v63  }
0x247: {  	s24 =	sadd.s32 $0x30, s1;
	s25 =	simm.s32 $0x10780  }
0x248: {  	[hbm4b:s24+s29] =	stream.linear.scatter [tilespmem:s25], [sflag:$0x5], $0x80, $0x38;
	[tilespmem:$0x1A600] =	vst v63  }
0x249: {  	s18 =	sadd.s32 $0x40, s1;
	s19 =	simm.s32 $0x10A80  }
0x24a: {  	[hbm4b:s18+s29] =	stream.linear.scatter [tilespmem:s19], [sflag:$0x5], $0x80, $0x38;
	[tilespmem:$0x1A600] =	vst v63  }
0x24b: {  	s20 =	sadd.s32 $0x50, s1;
	s21 =	simm.s32 $0x10D80  }
0x24c: {  	[hbm4b:s20+s29] =	stream.linear.scatter [tilespmem:s21], [sflag:$0x5], $0x80, $0x38;
	[tilespmem:$0x1A600] =	vst v63  }
0x24d: {  	s24 =	sadd.s32 $0x60, s1;
	s25 =	simm.s32 $0x11080  }
0x24e: {  	[hbm4b:s24+s29] =	stream.linear.scatter [tilespmem:s25], [sflag:$0x5], $0x80, $0x38;
	[tilespmem:$0x1A600] =	vst v63  }
0x24f: {  	s15 =	simm.s32 $0x11380;
	s1 =	sadd.s32 $0x70, s1  }
0x250: {  	[hbm4b:s1+s29] =	stream.linear.scatter [tilespmem:s15], [sflag:$0x5], $0x80, $0x38;
	[tilespmem:$0x1A600] =	vst v63  }
0x251: {  	s18 =	sadd.s32 $0x100, s7;
	s19 =	simm.s32 $0xFF00  }
0x252: {  	[hbm4b:s18+s29] =	stream.linear.scatter [tilespmem:s19], [sflag:$0x5], $0x80, $0x38;
	[tilespmem:$0x1A600] =	vst v63  }
0x253: {  	s20 =	sadd.s32 $0x110, s7;
	s21 =	simm.s32 $0x10200  }
0x254: {  	[hbm4b:s20+s29] =	stream.linear.scatter [tilespmem:s21], [sflag:$0x5], $0x80, $0x38;
	[tilespmem:$0x1A600] =	vst v63  }
0x255: {  	s24 =	sadd.s32 $0x120, s7;
	s25 =	simm.s32 $0x10500  }
0x256: {  	[hbm4b:s24+s29] =	stream.linear.scatter [tilespmem:s25], [sflag:$0x5], $0x80, $0x38;
	[tilespmem:$0x1A600] =	vst v63  }
0x257: {  	s14 =	sadd.s32 $0x130, s7;
	s15 =	simm.s32 $0x10800  }
0x258: {  	[hbm4b:s14+s29] =	stream.linear.scatter [tilespmem:s15], [sflag:$0x5], $0x80, $0x38;
	[tilespmem:$0x1A600] =	vst v63  }
0x259: {  	s18 =	sadd.s32 $0x140, s7;
	s19 =	simm.s32 $0x10B00  }
0x25a: {  	[hbm4b:s18+s29] =	stream.linear.scatter [tilespmem:s19], [sflag:$0x5], $0x80, $0x38;
	[tilespmem:$0x1A600] =	vst v63  }
0x25b: {  	s20 =	sadd.s32 $0x150, s7;
	s21 =	simm.s32 $0x10E00  }
0x25c: {  	[hbm4b:s20+s29] =	stream.linear.scatter [tilespmem:s21], [sflag:$0x5], $0x80, $0x38;
	[tilespmem:$0x1A600] =	vst v63  }
0x25d: {  	s24 =	sadd.s32 $0x160, s7;
	s25 =	simm.s32 $0x11100  }
0x25e: {  	[hbm4b:s24+s29] =	stream.linear.scatter [tilespmem:s25], [sflag:$0x5], $0x80, $0x38;
	[tilespmem:$0x1A600] =	vst v63  }
0x25f: {  	s14 =	sadd.s32 $0x170, s7;
	s15 =	simm.s32 $0x11400  }
0x260: {  	[hbm4b:s14+s29] =	stream.linear.scatter [tilespmem:s15], [sflag:$0x5], $0x80, $0x38;
	[tilespmem:$0x1A600] =	vst v63  }
0x261: {  	s18 =	sadd.s32 $0x180, s7;
	s19 =	simm.s32 $0xFF80  }
0x262: {  	[hbm4b:s18+s29] =	stream.linear.scatter [tilespmem:s19], [sflag:$0x5], $0x80, $0x38;
	[tilespmem:$0x1A600] =	vst v63  }
0x263: {  	s20 =	sadd.s32 $0x190, s7;
	s21 =	simm.s32 $0x10280  }
0x264: {  	[hbm4b:s20+s29] =	stream.linear.scatter [tilespmem:s21], [sflag:$0x5], $0x80, $0x38;
	[tilespmem:$0x1A600] =	vst v63  }
0x265: {  	s24 =	sadd.s32 $0x1A0, s7;
	s25 =	simm.s32 $0x10580  }
0x266: {  	[hbm4b:s24+s29] =	stream.linear.scatter [tilespmem:s25], [sflag:$0x5], $0x80, $0x38;
	[tilespmem:$0x1A600] =	vst v63  }
0x267: {  	s14 =	sadd.s32 $0x1B0, s7;
	s15 =	simm.s32 $0x10880  }
0x268: {  	[hbm4b:s14+s29] =	stream.linear.scatter [tilespmem:s15], [sflag:$0x5], $0x80, $0x38;
	[tilespmem:$0x1A600] =	vst v63  }
0x269: {  	s18 =	sadd.s32 $0x1C0, s7;
	s19 =	simm.s32 $0x10B80  }
0x26a: {  	[hbm4b:s18+s29] =	stream.linear.scatter [tilespmem:s19], [sflag:$0x5], $0x80, $0x38;
	[tilespmem:$0x1A600] =	vst v63  }
0x26b: {  	s20 =	sadd.s32 $0x1D0, s7;
	s21 =	simm.s32 $0x10E80  }
0x26c: {  	[hbm4b:s20+s29] =	stream.linear.scatter [tilespmem:s21], [sflag:$0x5], $0x80, $0x38;
	[tilespmem:$0x1A600] =	vst v63  }
0x26d: {  	s24 =	sadd.s32 $0x1E0, s7;
	s25 =	simm.s32 $0x11180  }
0x26e: {  	[hbm4b:s24+s29] =	stream.linear.scatter [tilespmem:s25], [sflag:$0x5], $0x80, $0x38;
	[tilespmem:$0x1A600] =	vst v63  }
0x26f: {  	s14 =	sadd.s32 $0x1F0, s7;
	s15 =	simm.s32 $0x11480  }
0x270: {  	[hbm4b:s14+s29] =	stream.linear.scatter [tilespmem:s15], [sflag:$0x5], $0x80, $0x38;
	[tilespmem:$0x1A600] =	vst v63  }
0x271: {  	s18 =	sadd.s32 $0x200, s7;
	s19 =	simm.s32 $0x10000  }
0x272: {  	[hbm4b:s18+s29] =	stream.linear.scatter [tilespmem:s19], [sflag:$0x5], $0x80, $0x38;
	[tilespmem:$0x1A600] =	vst v63  }
0x273: {  	s20 =	sadd.s32 $0x210, s7;
	s21 =	simm.s32 $0x10300  }
0x274: {  	[hbm4b:s20+s29] =	stream.linear.scatter [tilespmem:s21], [sflag:$0x5], $0x80, $0x38;
	[tilespmem:$0x1A600] =	vst v63  }
0x275: {  	s24 =	sadd.s32 $0x220, s7;
	s25 =	simm.s32 $0x10600  }
0x276: {  	[hbm4b:s24+s29] =	stream.linear.scatter [tilespmem:s25], [sflag:$0x5], $0x80, $0x38;
	[tilespmem:$0x1A600] =	vst v63  }
0x277: {  	s14 =	sadd.s32 $0x230, s7;
	s15 =	simm.s32 $0x10900  }
0x278: {  	[hbm4b:s14+s29] =	stream.linear.scatter [tilespmem:s15], [sflag:$0x5], $0x80, $0x38;
	[tilespmem:$0x1A600] =	vst v63  }
0x279: {  	s18 =	sadd.s32 $0x240, s7;
	s19 =	simm.s32 $0x10C00  }
0x27a: {  	[hbm4b:s18+s29] =	stream.linear.scatter [tilespmem:s19], [sflag:$0x5], $0x80, $0x38;
	[tilespmem:$0x1A600] =	vst v63  }
0x27b: {  	s20 =	sadd.s32 $0x250, s7;
	s21 =	simm.s32 $0x10F00  }
0x27c: {  	[hbm4b:s20+s29] =	stream.linear.scatter [tilespmem:s21], [sflag:$0x5], $0x80, $0x38;
	[tilespmem:$0x1A600] =	vst v63  }
0x27d: {  	s24 =	sadd.s32 $0x260, s7;
	s25 =	simm.s32 $0x11200  }
0x27e: {  	[hbm4b:s24+s29] =	stream.linear.scatter [tilespmem:s25], [sflag:$0x5], $0x80, $0x38;
	[tilespmem:$0x1A600] =	vst v63  }
0x27f: {  	s14 =	sadd.s32 $0x270, s7;
	s15 =	simm.s32 $0x11500  }
0x280: {  	[hbm4b:s14+s29] =	stream.linear.scatter [tilespmem:s15], [sflag:$0x5], $0x80, $0x38;
	[tilespmem:$0x1A600] =	vst v63  }
0x281: {  	s18 =	sadd.s32 $0x280, s7;
	s19 =	simm.s32 $0x10080  }
0x282: {  	[hbm4b:s18+s29] =	stream.linear.scatter [tilespmem:s19], [sflag:$0x5], $0x80, $0x38;
	[tilespmem:$0x1A600] =	vst v63  }
0x283: {  	s20 =	sadd.s32 $0x290, s7;
	s21 =	simm.s32 $0x10380  }
0x284: {  	[hbm4b:s20+s29] =	stream.linear.scatter [tilespmem:s21], [sflag:$0x5], $0x80, $0x38;
	[tilespmem:$0x1A600] =	vst v63  }
0x285: {  	s24 =	sadd.s32 $0x2A0, s7;
	s25 =	simm.s32 $0x10680  }
0x286: {  	[hbm4b:s24+s29] =	stream.linear.scatter [tilespmem:s25], [sflag:$0x5], $0x80, $0x38;
	[tilespmem:$0x1A600] =	vst v63  }
0x287: {  	s14 =	sadd.s32 $0x2B0, s7;
	s15 =	simm.s32 $0x10980  }
0x288: {  	[hbm4b:s14+s29] =	stream.linear.scatter [tilespmem:s15], [sflag:$0x5], $0x80, $0x38;
	[tilespmem:$0x1A600] =	vst v63  }
0x289: {  	s18 =	sadd.s32 $0x2C0, s7;
	s19 =	simm.s32 $0x10C80  }
0x28a: {  	[hbm4b:s18+s29] =	stream.linear.scatter [tilespmem:s19], [sflag:$0x5], $0x80, $0x38;
	[tilespmem:$0x1A600] =	vst v63  }
0x28b: {  	s20 =	sadd.s32 $0x2D0, s7;
	s21 =	simm.s32 $0x10F80  }
0x28c: {  	[hbm4b:s20+s29] =	stream.linear.scatter [tilespmem:s21], [sflag:$0x5], $0x80, $0x38;
	[tilespmem:$0x1A600] =	vst v63  }
0x28d: {  	s24 =	sadd.s32 $0x2E0, s7;
	s25 =	simm.s32 $0x11280  }
0x28e: {  	[hbm4b:s24+s29] =	stream.linear.scatter [tilespmem:s25], [sflag:$0x5], $0x80, $0x38;
	[tilespmem:$0x1A600] =	vst v63  }
0x28f: {  	s7 =	sadd.s32 $0x2F0, s7;
	s14 =	simm.s32 $0x11580  }
0x290: {  	[hbm4b:s7+s29] =	stream.linear.scatter [tilespmem:s14], [sflag:$0x5], $0x80, $0x38;
	[tilespmem:$0x1A600] =	vst v63  }
0x291: {  	s7 =	sor.u32 $0x3, s17;
	_ =	swait.ge [sflag:s16], $0x3000  }
0x292: {  	s15 =	sshll.u32 s7, $0x6;
	[sflag:s16] =	ssyncset.done $0x0  }
0x293: {  	s14 =	sshrl.u32 s15, $0x2;
	[sflag:s16] =	ssyncadd.s32 $0xFFFFD000  }
0x294: {  	v1 =	vld [tilespmem:s14+$0x0];
	_ =	sdelay $0x7  }
0x295: {  	[tilespmem:s28], [sflag:$0x4] =	stream.indirect_vreg.gather [hbm4b:s4+s29], $0x300, v1, vm0, $0xb8;
	[tilespmem:$0x1A600] =	vst v63  }
0x296: {  	s17 =	sor.u32 $0x1, s17;
	_ =	swait.ge [sflag:s5], $0x3000  }
0x297: {  	s18 =	sshll.u32 s17, $0x4;
	[sflag:s5] =	ssyncset.done $0x0  }
0x298: {  	s1 =	sand.u32 $0x3FFFFFF0, s18;
	[sflag:s5] =	ssyncadd.s32 $0xFFFFD000  }
0x299: {  	v1 =	vld [tilespmem:s1+$0x4000];
	_ =	sdelay $0x4  }
0x29a: {  	v1 =	vshll.u32 v1, $0x4  }
0x29b: {  	v1 =	vor.u32 v0, v1  }
0x29c: {  	v1 =	vmul.u32 $0xC00, v1;
	_ =	sdelay $0x1  }
0x29d: {  	v1 =	vshra.s32 v1, $0x2  }
0x29e: {  	v1 =	vadd.s32 $0x8000, v1  }
0x29f: {  	(v2sf) =	vpush v1, $0x0  }
0x2a0: {  	(v2sf) =	vpush v1, $0x1  }
0x2a1: {  	(v2sf) =	vpush v1, $0x2  }
0x2a2: {  	(v2sf) =	vpush v1, $0x3  }
0x2a3: {  	(v2sf) =	vpush v1, $0x4  }
0x2a4: {  	(v2sf) =	vpush v1, $0x5  }
0x2a5: {  	(v2sf) =	vpush v1, $0x6  }
0x2a6: {  	(v2sf) =	vpush v1, $0x7  }
0x2a7: {  	(v2sf) =	vpush v1, $0x8  }
0x2a8: {  	(v2sf) =	vpush v1, $0x9  }
0x2a9: {  	(v2sf) =	vpush v1, $0xA  }
0x2aa: {  	(v2sf) =	vpush v1, $0xB  }
0x2ab: {  	(v2sf) =	vpush v1, $0xC  }
0x2ac: {  	(v2sf) =	vpush v1, $0xD  }
0x2ad: {  	(v2sf) =	vpush v1, $0xE  }
0x2ae: {  	s1 =	spop (v2sf);
	(v2sf) =	vpush v1, $0xF  }
0x2af: {  	s15 =	spop (v2sf)  }
0x2b0: {  	s18 =	spop (v2sf)  }
0x2b1: {  	s19 =	spop (v2sf)  }
0x2b2: {  	s20 =	spop (v2sf)  }
0x2b3: {  	s21 =	spop (v2sf)  }
0x2b4: {  	s24 =	spop (v2sf)  }
0x2b5: {  	s25 =	spop (v2sf)  }
0x2b6: {  	s29 =	spop (v2sf)  }
0x2b7: {  	s30 =	spop (v2sf)  }
0x2b8: {  	s28 =	spop (v2sf)  }
0x2b9: {  	v15 =	vmov s1;
	s1 =	spop (v2sf)  }
0x2ba: {  	v16 =	vmov s15;
	v14 =	vmov s18;
	v12 =	vmov s19;
	s19 =	spop (v2sf)  }
0x2bb: {  	v13 =	vmov s20;
	v11 =	vmov s21;
	v9 =	vmov s24;
	s24 =	spop (v2sf)  }
0x2bc: {  	v10 =	vmov s25;
	v8 =	vmov s29;
	v6 =	vmov s30;
	s25 =	spop (v2sf)  }
0x2bd: {  	v7 =	vmov s28;
	v5 =	vmov s1;
	v3 =	vmov s19;
	s28 =	spop (v2sf)  }
0x2be: {  	s29 =	simm.s32 $0x0;
	s30 =	simm.s32 $0x40;
	v4 =	vmov s24;
	v2 =	vmov s25;
	v1 =	vmov s28  }
.LBB2_7:
0x2bf: {  	p0 =	sne.s32 s30, $0xBC0;
	v17 =	vld.idx.msk [tilespmem:v15+s29+$0x0 ss:$0x1], $0xffff;
	_ =	sdelay $0x5  }
0x2c0: {  	[tilespmem:s29+$0x11600] =	vst.add.f32.msk $0xffff, v17  }
0x2c1: {  	v17 =	vld.idx.msk [tilespmem:v16+s29+$0x0 ss:$0x1], $0xffff;
	_ =	sdelay $0x5  }
0x2c2: {  	[tilespmem:s29+$0x11900] =	vst.add.f32.msk $0xffff, v17  }
0x2c3: {  	v17 =	vld.idx.msk [tilespmem:v14+s29+$0x0 ss:$0x1], $0xffff;
	_ =	sdelay $0x5  }
0x2c4: {  	[tilespmem:s29+$0x11C00] =	vst.add.f32.msk $0xffff, v17  }
0x2c5: {  	v17 =	vld.idx.msk [tilespmem:v12+s29+$0x0 ss:$0x1], $0xffff;
	_ =	sdelay $0x5  }
0x2c6: {  	[tilespmem:s29+$0x11F00] =	vst.add.f32.msk $0xffff, v17  }
0x2c7: {  	v17 =	vld.idx.msk [tilespmem:v13+s29+$0x0 ss:$0x1], $0xffff;
	_ =	sdelay $0x5  }
0x2c8: {  	[tilespmem:s29+$0x12200] =	vst.add.f32.msk $0xffff, v17  }
0x2c9: {  	v17 =	vld.idx.msk [tilespmem:v11+s29+$0x0 ss:$0x1], $0xffff;
	_ =	sdelay $0x5  }
0x2ca: {  	[tilespmem:s29+$0x12500] =	vst.add.f32.msk $0xffff, v17  }
0x2cb: {  	v17 =	vld.idx.msk [tilespmem:v9+s29+$0x0 ss:$0x1], $0xffff;
	_ =	sdelay $0x5  }
0x2cc: {  	[tilespmem:s29+$0x12800] =	vst.add.f32.msk $0xffff, v17  }
0x2cd: {  	v17 =	vld.idx.msk [tilespmem:v10+s29+$0x0 ss:$0x1], $0xffff;
	_ =	sdelay $0x5  }
0x2ce: {  	[tilespmem:s29+$0x12B00] =	vst.add.f32.msk $0xffff, v17  }
0x2cf: {  	v17 =	vld.idx.msk [tilespmem:v8+s29+$0x0 ss:$0x1], $0xffff;
	_ =	sdelay $0x5  }
0x2d0: {  	[tilespmem:s29+$0x12E00] =	vst.add.f32.msk $0xffff, v17  }
0x2d1: {  	v17 =	vld.idx.msk [tilespmem:v6+s29+$0x0 ss:$0x1], $0xffff;
	_ =	sdelay $0x5  }
0x2d2: {  	[tilespmem:s29+$0x13100] =	vst.add.f32.msk $0xffff, v17  }
0x2d3: {  	v17 =	vld.idx.msk [tilespmem:v7+s29+$0x0 ss:$0x1], $0xffff;
	_ =	sdelay $0x5  }
0x2d4: {  	[tilespmem:s29+$0x13400] =	vst.add.f32.msk $0xffff, v17  }
0x2d5: {  	v17 =	vld.idx.msk [tilespmem:v5+s29+$0x0 ss:$0x1], $0xffff;
	_ =	sdelay $0x5  }
0x2d6: {  	[tilespmem:s29+$0x13700] =	vst.add.f32.msk $0xffff, v17  }
0x2d7: {  	v17 =	vld.idx.msk [tilespmem:v3+s29+$0x0 ss:$0x1], $0xffff;
	_ =	sdelay $0x5  }
0x2d8: {  	[tilespmem:s29+$0x13A00] =	vst.add.f32.msk $0xffff, v17  }
0x2d9: {  	v17 =	vld.idx.msk [tilespmem:v4+s29+$0x0 ss:$0x1], $0xffff;
	_ =	sdelay $0x5  }
0x2da: {  	[tilespmem:s29+$0x13D00] =	vst.add.f32.msk $0xffff, v17  }
0x2db: {  	v17 =	vld.idx.msk [tilespmem:v2+s29+$0x0 ss:$0x1], $0xffff;
	_ =	sdelay $0x5  }
0x2dc: {  	[tilespmem:s29+$0x14000] =	vst.add.f32.msk $0xffff, v17  }
0x2dd: {  	v17 =	vld.idx.msk [tilespmem:v1+s29+$0x0 ss:$0x1], $0xffff;
	_ =	sdelay $0x1  }
.Ltmp2:
0x2de: {  	(pc) =	sbr.rel @p0 .LBB2_7-.Ltmp2, $2  }
0x2df: {  	_ =	sdelay $0x2  }
0x2e0: {  	[tilespmem:s29+$0x14300] =	vst.add.f32.msk $0xffff, v17;
	s29 =	sshra.s32 s30, $0x2;
	s30 =	sadd.s32 $0x40, s30  }
0x2e1: {  	_ =	sdelay $0x3  }
0x2e2: {  	v15 =	vld.idx.msk [tilespmem:v15+s29+$0x0 ss:$0x1], $0xffff;
	_ =	sdelay $0x4  }
0x2e3: {  	[tilespmem:s29+$0x11600] =	vst.add.f32.msk $0xffff, v15  }
0x2e4: {  	v15 =	vld.idx.msk [tilespmem:v16+s29+$0x0 ss:$0x1], $0xffff;
	_ =	sdelay $0x4  }
0x2e5: {  	[tilespmem:s29+$0x11900] =	vst.add.f32.msk $0xffff, v15  }
0x2e6: {  	v14 =	vld.idx.msk [tilespmem:v14+s29+$0x0 ss:$0x1], $0xffff;
	_ =	sdelay $0x4  }
0x2e7: {  	[tilespmem:s29+$0x11C00] =	vst.add.f32.msk $0xffff, v14  }
0x2e8: {  	v12 =	vld.idx.msk [tilespmem:v12+s29+$0x0 ss:$0x1], $0xffff;
	_ =	sdelay $0x4  }
0x2e9: {  	[tilespmem:s29+$0x11F00] =	vst.add.f32.msk $0xffff, v12  }
0x2ea: {  	v12 =	vld.idx.msk [tilespmem:v13+s29+$0x0 ss:$0x1], $0xffff;
	_ =	sdelay $0x4  }
0x2eb: {  	[tilespmem:s29+$0x12200] =	vst.add.f32.msk $0xffff, v12  }
0x2ec: {  	v11 =	vld.idx.msk [tilespmem:v11+s29+$0x0 ss:$0x1], $0xffff;
	_ =	sdelay $0x4  }
0x2ed: {  	[tilespmem:s29+$0x12500] =	vst.add.f32.msk $0xffff, v11  }
0x2ee: {  	v9 =	vld.idx.msk [tilespmem:v9+s29+$0x0 ss:$0x1], $0xffff;
	_ =	sdelay $0x4  }
0x2ef: {  	[tilespmem:s29+$0x12800] =	vst.add.f32.msk $0xffff, v9  }
0x2f0: {  	v9 =	vld.idx.msk [tilespmem:v10+s29+$0x0 ss:$0x1], $0xffff;
	_ =	sdelay $0x4  }
0x2f1: {  	[tilespmem:s29+$0x12B00] =	vst.add.f32.msk $0xffff, v9  }
0x2f2: {  	v8 =	vld.idx.msk [tilespmem:v8+s29+$0x0 ss:$0x1], $0xffff;
	_ =	sdelay $0x4  }
0x2f3: {  	[tilespmem:s29+$0x12E00] =	vst.add.f32.msk $0xffff, v8  }
0x2f4: {  	v6 =	vld.idx.msk [tilespmem:v6+s29+$0x0 ss:$0x1], $0xffff;
	_ =	sdelay $0x4  }
0x2f5: {  	[tilespmem:s29+$0x13100] =	vst.add.f32.msk $0xffff, v6  }
0x2f6: {  	v6 =	vld.idx.msk [tilespmem:v7+s29+$0x0 ss:$0x1], $0xffff;
	_ =	sdelay $0x4  }
0x2f7: {  	[tilespmem:s29+$0x13400] =	vst.add.f32.msk $0xffff, v6  }
0x2f8: {  	v5 =	vld.idx.msk [tilespmem:v5+s29+$0x0 ss:$0x1], $0xffff;
	_ =	sdelay $0x4  }
0x2f9: {  	[tilespmem:s29+$0x13700] =	vst.add.f32.msk $0xffff, v5  }
0x2fa: {  	v3 =	vld.idx.msk [tilespmem:v3+s29+$0x0 ss:$0x1], $0xffff;
	_ =	sdelay $0x4  }
0x2fb: {  	[tilespmem:s29+$0x13A00] =	vst.add.f32.msk $0xffff, v3  }
0x2fc: {  	v3 =	vld.idx.msk [tilespmem:v4+s29+$0x0 ss:$0x1], $0xffff;
	_ =	sdelay $0x4  }
0x2fd: {  	[tilespmem:s29+$0x13D00] =	vst.add.f32.msk $0xffff, v3  }
0x2fe: {  	v2 =	vld.idx.msk [tilespmem:v2+s29+$0x0 ss:$0x1], $0xffff;
	_ =	sdelay $0x4  }
0x2ff: {  	[tilespmem:s29+$0x14000] =	vst.add.f32.msk $0xffff, v2  }
0x300: {  	v1 =	vld.idx.msk [tilespmem:v1+s29+$0x0 ss:$0x1], $0xffff  }
0x301: {  	s17 =	smul.u32 $0x60000, s17;
	_ =	sdelay $0x1  }
0x302: {  	s1 =	sadd.s32 s9, s17  }
0x303: {  	s1 =	sshrl.u32 s1, $0x3  }
0x304: {  	s15 =	simm.s32 $0x11600;
	[tilespmem:s29+$0x14300] =	vst.add.f32.msk $0xffff, v1;
	s29 =	sadd.s32 s2, s1  }
0x305: {  	[hbm4b:s29+s3] =	stream.linear.scatter [tilespmem:s15], [sflag:$0x6], $0x80, $0x38;
	[tilespmem:$0x1A600] =	vst v63  }
0x306: {  	s18 =	simm.s32 $0x11900;
	s25 =	sadd.s32 $0x10, s29  }
0x307: {  	[hbm4b:s25+s3] =	stream.linear.scatter [tilespmem:s18], [sflag:$0x6], $0x80, $0x38;
	[tilespmem:$0x1A600] =	vst v63  }
0x308: {  	s30 =	simm.s32 $0x11C00;
	s28 =	sadd.s32 $0x20, s29  }
0x309: {  	[hbm4b:s28+s3] =	stream.linear.scatter [tilespmem:s30], [sflag:$0x6], $0x80, $0x38;
	[tilespmem:$0x1A600] =	vst v63  }
0x30a: {  	s19 =	simm.s32 $0x11F00;
	s18 =	sadd.s32 $0x30, s29  }
0x30b: {  	[hbm4b:s18+s3] =	stream.linear.scatter [tilespmem:s19], [sflag:$0x6], $0x80, $0x38;
	[tilespmem:$0x1A600] =	vst v63  }
0x30c: {  	s21 =	simm.s32 $0x12200;
	s20 =	sadd.s32 $0x40, s29  }
0x30d: {  	[hbm4b:s20+s3] =	stream.linear.scatter [tilespmem:s21], [sflag:$0x6], $0x80, $0x38;
	[tilespmem:$0x1A600] =	vst v63  }
0x30e: {  	s24 =	sadd.s32 $0x50, s29;
	s25 =	simm.s32 $0x12500  }
0x30f: {  	[hbm4b:s24+s3] =	stream.linear.scatter [tilespmem:s25], [sflag:$0x6], $0x80, $0x38;
	[tilespmem:$0x1A600] =	vst v63  }
0x310: {  	s28 =	sadd.s32 $0x60, s29;
	s30 =	simm.s32 $0x12800  }
0x311: {  	[hbm4b:s28+s3] =	stream.linear.scatter [tilespmem:s30], [sflag:$0x6], $0x80, $0x38;
	[tilespmem:$0x1A600] =	vst v63  }
0x312: {  	s18 =	sadd.s32 $0x70, s29;
	s19 =	simm.s32 $0x12B00  }
0x313: {  	[hbm4b:s18+s3] =	stream.linear.scatter [tilespmem:s19], [sflag:$0x6], $0x80, $0x38;
	[tilespmem:$0x1A600] =	vst v63  }
0x314: {  	s15 =	sadd.s32 s1, s10;
	s20 =	simm.s32 $0x11680  }
0x315: {  	[hbm4b:s15+s3] =	stream.linear.scatter [tilespmem:s20], [sflag:$0x6], $0x80, $0x38;
	[tilespmem:$0x1A600] =	vst v63  }
0x316: {  	s21 =	sadd.s32 $0x10, s15;
	s19 =	simm.s32 $0x11980  }
0x317: {  	[hbm4b:s21+s3] =	stream.linear.scatter [tilespmem:s19], [sflag:$0x6], $0x80, $0x38;
	[tilespmem:$0x1A600] =	vst v63  }
0x318: {  	s24 =	sadd.s32 $0x20, s15;
	s25 =	simm.s32 $0x11C80  }
0x319: {  	[hbm4b:s24+s3] =	stream.linear.scatter [tilespmem:s25], [sflag:$0x6], $0x80, $0x38;
	[tilespmem:$0x1A600] =	vst v63  }
0x31a: {  	s28 =	sadd.s32 $0x30, s15;
	s30 =	simm.s32 $0x11F80  }
0x31b: {  	[hbm4b:s28+s3] =	stream.linear.scatter [tilespmem:s30], [sflag:$0x6], $0x80, $0x38;
	[tilespmem:$0x1A600] =	vst v63  }
0x31c: {  	s20 =	simm.s32 $0x12280;
	s19 =	sadd.s32 $0x40, s15  }
0x31d: {  	[hbm4b:s19+s3] =	stream.linear.scatter [tilespmem:s20], [sflag:$0x6], $0x80, $0x38;
	[tilespmem:$0x1A600] =	vst v63  }
0x31e: {  	s21 =	sadd.s32 $0x50, s15;
	s24 =	simm.s32 $0x12580  }
0x31f: {  	[hbm4b:s21+s3] =	stream.linear.scatter [tilespmem:s24], [sflag:$0x6], $0x80, $0x38;
	[tilespmem:$0x1A600] =	vst v63  }
0x320: {  	s25 =	sadd.s32 $0x60, s15;
	s28 =	simm.s32 $0x12880  }
0x321: {  	[hbm4b:s25+s3] =	stream.linear.scatter [tilespmem:s28], [sflag:$0x6], $0x80, $0x38;
	[tilespmem:$0x1A600] =	vst v63  }
0x322: {  	s15 =	sadd.s32 $0x70, s15;
	s30 =	simm.s32 $0x12B80  }
0x323: {  	[hbm4b:s15+s3] =	stream.linear.scatter [tilespmem:s30], [sflag:$0x6], $0x80, $0x38;
	[tilespmem:$0x1A600] =	vst v63  }
0x324: {  	s19 =	simm.s32 $0x11700;
	s15 =	sadd.s32 s1, s11  }
0x325: {  	[hbm4b:s15+s3] =	stream.linear.scatter [tilespmem:s19], [sflag:$0x6], $0x80, $0x38;
	[tilespmem:$0x1A600] =	vst v63  }
0x326: {  	s21 =	simm.s32 $0x11A00;
	s20 =	sadd.s32 $0x10, s15  }
0x327: {  	[hbm4b:s20+s3] =	stream.linear.scatter [tilespmem:s21], [sflag:$0x6], $0x80, $0x38;
	[tilespmem:$0x1A600] =	vst v63  }
0x328: {  	s25 =	simm.s32 $0x11D00;
	s24 =	sadd.s32 $0x20, s15  }
0x329: {  	[hbm4b:s24+s3] =	stream.linear.scatter [tilespmem:s25], [sflag:$0x6], $0x80, $0x38;
	[tilespmem:$0x1A600] =	vst v63  }
0x32a: {  	s30 =	simm.s32 $0x12000;
	s28 =	sadd.s32 $0x30, s15  }
0x32b: {  	[hbm4b:s28+s3] =	stream.linear.scatter [tilespmem:s30], [sflag:$0x6], $0x80, $0x38;
	[tilespmem:$0x1A600] =	vst v63  }
0x32c: {  	s20 =	sadd.s32 $0x40, s15;
	s21 =	simm.s32 $0x12300  }
0x32d: {  	[hbm4b:s20+s3] =	stream.linear.scatter [tilespmem:s21], [sflag:$0x6], $0x80, $0x38;
	[tilespmem:$0x1A600] =	vst v63  }
0x32e: {  	s24 =	sadd.s32 $0x50, s15;
	s25 =	simm.s32 $0x12600  }
0x32f: {  	[hbm4b:s24+s3] =	stream.linear.scatter [tilespmem:s25], [sflag:$0x6], $0x80, $0x38;
	[tilespmem:$0x1A600] =	vst v63  }
0x330: {  	s28 =	sadd.s32 $0x60, s15;
	s30 =	simm.s32 $0x12900  }
0x331: {  	[hbm4b:s28+s3] =	stream.linear.scatter [tilespmem:s30], [sflag:$0x6], $0x80, $0x38;
	[tilespmem:$0x1A600] =	vst v63  }
0x332: {  	s15 =	sadd.s32 $0x70, s15;
	s20 =	simm.s32 $0x12C00  }
0x333: {  	[hbm4b:s15+s3] =	stream.linear.scatter [tilespmem:s20], [sflag:$0x6], $0x80, $0x38;
	[tilespmem:$0x1A600] =	vst v63  }
0x334: {  	s1 =	sadd.s32 s1, s12;
	s21 =	simm.s32 $0x11780  }
0x335: {  	[hbm4b:s1+s3] =	stream.linear.scatter [tilespmem:s21], [sflag:$0x6], $0x80, $0x38;
	[tilespmem:$0x1A600] =	vst v63  }
0x336: {  	s24 =	sadd.s32 $0x10, s1;
	s25 =	simm.s32 $0x11A80  }
0x337: {  	[hbm4b:s24+s3] =	stream.linear.scatter [tilespmem:s25], [sflag:$0x6], $0x80, $0x38;
	[tilespmem:$0x1A600] =	vst v63  }
0x338: {  	s28 =	sadd.s32 $0x20, s1;
	s30 =	simm.s32 $0x11D80  }
0x339: {  	[hbm4b:s28+s3] =	stream.linear.scatter [tilespmem:s30], [sflag:$0x6], $0x80, $0x38;
	[tilespmem:$0x1A600] =	vst v63  }
0x33a: {  	s18 =	sadd.s32 $0x30, s1;
	s19 =	simm.s32 $0x12080  }
0x33b: {  	[hbm4b:s18+s3] =	stream.linear.scatter [tilespmem:s19], [sflag:$0x6], $0x80, $0x38;
	[tilespmem:$0x1A600] =	vst v63  }
0x33c: {  	s20 =	sadd.s32 $0x40, s1;
	s21 =	simm.s32 $0x12380  }
0x33d: {  	[hbm4b:s20+s3] =	stream.linear.scatter [tilespmem:s21], [sflag:$0x6], $0x80, $0x38;
	[tilespmem:$0x1A600] =	vst v63  }
0x33e: {  	s24 =	sadd.s32 $0x50, s1;
	s25 =	simm.s32 $0x12680  }
0x33f: {  	[hbm4b:s24+s3] =	stream.linear.scatter [tilespmem:s25], [sflag:$0x6], $0x80, $0x38;
	[tilespmem:$0x1A600] =	vst v63  }
0x340: {  	s28 =	sadd.s32 $0x60, s1;
	s30 =	simm.s32 $0x12980  }
0x341: {  	[hbm4b:s28+s3] =	stream.linear.scatter [tilespmem:s30], [sflag:$0x6], $0x80, $0x38;
	[tilespmem:$0x1A600] =	vst v63  }
0x342: {  	s1 =	sadd.s32 $0x70, s1;
	s19 =	simm.s32 $0x12C80  }
0x343: {  	[hbm4b:s1+s3] =	stream.linear.scatter [tilespmem:s19], [sflag:$0x6], $0x80, $0x38;
	[tilespmem:$0x1A600] =	vst v63  }
0x344: {  	s20 =	sadd.s32 $0x200, s29;
	s21 =	simm.s32 $0x11800  }
0x345: {  	[hbm4b:s20+s3] =	stream.linear.scatter [tilespmem:s21], [sflag:$0x6], $0x80, $0x38;
	[tilespmem:$0x1A600] =	vst v63  }
0x346: {  	s24 =	sadd.s32 $0x210, s29;
	s25 =	simm.s32 $0x11B00  }
0x347: {  	[hbm4b:s24+s3] =	stream.linear.scatter [tilespmem:s25], [sflag:$0x6], $0x80, $0x38;
	[tilespmem:$0x1A600] =	vst v63  }
0x348: {  	s28 =	sadd.s32 $0x220, s29;
	s30 =	simm.s32 $0x11E00  }
0x349: {  	[hbm4b:s28+s3] =	stream.linear.scatter [tilespmem:s30], [sflag:$0x6], $0x80, $0x38;
	[tilespmem:$0x1A600] =	vst v63  }
0x34a: {  	s18 =	sadd.s32 $0x230, s29;
	s19 =	simm.s32 $0x12100  }
0x34b: {  	[hbm4b:s18+s3] =	stream.linear.scatter [tilespmem:s19], [sflag:$0x6], $0x80, $0x38;
	[tilespmem:$0x1A600] =	vst v63  }
0x34c: {  	s20 =	sadd.s32 $0x240, s29;
	s21 =	simm.s32 $0x12400  }
0x34d: {  	[hbm4b:s20+s3] =	stream.linear.scatter [tilespmem:s21], [sflag:$0x6], $0x80, $0x38;
	[tilespmem:$0x1A600] =	vst v63  }
0x34e: {  	s24 =	sadd.s32 $0x250, s29;
	s25 =	simm.s32 $0x12700  }
0x34f: {  	[hbm4b:s24+s3] =	stream.linear.scatter [tilespmem:s25], [sflag:$0x6], $0x80, $0x38;
	[tilespmem:$0x1A600] =	vst v63  }
0x350: {  	s28 =	sadd.s32 $0x260, s29;
	s30 =	simm.s32 $0x12A00  }
0x351: {  	[hbm4b:s28+s3] =	stream.linear.scatter [tilespmem:s30], [sflag:$0x6], $0x80, $0x38;
	[tilespmem:$0x1A600] =	vst v63  }
0x352: {  	s18 =	sadd.s32 $0x270, s29;
	s19 =	simm.s32 $0x12D00  }
0x353: {  	[hbm4b:s18+s3] =	stream.linear.scatter [tilespmem:s19], [sflag:$0x6], $0x80, $0x38;
	[tilespmem:$0x1A600] =	vst v63  }
0x354: {  	s20 =	sadd.s32 $0x280, s29;
	s21 =	simm.s32 $0x11880  }
0x355: {  	[hbm4b:s20+s3] =	stream.linear.scatter [tilespmem:s21], [sflag:$0x6], $0x80, $0x38;
	[tilespmem:$0x1A600] =	vst v63  }
0x356: {  	s24 =	sadd.s32 $0x290, s29;
	s25 =	simm.s32 $0x11B80  }
0x357: {  	[hbm4b:s24+s3] =	stream.linear.scatter [tilespmem:s25], [sflag:$0x6], $0x80, $0x38;
	[tilespmem:$0x1A600] =	vst v63  }
0x358: {  	s28 =	sadd.s32 $0x2A0, s29;
	s30 =	simm.s32 $0x11E80  }
0x359: {  	[hbm4b:s28+s3] =	stream.linear.scatter [tilespmem:s30], [sflag:$0x6], $0x80, $0x38;
	[tilespmem:$0x1A600] =	vst v63  }
0x35a: {  	s18 =	sadd.s32 $0x2B0, s29;
	s19 =	simm.s32 $0x12180  }
0x35b: {  	[hbm4b:s18+s3] =	stream.linear.scatter [tilespmem:s19], [sflag:$0x6], $0x80, $0x38;
	[tilespmem:$0x1A600] =	vst v63  }
0x35c: {  	s20 =	sadd.s32 $0x2C0, s29;
	s21 =	simm.s32 $0x12480  }
0x35d: {  	[hbm4b:s20+s3] =	stream.linear.scatter [tilespmem:s21], [sflag:$0x6], $0x80, $0x38;
	[tilespmem:$0x1A600] =	vst v63  }
0x35e: {  	s24 =	sadd.s32 $0x2D0, s29;
	s25 =	simm.s32 $0x12780  }
0x35f: {  	[hbm4b:s24+s3] =	stream.linear.scatter [tilespmem:s25], [sflag:$0x6], $0x80, $0x38;
	[tilespmem:$0x1A600] =	vst v63  }
0x360: {  	s28 =	sadd.s32 $0x2E0, s29;
	s30 =	simm.s32 $0x12A80;
	s19 =	sadd.s32 s13, s17  }
0x361: {  	[hbm4b:s28+s3] =	stream.linear.scatter [tilespmem:s30], [sflag:$0x6], $0x80, $0x38;
	[tilespmem:$0x1A600] =	vst v63  }
0x362: {  	s15 =	sadd.s32 $0x2F0, s29;
	s18 =	simm.s32 $0x12D80;
	s1 =	sshrl.u32 s19, $0x3  }
0x363: {  	[hbm4b:s15+s3] =	stream.linear.scatter [tilespmem:s18], [sflag:$0x6], $0x80, $0x38;
	[tilespmem:$0x1A600] =	vst v63  }
0x364: {  	s17 =	sadd.s32 s2, s1;
	s20 =	simm.s32 $0x12E00  }
0x365: {  	[hbm4b:s17+s3] =	stream.linear.scatter [tilespmem:s20], [sflag:$0x6], $0x80, $0x38;
	[tilespmem:$0x1A600] =	vst v63  }
0x366: {  	s21 =	sadd.s32 $0x10, s17;
	s24 =	simm.s32 $0x13100  }
0x367: {  	[hbm4b:s21+s3] =	stream.linear.scatter [tilespmem:s24], [sflag:$0x6], $0x80, $0x38;
	[tilespmem:$0x1A600] =	vst v63  }
0x368: {  	s25 =	sadd.s32 $0x20, s17;
	s28 =	simm.s32 $0x13400  }
0x369: {  	[hbm4b:s25+s3] =	stream.linear.scatter [tilespmem:s28], [sflag:$0x6], $0x80, $0x38;
	[tilespmem:$0x1A600] =	vst v63  }
0x36a: {  	s29 =	sadd.s32 $0x30, s17;
	s30 =	simm.s32 $0x13700  }
0x36b: {  	[hbm4b:s29+s3] =	stream.linear.scatter [tilespmem:s30], [sflag:$0x6], $0x80, $0x38;
	[tilespmem:$0x1A600] =	vst v63  }
0x36c: {  	s19 =	sadd.s32 $0x40, s17;
	s20 =	simm.s32 $0x13A00  }
0x36d: {  	[hbm4b:s19+s3] =	stream.linear.scatter [tilespmem:s20], [sflag:$0x6], $0x80, $0x38;
	[tilespmem:$0x1A600] =	vst v63  }
0x36e: {  	s21 =	sadd.s32 $0x50, s17;
	s24 =	simm.s32 $0x13D00  }
0x36f: {  	[hbm4b:s21+s3] =	stream.linear.scatter [tilespmem:s24], [sflag:$0x6], $0x80, $0x38;
	[tilespmem:$0x1A600] =	vst v63  }
0x370: {  	s25 =	sadd.s32 $0x60, s17;
	s28 =	simm.s32 $0x14000  }
0x371: {  	[hbm4b:s25+s3] =	stream.linear.scatter [tilespmem:s28], [sflag:$0x6], $0x80, $0x38;
	[tilespmem:$0x1A600] =	vst v63  }
0x372: {  	s29 =	sadd.s32 $0x70, s17;
	s30 =	simm.s32 $0x14300  }
0x373: {  	[hbm4b:s29+s3] =	stream.linear.scatter [tilespmem:s30], [sflag:$0x6], $0x80, $0x38;
	[tilespmem:$0x1A600] =	vst v63  }
0x374: {  	s1 =	sadd.s32 s1, s10;
	s18 =	simm.s32 $0x12E80  }
0x375: {  	[hbm4b:s1+s3] =	stream.linear.scatter [tilespmem:s18], [sflag:$0x6], $0x80, $0x38;
	[tilespmem:$0x1A600] =	vst v63  }
0x376: {  	s19 =	sadd.s32 $0x10, s1;
	s20 =	simm.s32 $0x13180  }
0x377: {  	[hbm4b:s19+s3] =	stream.linear.scatter [tilespmem:s20], [sflag:$0x6], $0x80, $0x38;
	[tilespmem:$0x1A600] =	vst v63  }
0x378: {  	s21 =	sadd.s32 $0x20, s1;
	s24 =	simm.s32 $0x13480  }
0x379: {  	[hbm4b:s21+s3] =	stream.linear.scatter [tilespmem:s24], [sflag:$0x6], $0x80, $0x38;
	[tilespmem:$0x1A600] =	vst v63  }
0x37a: {  	s25 =	sadd.s32 $0x30, s1;
	s28 =	simm.s32 $0x13780  }
0x37b: {  	[hbm4b:s25+s3] =	stream.linear.scatter [tilespmem:s28], [sflag:$0x6], $0x80, $0x38;
	[tilespmem:$0x1A600] =	vst v63  }
0x37c: {  	s29 =	sadd.s32 $0x40, s1;
	s30 =	simm.s32 $0x13A80  }
0x37d: {  	[hbm4b:s29+s3] =	stream.linear.scatter [tilespmem:s30], [sflag:$0x6], $0x80, $0x38;
	[tilespmem:$0x1A600] =	vst v63  }
0x37e: {  	s18 =	sadd.s32 $0x50, s1;
	s19 =	simm.s32 $0x13D80  }
0x37f: {  	[hbm4b:s18+s3] =	stream.linear.scatter [tilespmem:s19], [sflag:$0x6], $0x80, $0x38;
	[tilespmem:$0x1A600] =	vst v63  }
0x380: {  	s20 =	sadd.s32 $0x60, s1;
	s21 =	simm.s32 $0x14080  }
0x381: {  	[hbm4b:s20+s3] =	stream.linear.scatter [tilespmem:s21], [sflag:$0x6], $0x80, $0x38;
	[tilespmem:$0x1A600] =	vst v63  }
0x382: {  	s1 =	sadd.s32 $0x70, s1;
	s24 =	simm.s32 $0x14380  }
0x383: {  	[hbm4b:s1+s3] =	stream.linear.scatter [tilespmem:s24], [sflag:$0x6], $0x80, $0x38;
	[tilespmem:$0x1A600] =	vst v63  }
0x384: {  	s25 =	sadd.s32 $0x100, s17;
	s28 =	simm.s32 $0x12F00  }
0x385: {  	[hbm4b:s25+s3] =	stream.linear.scatter [tilespmem:s28], [sflag:$0x6], $0x80, $0x38;
	[tilespmem:$0x1A600] =	vst v63  }
0x386: {  	s29 =	sadd.s32 $0x110, s17;
	s30 =	simm.s32 $0x13200  }
0x387: {  	[hbm4b:s29+s3] =	stream.linear.scatter [tilespmem:s30], [sflag:$0x6], $0x80, $0x38;
	[tilespmem:$0x1A600] =	vst v63  }
0x388: {  	s15 =	sadd.s32 $0x120, s17;
	s18 =	simm.s32 $0x13500  }
0x389: {  	[hbm4b:s15+s3] =	stream.linear.scatter [tilespmem:s18], [sflag:$0x6], $0x80, $0x38;
	[tilespmem:$0x1A600] =	vst v63  }
0x38a: {  	s19 =	sadd.s32 $0x130, s17;
	s20 =	simm.s32 $0x13800  }
0x38b: {  	[hbm4b:s19+s3] =	stream.linear.scatter [tilespmem:s20], [sflag:$0x6], $0x80, $0x38;
	[tilespmem:$0x1A600] =	vst v63  }
0x38c: {  	s21 =	sadd.s32 $0x140, s17;
	s24 =	simm.s32 $0x13B00  }
0x38d: {  	[hbm4b:s21+s3] =	stream.linear.scatter [tilespmem:s24], [sflag:$0x6], $0x80, $0x38;
	[tilespmem:$0x1A600] =	vst v63  }
0x38e: {  	s25 =	sadd.s32 $0x150, s17;
	s28 =	simm.s32 $0x13E00  }
0x38f: {  	[hbm4b:s25+s3] =	stream.linear.scatter [tilespmem:s28], [sflag:$0x6], $0x80, $0x38;
	[tilespmem:$0x1A600] =	vst v63  }
0x390: {  	s29 =	sadd.s32 $0x160, s17;
	s30 =	simm.s32 $0x14100  }
0x391: {  	[hbm4b:s29+s3] =	stream.linear.scatter [tilespmem:s30], [sflag:$0x6], $0x80, $0x38;
	[tilespmem:$0x1A600] =	vst v63  }
0x392: {  	s15 =	sadd.s32 $0x170, s17;
	s18 =	simm.s32 $0x14400  }
0x393: {  	[hbm4b:s15+s3] =	stream.linear.scatter [tilespmem:s18], [sflag:$0x6], $0x80, $0x38;
	[tilespmem:$0x1A600] =	vst v63  }
0x394: {  	s19 =	sadd.s32 $0x180, s17;
	s20 =	simm.s32 $0x12F80  }
0x395: {  	[hbm4b:s19+s3] =	stream.linear.scatter [tilespmem:s20], [sflag:$0x6], $0x80, $0x38;
	[tilespmem:$0x1A600] =	vst v63  }
0x396: {  	s21 =	sadd.s32 $0x190, s17;
	s24 =	simm.s32 $0x13280  }
0x397: {  	[hbm4b:s21+s3] =	stream.linear.scatter [tilespmem:s24], [sflag:$0x6], $0x80, $0x38;
	[tilespmem:$0x1A600] =	vst v63  }
0x398: {  	s25 =	sadd.s32 $0x1A0, s17;
	s28 =	simm.s32 $0x13580  }
0x399: {  	[hbm4b:s25+s3] =	stream.linear.scatter [tilespmem:s28], [sflag:$0x6], $0x80, $0x38;
	[tilespmem:$0x1A600] =	vst v63  }
0x39a: {  	s29 =	sadd.s32 $0x1B0, s17;
	s30 =	simm.s32 $0x13880  }
0x39b: {  	[hbm4b:s29+s3] =	stream.linear.scatter [tilespmem:s30], [sflag:$0x6], $0x80, $0x38;
	[tilespmem:$0x1A600] =	vst v63  }
0x39c: {  	s15 =	sadd.s32 $0x1C0, s17;
	s18 =	simm.s32 $0x13B80  }
0x39d: {  	[hbm4b:s15+s3] =	stream.linear.scatter [tilespmem:s18], [sflag:$0x6], $0x80, $0x38;
	[tilespmem:$0x1A600] =	vst v63  }
0x39e: {  	s19 =	sadd.s32 $0x1D0, s17;
	s20 =	simm.s32 $0x13E80  }
0x39f: {  	[hbm4b:s19+s3] =	stream.linear.scatter [tilespmem:s20], [sflag:$0x6], $0x80, $0x38;
	[tilespmem:$0x1A600] =	vst v63  }
0x3a0: {  	s21 =	sadd.s32 $0x1E0, s17;
	s24 =	simm.s32 $0x14180  }
0x3a1: {  	[hbm4b:s21+s3] =	stream.linear.scatter [tilespmem:s24], [sflag:$0x6], $0x80, $0x38;
	[tilespmem:$0x1A600] =	vst v63  }
0x3a2: {  	s25 =	sadd.s32 $0x1F0, s17;
	s28 =	simm.s32 $0x14480  }
0x3a3: {  	[hbm4b:s25+s3] =	stream.linear.scatter [tilespmem:s28], [sflag:$0x6], $0x80, $0x38;
	[tilespmem:$0x1A600] =	vst v63  }
0x3a4: {  	s29 =	sadd.s32 $0x200, s17;
	s30 =	simm.s32 $0x13000  }
0x3a5: {  	[hbm4b:s29+s3] =	stream.linear.scatter [tilespmem:s30], [sflag:$0x6], $0x80, $0x38;
	[tilespmem:$0x1A600] =	vst v63  }
0x3a6: {  	s15 =	sadd.s32 $0x210, s17;
	s18 =	simm.s32 $0x13300  }
0x3a7: {  	[hbm4b:s15+s3] =	stream.linear.scatter [tilespmem:s18], [sflag:$0x6], $0x80, $0x38;
	[tilespmem:$0x1A600] =	vst v63  }
0x3a8: {  	s19 =	sadd.s32 $0x220, s17;
	s20 =	simm.s32 $0x13600  }
0x3a9: {  	[hbm4b:s19+s3] =	stream.linear.scatter [tilespmem:s20], [sflag:$0x6], $0x80, $0x38;
	[tilespmem:$0x1A600] =	vst v63  }
0x3aa: {  	s21 =	sadd.s32 $0x230, s17;
	s24 =	simm.s32 $0x13900  }
0x3ab: {  	[hbm4b:s21+s3] =	stream.linear.scatter [tilespmem:s24], [sflag:$0x6], $0x80, $0x38;
	[tilespmem:$0x1A600] =	vst v63  }
0x3ac: {  	s25 =	sadd.s32 $0x240, s17;
	s28 =	simm.s32 $0x13C00  }
0x3ad: {  	[hbm4b:s25+s3] =	stream.linear.scatter [tilespmem:s28], [sflag:$0x6], $0x80, $0x38;
	[tilespmem:$0x1A600] =	vst v63  }
0x3ae: {  	s29 =	sadd.s32 $0x250, s17;
	s30 =	simm.s32 $0x13F00  }
0x3af: {  	[hbm4b:s29+s3] =	stream.linear.scatter [tilespmem:s30], [sflag:$0x6], $0x80, $0x38;
	[tilespmem:$0x1A600] =	vst v63  }
0x3b0: {  	s15 =	sadd.s32 $0x260, s17;
	s18 =	simm.s32 $0x14200  }
0x3b1: {  	[hbm4b:s15+s3] =	stream.linear.scatter [tilespmem:s18], [sflag:$0x6], $0x80, $0x38;
	[tilespmem:$0x1A600] =	vst v63  }
0x3b2: {  	s19 =	sadd.s32 $0x270, s17;
	s20 =	simm.s32 $0x14500  }
0x3b3: {  	[hbm4b:s19+s3] =	stream.linear.scatter [tilespmem:s20], [sflag:$0x6], $0x80, $0x38;
	[tilespmem:$0x1A600] =	vst v63  }
0x3b4: {  	s21 =	sadd.s32 $0x280, s17;
	s24 =	simm.s32 $0x13080  }
0x3b5: {  	[hbm4b:s21+s3] =	stream.linear.scatter [tilespmem:s24], [sflag:$0x6], $0x80, $0x38;
	[tilespmem:$0x1A600] =	vst v63  }
0x3b6: {  	s25 =	sadd.s32 $0x290, s17;
	s28 =	simm.s32 $0x13380  }
0x3b7: {  	[hbm4b:s25+s3] =	stream.linear.scatter [tilespmem:s28], [sflag:$0x6], $0x80, $0x38;
	[tilespmem:$0x1A600] =	vst v63  }
0x3b8: {  	s29 =	sadd.s32 $0x2A0, s17;
	s30 =	simm.s32 $0x13680  }
0x3b9: {  	[hbm4b:s29+s3] =	stream.linear.scatter [tilespmem:s30], [sflag:$0x6], $0x80, $0x38;
	[tilespmem:$0x1A600] =	vst v63  }
0x3ba: {  	s15 =	sadd.s32 $0x2B0, s17;
	s18 =	simm.s32 $0x13980  }
0x3bb: {  	[hbm4b:s15+s3] =	stream.linear.scatter [tilespmem:s18], [sflag:$0x6], $0x80, $0x38;
	[tilespmem:$0x1A600] =	vst v63  }
0x3bc: {  	s19 =	sadd.s32 $0x2C0, s17;
	s20 =	simm.s32 $0x13C80  }
0x3bd: {  	[hbm4b:s19+s3] =	stream.linear.scatter [tilespmem:s20], [sflag:$0x6], $0x80, $0x38;
	[tilespmem:$0x1A600] =	vst v63  }
0x3be: {  	s21 =	sadd.s32 $0x2D0, s17;
	s24 =	simm.s32 $0x13F80  }
0x3bf: {  	[hbm4b:s21+s3] =	stream.linear.scatter [tilespmem:s24], [sflag:$0x6], $0x80, $0x38;
	[tilespmem:$0x1A600] =	vst v63  }
0x3c0: {  	p0 =	seq.s32 s6, $0xFF;
	s25 =	sadd.s32 $0x2E0, s17;
	s28 =	simm.s32 $0x14280  }
0x3c1: {  	[hbm4b:s25+s3] =	stream.linear.scatter [tilespmem:s28], [sflag:$0x6], $0x80, $0x38;
	[tilespmem:$0x1A600] =	vst v63  }
0x3c2: {  	s1 =	simm.s32 @!p0 $0x5;
	s29 =	sadd.s32 $0x2F0, s17;
	s30 =	simm.s32 $0x14580  }
0x3c3: {  	[hbm4b:s29+s3] =	stream.linear.scatter [tilespmem:s30], [sflag:$0x6], $0x80, $0x38;
	[tilespmem:$0x1A600] =	vst v63  }
0x3c4: {  	_ =	swait.ge @!p0 [sflag:s1], $0x3000  }
0x3c5: {  	[sflag:s1] =	ssyncset.done @!p0 $0x0  }
0x3c6: {  	s8 =	sshrl.u32 @!p0 s8, $0x2;
	[sflag:s1] =	ssyncadd.s32 @!p0 $0xFFFFD000  }
0x3c7: {  	v1 =	vld @!p0 [tilespmem:s8+$0x40];
	_ =	sdelay $0x6  }
0x3c8: {  	vm1 =	vmmov @!p0 $0xffff;
	s15 =	simm.s32 @!p0 $0xE600;
	s1 =	simm.s32 @!p0 $0x0  }
0x3c9: {  	[tilespmem:s15], [sflag:$0x1] =	stream.indirect_vreg.gather @!p0 [hbm4b:s4+s1], $0x300, v1, vm1, $0xb8;
	[tilespmem:$0x1A600] =	vst v63  }
0x3ca: {  	_ =	swait.ge [sflag:s0], $0x3000  }
0x3cb: {  	[sflag:s0] =	ssyncset.done $0x0  }
0x3cc: {  	[sflag:s0] =	ssyncadd.s32 $0xFFFFD000  }
0x3cd: {  	v1 =	vld [tilespmem:s23+$0x4000];
	_ =	sdelay $0x4  }
0x3ce: {  	v1 =	vshll.u32 v1, $0x4  }
0x3cf: {  	v1 =	vor.u32 v0, v1  }
0x3d0: {  	v1 =	vmul.u32 $0xC00, v1;
	_ =	sdelay $0x1  }
0x3d1: {  	v1 =	vshra.s32 v1, $0x2  }
0x3d2: {  	v1 =	vadd.s32 $0x8000, v1  }
0x3d3: {  	(v2sf) =	vpush v1, $0x0  }
0x3d4: {  	(v2sf) =	vpush v1, $0x1  }
0x3d5: {  	(v2sf) =	vpush v1, $0x2  }
0x3d6: {  	(v2sf) =	vpush v1, $0x3  }
0x3d7: {  	(v2sf) =	vpush v1, $0x4  }
0x3d8: {  	(v2sf) =	vpush v1, $0x5  }
0x3d9: {  	(v2sf) =	vpush v1, $0x6  }
0x3da: {  	(v2sf) =	vpush v1, $0x7  }
0x3db: {  	(v2sf) =	vpush v1, $0x8  }
0x3dc: {  	(v2sf) =	vpush v1, $0x9  }
0x3dd: {  	(v2sf) =	vpush v1, $0xA  }
0x3de: {  	(v2sf) =	vpush v1, $0xB  }
0x3df: {  	(v2sf) =	vpush v1, $0xC  }
0x3e0: {  	(v2sf) =	vpush v1, $0xD  }
0x3e1: {  	(v2sf) =	vpush v1, $0xE  }
0x3e2: {  	s15 =	spop (v2sf);
	(v2sf) =	vpush v1, $0xF  }
0x3e3: {  	s17 =	spop (v2sf)  }
0x3e4: {  	s18 =	spop (v2sf)  }
0x3e5: {  	s19 =	spop (v2sf)  }
0x3e6: {  	s23 =	spop (v2sf)  }
0x3e7: {  	s20 =	spop (v2sf)  }
0x3e8: {  	s21 =	spop (v2sf)  }
0x3e9: {  	s29 =	spop (v2sf)  }
0x3ea: {  	s24 =	spop (v2sf)  }
0x3eb: {  	s25 =	spop (v2sf)  }
0x3ec: {  	s28 =	spop (v2sf)  }
0x3ed: {  	v15 =	vmov s15;
	s30 =	spop (v2sf)  }
0x3ee: {  	v16 =	vmov s17;
	v14 =	vmov s18;
	v12 =	vmov s19;
	s18 =	spop (v2sf)  }
0x3ef: {  	v13 =	vmov s23;
	v11 =	vmov s20;
	v9 =	vmov s21;
	s21 =	spop (v2sf)  }
0x3f0: {  	v10 =	vmov s29;
	v8 =	vmov s24;
	v6 =	vmov s25;
	s29 =	spop (v2sf)  }
0x3f1: {  	v7 =	vmov s28;
	v5 =	vmov s30;
	v3 =	vmov s18;
	s30 =	spop (v2sf)  }
0x3f2: {  	s17 =	simm.s32 $0x0;
	s23 =	simm.s32 $0x40;
	v4 =	vmov s21;
	v2 =	vmov s29;
	v1 =	vmov s30  }
.LBB2_9:
0x3f3: {  	p1 =	sne.s32 s23, $0xBC0;
	v17 =	vld.idx.msk [tilespmem:v15+s17+$0x0 ss:$0x1], $0xffff;
	_ =	sdelay $0x5  }
0x3f4: {  	[tilespmem:s17+$0x14600] =	vst.add.f32.msk $0xffff, v17  }
0x3f5: {  	v17 =	vld.idx.msk [tilespmem:v16+s17+$0x0 ss:$0x1], $0xffff;
	_ =	sdelay $0x5  }
0x3f6: {  	[tilespmem:s17+$0x14900] =	vst.add.f32.msk $0xffff, v17  }
0x3f7: {  	v17 =	vld.idx.msk [tilespmem:v14+s17+$0x0 ss:$0x1], $0xffff;
	_ =	sdelay $0x5  }
0x3f8: {  	[tilespmem:s17+$0x14C00] =	vst.add.f32.msk $0xffff, v17  }
0x3f9: {  	v17 =	vld.idx.msk [tilespmem:v12+s17+$0x0 ss:$0x1], $0xffff;
	_ =	sdelay $0x5  }
0x3fa: {  	[tilespmem:s17+$0x14F00] =	vst.add.f32.msk $0xffff, v17  }
0x3fb: {  	v17 =	vld.idx.msk [tilespmem:v13+s17+$0x0 ss:$0x1], $0xffff;
	_ =	sdelay $0x5  }
0x3fc: {  	[tilespmem:s17+$0x15200] =	vst.add.f32.msk $0xffff, v17  }
0x3fd: {  	v17 =	vld.idx.msk [tilespmem:v11+s17+$0x0 ss:$0x1], $0xffff;
	_ =	sdelay $0x5  }
0x3fe: {  	[tilespmem:s17+$0x15500] =	vst.add.f32.msk $0xffff, v17  }
0x3ff: {  	v17 =	vld.idx.msk [tilespmem:v9+s17+$0x0 ss:$0x1], $0xffff;
	_ =	sdelay $0x5  }
0x400: {  	[tilespmem:s17+$0x15800] =	vst.add.f32.msk $0xffff, v17  }
0x401: {  	v17 =	vld.idx.msk [tilespmem:v10+s17+$0x0 ss:$0x1], $0xffff;
	_ =	sdelay $0x5  }
0x402: {  	[tilespmem:s17+$0x15B00] =	vst.add.f32.msk $0xffff, v17  }
0x403: {  	v17 =	vld.idx.msk [tilespmem:v8+s17+$0x0 ss:$0x1], $0xffff;
	_ =	sdelay $0x5  }
0x404: {  	[tilespmem:s17+$0x15E00] =	vst.add.f32.msk $0xffff, v17  }
0x405: {  	v17 =	vld.idx.msk [tilespmem:v6+s17+$0x0 ss:$0x1], $0xffff;
	_ =	sdelay $0x5  }
0x406: {  	[tilespmem:s17+$0x16100] =	vst.add.f32.msk $0xffff, v17  }
0x407: {  	v17 =	vld.idx.msk [tilespmem:v7+s17+$0x0 ss:$0x1], $0xffff;
	_ =	sdelay $0x5  }
0x408: {  	[tilespmem:s17+$0x16400] =	vst.add.f32.msk $0xffff, v17  }
0x409: {  	v17 =	vld.idx.msk [tilespmem:v5+s17+$0x0 ss:$0x1], $0xffff;
	_ =	sdelay $0x5  }
0x40a: {  	[tilespmem:s17+$0x16700] =	vst.add.f32.msk $0xffff, v17  }
0x40b: {  	v17 =	vld.idx.msk [tilespmem:v3+s17+$0x0 ss:$0x1], $0xffff;
	_ =	sdelay $0x5  }
0x40c: {  	[tilespmem:s17+$0x16A00] =	vst.add.f32.msk $0xffff, v17  }
0x40d: {  	v17 =	vld.idx.msk [tilespmem:v4+s17+$0x0 ss:$0x1], $0xffff;
	_ =	sdelay $0x5  }
0x40e: {  	[tilespmem:s17+$0x16D00] =	vst.add.f32.msk $0xffff, v17  }
0x40f: {  	v17 =	vld.idx.msk [tilespmem:v2+s17+$0x0 ss:$0x1], $0xffff;
	_ =	sdelay $0x5  }
0x410: {  	[tilespmem:s17+$0x17000] =	vst.add.f32.msk $0xffff, v17  }
0x411: {  	v17 =	vld.idx.msk [tilespmem:v1+s17+$0x0 ss:$0x1], $0xffff;
	_ =	sdelay $0x1  }
.Ltmp3:
0x412: {  	(pc) =	sbr.rel @p1 .LBB2_9-.Ltmp3, $2  }
0x413: {  	_ =	sdelay $0x2  }
0x414: {  	[tilespmem:s17+$0x17300] =	vst.add.f32.msk $0xffff, v17;
	s17 =	sshra.s32 s23, $0x2;
	s23 =	sadd.s32 $0x40, s23  }
0x415: {  	_ =	sdelay $0x3  }
0x416: {  	v15 =	vld.idx.msk [tilespmem:v15+s17+$0x0 ss:$0x1], $0xffff;
	_ =	sdelay $0x4  }
0x417: {  	[tilespmem:s17+$0x14600] =	vst.add.f32.msk $0xffff, v15  }
0x418: {  	v15 =	vld.idx.msk [tilespmem:v16+s17+$0x0 ss:$0x1], $0xffff;
	_ =	sdelay $0x4  }
0x419: {  	[tilespmem:s17+$0x14900] =	vst.add.f32.msk $0xffff, v15  }
0x41a: {  	v14 =	vld.idx.msk [tilespmem:v14+s17+$0x0 ss:$0x1], $0xffff;
	_ =	sdelay $0x4  }
0x41b: {  	[tilespmem:s17+$0x14C00] =	vst.add.f32.msk $0xffff, v14  }
0x41c: {  	v12 =	vld.idx.msk [tilespmem:v12+s17+$0x0 ss:$0x1], $0xffff;
	_ =	sdelay $0x4  }
0x41d: {  	[tilespmem:s17+$0x14F00] =	vst.add.f32.msk $0xffff, v12  }
0x41e: {  	v12 =	vld.idx.msk [tilespmem:v13+s17+$0x0 ss:$0x1], $0xffff;
	_ =	sdelay $0x4  }
0x41f: {  	[tilespmem:s17+$0x15200] =	vst.add.f32.msk $0xffff, v12  }
0x420: {  	v11 =	vld.idx.msk [tilespmem:v11+s17+$0x0 ss:$0x1], $0xffff;
	_ =	sdelay $0x4  }
0x421: {  	[tilespmem:s17+$0x15500] =	vst.add.f32.msk $0xffff, v11  }
0x422: {  	v9 =	vld.idx.msk [tilespmem:v9+s17+$0x0 ss:$0x1], $0xffff;
	_ =	sdelay $0x4  }
0x423: {  	[tilespmem:s17+$0x15800] =	vst.add.f32.msk $0xffff, v9  }
0x424: {  	v9 =	vld.idx.msk [tilespmem:v10+s17+$0x0 ss:$0x1], $0xffff;
	_ =	sdelay $0x4  }
0x425: {  	[tilespmem:s17+$0x15B00] =	vst.add.f32.msk $0xffff, v9  }
0x426: {  	v8 =	vld.idx.msk [tilespmem:v8+s17+$0x0 ss:$0x1], $0xffff;
	_ =	sdelay $0x4  }
0x427: {  	[tilespmem:s17+$0x15E00] =	vst.add.f32.msk $0xffff, v8  }
0x428: {  	v6 =	vld.idx.msk [tilespmem:v6+s17+$0x0 ss:$0x1], $0xffff;
	_ =	sdelay $0x4  }
0x429: {  	[tilespmem:s17+$0x16100] =	vst.add.f32.msk $0xffff, v6  }
0x42a: {  	v6 =	vld.idx.msk [tilespmem:v7+s17+$0x0 ss:$0x1], $0xffff;
	_ =	sdelay $0x4  }
0x42b: {  	[tilespmem:s17+$0x16400] =	vst.add.f32.msk $0xffff, v6  }
0x42c: {  	v5 =	vld.idx.msk [tilespmem:v5+s17+$0x0 ss:$0x1], $0xffff;
	_ =	sdelay $0x4  }
0x42d: {  	[tilespmem:s17+$0x16700] =	vst.add.f32.msk $0xffff, v5  }
0x42e: {  	v3 =	vld.idx.msk [tilespmem:v3+s17+$0x0 ss:$0x1], $0xffff;
	_ =	sdelay $0x4  }
0x42f: {  	[tilespmem:s17+$0x16A00] =	vst.add.f32.msk $0xffff, v3  }
0x430: {  	v3 =	vld.idx.msk [tilespmem:v4+s17+$0x0 ss:$0x1], $0xffff;
	_ =	sdelay $0x4  }
0x431: {  	[tilespmem:s17+$0x16D00] =	vst.add.f32.msk $0xffff, v3  }
0x432: {  	v2 =	vld.idx.msk [tilespmem:v2+s17+$0x0 ss:$0x1], $0xffff;
	_ =	sdelay $0x4  }
0x433: {  	[tilespmem:s17+$0x17000] =	vst.add.f32.msk $0xffff, v2  }
0x434: {  	v1 =	vld.idx.msk [tilespmem:v1+s17+$0x0 ss:$0x1], $0xffff  }
0x435: {  	s22 =	smul.u32 $0x60000, s22;
	_ =	sdelay $0x1  }
0x436: {  	s1 =	sadd.s32 s9, s22  }
0x437: {  	s1 =	sshrl.u32 s1, $0x3  }
0x438: {  	s24 =	simm.s32 $0x14600;
	[tilespmem:s17+$0x17300] =	vst.add.f32.msk $0xffff, v1;
	s17 =	sadd.s32 s2, s1  }
0x439: {  	[hbm4b:s17+s3] =	stream.linear.scatter [tilespmem:s24], [sflag:$0x7], $0x80, $0x38;
	[tilespmem:$0x1A600] =	vst v63  }
0x43a: {  	s18 =	simm.s32 $0x14900;
	s15 =	sadd.s32 $0x10, s17  }
0x43b: {  	[hbm4b:s15+s3] =	stream.linear.scatter [tilespmem:s18], [sflag:$0x7], $0x80, $0x38;
	[tilespmem:$0x1A600] =	vst v63  }
0x43c: {  	s30 =	simm.s32 $0x14C00;
	s29 =	sadd.s32 $0x20, s17  }
0x43d: {  	[hbm4b:s29+s3] =	stream.linear.scatter [tilespmem:s30], [sflag:$0x7], $0x80, $0x38;
	[tilespmem:$0x1A600] =	vst v63  }
0x43e: {  	s19 =	simm.s32 $0x14F00;
	s18 =	sadd.s32 $0x30, s17  }
0x43f: {  	[hbm4b:s18+s3] =	stream.linear.scatter [tilespmem:s19], [sflag:$0x7], $0x80, $0x38;
	[tilespmem:$0x1A600] =	vst v63  }
0x440: {  	s21 =	simm.s32 $0x15200;
	s20 =	sadd.s32 $0x40, s17  }
0x441: {  	[hbm4b:s20+s3] =	stream.linear.scatter [tilespmem:s21], [sflag:$0x7], $0x80, $0x38;
	[tilespmem:$0x1A600] =	vst v63  }
0x442: {  	s25 =	simm.s32 $0x15500;
	s23 =	sadd.s32 $0x50, s17  }
0x443: {  	[hbm4b:s23+s3] =	stream.linear.scatter [tilespmem:s25], [sflag:$0x7], $0x80, $0x38;
	[tilespmem:$0x1A600] =	vst v63  }
0x444: {  	s29 =	sadd.s32 $0x60, s17;
	s30 =	simm.s32 $0x15800  }
0x445: {  	[hbm4b:s29+s3] =	stream.linear.scatter [tilespmem:s30], [sflag:$0x7], $0x80, $0x38;
	[tilespmem:$0x1A600] =	vst v63  }
0x446: {  	s18 =	sadd.s32 $0x70, s17;
	s19 =	simm.s32 $0x15B00  }
0x447: {  	[hbm4b:s18+s3] =	stream.linear.scatter [tilespmem:s19], [sflag:$0x7], $0x80, $0x38;
	[tilespmem:$0x1A600] =	vst v63  }
0x448: {  	s15 =	sadd.s32 s1, s10;
	s20 =	simm.s32 $0x14680  }
0x449: {  	[hbm4b:s15+s3] =	stream.linear.scatter [tilespmem:s20], [sflag:$0x7], $0x80, $0x38;
	[tilespmem:$0x1A600] =	vst v63  }
0x44a: {  	s21 =	sadd.s32 $0x10, s15;
	s19 =	simm.s32 $0x14980  }
0x44b: {  	[hbm4b:s21+s3] =	stream.linear.scatter [tilespmem:s19], [sflag:$0x7], $0x80, $0x38;
	[tilespmem:$0x1A600] =	vst v63  }
0x44c: {  	s23 =	sadd.s32 $0x20, s15;
	s25 =	simm.s32 $0x14C80  }
0x44d: {  	[hbm4b:s23+s3] =	stream.linear.scatter [tilespmem:s25], [sflag:$0x7], $0x80, $0x38;
	[tilespmem:$0x1A600] =	vst v63  }
0x44e: {  	s29 =	sadd.s32 $0x30, s15;
	s30 =	simm.s32 $0x14F80  }
0x44f: {  	[hbm4b:s29+s3] =	stream.linear.scatter [tilespmem:s30], [sflag:$0x7], $0x80, $0x38;
	[tilespmem:$0x1A600] =	vst v63  }
0x450: {  	s20 =	simm.s32 $0x15280;
	s19 =	sadd.s32 $0x40, s15  }
0x451: {  	[hbm4b:s19+s3] =	stream.linear.scatter [tilespmem:s20], [sflag:$0x7], $0x80, $0x38;
	[tilespmem:$0x1A600] =	vst v63  }
0x452: {  	s21 =	sadd.s32 $0x50, s15;
	s23 =	simm.s32 $0x15580  }
0x453: {  	[hbm4b:s21+s3] =	stream.linear.scatter [tilespmem:s23], [sflag:$0x7], $0x80, $0x38;
	[tilespmem:$0x1A600] =	vst v63  }
0x454: {  	s25 =	sadd.s32 $0x60, s15;
	s29 =	simm.s32 $0x15880  }
0x455: {  	[hbm4b:s25+s3] =	stream.linear.scatter [tilespmem:s29], [sflag:$0x7], $0x80, $0x38;
	[tilespmem:$0x1A600] =	vst v63  }
0x456: {  	s15 =	sadd.s32 $0x70, s15;
	s30 =	simm.s32 $0x15B80  }
0x457: {  	[hbm4b:s15+s3] =	stream.linear.scatter [tilespmem:s30], [sflag:$0x7], $0x80, $0x38;
	[tilespmem:$0x1A600] =	vst v63  }
0x458: {  	s19 =	simm.s32 $0x14700;
	s15 =	sadd.s32 s1, s11  }
0x459: {  	[hbm4b:s15+s3] =	stream.linear.scatter [tilespmem:s19], [sflag:$0x7], $0x80, $0x38;
	[tilespmem:$0x1A600] =	vst v63  }
0x45a: {  	s21 =	simm.s32 $0x14A00;
	s20 =	sadd.s32 $0x10, s15  }
0x45b: {  	[hbm4b:s20+s3] =	stream.linear.scatter [tilespmem:s21], [sflag:$0x7], $0x80, $0x38;
	[tilespmem:$0x1A600] =	vst v63  }
0x45c: {  	s25 =	simm.s32 $0x14D00;
	s23 =	sadd.s32 $0x20, s15  }
0x45d: {  	[hbm4b:s23+s3] =	stream.linear.scatter [tilespmem:s25], [sflag:$0x7], $0x80, $0x38;
	[tilespmem:$0x1A600] =	vst v63  }
0x45e: {  	s30 =	simm.s32 $0x15000;
	s29 =	sadd.s32 $0x30, s15  }
0x45f: {  	[hbm4b:s29+s3] =	stream.linear.scatter [tilespmem:s30], [sflag:$0x7], $0x80, $0x38;
	[tilespmem:$0x1A600] =	vst v63  }
0x460: {  	s20 =	sadd.s32 $0x40, s15;
	s21 =	simm.s32 $0x15300  }
0x461: {  	[hbm4b:s20+s3] =	stream.linear.scatter [tilespmem:s21], [sflag:$0x7], $0x80, $0x38;
	[tilespmem:$0x1A600] =	vst v63  }
0x462: {  	s23 =	sadd.s32 $0x50, s15;
	s25 =	simm.s32 $0x15600  }
0x463: {  	[hbm4b:s23+s3] =	stream.linear.scatter [tilespmem:s25], [sflag:$0x7], $0x80, $0x38;
	[tilespmem:$0x1A600] =	vst v63  }
0x464: {  	s29 =	sadd.s32 $0x60, s15;
	s30 =	simm.s32 $0x15900  }
0x465: {  	[hbm4b:s29+s3] =	stream.linear.scatter [tilespmem:s30], [sflag:$0x7], $0x80, $0x38;
	[tilespmem:$0x1A600] =	vst v63  }
0x466: {  	s15 =	sadd.s32 $0x70, s15;
	s20 =	simm.s32 $0x15C00  }
0x467: {  	[hbm4b:s15+s3] =	stream.linear.scatter [tilespmem:s20], [sflag:$0x7], $0x80, $0x38;
	[tilespmem:$0x1A600] =	vst v63  }
0x468: {  	s1 =	sadd.s32 s1, s12;
	s21 =	simm.s32 $0x14780  }
0x469: {  	[hbm4b:s1+s3] =	stream.linear.scatter [tilespmem:s21], [sflag:$0x7], $0x80, $0x38;
	[tilespmem:$0x1A600] =	vst v63  }
0x46a: {  	s23 =	sadd.s32 $0x10, s1;
	s25 =	simm.s32 $0x14A80  }
0x46b: {  	[hbm4b:s23+s3] =	stream.linear.scatter [tilespmem:s25], [sflag:$0x7], $0x80, $0x38;
	[tilespmem:$0x1A600] =	vst v63  }
0x46c: {  	s29 =	sadd.s32 $0x20, s1;
	s30 =	simm.s32 $0x14D80  }
0x46d: {  	[hbm4b:s29+s3] =	stream.linear.scatter [tilespmem:s30], [sflag:$0x7], $0x80, $0x38;
	[tilespmem:$0x1A600] =	vst v63  }
0x46e: {  	s18 =	sadd.s32 $0x30, s1;
	s19 =	simm.s32 $0x15080  }
0x46f: {  	[hbm4b:s18+s3] =	stream.linear.scatter [tilespmem:s19], [sflag:$0x7], $0x80, $0x38;
	[tilespmem:$0x1A600] =	vst v63  }
0x470: {  	s20 =	sadd.s32 $0x40, s1;
	s21 =	simm.s32 $0x15380  }
0x471: {  	[hbm4b:s20+s3] =	stream.linear.scatter [tilespmem:s21], [sflag:$0x7], $0x80, $0x38;
	[tilespmem:$0x1A600] =	vst v63  }
0x472: {  	s23 =	sadd.s32 $0x50, s1;
	s25 =	simm.s32 $0x15680  }
0x473: {  	[hbm4b:s23+s3] =	stream.linear.scatter [tilespmem:s25], [sflag:$0x7], $0x80, $0x38;
	[tilespmem:$0x1A600] =	vst v63  }
0x474: {  	s29 =	sadd.s32 $0x60, s1;
	s30 =	simm.s32 $0x15980  }
0x475: {  	[hbm4b:s29+s3] =	stream.linear.scatter [tilespmem:s30], [sflag:$0x7], $0x80, $0x38;
	[tilespmem:$0x1A600] =	vst v63  }
0x476: {  	s1 =	sadd.s32 $0x70, s1;
	s19 =	simm.s32 $0x15C80  }
0x477: {  	[hbm4b:s1+s3] =	stream.linear.scatter [tilespmem:s19], [sflag:$0x7], $0x80, $0x38;
	[tilespmem:$0x1A600] =	vst v63  }
0x478: {  	s20 =	sadd.s32 $0x200, s17;
	s21 =	simm.s32 $0x14800  }
0x479: {  	[hbm4b:s20+s3] =	stream.linear.scatter [tilespmem:s21], [sflag:$0x7], $0x80, $0x38;
	[tilespmem:$0x1A600] =	vst v63  }
0x47a: {  	s23 =	sadd.s32 $0x210, s17;
	s25 =	simm.s32 $0x14B00  }
0x47b: {  	[hbm4b:s23+s3] =	stream.linear.scatter [tilespmem:s25], [sflag:$0x7], $0x80, $0x38;
	[tilespmem:$0x1A600] =	vst v63  }
0x47c: {  	s29 =	sadd.s32 $0x220, s17;
	s30 =	simm.s32 $0x14E00  }
0x47d: {  	[hbm4b:s29+s3] =	stream.linear.scatter [tilespmem:s30], [sflag:$0x7], $0x80, $0x38;
	[tilespmem:$0x1A600] =	vst v63  }
0x47e: {  	s18 =	sadd.s32 $0x230, s17;
	s19 =	simm.s32 $0x15100  }
0x47f: {  	[hbm4b:s18+s3] =	stream.linear.scatter [tilespmem:s19], [sflag:$0x7], $0x80, $0x38;
	[tilespmem:$0x1A600] =	vst v63  }
0x480: {  	s20 =	sadd.s32 $0x240, s17;
	s21 =	simm.s32 $0x15400  }
0x481: {  	[hbm4b:s20+s3] =	stream.linear.scatter [tilespmem:s21], [sflag:$0x7], $0x80, $0x38;
	[tilespmem:$0x1A600] =	vst v63  }
0x482: {  	s23 =	sadd.s32 $0x250, s17;
	s25 =	simm.s32 $0x15700  }
0x483: {  	[hbm4b:s23+s3] =	stream.linear.scatter [tilespmem:s25], [sflag:$0x7], $0x80, $0x38;
	[tilespmem:$0x1A600] =	vst v63  }
0x484: {  	s29 =	sadd.s32 $0x260, s17;
	s30 =	simm.s32 $0x15A00  }
0x485: {  	[hbm4b:s29+s3] =	stream.linear.scatter [tilespmem:s30], [sflag:$0x7], $0x80, $0x38;
	[tilespmem:$0x1A600] =	vst v63  }
0x486: {  	s18 =	sadd.s32 $0x270, s17;
	s19 =	simm.s32 $0x15D00  }
0x487: {  	[hbm4b:s18+s3] =	stream.linear.scatter [tilespmem:s19], [sflag:$0x7], $0x80, $0x38;
	[tilespmem:$0x1A600] =	vst v63  }
0x488: {  	s20 =	sadd.s32 $0x280, s17;
	s21 =	simm.s32 $0x14880  }
0x489: {  	[hbm4b:s20+s3] =	stream.linear.scatter [tilespmem:s21], [sflag:$0x7], $0x80, $0x38;
	[tilespmem:$0x1A600] =	vst v63  }
0x48a: {  	s23 =	sadd.s32 $0x290, s17;
	s25 =	simm.s32 $0x14B80  }
0x48b: {  	[hbm4b:s23+s3] =	stream.linear.scatter [tilespmem:s25], [sflag:$0x7], $0x80, $0x38;
	[tilespmem:$0x1A600] =	vst v63  }
0x48c: {  	s29 =	sadd.s32 $0x2A0, s17;
	s30 =	simm.s32 $0x14E80  }
0x48d: {  	[hbm4b:s29+s3] =	stream.linear.scatter [tilespmem:s30], [sflag:$0x7], $0x80, $0x38;
	[tilespmem:$0x1A600] =	vst v63  }
0x48e: {  	s18 =	sadd.s32 $0x2B0, s17;
	s19 =	simm.s32 $0x15180  }
0x48f: {  	[hbm4b:s18+s3] =	stream.linear.scatter [tilespmem:s19], [sflag:$0x7], $0x80, $0x38;
	[tilespmem:$0x1A600] =	vst v63  }
0x490: {  	s20 =	sadd.s32 $0x2C0, s17;
	s21 =	simm.s32 $0x15480  }
0x491: {  	[hbm4b:s20+s3] =	stream.linear.scatter [tilespmem:s21], [sflag:$0x7], $0x80, $0x38;
	[tilespmem:$0x1A600] =	vst v63  }
0x492: {  	s23 =	sadd.s32 $0x2D0, s17;
	s25 =	simm.s32 $0x15780  }
0x493: {  	[hbm4b:s23+s3] =	stream.linear.scatter [tilespmem:s25], [sflag:$0x7], $0x80, $0x38;
	[tilespmem:$0x1A600] =	vst v63  }
0x494: {  	s29 =	sadd.s32 $0x2E0, s17;
	s30 =	simm.s32 $0x15A80;
	s19 =	sadd.s32 s13, s22  }
0x495: {  	[hbm4b:s29+s3] =	stream.linear.scatter [tilespmem:s30], [sflag:$0x7], $0x80, $0x38;
	[tilespmem:$0x1A600] =	vst v63  }
0x496: {  	s17 =	sadd.s32 $0x2F0, s17;
	s18 =	simm.s32 $0x15D80;
	s1 =	sshrl.u32 s19, $0x3  }
0x497: {  	[hbm4b:s17+s3] =	stream.linear.scatter [tilespmem:s18], [sflag:$0x7], $0x80, $0x38;
	[tilespmem:$0x1A600] =	vst v63  }
0x498: {  	s20 =	simm.s32 $0x15E00;
	s17 =	sadd.s32 s2, s1  }
0x499: {  	[hbm4b:s17+s3] =	stream.linear.scatter [tilespmem:s20], [sflag:$0x7], $0x80, $0x38;
	[tilespmem:$0x1A600] =	vst v63  }
0x49a: {  	s22 =	simm.s32 $0x16100;
	s21 =	sadd.s32 $0x10, s17  }
0x49b: {  	[hbm4b:s21+s3] =	stream.linear.scatter [tilespmem:s22], [sflag:$0x7], $0x80, $0x38;
	[tilespmem:$0x1A600] =	vst v63  }
0x49c: {  	s25 =	simm.s32 $0x16400;
	s23 =	sadd.s32 $0x20, s17  }
0x49d: {  	[hbm4b:s23+s3] =	stream.linear.scatter [tilespmem:s25], [sflag:$0x7], $0x80, $0x38;
	[tilespmem:$0x1A600] =	vst v63  }
0x49e: {  	s30 =	simm.s32 $0x16700;
	s29 =	sadd.s32 $0x30, s17  }
0x49f: {  	[hbm4b:s29+s3] =	stream.linear.scatter [tilespmem:s30], [sflag:$0x7], $0x80, $0x38;
	[tilespmem:$0x1A600] =	vst v63  }
0x4a0: {  	s19 =	sadd.s32 $0x40, s17;
	s20 =	simm.s32 $0x16A00  }
0x4a1: {  	[hbm4b:s19+s3] =	stream.linear.scatter [tilespmem:s20], [sflag:$0x7], $0x80, $0x38;
	[tilespmem:$0x1A600] =	vst v63  }
0x4a2: {  	s21 =	sadd.s32 $0x50, s17;
	s22 =	simm.s32 $0x16D00  }
0x4a3: {  	[hbm4b:s21+s3] =	stream.linear.scatter [tilespmem:s22], [sflag:$0x7], $0x80, $0x38;
	[tilespmem:$0x1A600] =	vst v63  }
0x4a4: {  	s23 =	sadd.s32 $0x60, s17;
	s25 =	simm.s32 $0x17000  }
0x4a5: {  	[hbm4b:s23+s3] =	stream.linear.scatter [tilespmem:s25], [sflag:$0x7], $0x80, $0x38;
	[tilespmem:$0x1A600] =	vst v63  }
0x4a6: {  	s29 =	sadd.s32 $0x70, s17;
	s30 =	simm.s32 $0x17300  }
0x4a7: {  	[hbm4b:s29+s3] =	stream.linear.scatter [tilespmem:s30], [sflag:$0x7], $0x80, $0x38;
	[tilespmem:$0x1A600] =	vst v63  }
0x4a8: {  	s1 =	sadd.s32 s1, s10;
	s18 =	simm.s32 $0x15E80  }
0x4a9: {  	[hbm4b:s1+s3] =	stream.linear.scatter [tilespmem:s18], [sflag:$0x7], $0x80, $0x38;
	[tilespmem:$0x1A600] =	vst v63  }
0x4aa: {  	s19 =	sadd.s32 $0x10, s1;
	s20 =	simm.s32 $0x16180  }
0x4ab: {  	[hbm4b:s19+s3] =	stream.linear.scatter [tilespmem:s20], [sflag:$0x7], $0x80, $0x38;
	[tilespmem:$0x1A600] =	vst v63  }
0x4ac: {  	s21 =	sadd.s32 $0x20, s1;
	s22 =	simm.s32 $0x16480  }
0x4ad: {  	[hbm4b:s21+s3] =	stream.linear.scatter [tilespmem:s22], [sflag:$0x7], $0x80, $0x38;
	[tilespmem:$0x1A600] =	vst v63  }
0x4ae: {  	s23 =	sadd.s32 $0x30, s1;
	s25 =	simm.s32 $0x16780  }
0x4af: {  	[hbm4b:s23+s3] =	stream.linear.scatter [tilespmem:s25], [sflag:$0x7], $0x80, $0x38;
	[tilespmem:$0x1A600] =	vst v63  }
0x4b0: {  	s29 =	sadd.s32 $0x40, s1;
	s30 =	simm.s32 $0x16A80  }
0x4b1: {  	[hbm4b:s29+s3] =	stream.linear.scatter [tilespmem:s30], [sflag:$0x7], $0x80, $0x38;
	[tilespmem:$0x1A600] =	vst v63  }
0x4b2: {  	s18 =	sadd.s32 $0x50, s1;
	s19 =	simm.s32 $0x16D80  }
0x4b3: {  	[hbm4b:s18+s3] =	stream.linear.scatter [tilespmem:s19], [sflag:$0x7], $0x80, $0x38;
	[tilespmem:$0x1A600] =	vst v63  }
0x4b4: {  	s20 =	sadd.s32 $0x60, s1;
	s21 =	simm.s32 $0x17080  }
0x4b5: {  	[hbm4b:s20+s3] =	stream.linear.scatter [tilespmem:s21], [sflag:$0x7], $0x80, $0x38;
	[tilespmem:$0x1A600] =	vst v63  }
0x4b6: {  	s1 =	sadd.s32 $0x70, s1;
	s22 =	simm.s32 $0x17380  }
0x4b7: {  	[hbm4b:s1+s3] =	stream.linear.scatter [tilespmem:s22], [sflag:$0x7], $0x80, $0x38;
	[tilespmem:$0x1A600] =	vst v63  }
0x4b8: {  	s23 =	sadd.s32 $0x100, s17;
	s25 =	simm.s32 $0x15F00  }
0x4b9: {  	[hbm4b:s23+s3] =	stream.linear.scatter [tilespmem:s25], [sflag:$0x7], $0x80, $0x38;
	[tilespmem:$0x1A600] =	vst v63  }
0x4ba: {  	s29 =	sadd.s32 $0x110, s17;
	s30 =	simm.s32 $0x16200  }
0x4bb: {  	[hbm4b:s29+s3] =	stream.linear.scatter [tilespmem:s30], [sflag:$0x7], $0x80, $0x38;
	[tilespmem:$0x1A600] =	vst v63  }
0x4bc: {  	s15 =	sadd.s32 $0x120, s17;
	s18 =	simm.s32 $0x16500  }
0x4bd: {  	[hbm4b:s15+s3] =	stream.linear.scatter [tilespmem:s18], [sflag:$0x7], $0x80, $0x38;
	[tilespmem:$0x1A600] =	vst v63  }
0x4be: {  	s19 =	sadd.s32 $0x130, s17;
	s20 =	simm.s32 $0x16800  }
0x4bf: {  	[hbm4b:s19+s3] =	stream.linear.scatter [tilespmem:s20], [sflag:$0x7], $0x80, $0x38;
	[tilespmem:$0x1A600] =	vst v63  }
0x4c0: {  	s21 =	sadd.s32 $0x140, s17;
	s22 =	simm.s32 $0x16B00  }
0x4c1: {  	[hbm4b:s21+s3] =	stream.linear.scatter [tilespmem:s22], [sflag:$0x7], $0x80, $0x38;
	[tilespmem:$0x1A600] =	vst v63  }
0x4c2: {  	s23 =	sadd.s32 $0x150, s17;
	s25 =	simm.s32 $0x16E00  }
0x4c3: {  	[hbm4b:s23+s3] =	stream.linear.scatter [tilespmem:s25], [sflag:$0x7], $0x80, $0x38;
	[tilespmem:$0x1A600] =	vst v63  }
0x4c4: {  	s29 =	sadd.s32 $0x160, s17;
	s30 =	simm.s32 $0x17100  }
0x4c5: {  	[hbm4b:s29+s3] =	stream.linear.scatter [tilespmem:s30], [sflag:$0x7], $0x80, $0x38;
	[tilespmem:$0x1A600] =	vst v63  }
0x4c6: {  	s15 =	sadd.s32 $0x170, s17;
	s18 =	simm.s32 $0x17400  }
0x4c7: {  	[hbm4b:s15+s3] =	stream.linear.scatter [tilespmem:s18], [sflag:$0x7], $0x80, $0x38;
	[tilespmem:$0x1A600] =	vst v63  }
0x4c8: {  	s19 =	sadd.s32 $0x180, s17;
	s20 =	simm.s32 $0x15F80  }
0x4c9: {  	[hbm4b:s19+s3] =	stream.linear.scatter [tilespmem:s20], [sflag:$0x7], $0x80, $0x38;
	[tilespmem:$0x1A600] =	vst v63  }
0x4ca: {  	s21 =	sadd.s32 $0x190, s17;
	s22 =	simm.s32 $0x16280  }
0x4cb: {  	[hbm4b:s21+s3] =	stream.linear.scatter [tilespmem:s22], [sflag:$0x7], $0x80, $0x38;
	[tilespmem:$0x1A600] =	vst v63  }
0x4cc: {  	s23 =	sadd.s32 $0x1A0, s17;
	s25 =	simm.s32 $0x16580  }
0x4cd: {  	[hbm4b:s23+s3] =	stream.linear.scatter [tilespmem:s25], [sflag:$0x7], $0x80, $0x38;
	[tilespmem:$0x1A600] =	vst v63  }
0x4ce: {  	s29 =	sadd.s32 $0x1B0, s17;
	s30 =	simm.s32 $0x16880  }
0x4cf: {  	[hbm4b:s29+s3] =	stream.linear.scatter [tilespmem:s30], [sflag:$0x7], $0x80, $0x38;
	[tilespmem:$0x1A600] =	vst v63  }
0x4d0: {  	s15 =	sadd.s32 $0x1C0, s17;
	s18 =	simm.s32 $0x16B80  }
0x4d1: {  	[hbm4b:s15+s3] =	stream.linear.scatter [tilespmem:s18], [sflag:$0x7], $0x80, $0x38;
	[tilespmem:$0x1A600] =	vst v63  }
0x4d2: {  	s19 =	sadd.s32 $0x1D0, s17;
	s20 =	simm.s32 $0x16E80  }
0x4d3: {  	[hbm4b:s19+s3] =	stream.linear.scatter [tilespmem:s20], [sflag:$0x7], $0x80, $0x38;
	[tilespmem:$0x1A600] =	vst v63  }
0x4d4: {  	s21 =	sadd.s32 $0x1E0, s17;
	s22 =	simm.s32 $0x17180  }
0x4d5: {  	[hbm4b:s21+s3] =	stream.linear.scatter [tilespmem:s22], [sflag:$0x7], $0x80, $0x38;
	[tilespmem:$0x1A600] =	vst v63  }
0x4d6: {  	s23 =	sadd.s32 $0x1F0, s17;
	s25 =	simm.s32 $0x17480  }
0x4d7: {  	[hbm4b:s23+s3] =	stream.linear.scatter [tilespmem:s25], [sflag:$0x7], $0x80, $0x38;
	[tilespmem:$0x1A600] =	vst v63  }
0x4d8: {  	s29 =	sadd.s32 $0x200, s17;
	s30 =	simm.s32 $0x16000  }
0x4d9: {  	[hbm4b:s29+s3] =	stream.linear.scatter [tilespmem:s30], [sflag:$0x7], $0x80, $0x38;
	[tilespmem:$0x1A600] =	vst v63  }
0x4da: {  	s15 =	sadd.s32 $0x210, s17;
	s18 =	simm.s32 $0x16300  }
0x4db: {  	[hbm4b:s15+s3] =	stream.linear.scatter [tilespmem:s18], [sflag:$0x7], $0x80, $0x38;
	[tilespmem:$0x1A600] =	vst v63  }
0x4dc: {  	s19 =	sadd.s32 $0x220, s17;
	s20 =	simm.s32 $0x16600  }
0x4dd: {  	[hbm4b:s19+s3] =	stream.linear.scatter [tilespmem:s20], [sflag:$0x7], $0x80, $0x38;
	[tilespmem:$0x1A600] =	vst v63  }
0x4de: {  	s21 =	sadd.s32 $0x230, s17;
	s22 =	simm.s32 $0x16900  }
0x4df: {  	[hbm4b:s21+s3] =	stream.linear.scatter [tilespmem:s22], [sflag:$0x7], $0x80, $0x38;
	[tilespmem:$0x1A600] =	vst v63  }
0x4e0: {  	s23 =	sadd.s32 $0x240, s17;
	s25 =	simm.s32 $0x16C00  }
0x4e1: {  	[hbm4b:s23+s3] =	stream.linear.scatter [tilespmem:s25], [sflag:$0x7], $0x80, $0x38;
	[tilespmem:$0x1A600] =	vst v63  }
0x4e2: {  	s29 =	sadd.s32 $0x250, s17;
	s30 =	simm.s32 $0x16F00  }
0x4e3: {  	[hbm4b:s29+s3] =	stream.linear.scatter [tilespmem:s30], [sflag:$0x7], $0x80, $0x38;
	[tilespmem:$0x1A600] =	vst v63  }
0x4e4: {  	s15 =	sadd.s32 $0x260, s17;
	s18 =	simm.s32 $0x17200  }
0x4e5: {  	[hbm4b:s15+s3] =	stream.linear.scatter [tilespmem:s18], [sflag:$0x7], $0x80, $0x38;
	[tilespmem:$0x1A600] =	vst v63  }
0x4e6: {  	s19 =	sadd.s32 $0x270, s17;
	s20 =	simm.s32 $0x17500  }
0x4e7: {  	[hbm4b:s19+s3] =	stream.linear.scatter [tilespmem:s20], [sflag:$0x7], $0x80, $0x38;
	[tilespmem:$0x1A600] =	vst v63  }
0x4e8: {  	s21 =	sadd.s32 $0x280, s17;
	s22 =	simm.s32 $0x16080  }
0x4e9: {  	[hbm4b:s21+s3] =	stream.linear.scatter [tilespmem:s22], [sflag:$0x7], $0x80, $0x38;
	[tilespmem:$0x1A600] =	vst v63  }
0x4ea: {  	s23 =	sadd.s32 $0x290, s17;
	s25 =	simm.s32 $0x16380  }
0x4eb: {  	[hbm4b:s23+s3] =	stream.linear.scatter [tilespmem:s25], [sflag:$0x7], $0x80, $0x38;
	[tilespmem:$0x1A600] =	vst v63  }
0x4ec: {  	s29 =	sadd.s32 $0x2A0, s17;
	s30 =	simm.s32 $0x16680  }
0x4ed: {  	[hbm4b:s29+s3] =	stream.linear.scatter [tilespmem:s30], [sflag:$0x7], $0x80, $0x38;
	[tilespmem:$0x1A600] =	vst v63  }
0x4ee: {  	s15 =	sadd.s32 $0x2B0, s17;
	s18 =	simm.s32 $0x16980  }
0x4ef: {  	[hbm4b:s15+s3] =	stream.linear.scatter [tilespmem:s18], [sflag:$0x7], $0x80, $0x38;
	[tilespmem:$0x1A600] =	vst v63  }
0x4f0: {  	s19 =	sadd.s32 $0x2C0, s17;
	s20 =	simm.s32 $0x16C80  }
0x4f1: {  	[hbm4b:s19+s3] =	stream.linear.scatter [tilespmem:s20], [sflag:$0x7], $0x80, $0x38;
	[tilespmem:$0x1A600] =	vst v63  }
0x4f2: {  	s21 =	sadd.s32 $0x2D0, s17;
	s22 =	simm.s32 $0x16F80  }
0x4f3: {  	[hbm4b:s21+s3] =	stream.linear.scatter [tilespmem:s22], [sflag:$0x7], $0x80, $0x38;
	[tilespmem:$0x1A600] =	vst v63  }
0x4f4: {  	s23 =	sadd.s32 $0x2E0, s17;
	s25 =	simm.s32 $0x17280  }
0x4f5: {  	[hbm4b:s23+s3] =	stream.linear.scatter [tilespmem:s25], [sflag:$0x7], $0x80, $0x38;
	[tilespmem:$0x1A600] =	vst v63  }
0x4f6: {  	s1 =	simm.s32 @!p0 $0x6;
	s29 =	sadd.s32 $0x2F0, s17;
	s30 =	simm.s32 $0x17580  }
0x4f7: {  	[hbm4b:s29+s3] =	stream.linear.scatter [tilespmem:s30], [sflag:$0x7], $0x80, $0x38;
	[tilespmem:$0x1A600] =	vst v63  }
0x4f8: {  	_ =	swait.ge @!p0 [sflag:s1], $0x3000  }
0x4f9: {  	[sflag:s1] =	ssyncset.done @!p0 $0x0  }
0x4fa: {  	[sflag:s1] =	ssyncadd.s32 @!p0 $0xFFFFD000  }
0x4fb: {  	v1 =	vld @!p0 [tilespmem:s8+$0x50];
	_ =	sdelay $0x6  }
0x4fc: {  	s1 =	simm.s32 @!p0 $0x0;
	s8 =	simm.s32 @!p0 $0x11600  }
0x4fd: {  	[tilespmem:s8], [sflag:$0x2] =	stream.indirect_vreg.gather @!p0 [hbm4b:s4+s1], $0x300, v1, vm1, $0xb8;
	[tilespmem:$0x1A600] =	vst v63  }
0x4fe: {  	_ =	swait.ge [sflag:s31], $0x3000  }
0x4ff: {  	[sflag:s31] =	ssyncset.done $0x0  }
0x500: {  	[sflag:s31] =	ssyncadd.s32 $0xFFFFD000  }
0x501: {  	v1 =	vld [tilespmem:s14+$0x4000];
	_ =	sdelay $0x4  }
0x502: {  	v1 =	vshll.u32 v1, $0x4  }
0x503: {  	v1 =	vor.u32 v0, v1  }
0x504: {  	v1 =	vmul.u32 $0xC00, v1;
	_ =	sdelay $0x1  }
0x505: {  	v1 =	vshra.s32 v1, $0x2  }
0x506: {  	v1 =	vadd.s32 $0x8000, v1  }
0x507: {  	(v2sf) =	vpush v1, $0x0  }
0x508: {  	(v2sf) =	vpush v1, $0x1  }
0x509: {  	(v2sf) =	vpush v1, $0x2  }
0x50a: {  	(v2sf) =	vpush v1, $0x3  }
0x50b: {  	(v2sf) =	vpush v1, $0x4  }
0x50c: {  	(v2sf) =	vpush v1, $0x5  }
0x50d: {  	(v2sf) =	vpush v1, $0x6  }
0x50e: {  	(v2sf) =	vpush v1, $0x7  }
0x50f: {  	(v2sf) =	vpush v1, $0x8  }
0x510: {  	(v2sf) =	vpush v1, $0x9  }
0x511: {  	(v2sf) =	vpush v1, $0xA  }
0x512: {  	(v2sf) =	vpush v1, $0xB  }
0x513: {  	(v2sf) =	vpush v1, $0xC  }
0x514: {  	(v2sf) =	vpush v1, $0xD  }
0x515: {  	(v2sf) =	vpush v1, $0xE  }
0x516: {  	s14 =	spop (v2sf);
	(v2sf) =	vpush v1, $0xF  }
0x517: {  	s15 =	spop (v2sf)  }
0x518: {  	s17 =	spop (v2sf)  }
0x519: {  	s18 =	spop (v2sf)  }
0x51a: {  	s19 =	spop (v2sf)  }
0x51b: {  	s22 =	spop (v2sf)  }
0x51c: {  	s25 =	spop (v2sf)  }
0x51d: {  	s20 =	spop (v2sf)  }
0x51e: {  	s21 =	spop (v2sf)  }
0x51f: {  	s29 =	spop (v2sf)  }
0x520: {  	s23 =	spop (v2sf)  }
0x521: {  	v15 =	vmov s14;
	s30 =	spop (v2sf)  }
0x522: {  	v16 =	vmov s15;
	v14 =	vmov s17;
	v12 =	vmov s18;
	s15 =	spop (v2sf)  }
0x523: {  	v13 =	vmov s19;
	v11 =	vmov s22;
	v9 =	vmov s25;
	s25 =	spop (v2sf)  }
0x524: {  	v10 =	vmov s20;
	v8 =	vmov s21;
	v6 =	vmov s29;
	s29 =	spop (v2sf)  }
0x525: {  	v7 =	vmov s23;
	v5 =	vmov s30;
	v3 =	vmov s15;
	s30 =	spop (v2sf)  }
0x526: {  	s28 =	simm.s32 $0x17600;
	s8 =	simm.s32 $0x0;
	s14 =	simm.s32 $0x40;
	v4 =	vmov s25;
	v2 =	vmov s29;
	v1 =	vmov s30  }
.LBB2_11:
0x527: {  	p0 =	sne.s32 s14, $0xBC0;
	v17 =	vld.idx.msk [tilespmem:v15+s8+$0x0 ss:$0x1], $0xffff;
	_ =	sdelay $0x5  }
0x528: {  	[tilespmem:s8+$0x17600] =	vst.add.f32.msk $0xffff, v17  }
0x529: {  	v17 =	vld.idx.msk [tilespmem:v16+s8+$0x0 ss:$0x1], $0xffff;
	_ =	sdelay $0x5  }
0x52a: {  	[tilespmem:s8+$0x17900] =	vst.add.f32.msk $0xffff, v17  }
0x52b: {  	v17 =	vld.idx.msk [tilespmem:v14+s8+$0x0 ss:$0x1], $0xffff;
	_ =	sdelay $0x5  }
0x52c: {  	[tilespmem:s8+$0x17C00] =	vst.add.f32.msk $0xffff, v17  }
0x52d: {  	v17 =	vld.idx.msk [tilespmem:v12+s8+$0x0 ss:$0x1], $0xffff;
	_ =	sdelay $0x5  }
0x52e: {  	[tilespmem:s8+$0x17F00] =	vst.add.f32.msk $0xffff, v17  }
0x52f: {  	v17 =	vld.idx.msk [tilespmem:v13+s8+$0x0 ss:$0x1], $0xffff;
	_ =	sdelay $0x5  }
0x530: {  	[tilespmem:s8+$0x18200] =	vst.add.f32.msk $0xffff, v17  }
0x531: {  	v17 =	vld.idx.msk [tilespmem:v11+s8+$0x0 ss:$0x1], $0xffff;
	_ =	sdelay $0x5  }
0x532: {  	[tilespmem:s8+$0x18500] =	vst.add.f32.msk $0xffff, v17  }
0x533: {  	v17 =	vld.idx.msk [tilespmem:v9+s8+$0x0 ss:$0x1], $0xffff;
	_ =	sdelay $0x5  }
0x534: {  	[tilespmem:s8+$0x18800] =	vst.add.f32.msk $0xffff, v17  }
0x535: {  	v17 =	vld.idx.msk [tilespmem:v10+s8+$0x0 ss:$0x1], $0xffff;
	_ =	sdelay $0x5  }
0x536: {  	[tilespmem:s8+$0x18B00] =	vst.add.f32.msk $0xffff, v17  }
0x537: {  	v17 =	vld.idx.msk [tilespmem:v8+s8+$0x0 ss:$0x1], $0xffff;
	_ =	sdelay $0x5  }
0x538: {  	[tilespmem:s8+$0x18E00] =	vst.add.f32.msk $0xffff, v17  }
0x539: {  	v17 =	vld.idx.msk [tilespmem:v6+s8+$0x0 ss:$0x1], $0xffff;
	_ =	sdelay $0x5  }
0x53a: {  	[tilespmem:s8+$0x19100] =	vst.add.f32.msk $0xffff, v17  }
0x53b: {  	v17 =	vld.idx.msk [tilespmem:v7+s8+$0x0 ss:$0x1], $0xffff;
	_ =	sdelay $0x5  }
0x53c: {  	[tilespmem:s8+$0x19400] =	vst.add.f32.msk $0xffff, v17  }
0x53d: {  	v17 =	vld.idx.msk [tilespmem:v5+s8+$0x0 ss:$0x1], $0xffff;
	_ =	sdelay $0x5  }
0x53e: {  	[tilespmem:s8+$0x19700] =	vst.add.f32.msk $0xffff, v17  }
0x53f: {  	v17 =	vld.idx.msk [tilespmem:v3+s8+$0x0 ss:$0x1], $0xffff;
	_ =	sdelay $0x5  }
0x540: {  	[tilespmem:s8+$0x19A00] =	vst.add.f32.msk $0xffff, v17  }
0x541: {  	v17 =	vld.idx.msk [tilespmem:v4+s8+$0x0 ss:$0x1], $0xffff;
	_ =	sdelay $0x5  }
0x542: {  	[tilespmem:s8+$0x19D00] =	vst.add.f32.msk $0xffff, v17  }
0x543: {  	v17 =	vld.idx.msk [tilespmem:v2+s8+$0x0 ss:$0x1], $0xffff;
	_ =	sdelay $0x5  }
0x544: {  	[tilespmem:s8+$0x1A000] =	vst.add.f32.msk $0xffff, v17  }
0x545: {  	v17 =	vld.idx.msk [tilespmem:v1+s8+$0x0 ss:$0x1], $0xffff;
	_ =	sdelay $0x1  }
.Ltmp4:
0x546: {  	(pc) =	sbr.rel @p0 .LBB2_11-.Ltmp4, $2  }
0x547: {  	_ =	sdelay $0x2  }
0x548: {  	[tilespmem:s8+$0x1A300] =	vst.add.f32.msk $0xffff, v17;
	s8 =	sshra.s32 s14, $0x2;
	s14 =	sadd.s32 $0x40, s14  }
0x549: {  	_ =	sdelay $0x3  }
0x54a: {  	v15 =	vld.idx.msk [tilespmem:v15+s8+$0x0 ss:$0x1], $0xffff;
	_ =	sdelay $0x4  }
0x54b: {  	[tilespmem:s8+$0x17600] =	vst.add.f32.msk $0xffff, v15  }
0x54c: {  	v15 =	vld.idx.msk [tilespmem:v16+s8+$0x0 ss:$0x1], $0xffff;
	_ =	sdelay $0x4  }
0x54d: {  	[tilespmem:s8+$0x17900] =	vst.add.f32.msk $0xffff, v15  }
0x54e: {  	v14 =	vld.idx.msk [tilespmem:v14+s8+$0x0 ss:$0x1], $0xffff;
	_ =	sdelay $0x4  }
0x54f: {  	[tilespmem:s8+$0x17C00] =	vst.add.f32.msk $0xffff, v14  }
0x550: {  	v12 =	vld.idx.msk [tilespmem:v12+s8+$0x0 ss:$0x1], $0xffff;
	_ =	sdelay $0x4  }
0x551: {  	[tilespmem:s8+$0x17F00] =	vst.add.f32.msk $0xffff, v12  }
0x552: {  	v12 =	vld.idx.msk [tilespmem:v13+s8+$0x0 ss:$0x1], $0xffff;
	_ =	sdelay $0x4  }
0x553: {  	[tilespmem:s8+$0x18200] =	vst.add.f32.msk $0xffff, v12  }
0x554: {  	v11 =	vld.idx.msk [tilespmem:v11+s8+$0x0 ss:$0x1], $0xffff;
	_ =	sdelay $0x4  }
0x555: {  	[tilespmem:s8+$0x18500] =	vst.add.f32.msk $0xffff, v11  }
0x556: {  	v9 =	vld.idx.msk [tilespmem:v9+s8+$0x0 ss:$0x1], $0xffff;
	_ =	sdelay $0x4  }
0x557: {  	[tilespmem:s8+$0x18800] =	vst.add.f32.msk $0xffff, v9  }
0x558: {  	v9 =	vld.idx.msk [tilespmem:v10+s8+$0x0 ss:$0x1], $0xffff;
	_ =	sdelay $0x4  }
0x559: {  	[tilespmem:s8+$0x18B00] =	vst.add.f32.msk $0xffff, v9  }
0x55a: {  	v8 =	vld.idx.msk [tilespmem:v8+s8+$0x0 ss:$0x1], $0xffff;
	_ =	sdelay $0x4  }
0x55b: {  	[tilespmem:s8+$0x18E00] =	vst.add.f32.msk $0xffff, v8  }
0x55c: {  	v6 =	vld.idx.msk [tilespmem:v6+s8+$0x0 ss:$0x1], $0xffff;
	_ =	sdelay $0x4  }
0x55d: {  	[tilespmem:s8+$0x19100] =	vst.add.f32.msk $0xffff, v6  }
0x55e: {  	v6 =	vld.idx.msk [tilespmem:v7+s8+$0x0 ss:$0x1], $0xffff;
	_ =	sdelay $0x4  }
0x55f: {  	[tilespmem:s8+$0x19400] =	vst.add.f32.msk $0xffff, v6  }
0x560: {  	v5 =	vld.idx.msk [tilespmem:v5+s8+$0x0 ss:$0x1], $0xffff;
	_ =	sdelay $0x4  }
0x561: {  	[tilespmem:s8+$0x19700] =	vst.add.f32.msk $0xffff, v5  }
0x562: {  	v3 =	vld.idx.msk [tilespmem:v3+s8+$0x0 ss:$0x1], $0xffff;
	_ =	sdelay $0x4  }
0x563: {  	[tilespmem:s8+$0x19A00] =	vst.add.f32.msk $0xffff, v3  }
0x564: {  	v3 =	vld.idx.msk [tilespmem:v4+s8+$0x0 ss:$0x1], $0xffff;
	_ =	sdelay $0x4  }
0x565: {  	[tilespmem:s8+$0x19D00] =	vst.add.f32.msk $0xffff, v3  }
0x566: {  	v2 =	vld.idx.msk [tilespmem:v2+s8+$0x0 ss:$0x1], $0xffff;
	_ =	sdelay $0x4  }
0x567: {  	[tilespmem:s8+$0x1A000] =	vst.add.f32.msk $0xffff, v2  }
0x568: {  	v1 =	vld.idx.msk [tilespmem:v1+s8+$0x0 ss:$0x1], $0xffff  }
0x569: {  	s7 =	smul.u32 $0x60000, s7;
	_ =	sdelay $0x1  }
0x56a: {  	s1 =	sadd.s32 s9, s7  }
0x56b: {  	s1 =	sshrl.u32 s1, $0x3  }
0x56c: {  	[tilespmem:s8+$0x1A300] =	vst.add.f32.msk $0xffff, v1;
	s8 =	sadd.s32 s2, s1  }
0x56d: {  	[hbm4b:s8+s3] =	stream.linear.scatter [tilespmem:s28], [sflag:$0x8], $0x80, $0x38;
	[tilespmem:$0x1A600] =	vst v63  }
0x56e: {  	s15 =	simm.s32 $0x17900;
	s14 =	sadd.s32 $0x10, s8  }
0x56f: {  	[hbm4b:s14+s3] =	stream.linear.scatter [tilespmem:s15], [sflag:$0x8], $0x80, $0x38;
	[tilespmem:$0x1A600] =	vst v63  }
0x570: {  	s18 =	simm.s32 $0x17C00;
	s17 =	sadd.s32 $0x20, s8  }
0x571: {  	[hbm4b:s17+s3] =	stream.linear.scatter [tilespmem:s18], [sflag:$0x8], $0x80, $0x38;
	[tilespmem:$0x1A600] =	vst v63  }
0x572: {  	s20 =	simm.s32 $0x17F00;
	s19 =	sadd.s32 $0x30, s8  }
0x573: {  	[hbm4b:s19+s3] =	stream.linear.scatter [tilespmem:s20], [sflag:$0x8], $0x80, $0x38;
	[tilespmem:$0x1A600] =	vst v63  }
0x574: {  	s22 =	simm.s32 $0x18200;
	s21 =	sadd.s32 $0x40, s8  }
0x575: {  	[hbm4b:s21+s3] =	stream.linear.scatter [tilespmem:s22], [sflag:$0x8], $0x80, $0x38;
	[tilespmem:$0x1A600] =	vst v63  }
0x576: {  	s25 =	simm.s32 $0x18500;
	s23 =	sadd.s32 $0x50, s8  }
0x577: {  	[hbm4b:s23+s3] =	stream.linear.scatter [tilespmem:s25], [sflag:$0x8], $0x80, $0x38;
	[tilespmem:$0x1A600] =	vst v63  }
0x578: {  	s30 =	simm.s32 $0x18800;
	s29 =	sadd.s32 $0x60, s8  }
0x579: {  	[hbm4b:s29+s3] =	stream.linear.scatter [tilespmem:s30], [sflag:$0x8], $0x80, $0x38;
	[tilespmem:$0x1A600] =	vst v63  }
0x57a: {  	s17 =	sadd.s32 $0x70, s8;
	s18 =	simm.s32 $0x18B00  }
0x57b: {  	[hbm4b:s17+s3] =	stream.linear.scatter [tilespmem:s18], [sflag:$0x8], $0x80, $0x38;
	[tilespmem:$0x1A600] =	vst v63  }
0x57c: {  	s14 =	sadd.s32 s1, s10;
	s19 =	simm.s32 $0x17680  }
0x57d: {  	[hbm4b:s14+s3] =	stream.linear.scatter [tilespmem:s19], [sflag:$0x8], $0x80, $0x38;
	[tilespmem:$0x1A600] =	vst v63  }
0x57e: {  	s20 =	sadd.s32 $0x10, s14;
	s17 =	simm.s32 $0x17980  }
0x57f: {  	[hbm4b:s20+s3] =	stream.linear.scatter [tilespmem:s17], [sflag:$0x8], $0x80, $0x38;
	[tilespmem:$0x1A600] =	vst v63  }
0x580: {  	s21 =	sadd.s32 $0x20, s14;
	s22 =	simm.s32 $0x17C80  }
0x581: {  	[hbm4b:s21+s3] =	stream.linear.scatter [tilespmem:s22], [sflag:$0x8], $0x80, $0x38;
	[tilespmem:$0x1A600] =	vst v63  }
0x582: {  	s23 =	sadd.s32 $0x30, s14;
	s25 =	simm.s32 $0x17F80  }
0x583: {  	[hbm4b:s23+s3] =	stream.linear.scatter [tilespmem:s25], [sflag:$0x8], $0x80, $0x38;
	[tilespmem:$0x1A600] =	vst v63  }
0x584: {  	s29 =	sadd.s32 $0x40, s14;
	s30 =	simm.s32 $0x18280  }
0x585: {  	[hbm4b:s29+s3] =	stream.linear.scatter [tilespmem:s30], [sflag:$0x8], $0x80, $0x38;
	[tilespmem:$0x1A600] =	vst v63  }
0x586: {  	s18 =	simm.s32 $0x18580;
	s17 =	sadd.s32 $0x50, s14  }
0x587: {  	[hbm4b:s17+s3] =	stream.linear.scatter [tilespmem:s18], [sflag:$0x8], $0x80, $0x38;
	[tilespmem:$0x1A600] =	vst v63  }
0x588: {  	s19 =	sadd.s32 $0x60, s14;
	s20 =	simm.s32 $0x18880  }
0x589: {  	[hbm4b:s19+s3] =	stream.linear.scatter [tilespmem:s20], [sflag:$0x8], $0x80, $0x38;
	[tilespmem:$0x1A600] =	vst v63  }
0x58a: {  	s14 =	sadd.s32 $0x70, s14;
	s21 =	simm.s32 $0x18B80  }
0x58b: {  	[hbm4b:s14+s3] =	stream.linear.scatter [tilespmem:s21], [sflag:$0x8], $0x80, $0x38;
	[tilespmem:$0x1A600] =	vst v63  }
0x58c: {  	s22 =	simm.s32 $0x17700;
	s14 =	sadd.s32 s1, s11  }
0x58d: {  	[hbm4b:s14+s3] =	stream.linear.scatter [tilespmem:s22], [sflag:$0x8], $0x80, $0x38;
	[tilespmem:$0x1A600] =	vst v63  }
0x58e: {  	s25 =	simm.s32 $0x17A00;
	s23 =	sadd.s32 $0x10, s14  }
0x58f: {  	[hbm4b:s23+s3] =	stream.linear.scatter [tilespmem:s25], [sflag:$0x8], $0x80, $0x38;
	[tilespmem:$0x1A600] =	vst v63  }
0x590: {  	s30 =	simm.s32 $0x17D00;
	s29 =	sadd.s32 $0x20, s14  }
0x591: {  	[hbm4b:s29+s3] =	stream.linear.scatter [tilespmem:s30], [sflag:$0x8], $0x80, $0x38;
	[tilespmem:$0x1A600] =	vst v63  }
0x592: {  	s19 =	simm.s32 $0x18000;
	s18 =	sadd.s32 $0x30, s14  }
0x593: {  	[hbm4b:s18+s3] =	stream.linear.scatter [tilespmem:s19], [sflag:$0x8], $0x80, $0x38;
	[tilespmem:$0x1A600] =	vst v63  }
0x594: {  	s21 =	simm.s32 $0x18300;
	s20 =	sadd.s32 $0x40, s14  }
0x595: {  	[hbm4b:s20+s3] =	stream.linear.scatter [tilespmem:s21], [sflag:$0x8], $0x80, $0x38;
	[tilespmem:$0x1A600] =	vst v63  }
0x596: {  	s22 =	sadd.s32 $0x50, s14;
	s23 =	simm.s32 $0x18600  }
0x597: {  	[hbm4b:s22+s3] =	stream.linear.scatter [tilespmem:s23], [sflag:$0x8], $0x80, $0x38;
	[tilespmem:$0x1A600] =	vst v63  }
0x598: {  	s25 =	sadd.s32 $0x60, s14;
	s29 =	simm.s32 $0x18900  }
0x599: {  	[hbm4b:s25+s3] =	stream.linear.scatter [tilespmem:s29], [sflag:$0x8], $0x80, $0x38;
	[tilespmem:$0x1A600] =	vst v63  }
0x59a: {  	s14 =	sadd.s32 $0x70, s14;
	s30 =	simm.s32 $0x18C00  }
0x59b: {  	[hbm4b:s14+s3] =	stream.linear.scatter [tilespmem:s30], [sflag:$0x8], $0x80, $0x38;
	[tilespmem:$0x1A600] =	vst v63  }
0x59c: {  	s15 =	simm.s32 $0x17780;
	s1 =	sadd.s32 s1, s12  }
0x59d: {  	[hbm4b:s1+s3] =	stream.linear.scatter [tilespmem:s15], [sflag:$0x8], $0x80, $0x38;
	[tilespmem:$0x1A600] =	vst v63  }
0x59e: {  	s17 =	sadd.s32 $0x10, s1;
	s18 =	simm.s32 $0x17A80  }
0x59f: {  	[hbm4b:s17+s3] =	stream.linear.scatter [tilespmem:s18], [sflag:$0x8], $0x80, $0x38;
	[tilespmem:$0x1A600] =	vst v63  }
0x5a0: {  	s19 =	sadd.s32 $0x20, s1;
	s20 =	simm.s32 $0x17D80  }
0x5a1: {  	[hbm4b:s19+s3] =	stream.linear.scatter [tilespmem:s20], [sflag:$0x8], $0x80, $0x38;
	[tilespmem:$0x1A600] =	vst v63  }
0x5a2: {  	s21 =	sadd.s32 $0x30, s1;
	s22 =	simm.s32 $0x18080  }
0x5a3: {  	[hbm4b:s21+s3] =	stream.linear.scatter [tilespmem:s22], [sflag:$0x8], $0x80, $0x38;
	[tilespmem:$0x1A600] =	vst v63  }
0x5a4: {  	s23 =	sadd.s32 $0x40, s1;
	s25 =	simm.s32 $0x18380  }
0x5a5: {  	[hbm4b:s23+s3] =	stream.linear.scatter [tilespmem:s25], [sflag:$0x8], $0x80, $0x38;
	[tilespmem:$0x1A600] =	vst v63  }
0x5a6: {  	s29 =	sadd.s32 $0x50, s1;
	s30 =	simm.s32 $0x18680  }
0x5a7: {  	[hbm4b:s29+s3] =	stream.linear.scatter [tilespmem:s30], [sflag:$0x8], $0x80, $0x38;
	[tilespmem:$0x1A600] =	vst v63  }
0x5a8: {  	s15 =	sadd.s32 $0x60, s1;
	s17 =	simm.s32 $0x18980  }
0x5a9: {  	[hbm4b:s15+s3] =	stream.linear.scatter [tilespmem:s17], [sflag:$0x8], $0x80, $0x38;
	[tilespmem:$0x1A600] =	vst v63  }
0x5aa: {  	s1 =	sadd.s32 $0x70, s1;
	s18 =	simm.s32 $0x18C80  }
0x5ab: {  	[hbm4b:s1+s3] =	stream.linear.scatter [tilespmem:s18], [sflag:$0x8], $0x80, $0x38;
	[tilespmem:$0x1A600] =	vst v63  }
0x5ac: {  	s19 =	sadd.s32 $0x200, s8;
	s20 =	simm.s32 $0x17800  }
0x5ad: {  	[hbm4b:s19+s3] =	stream.linear.scatter [tilespmem:s20], [sflag:$0x8], $0x80, $0x38;
	[tilespmem:$0x1A600] =	vst v63  }
0x5ae: {  	s21 =	sadd.s32 $0x210, s8;
	s22 =	simm.s32 $0x17B00  }
0x5af: {  	[hbm4b:s21+s3] =	stream.linear.scatter [tilespmem:s22], [sflag:$0x8], $0x80, $0x38;
	[tilespmem:$0x1A600] =	vst v63  }
0x5b0: {  	s23 =	sadd.s32 $0x220, s8;
	s25 =	simm.s32 $0x17E00  }
0x5b1: {  	[hbm4b:s23+s3] =	stream.linear.scatter [tilespmem:s25], [sflag:$0x8], $0x80, $0x38;
	[tilespmem:$0x1A600] =	vst v63  }
0x5b2: {  	s29 =	sadd.s32 $0x230, s8;
	s30 =	simm.s32 $0x18100  }
0x5b3: {  	[hbm4b:s29+s3] =	stream.linear.scatter [tilespmem:s30], [sflag:$0x8], $0x80, $0x38;
	[tilespmem:$0x1A600] =	vst v63  }
0x5b4: {  	s14 =	sadd.s32 $0x240, s8;
	s15 =	simm.s32 $0x18400  }
0x5b5: {  	[hbm4b:s14+s3] =	stream.linear.scatter [tilespmem:s15], [sflag:$0x8], $0x80, $0x38;
	[tilespmem:$0x1A600] =	vst v63  }
0x5b6: {  	s17 =	sadd.s32 $0x250, s8;
	s18 =	simm.s32 $0x18700  }
0x5b7: {  	[hbm4b:s17+s3] =	stream.linear.scatter [tilespmem:s18], [sflag:$0x8], $0x80, $0x38;
	[tilespmem:$0x1A600] =	vst v63  }
0x5b8: {  	s19 =	sadd.s32 $0x260, s8;
	s20 =	simm.s32 $0x18A00  }
0x5b9: {  	[hbm4b:s19+s3] =	stream.linear.scatter [tilespmem:s20], [sflag:$0x8], $0x80, $0x38;
	[tilespmem:$0x1A600] =	vst v63  }
0x5ba: {  	s21 =	sadd.s32 $0x270, s8;
	s22 =	simm.s32 $0x18D00  }
0x5bb: {  	[hbm4b:s21+s3] =	stream.linear.scatter [tilespmem:s22], [sflag:$0x8], $0x80, $0x38;
	[tilespmem:$0x1A600] =	vst v63  }
0x5bc: {  	s23 =	sadd.s32 $0x280, s8;
	s25 =	simm.s32 $0x17880  }
0x5bd: {  	[hbm4b:s23+s3] =	stream.linear.scatter [tilespmem:s25], [sflag:$0x8], $0x80, $0x38;
	[tilespmem:$0x1A600] =	vst v63  }
0x5be: {  	s29 =	sadd.s32 $0x290, s8;
	s30 =	simm.s32 $0x17B80  }
0x5bf: {  	[hbm4b:s29+s3] =	stream.linear.scatter [tilespmem:s30], [sflag:$0x8], $0x80, $0x38;
	[tilespmem:$0x1A600] =	vst v63  }
0x5c0: {  	s14 =	sadd.s32 $0x2A0, s8;
	s15 =	simm.s32 $0x17E80  }
0x5c1: {  	[hbm4b:s14+s3] =	stream.linear.scatter [tilespmem:s15], [sflag:$0x8], $0x80, $0x38;
	[tilespmem:$0x1A600] =	vst v63  }
0x5c2: {  	s17 =	sadd.s32 $0x2B0, s8;
	s18 =	simm.s32 $0x18180  }
0x5c3: {  	[hbm4b:s17+s3] =	stream.linear.scatter [tilespmem:s18], [sflag:$0x8], $0x80, $0x38;
	[tilespmem:$0x1A600] =	vst v63  }
0x5c4: {  	s19 =	sadd.s32 $0x2C0, s8;
	s20 =	simm.s32 $0x18480  }
0x5c5: {  	[hbm4b:s19+s3] =	stream.linear.scatter [tilespmem:s20], [sflag:$0x8], $0x80, $0x38;
	[tilespmem:$0x1A600] =	vst v63  }
0x5c6: {  	s21 =	sadd.s32 $0x2D0, s8;
	s22 =	simm.s32 $0x18780  }
0x5c7: {  	[hbm4b:s21+s3] =	stream.linear.scatter [tilespmem:s22], [sflag:$0x8], $0x80, $0x38;
	[tilespmem:$0x1A600] =	vst v63  }
0x5c8: {  	s23 =	sadd.s32 $0x2E0, s8;
	s25 =	simm.s32 $0x18A80;
	s14 =	sadd.s32 s13, s7  }
0x5c9: {  	[hbm4b:s23+s3] =	stream.linear.scatter [tilespmem:s25], [sflag:$0x8], $0x80, $0x38;
	[tilespmem:$0x1A600] =	vst v63  }
0x5ca: {  	s29 =	sadd.s32 $0x2F0, s8;
	s30 =	simm.s32 $0x18D80;
	s1 =	sshrl.u32 s14, $0x3  }
0x5cb: {  	[hbm4b:s29+s3] =	stream.linear.scatter [tilespmem:s30], [sflag:$0x8], $0x80, $0x38;
	[tilespmem:$0x1A600] =	vst v63  }
0x5cc: {  	s15 =	simm.s32 $0x18E00;
	s7 =	sadd.s32 s2, s1  }
0x5cd: {  	[hbm4b:s7+s3] =	stream.linear.scatter [tilespmem:s15], [sflag:$0x8], $0x80, $0x38;
	[tilespmem:$0x1A600] =	vst v63  }
0x5ce: {  	s18 =	simm.s32 $0x19100;
	s17 =	sadd.s32 $0x10, s7  }
0x5cf: {  	[hbm4b:s17+s3] =	stream.linear.scatter [tilespmem:s18], [sflag:$0x8], $0x80, $0x38;
	[tilespmem:$0x1A600] =	vst v63  }
0x5d0: {  	s19 =	sadd.s32 $0x20, s7;
	s20 =	simm.s32 $0x19400  }
0x5d1: {  	[hbm4b:s19+s3] =	stream.linear.scatter [tilespmem:s20], [sflag:$0x8], $0x80, $0x38;
	[tilespmem:$0x1A600] =	vst v63  }
0x5d2: {  	s21 =	sadd.s32 $0x30, s7;
	s22 =	simm.s32 $0x19700  }
0x5d3: {  	[hbm4b:s21+s3] =	stream.linear.scatter [tilespmem:s22], [sflag:$0x8], $0x80, $0x38;
	[tilespmem:$0x1A600] =	vst v63  }
0x5d4: {  	s23 =	sadd.s32 $0x40, s7;
	s25 =	simm.s32 $0x19A00  }
0x5d5: {  	[hbm4b:s23+s3] =	stream.linear.scatter [tilespmem:s25], [sflag:$0x8], $0x80, $0x38;
	[tilespmem:$0x1A600] =	vst v63  }
0x5d6: {  	s29 =	sadd.s32 $0x50, s7;
	s30 =	simm.s32 $0x19D00  }
0x5d7: {  	[hbm4b:s29+s3] =	stream.linear.scatter [tilespmem:s30], [sflag:$0x8], $0x80, $0x38;
	[tilespmem:$0x1A600] =	vst v63  }
0x5d8: {  	s15 =	sadd.s32 $0x60, s7;
	s17 =	simm.s32 $0x1A000  }
0x5d9: {  	[hbm4b:s15+s3] =	stream.linear.scatter [tilespmem:s17], [sflag:$0x8], $0x80, $0x38;
	[tilespmem:$0x1A600] =	vst v63  }
0x5da: {  	s18 =	sadd.s32 $0x70, s7;
	s19 =	simm.s32 $0x1A300  }
0x5db: {  	[hbm4b:s18+s3] =	stream.linear.scatter [tilespmem:s19], [sflag:$0x8], $0x80, $0x38;
	[tilespmem:$0x1A600] =	vst v63  }
0x5dc: {  	s1 =	sadd.s32 s1, s10;
	s20 =	simm.s32 $0x18E80  }
0x5dd: {  	[hbm4b:s1+s3] =	stream.linear.scatter [tilespmem:s20], [sflag:$0x8], $0x80, $0x38;
	[tilespmem:$0x1A600] =	vst v63  }
0x5de: {  	s21 =	sadd.s32 $0x10, s1;
	s22 =	simm.s32 $0x19180  }
0x5df: {  	[hbm4b:s21+s3] =	stream.linear.scatter [tilespmem:s22], [sflag:$0x8], $0x80, $0x38;
	[tilespmem:$0x1A600] =	vst v63  }
0x5e0: {  	s23 =	sadd.s32 $0x20, s1;
	s25 =	simm.s32 $0x19480  }
0x5e1: {  	[hbm4b:s23+s3] =	stream.linear.scatter [tilespmem:s25], [sflag:$0x8], $0x80, $0x38;
	[tilespmem:$0x1A600] =	vst v63  }
0x5e2: {  	s29 =	sadd.s32 $0x30, s1;
	s30 =	simm.s32 $0x19780  }
0x5e3: {  	[hbm4b:s29+s3] =	stream.linear.scatter [tilespmem:s30], [sflag:$0x8], $0x80, $0x38;
	[tilespmem:$0x1A600] =	vst v63  }
0x5e4: {  	s15 =	sadd.s32 $0x40, s1;
	s17 =	simm.s32 $0x19A80  }
0x5e5: {  	[hbm4b:s15+s3] =	stream.linear.scatter [tilespmem:s17], [sflag:$0x8], $0x80, $0x38;
	[tilespmem:$0x1A600] =	vst v63  }
0x5e6: {  	s18 =	sadd.s32 $0x50, s1;
	s19 =	simm.s32 $0x19D80  }
0x5e7: {  	[hbm4b:s18+s3] =	stream.linear.scatter [tilespmem:s19], [sflag:$0x8], $0x80, $0x38;
	[tilespmem:$0x1A600] =	vst v63  }
0x5e8: {  	s20 =	sadd.s32 $0x60, s1;
	s21 =	simm.s32 $0x1A080  }
0x5e9: {  	[hbm4b:s20+s3] =	stream.linear.scatter [tilespmem:s21], [sflag:$0x8], $0x80, $0x38;
	[tilespmem:$0x1A600] =	vst v63  }
0x5ea: {  	s1 =	sadd.s32 $0x70, s1;
	s22 =	simm.s32 $0x1A380  }
0x5eb: {  	[hbm4b:s1+s3] =	stream.linear.scatter [tilespmem:s22], [sflag:$0x8], $0x80, $0x38;
	[tilespmem:$0x1A600] =	vst v63  }
0x5ec: {  	s23 =	sadd.s32 $0x100, s7;
	s25 =	simm.s32 $0x18F00  }
0x5ed: {  	[hbm4b:s23+s3] =	stream.linear.scatter [tilespmem:s25], [sflag:$0x8], $0x80, $0x38;
	[tilespmem:$0x1A600] =	vst v63  }
0x5ee: {  	s29 =	sadd.s32 $0x110, s7;
	s30 =	simm.s32 $0x19200  }
0x5ef: {  	[hbm4b:s29+s3] =	stream.linear.scatter [tilespmem:s30], [sflag:$0x8], $0x80, $0x38;
	[tilespmem:$0x1A600] =	vst v63  }
0x5f0: {  	s14 =	sadd.s32 $0x120, s7;
	s15 =	simm.s32 $0x19500  }
0x5f1: {  	[hbm4b:s14+s3] =	stream.linear.scatter [tilespmem:s15], [sflag:$0x8], $0x80, $0x38;
	[tilespmem:$0x1A600] =	vst v63  }
0x5f2: {  	s17 =	sadd.s32 $0x130, s7;
	s18 =	simm.s32 $0x19800  }
0x5f3: {  	[hbm4b:s17+s3] =	stream.linear.scatter [tilespmem:s18], [sflag:$0x8], $0x80, $0x38;
	[tilespmem:$0x1A600] =	vst v63  }
0x5f4: {  	s19 =	sadd.s32 $0x140, s7;
	s20 =	simm.s32 $0x19B00  }
0x5f5: {  	[hbm4b:s19+s3] =	stream.linear.scatter [tilespmem:s20], [sflag:$0x8], $0x80, $0x38;
	[tilespmem:$0x1A600] =	vst v63  }
0x5f6: {  	s21 =	sadd.s32 $0x150, s7;
	s22 =	simm.s32 $0x19E00  }
0x5f7: {  	[hbm4b:s21+s3] =	stream.linear.scatter [tilespmem:s22], [sflag:$0x8], $0x80, $0x38;
	[tilespmem:$0x1A600] =	vst v63  }
0x5f8: {  	s23 =	sadd.s32 $0x160, s7;
	s25 =	simm.s32 $0x1A100  }
0x5f9: {  	[hbm4b:s23+s3] =	stream.linear.scatter [tilespmem:s25], [sflag:$0x8], $0x80, $0x38;
	[tilespmem:$0x1A600] =	vst v63  }
0x5fa: {  	s29 =	sadd.s32 $0x170, s7;
	s30 =	simm.s32 $0x1A400  }
0x5fb: {  	[hbm4b:s29+s3] =	stream.linear.scatter [tilespmem:s30], [sflag:$0x8], $0x80, $0x38;
	[tilespmem:$0x1A600] =	vst v63  }
0x5fc: {  	s14 =	sadd.s32 $0x180, s7;
	s15 =	simm.s32 $0x18F80  }
0x5fd: {  	[hbm4b:s14+s3] =	stream.linear.scatter [tilespmem:s15], [sflag:$0x8], $0x80, $0x38;
	[tilespmem:$0x1A600] =	vst v63  }
0x5fe: {  	s17 =	sadd.s32 $0x190, s7;
	s18 =	simm.s32 $0x19280  }
0x5ff: {  	[hbm4b:s17+s3] =	stream.linear.scatter [tilespmem:s18], [sflag:$0x8], $0x80, $0x38;
	[tilespmem:$0x1A600] =	vst v63  }
0x600: {  	s19 =	sadd.s32 $0x1A0, s7;
	s20 =	simm.s32 $0x19580  }
0x601: {  	[hbm4b:s19+s3] =	stream.linear.scatter [tilespmem:s20], [sflag:$0x8], $0x80, $0x38;
	[tilespmem:$0x1A600] =	vst v63  }
0x602: {  	s21 =	sadd.s32 $0x1B0, s7;
	s22 =	simm.s32 $0x19880  }
0x603: {  	[hbm4b:s21+s3] =	stream.linear.scatter [tilespmem:s22], [sflag:$0x8], $0x80, $0x38;
	[tilespmem:$0x1A600] =	vst v63  }
0x604: {  	s23 =	sadd.s32 $0x1C0, s7;
	s25 =	simm.s32 $0x19B80  }
0x605: {  	[hbm4b:s23+s3] =	stream.linear.scatter [tilespmem:s25], [sflag:$0x8], $0x80, $0x38;
	[tilespmem:$0x1A600] =	vst v63  }
0x606: {  	s29 =	sadd.s32 $0x1D0, s7;
	s30 =	simm.s32 $0x19E80  }
0x607: {  	[hbm4b:s29+s3] =	stream.linear.scatter [tilespmem:s30], [sflag:$0x8], $0x80, $0x38;
	[tilespmem:$0x1A600] =	vst v63  }
0x608: {  	s14 =	sadd.s32 $0x1E0, s7;
	s15 =	simm.s32 $0x1A180  }
0x609: {  	[hbm4b:s14+s3] =	stream.linear.scatter [tilespmem:s15], [sflag:$0x8], $0x80, $0x38;
	[tilespmem:$0x1A600] =	vst v63  }
0x60a: {  	s17 =	sadd.s32 $0x1F0, s7;
	s18 =	simm.s32 $0x1A480  }
0x60b: {  	[hbm4b:s17+s3] =	stream.linear.scatter [tilespmem:s18], [sflag:$0x8], $0x80, $0x38;
	[tilespmem:$0x1A600] =	vst v63  }
0x60c: {  	s19 =	sadd.s32 $0x200, s7;
	s20 =	simm.s32 $0x19000  }
0x60d: {  	[hbm4b:s19+s3] =	stream.linear.scatter [tilespmem:s20], [sflag:$0x8], $0x80, $0x38;
	[tilespmem:$0x1A600] =	vst v63  }
0x60e: {  	s21 =	sadd.s32 $0x210, s7;
	s22 =	simm.s32 $0x19300  }
0x60f: {  	[hbm4b:s21+s3] =	stream.linear.scatter [tilespmem:s22], [sflag:$0x8], $0x80, $0x38;
	[tilespmem:$0x1A600] =	vst v63  }
0x610: {  	s23 =	sadd.s32 $0x220, s7;
	s25 =	simm.s32 $0x19600  }
0x611: {  	[hbm4b:s23+s3] =	stream.linear.scatter [tilespmem:s25], [sflag:$0x8], $0x80, $0x38;
	[tilespmem:$0x1A600] =	vst v63  }
0x612: {  	s29 =	sadd.s32 $0x230, s7;
	s30 =	simm.s32 $0x19900  }
0x613: {  	[hbm4b:s29+s3] =	stream.linear.scatter [tilespmem:s30], [sflag:$0x8], $0x80, $0x38;
	[tilespmem:$0x1A600] =	vst v63  }
0x614: {  	s14 =	sadd.s32 $0x240, s7;
	s15 =	simm.s32 $0x19C00  }
0x615: {  	[hbm4b:s14+s3] =	stream.linear.scatter [tilespmem:s15], [sflag:$0x8], $0x80, $0x38;
	[tilespmem:$0x1A600] =	vst v63  }
0x616: {  	s17 =	sadd.s32 $0x250, s7;
	s18 =	simm.s32 $0x19F00  }
0x617: {  	[hbm4b:s17+s3] =	stream.linear.scatter [tilespmem:s18], [sflag:$0x8], $0x80, $0x38;
	[tilespmem:$0x1A600] =	vst v63  }
0x618: {  	s19 =	sadd.s32 $0x260, s7;
	s20 =	simm.s32 $0x1A200  }
0x619: {  	[hbm4b:s19+s3] =	stream.linear.scatter [tilespmem:s20], [sflag:$0x8], $0x80, $0x38;
	[tilespmem:$0x1A600] =	vst v63  }
0x61a: {  	s21 =	sadd.s32 $0x270, s7;
	s22 =	simm.s32 $0x1A500  }
0x61b: {  	[hbm4b:s21+s3] =	stream.linear.scatter [tilespmem:s22], [sflag:$0x8], $0x80, $0x38;
	[tilespmem:$0x1A600] =	vst v63  }
0x61c: {  	s23 =	sadd.s32 $0x280, s7;
	s25 =	simm.s32 $0x19080  }
0x61d: {  	[hbm4b:s23+s3] =	stream.linear.scatter [tilespmem:s25], [sflag:$0x8], $0x80, $0x38;
	[tilespmem:$0x1A600] =	vst v63  }
0x61e: {  	s29 =	sadd.s32 $0x290, s7;
	s30 =	simm.s32 $0x19380  }
0x61f: {  	[hbm4b:s29+s3] =	stream.linear.scatter [tilespmem:s30], [sflag:$0x8], $0x80, $0x38;
	[tilespmem:$0x1A600] =	vst v63  }
0x620: {  	s14 =	sadd.s32 $0x2A0, s7;
	s15 =	simm.s32 $0x19680  }
0x621: {  	[hbm4b:s14+s3] =	stream.linear.scatter [tilespmem:s15], [sflag:$0x8], $0x80, $0x38;
	[tilespmem:$0x1A600] =	vst v63  }
0x622: {  	s17 =	sadd.s32 $0x2B0, s7;
	s18 =	simm.s32 $0x19980  }
0x623: {  	[hbm4b:s17+s3] =	stream.linear.scatter [tilespmem:s18], [sflag:$0x8], $0x80, $0x38;
	[tilespmem:$0x1A600] =	vst v63  }
0x624: {  	s6 =	sadd.s32 $0x1, s6;
	s19 =	sadd.s32 $0x2C0, s7;
	s20 =	simm.s32 $0x19C80  }
0x625: {  	[hbm4b:s19+s3] =	stream.linear.scatter [tilespmem:s20], [sflag:$0x8], $0x80, $0x38;
	[tilespmem:$0x1A600] =	vst v63  }
0x626: {  	p0 =	sne.s32 s6, $0x100;
	s21 =	sadd.s32 $0x2D0, s7;
	s22 =	simm.s32 $0x19F80  }
0x627: {  	[hbm4b:s21+s3] =	stream.linear.scatter [tilespmem:s22], [sflag:$0x8], $0x80, $0x38;
	[tilespmem:$0x1A600] =	vst v63  }
.Ltmp5:
0x628: {  	_ = 	snop;
	(pc) =	sbr.rel @p0 .LBB2_4-.Ltmp5, $4  }
0x629: {  	s23 =	sadd.s32 $0x2E0, s7;
	s25 =	simm.s32 $0x1A280  }
0x62a: {  	[hbm4b:s23+s3] =	stream.linear.scatter [tilespmem:s25], [sflag:$0x8], $0x80, $0x38;
	[tilespmem:$0x1A600] =	vst v63  }
0x62b: {  	s29 =	sadd.s32 $0x2F0, s7;
	s30 =	simm.s32 $0x1A580  }
0x62c: {  	[hbm4b:s29+s3] =	stream.linear.scatter [tilespmem:s30], [sflag:$0x8], $0x80, $0x38;
	[tilespmem:$0x1A600] =	vst v63  }
0x62d: {  	s1 =	simm.s32 $0x5  }
0x62e: {  	_ =	swait.ge [sflag:s1], $0x3000  }
0x62f: {  	[sflag:s1] =	ssyncset.done $0x0  }
0x630: {  	s29 =	simm.s32 $0x6;
	[sflag:s1] =	ssyncadd.s32 $0xFFFFD000  }
0x631: {  	_ =	swait.ge [sflag:s29], $0x3000  }
0x632: {  	[sflag:s29] =	ssyncset.done $0x0  }
0x633: {  	[sflag:s29] =	ssyncadd.s32 $0xFFFFD000  }
0x634: {  	_ =	swait.ge [sflag:s26], $0x3000  }
0x635: {  	[sflag:s26] =	ssyncset.done $0x0  }
0x636: {  	[sflag:s26] =	ssyncadd.s32 $0xFFFFD000  }
0x637: {  	_ =	swait.ge [sflag:s16], $0x3000  }
0x638: {  	s6 =	rddreg [dreg:$0x8]  }
0x639: {  	s30 =	rddreg [dreg:$0x7];
	s6 =	sadd.s32 $0x1, s6  }
0x63a: {  	p0 =	sne.s32 s6, s30  }
.Ltmp6:
0x63b: {  	_ = 	snop;
	(pc) =	sbr.rel @p0 .LBB2_1-.Ltmp6, $3  }
0x63c: {  	_ =	sdelay $0x1  }
0x63d: {  	[sflag:s16] =	ssyncset.done $0x0  }
0x63e: {  	[sflag:s16] =	ssyncadd.s32 $0xFFFFD000  }
0x63f: {  	_ =	sfence.sel $0x180000  }
0x640: {  	[bflag:$0x0] =	sbarrier.arrive $0xFFFF  }
0x641: {  	_ =	strace $0x90000047  }
0x642: {  	s0 =	stileid.u32;
	[bflag:$0x2] =	sbarrier.arrive $0xFFFF  }
0x643: {  	p0 =	sne.s32 s0, $0x0;
	s0 =	rddreg [dreg:$0x2]  }
0x644: {  	s0 =	sadd.s32 @!p0 $0x100000, s0  }
0x645: {  	[sflag:s0] =	ssyncadd.tile.s32 @!p0 $0x1;
	_ =	shalt  }
.Lfunc_end2:
_tile_overlayer_lowered:
.L_overlay_start_2:
0x646: {  	(tag) =	ssettag $0x2  }
0x647: {  	s0 =	rddreg [dreg:$0x0];
	s2 =	stileid.u32  }
0x648: {  	s1 =	rddreg [dreg:$0x1];
	p0 =	sne.s32 s2, $0x0  }
0x649: {  	s3 =	rddreg [dreg:$0x2];
	[bflag:$0x3] =	sbarrier.arrive $0xFFFF;
	s2 =	simm.s32 @!p0 $0x1C09  }
0x64a: {  	[timem:s3], [sflag:s2] =	dma.local @!p0 [hbm:s0], s1  }
0x64b: {  	s0 =	simm.s32 @!p0 $0x9  }
0x64c: {  	_ =	swait.ge @!p0 [sflag:s0], s1  }
0x64d: {  	s1 =	ssub.s32 @!p0 $0x0, s1;
	[sflag:s0] =	ssyncset.done @!p0 $0x0  }
0x64e: {  	[sflag:s0] =	ssyncadd.s32 @!p0 s1  }
0x64f: {  	[bflag:$0x3] =	sbarrier.arrive $0xFFFF  }
0x650: {  	_ =	shalt  }

</sc_bundles>
